<compile_context>
chip_gen: v7x
topology: tpu7x:2x2x1
jax: 0.10.2.dev20260603
libtpu: 0.0.44.dev20260713+nightly
codegen_flags: <defaults>
</compile_context>

<pallas_src>
import functools

import jax
import jax.numpy as jnp
from jax import lax
from jax.experimental import pallas as pl
from jax.experimental.pallas import tpu as pltpu
from jax.experimental.pallas import tpu_sc as plsc

N_NODES = 10000
NP = 10240
N_EDGES = 320000
H = 128
NC = 2
NS = 16
NW = NC * NS
EPW = N_EDGES // NW
B = 125
NB = EPW // B
NROWS = N_EDGES // B
UNROLL = 4
RPT = NP // NS

_mesh = plsc.VectorSubcoreMesh(core_axis_name="c", subcore_axis_name="s")



def _deg_body(dst_hbm, ones_hbm, zeros_hbm, out_hbm,
              dst_v, ones_v, acc_sh, s0, s1, s2, s3):
    c = lax.axis_index("c")
    s = lax.axis_index("s")
    w = c * NS + s
    sems = (s0, s1, s2, s3)
    pltpu.sync_copy(zeros_hbm, acc_sh.at[pl.ds(s * RPT, RPT)])
    pltpu.sync_copy(ones_hbm, ones_v)
    pltpu.sync_copy(dst_hbm.at[pl.ds(w * NB, NB)], dst_v)
    plsc.subcore_barrier()

    def step(i, carry):
        descs = []
        for b in range(UNROLL):
            j = i * UNROLL + b
            descs.append(pltpu.async_copy(
                ones_v, acc_sh.at[dst_v.at[j]], sems[b], add=True))
        for d in descs:
            d.wait()
        return carry

    lax.fori_loop(0, NB // UNROLL, step, 0)
    plsc.subcore_barrier()
    pltpu.sync_copy(acc_sh.at[pl.ds(s * RPT, RPT)],
                    out_hbm.at[c].at[pl.ds(s * RPT, RPT)])


_sc_params = pltpu.CompilerParams(use_tc_tiling_on_sc=False)

_deg_call = pl.kernel(
    _deg_body,
    out_type=jax.ShapeDtypeStruct((NC, NP, 16), jnp.float32),
    mesh=_mesh,
    compiler_params=_sc_params,
    scratch_types=[
        pltpu.VMEM((NB, B), jnp.int32),
        pltpu.VMEM((B, 16), jnp.float32),
        pltpu.VMEM_SHARED((NP, 16), jnp.float32),
        pltpu.SemaphoreType.DMA,
        pltpu.SemaphoreType.DMA,
        pltpu.SemaphoreType.DMA,
        pltpu.SemaphoreType.DMA,
    ],
)


HH = H // 2
NBA = NROWS // NS


NBUF = 4


def _agg_body(v_hbm, srcA_hbm, srcB_hbm, dst_hbm, zeros_hbm, out_hbm,
              src_v, dst_v,
              rb0, rb1, rb2, rb3,
              g0, g1, g2, g3,
              t0, t1, t2, t3, acc_sh):
    rbufs = (rb0, rb1, rb2, rb3)
    gsems = (g0, g1, g2, g3)
    ssems = (t0, t1, t2, t3)
    c = lax.axis_index("c")
    s = lax.axis_index("s")
    pltpu.sync_copy(zeros_hbm, acc_sh.at[pl.ds(s * RPT, RPT)])

    @pl.when(c == 0)
    def _():
        pltpu.sync_copy(srcA_hbm.at[pl.ds(s * NBA, NBA)], src_v)

    @pl.when(c == 1)
    def _():
        pltpu.sync_copy(srcB_hbm.at[pl.ds(s * NBA, NBA)], src_v)

    pltpu.sync_copy(dst_hbm.at[pl.ds(s * NBA, NBA)], dst_v)
    plsc.subcore_barrier()

    for b in range(NBUF):
        pltpu.async_copy(v_hbm.at[src_v.at[b]], rbufs[b], gsems[b])

    def step(i, carry):
        base = i * NBUF
        for b in range(NBUF):
            j = base + b
            pltpu.make_async_copy(
                v_hbm.at[src_v.at[j]], rbufs[b], gsems[b]).wait()
            pltpu.async_copy(
                rbufs[b], acc_sh.at[dst_v.at[j]], ssems[b], add=True)
        for b in range(NBUF):
            j = base + b
            pltpu.make_async_copy(
                rbufs[b], acc_sh.at[dst_v.at[j]], ssems[b]).wait()
            jn = j + NBUF

            @pl.when(jn < NBA)
            def _():
                pltpu.async_copy(v_hbm.at[src_v.at[jn]], rbufs[b], gsems[b])

        return carry

    lax.fori_loop(0, NBA // NBUF, step, 0)
    plsc.subcore_barrier()
    pltpu.sync_copy(acc_sh.at[pl.ds(s * RPT, RPT)],
                    out_hbm.at[c].at[pl.ds(s * RPT, RPT)])


_agg_call = pl.kernel(
    _agg_body,
    out_type=jax.ShapeDtypeStruct((NC, NP, HH), jnp.float32),
    mesh=_mesh,
    compiler_params=_sc_params,
    scratch_types=[
        pltpu.VMEM((NBA, B), jnp.int32),
        pltpu.VMEM((NBA, B), jnp.int32),
        *[pltpu.VMEM((B, HH), jnp.float32) for _ in range(NBUF)],
        *[pltpu.SemaphoreType.DMA for _ in range(2 * NBUF)],
        pltpu.VMEM_SHARED((NP, HH), jnp.float32),
    ],
)



_R = 1024
_GRID = NP // _R

_row_spec = pl.BlockSpec((_R, H), lambda i: (i, 0))
_gA_spec = pl.BlockSpec((1, _R, HH), lambda i: (0, i, 0))
_gB_spec = pl.BlockSpec((1, _R, HH), lambda i: (1, i, 0))
_dA_spec = pl.BlockSpec((1, _R, 16), lambda i: (0, i, 0))
_dB_spec = pl.BlockSpec((1, _R, 16), lambda i: (1, i, 0))
_dis_spec = pl.BlockSpec((_R, 1), lambda i: (i, 0))
_b_spec = pl.BlockSpec((1, H), lambda i: (0, 0))
_W_spec = pl.BlockSpec((H, H), lambda i: (0, 0))


def _prep_body(d0_ref, d1_ref, x_ref, W_ref, dis_ref, v_ref):
    deg = d0_ref[0, :, 0:1] + d1_ref[0, :, 0:1] + 1.0
    dis = lax.rsqrt(deg)
    dis_ref[...] = dis
    v_ref[...] = dis * jnp.dot(x_ref[...], W_ref[...],
                               preferred_element_type=jnp.float32)


_prep_call = pl.pallas_call(
    _prep_body,
    grid=(_GRID,),
    in_specs=[_dA_spec, _dB_spec, _row_spec, _W_spec],
    out_specs=[_dis_spec, _row_spec],
    out_shape=[
        jax.ShapeDtypeStruct((NP, 1), jnp.float32),
        jax.ShapeDtypeStruct((NP, H), jnp.float32),
    ],
)


def _layer_body(ga_ref, gb_ref, v_ref, dis_ref, b_ref, W_ref, out_ref):
    dis = dis_ref[...]
    g = jnp.concatenate([ga_ref[0], gb_ref[0]], axis=1)
    pre = dis * (g + v_ref[...]) + b_ref[...]
    h = jnp.maximum(pre, 0.0)
    out_ref[...] = dis * jnp.dot(h, W_ref[...],
                                 preferred_element_type=jnp.float32)


_layer_call = pl.pallas_call(
    _layer_body,
    grid=(_GRID,),
    in_specs=[_gA_spec, _gB_spec, _row_spec, _dis_spec, _b_spec, _W_spec],
    out_specs=_row_spec,
    out_shape=jax.ShapeDtypeStruct((NP, H), jnp.float32),
)


def _final_body(ga_ref, gb_ref, v_ref, dis_ref, b_ref, out_ref):
    g = jnp.concatenate([ga_ref[0], gb_ref[0]], axis=1)
    out_ref[...] = dis_ref[...] * (g + v_ref[...]) + b_ref[...]


_final_call = pl.pallas_call(
    _final_body,
    grid=(_GRID,),
    in_specs=[_gA_spec, _gB_spec, _row_spec, _dis_spec, _b_spec],
    out_specs=_row_spec,
    out_shape=jax.ShapeDtypeStruct((NP, H), jnp.float32),
)



def kernel(x, edge_index, W_enc, b_enc, W_hid, b_hid, W_dec, b_dec):
    src = edge_index[0]
    dst2 = edge_index[1].reshape(NROWS, B)
    srcA = (src * 2).reshape(NROWS, B)
    srcB = (src * 2 + 1).reshape(NROWS, B)

    xp = jnp.pad(x, ((0, NP - x.shape[0]), (0, H - x.shape[1])))
    Wep = jnp.pad(W_enc, ((0, H - W_enc.shape[0]), (0, 0)))
    Wdp = jnp.pad(W_dec, ((0, 0), (0, H - W_dec.shape[1])))
    bdp = jnp.pad(b_dec, (0, H - b_dec.shape[0]))

    zeros_h = jnp.zeros((RPT, HH), jnp.float32)
    zeros16 = jnp.zeros((RPT, 16), jnp.float32)
    ones16 = jnp.ones((B, 16), jnp.float32)

    degs = _deg_call(dst2, ones16, zeros16)
    dis, v = _prep_call(degs, degs, xp, Wep)

    b_enc2 = b_enc.reshape(1, H)
    b_hid2 = b_hid.reshape(1, H)
    bdp2 = bdp.reshape(1, H)

    weights = [W_hid, W_hid, W_hid, W_hid, Wdp]
    biases = [b_enc2, b_hid2, b_hid2, b_hid2, b_hid2]
    for l in range(5):
        g = _agg_call(v.reshape(2 * NP, HH), srcA, srcB, dst2, zeros_h)
        v = _layer_call(g, g, v, dis, biases[l], weights[l])
    g = _agg_call(v.reshape(2 * NP, HH), srcA, srcB, dst2, zeros_h)
    out = _final_call(g, g, v, dis, bdp2)
    return out[:N_NODES, :3]

# --- scband reference (transcript-rebuilt; emitter-appended) ---
"""Pipeline reference for scband-mesh-gnn-79534204387339 (READ-ONLY COPY).

The authoritative reference and input builder live on the scoring server;
editing this copy changes nothing except your own understanding.
"""

import jax, jax.numpy as jnp
import numpy as np

HIDDEN = 128
N_MP = 4
N_NODES = 10000
N_EDGES = 320000


def _glorot(key, shape):
    fan_in, fan_out = shape
    lim = (6.0 / (fan_in + fan_out)) ** 0.5
    return jax.random.uniform(key, shape, jnp.float32, -lim, lim)


def setup_inputs(seed: int = 0) -> dict:
    key = jax.random.key(seed)
    ks = jax.random.split(key, 8)
    x = jax.random.normal(ks[0], (N_NODES, 6), jnp.float32)
    edge_index = jax.random.randint(ks[1], (2, N_EDGES), 0, N_NODES, jnp.int32)
    W_enc = _glorot(ks[2], (6, HIDDEN))
    b_enc = jnp.zeros((HIDDEN,), jnp.float32)
    W_hid = _glorot(ks[3], (HIDDEN, HIDDEN))
    b_hid = jnp.zeros((HIDDEN,), jnp.float32)
    W_dec = _glorot(ks[4], (HIDDEN, 3))
    b_dec = jnp.zeros((3,), jnp.float32)
    return {"x": x, "edge_index": edge_index, "W_enc": W_enc, "b_enc": b_enc,
            "W_hid": W_hid, "b_hid": b_hid, "W_dec": W_dec, "b_dec": b_dec}


def _prep(edge_index, n_nodes):
    # GCNConv: add self loops, compute symmetric normalization D^-1/2 (A+I) D^-1/2
    loop = jnp.arange(n_nodes, dtype=edge_index.dtype)
    src = jnp.concatenate([edge_index[0], loop])
    dst = jnp.concatenate([edge_index[1], loop])
    deg = jax.ops.segment_sum(jnp.ones_like(dst, dtype=jnp.float32), dst, num_segments=n_nodes)
    deg_inv_sqrt = jnp.where(deg > 0, 1.0 / jnp.sqrt(deg), 0.0)
    norm = deg_inv_sqrt[src] * deg_inv_sqrt[dst]
    return src, dst, norm


def _gcn_conv(x, src, dst, norm, W, b):
    h = x @ W
    msg = h[src] * norm[:, None]
    out = jax.ops.segment_sum(msg, dst, num_segments=x.shape[0])
    return out + b


def reference(x, edge_index, W_enc, b_enc, W_hid, b_hid, W_dec, b_dec):
    src, dst, norm = _prep(edge_index, x.shape[0])
    h = jax.nn.relu(_gcn_conv(x, src, dst, norm, W_enc, b_enc))
    for _ in range(N_MP):
        h = jax.nn.relu(_gcn_conv(h, src, dst, norm, W_hid, b_hid))
    return _gcn_conv(h, src, dst, norm, W_dec, b_dec)

if __name__ == "__main__":
    import jax
    _d = setup_inputs()
    print(jax.jit(kernel)(*tuple(_d.values())))

</pallas_src>

<mosaic_0001>
#map = affine_map<(d0, d1) -> (0, 0)>
#map1 = affine_map<(d0, d1) -> (0, 0, 0)>
module attributes {stable_mosaic.version = 14 : i64} {
  func.func @_agg_body(%arg0: i32, %arg1: i32, %arg2: memref<20480x64xf32, #tpu.memory_space<hbm>>, %arg3: memref<2560x125xi32, #tpu.memory_space<hbm>>, %arg4: memref<2560x125xi32, #tpu.memory_space<hbm>>, %arg5: memref<2560x125xi32, #tpu.memory_space<hbm>>, %arg6: memref<640x64xf32, #tpu.memory_space<hbm>>, %arg7: memref<2x10240x64xf32, #tpu.memory_space<hbm>>, %arg8: memref<160x125xi32, #tpu.memory_space<vmem>>, %arg9: memref<160x125xi32, #tpu.memory_space<vmem>>, %arg10: memref<125x64xf32, #tpu.memory_space<vmem>>, %arg11: memref<125x64xf32, #tpu.memory_space<vmem>>, %arg12: memref<125x64xf32, #tpu.memory_space<vmem>>, %arg13: memref<125x64xf32, #tpu.memory_space<vmem>>, %arg14: memref<!tpu.dma_semaphore, #tpu.memory_space<semaphore_mem>>, %arg15: memref<!tpu.dma_semaphore, #tpu.memory_space<semaphore_mem>>, %arg16: memref<!tpu.dma_semaphore, #tpu.memory_space<semaphore_mem>>, %arg17: memref<!tpu.dma_semaphore, #tpu.memory_space<semaphore_mem>>, %arg18: memref<!tpu.dma_semaphore, #tpu.memory_space<semaphore_mem>>, %arg19: memref<!tpu.dma_semaphore, #tpu.memory_space<semaphore_mem>>, %arg20: memref<!tpu.dma_semaphore, #tpu.memory_space<semaphore_mem>>, %arg21: memref<!tpu.dma_semaphore, #tpu.memory_space<semaphore_mem>>, %arg22: memref<10240x64xf32, #tpu.memory_space<vmem_shared>>) attributes {dimension_semantics = [#tpu.dimension_semantics<core_parallel>, #tpu.dimension_semantics<subcore_parallel>], iteration_bounds = array<i64: 2, 16>, scalar_prefetch = 0 : i64, scratch_operands = 15 : i64, tpu.core_type = #tpu.core_type<sc_vector_subcore>, window_params = [{transform_indices = #map}, {transform_indices = #map}, {transform_indices = #map}, {transform_indices = #map}, {transform_indices = #map}, {transform_indices = #map1}]} {
    %mul3A = arith.constant 640 : i32
    %mul3A_0 = arith.muli %arg1, %mul3A : i32
    "tpu.region"() ({
      %run_scoped3A = tpu.sem_alloc : memref<!tpu.dma_semaphore, #tpu.memory_space<semaphore_mem>>
      %dma_start3A_47 = arith.constant 0 : i32
      %dma_start3A_48 = tpu.memref_slice %arg22[%mul3A_0, %dma_start3A_47] : memref<10240x64xf32, #tpu.memory_space<vmem_shared>> -> memref<640x64xf32, #tpu.memory_space<vmem_shared>>
      tpu.enqueue_dma source(%arg6 : memref<640x64xf32, #tpu.memory_space<hbm>>) target(%dma_start3A_48 : memref<640x64xf32, #tpu.memory_space<vmem_shared>>) target_semaphore(%run_scoped3A : memref<!tpu.dma_semaphore, #tpu.memory_space<semaphore_mem>>)
      %dma_wait3A = arith.constant 0 : i32
      %dma_wait3A_49 = tpu.memref_slice %arg22[%mul3A_0, %dma_wait3A] : memref<10240x64xf32, #tpu.memory_space<vmem_shared>> -> memref<640x64xf32, #tpu.memory_space<vmem_shared>>
      tpu.wait_dma2 semaphore(%run_scoped3A : memref<!tpu.dma_semaphore, #tpu.memory_space<semaphore_mem>>) src(%arg6 : memref<640x64xf32, #tpu.memory_space<hbm>>) dst(%dma_wait3A_49 : memref<640x64xf32, #tpu.memory_space<vmem_shared>>)
      tpu.yield
    }) : () -> ()
    %eq3A = arith.constant 0 : i32
    %eq3A_1 = arith.cmpi eq, %arg0, %eq3A : i32
    %convert_element_type3A = arith.extui %eq3A_1 : i1 to i32
    %cond3A = arith.constant 0 : i32
    %cond3A_2 = arith.cmpi ne, %convert_element_type3A, %cond3A : i32
    scf.if %cond3A_2 {
      %mul3A_47 = arith.constant 160 : i32
      %mul3A_48 = arith.muli %arg1, %mul3A_47 : i32
      "tpu.region"() ({
        %run_scoped3A = tpu.sem_alloc : memref<!tpu.dma_semaphore, #tpu.memory_space<semaphore_mem>>
        %dma_start3A_49 = arith.constant 0 : i32
        %dma_start3A_50 = tpu.memref_slice %arg3[%mul3A_48, %dma_start3A_49] : memref<2560x125xi32, #tpu.memory_space<hbm>> -> memref<160x125xi32, #tpu.memory_space<hbm>>
        %dma_start3A_51 = arith.constant 0 : i32
        %dma_start3A_52 = tpu.memref_slice %arg3[%mul3A_48, %dma_start3A_51] : memref<2560x125xi32, #tpu.memory_space<hbm>> -> memref<160x125xi32, #tpu.memory_space<hbm>>
        tpu.enqueue_dma source(%dma_start3A_52 : memref<160x125xi32, #tpu.memory_space<hbm>>) target(%arg8 : memref<160x125xi32, #tpu.memory_space<vmem>>) target_semaphore(%run_scoped3A : memref<!tpu.dma_semaphore, #tpu.memory_space<semaphore_mem>>)
        %dma_wait3A = arith.constant 0 : i32
        %dma_wait3A_53 = tpu.memref_slice %arg3[%mul3A_48, %dma_wait3A] : memref<2560x125xi32, #tpu.memory_space<hbm>> -> memref<160x125xi32, #tpu.memory_space<hbm>>
        %dma_wait3A_54 = arith.constant 0 : i32
        %dma_wait3A_55 = tpu.memref_slice %arg3[%mul3A_48, %dma_wait3A_54] : memref<2560x125xi32, #tpu.memory_space<hbm>> -> memref<160x125xi32, #tpu.memory_space<hbm>>
        tpu.wait_dma2 semaphore(%run_scoped3A : memref<!tpu.dma_semaphore, #tpu.memory_space<semaphore_mem>>) src(%dma_wait3A_55 : memref<160x125xi32, #tpu.memory_space<hbm>>) dst(%arg8 : memref<160x125xi32, #tpu.memory_space<vmem>>)
        tpu.yield
      }) : () -> ()
    } else {
    }
    %eq3A_3 = arith.constant 1 : i32
    %eq3A_4 = arith.cmpi eq, %arg0, %eq3A_3 : i32
    %convert_element_type3A_5 = arith.extui %eq3A_4 : i1 to i32
    %cond3A_6 = arith.constant 0 : i32
    %cond3A_7 = arith.cmpi ne, %convert_element_type3A_5, %cond3A_6 : i32
    scf.if %cond3A_7 {
      %mul3A_47 = arith.constant 160 : i32
      %mul3A_48 = arith.muli %arg1, %mul3A_47 : i32
      "tpu.region"() ({
        %run_scoped3A = tpu.sem_alloc : memref<!tpu.dma_semaphore, #tpu.memory_space<semaphore_mem>>
        %dma_start3A_49 = arith.constant 0 : i32
        %dma_start3A_50 = tpu.memref_slice %arg4[%mul3A_48, %dma_start3A_49] : memref<2560x125xi32, #tpu.memory_space<hbm>> -> memref<160x125xi32, #tpu.memory_space<hbm>>
        %dma_start3A_51 = arith.constant 0 : i32
        %dma_start3A_52 = tpu.memref_slice %arg4[%mul3A_48, %dma_start3A_51] : memref<2560x125xi32, #tpu.memory_space<hbm>> -> memref<160x125xi32, #tpu.memory_space<hbm>>
        tpu.enqueue_dma source(%dma_start3A_52 : memref<160x125xi32, #tpu.memory_space<hbm>>) target(%arg8 : memref<160x125xi32, #tpu.memory_space<vmem>>) target_semaphore(%run_scoped3A : memref<!tpu.dma_semaphore, #tpu.memory_space<semaphore_mem>>)
        %dma_wait3A = arith.constant 0 : i32
        %dma_wait3A_53 = tpu.memref_slice %arg4[%mul3A_48, %dma_wait3A] : memref<2560x125xi32, #tpu.memory_space<hbm>> -> memref<160x125xi32, #tpu.memory_space<hbm>>
        %dma_wait3A_54 = arith.constant 0 : i32
        %dma_wait3A_55 = tpu.memref_slice %arg4[%mul3A_48, %dma_wait3A_54] : memref<2560x125xi32, #tpu.memory_space<hbm>> -> memref<160x125xi32, #tpu.memory_space<hbm>>
        tpu.wait_dma2 semaphore(%run_scoped3A : memref<!tpu.dma_semaphore, #tpu.memory_space<semaphore_mem>>) src(%dma_wait3A_55 : memref<160x125xi32, #tpu.memory_space<hbm>>) dst(%arg8 : memref<160x125xi32, #tpu.memory_space<vmem>>)
        tpu.yield
      }) : () -> ()
    } else {
    }
    %mul3A_8 = arith.constant 160 : i32
    %mul3A_9 = arith.muli %arg1, %mul3A_8 : i32
    "tpu.region"() ({
      %run_scoped3A = tpu.sem_alloc : memref<!tpu.dma_semaphore, #tpu.memory_space<semaphore_mem>>
      %dma_start3A_47 = arith.constant 0 : i32
      %dma_start3A_48 = tpu.memref_slice %arg5[%mul3A_9, %dma_start3A_47] : memref<2560x125xi32, #tpu.memory_space<hbm>> -> memref<160x125xi32, #tpu.memory_space<hbm>>
      %dma_start3A_49 = arith.constant 0 : i32
      %dma_start3A_50 = tpu.memref_slice %arg5[%mul3A_9, %dma_start3A_49] : memref<2560x125xi32, #tpu.memory_space<hbm>> -> memref<160x125xi32, #tpu.memory_space<hbm>>
      tpu.enqueue_dma source(%dma_start3A_50 : memref<160x125xi32, #tpu.memory_space<hbm>>) target(%arg9 : memref<160x125xi32, #tpu.memory_space<vmem>>) target_semaphore(%run_scoped3A : memref<!tpu.dma_semaphore, #tpu.memory_space<semaphore_mem>>)
      %dma_wait3A = arith.constant 0 : i32
      %dma_wait3A_51 = tpu.memref_slice %arg5[%mul3A_9, %dma_wait3A] : memref<2560x125xi32, #tpu.memory_space<hbm>> -> memref<160x125xi32, #tpu.memory_space<hbm>>
      %dma_wait3A_52 = arith.constant 0 : i32
      %dma_wait3A_53 = tpu.memref_slice %arg5[%mul3A_9, %dma_wait3A_52] : memref<2560x125xi32, #tpu.memory_space<hbm>> -> memref<160x125xi32, #tpu.memory_space<hbm>>
      tpu.wait_dma2 semaphore(%run_scoped3A : memref<!tpu.dma_semaphore, #tpu.memory_space<semaphore_mem>>) src(%dma_wait3A_53 : memref<160x125xi32, #tpu.memory_space<hbm>>) dst(%arg9 : memref<160x125xi32, #tpu.memory_space<vmem>>)
      tpu.yield
    }) : () -> ()
    %barrier3A = arith.constant 0 : index
    tpu.barrier barrier_id(%barrier3A)
    %dma_start3A = arith.constant 0 : i32
    %dma_start3A_10 = arith.constant 0 : i32
    %dma_start3A_11 = tpu.memref_slice %arg8[%dma_start3A, %dma_start3A_10] : memref<160x125xi32, #tpu.memory_space<vmem>> -> memref<1x125xi32, #tpu.memory_space<vmem>>
    %dma_start3A_12 = tpu.memref_squeeze %dma_start3A_11 : memref<1x125xi32, #tpu.memory_space<vmem>> -> memref<125xi32, #tpu.memory_space<vmem>>
    %dma_start3A_13 = arith.constant 0 : i32
    %dma_start3A_14 = arith.constant 0 : i32
    %dma_start3A_15 = tpu.memref_slice %arg2[%dma_start3A_13, %dma_start3A_14] : memref<20480x64xf32, #tpu.memory_space<hbm>> -> memref<20480x64xf32, #tpu.memory_space<hbm>>
    tpu.enqueue_indirect_dma source(%dma_start3A_15 : memref<20480x64xf32, #tpu.memory_space<hbm>>) target(%arg10 : memref<125x64xf32, #tpu.memory_space<vmem>>) offsets(%dma_start3A_12 : memref<125xi32, #tpu.memory_space<vmem>>) semaphore(%arg14 : memref<!tpu.dma_semaphore, #tpu.memory_space<semaphore_mem>>)
    %dma_start3A_16 = arith.constant 1 : i32
    %dma_start3A_17 = arith.constant 0 : i32
    %dma_start3A_18 = tpu.memref_slice %arg8[%dma_start3A_16, %dma_start3A_17] : memref<160x125xi32, #tpu.memory_space<vmem>> -> memref<1x125xi32, #tpu.memory_space<vmem>>
    %dma_start3A_19 = tpu.memref_squeeze %dma_start3A_18 : memref<1x125xi32, #tpu.memory_space<vmem>> -> memref<125xi32, #tpu.memory_space<vmem>>
    %dma_start3A_20 = arith.constant 0 : i32
    %dma_start3A_21 = arith.constant 0 : i32
    %dma_start3A_22 = tpu.memref_slice %arg2[%dma_start3A_20, %dma_start3A_21] : memref<20480x64xf32, #tpu.memory_space<hbm>> -> memref<20480x64xf32, #tpu.memory_space<hbm>>
    tpu.enqueue_indirect_dma source(%dma_start3A_22 : memref<20480x64xf32, #tpu.memory_space<hbm>>) target(%arg11 : memref<125x64xf32, #tpu.memory_space<vmem>>) offsets(%dma_start3A_19 : memref<125xi32, #tpu.memory_space<vmem>>) semaphore(%arg15 : memref<!tpu.dma_semaphore, #tpu.memory_space<semaphore_mem>>)
    %dma_start3A_23 = arith.constant 2 : i32
    %dma_start3A_24 = arith.constant 0 : i32
    %dma_start3A_25 = tpu.memref_slice %arg8[%dma_start3A_23, %dma_start3A_24] : memref<160x125xi32, #tpu.memory_space<vmem>> -> memref<1x125xi32, #tpu.memory_space<vmem>>
    %dma_start3A_26 = tpu.memref_squeeze %dma_start3A_25 : memref<1x125xi32, #tpu.memory_space<vmem>> -> memref<125xi32, #tpu.memory_space<vmem>>
    %dma_start3A_27 = arith.constant 0 : i32
    %dma_start3A_28 = arith.constant 0 : i32
    %dma_start3A_29 = tpu.memref_slice %arg2[%dma_start3A_27, %dma_start3A_28] : memref<20480x64xf32, #tpu.memory_space<hbm>> -> memref<20480x64xf32, #tpu.memory_space<hbm>>
    tpu.enqueue_indirect_dma source(%dma_start3A_29 : memref<20480x64xf32, #tpu.memory_space<hbm>>) target(%arg12 : memref<125x64xf32, #tpu.memory_space<vmem>>) offsets(%dma_start3A_26 : memref<125xi32, #tpu.memory_space<vmem>>) semaphore(%arg16 : memref<!tpu.dma_semaphore, #tpu.memory_space<semaphore_mem>>)
    %dma_start3A_30 = arith.constant 3 : i32
    %dma_start3A_31 = arith.constant 0 : i32
    %dma_start3A_32 = tpu.memref_slice %arg8[%dma_start3A_30, %dma_start3A_31] : memref<160x125xi32, #tpu.memory_space<vmem>> -> memref<1x125xi32, #tpu.memory_space<vmem>>
    %dma_start3A_33 = tpu.memref_squeeze %dma_start3A_32 : memref<1x125xi32, #tpu.memory_space<vmem>> -> memref<125xi32, #tpu.memory_space<vmem>>
    %dma_start3A_34 = arith.constant 0 : i32
    %dma_start3A_35 = arith.constant 0 : i32
    %dma_start3A_36 = tpu.memref_slice %arg2[%dma_start3A_34, %dma_start3A_35] : memref<20480x64xf32, #tpu.memory_space<hbm>> -> memref<20480x64xf32, #tpu.memory_space<hbm>>
    tpu.enqueue_indirect_dma source(%dma_start3A_36 : memref<20480x64xf32, #tpu.memory_space<hbm>>) target(%arg13 : memref<125x64xf32, #tpu.memory_space<vmem>>) offsets(%dma_start3A_33 : memref<125xi32, #tpu.memory_space<vmem>>) semaphore(%arg17 : memref<!tpu.dma_semaphore, #tpu.memory_space<semaphore_mem>>)
    %scan3A = arith.constant 0 : i32
    %scan3A_37 = arith.constant 0 : i32
    %scan3A_38 = arith.constant 40 : i32
    %scan3A_39 = arith.addi %scan3A_37, %scan3A_38 : i32
    %scan3A_40 = arith.constant 1 : i32
    scf.for %scan3A_47 = %scan3A_37 to %scan3A_39 step %scan3A_40  : i32 {
      %mul3A_48 = arith.constant 4 : i32
      %mul3A_49 = arith.muli %scan3A_47, %mul3A_48 : i32
      %add3A = arith.constant 0 : i32
      %add3A_50 = arith.addi %mul3A_49, %add3A : i32
      %dma_wait3A = arith.constant 0 : i32
      %dma_wait3A_51 = tpu.memref_slice %arg8[%add3A_50, %dma_wait3A] : memref<160x125xi32, #tpu.memory_space<vmem>> -> memref<1x125xi32, #tpu.memory_space<vmem>>
      %dma_wait3A_52 = tpu.memref_squeeze %dma_wait3A_51 : memref<1x125xi32, #tpu.memory_space<vmem>> -> memref<125xi32, #tpu.memory_space<vmem>>
      %dma_wait3A_53 = arith.constant 0 : i32
      %dma_wait3A_54 = arith.constant 0 : i32
      %dma_wait3A_55 = tpu.memref_slice %arg2[%dma_wait3A_53, %dma_wait3A_54] : memref<20480x64xf32, #tpu.memory_space<hbm>> -> memref<20480x64xf32, #tpu.memory_space<hbm>>
      tpu.wait_indirect_dma semaphore(%arg14 : memref<!tpu.dma_semaphore, #tpu.memory_space<semaphore_mem>>) src(%dma_wait3A_55 : memref<20480x64xf32, #tpu.memory_space<hbm>>) dst(%arg10 : memref<125x64xf32, #tpu.memory_space<vmem>>)
      %dma_start3A_56 = arith.constant 0 : i32
      %dma_start3A_57 = tpu.memref_slice %arg9[%add3A_50, %dma_start3A_56] : memref<160x125xi32, #tpu.memory_space<vmem>> -> memref<1x125xi32, #tpu.memory_space<vmem>>
      %dma_start3A_58 = tpu.memref_squeeze %dma_start3A_57 : memref<1x125xi32, #tpu.memory_space<vmem>> -> memref<125xi32, #tpu.memory_space<vmem>>
      %dma_start3A_59 = arith.constant 0 : i32
      %dma_start3A_60 = arith.constant 0 : i32
      %dma_start3A_61 = tpu.memref_slice %arg22[%dma_start3A_59, %dma_start3A_60] : memref<10240x64xf32, #tpu.memory_space<vmem_shared>> -> memref<10240x64xf32, #tpu.memory_space<vmem_shared>>
      tpu.enqueue_indirect_dma source(%arg10 : memref<125x64xf32, #tpu.memory_space<vmem>>) target(%dma_start3A_61 : memref<10240x64xf32, #tpu.memory_space<vmem_shared>>) offsets(%dma_start3A_58 : memref<125xi32, #tpu.memory_space<vmem>>) semaphore(%arg18 : memref<!tpu.dma_semaphore, #tpu.memory_space<semaphore_mem>>) {add = true}
      %add3A_62 = arith.constant 1 : i32
      %add3A_63 = arith.addi %mul3A_49, %add3A_62 : i32
      %dma_wait3A_64 = arith.constant 0 : i32
      %dma_wait3A_65 = tpu.memref_slice %arg8[%add3A_63, %dma_wait3A_64] : memref<160x125xi32, #tpu.memory_space<vmem>> -> memref<1x125xi32, #tpu.memory_space<vmem>>
      %dma_wait3A_66 = tpu.memref_squeeze %dma_wait3A_65 : memref<1x125xi32, #tpu.memory_space<vmem>> -> memref<125xi32, #tpu.memory_space<vmem>>
      %dma_wait3A_67 = arith.constant 0 : i32
      %dma_wait3A_68 = arith.constant 0 : i32
      %dma_wait3A_69 = tpu.memref_slice %arg2[%dma_wait3A_67, %dma_wait3A_68] : memref<20480x64xf32, #tpu.memory_space<hbm>> -> memref<20480x64xf32, #tpu.memory_space<hbm>>
      tpu.wait_indirect_dma semaphore(%arg15 : memref<!tpu.dma_semaphore, #tpu.memory_space<semaphore_mem>>) src(%dma_wait3A_69 : memref<20480x64xf32, #tpu.memory_space<hbm>>) dst(%arg11 : memref<125x64xf32, #tpu.memory_space<vmem>>)
      %dma_start3A_70 = arith.constant 0 : i32
      %dma_start3A_71 = tpu.memref_slice %arg9[%add3A_63, %dma_start3A_70] : memref<160x125xi32, #tpu.memory_space<vmem>> -> memref<1x125xi32, #tpu.memory_space<vmem>>
      %dma_start3A_72 = tpu.memref_squeeze %dma_start3A_71 : memref<1x125xi32, #tpu.memory_space<vmem>> -> memref<125xi32, #tpu.memory_space<vmem>>
      %dma_start3A_73 = arith.constant 0 : i32
      %dma_start3A_74 = arith.constant 0 : i32
      %dma_start3A_75 = tpu.memref_slice %arg22[%dma_start3A_73, %dma_start3A_74] : memref<10240x64xf32, #tpu.memory_space<vmem_shared>> -> memref<10240x64xf32, #tpu.memory_space<vmem_shared>>
      tpu.enqueue_indirect_dma source(%arg11 : memref<125x64xf32, #tpu.memory_space<vmem>>) target(%dma_start3A_75 : memref<10240x64xf32, #tpu.memory_space<vmem_shared>>) offsets(%dma_start3A_72 : memref<125xi32, #tpu.memory_space<vmem>>) semaphore(%arg19 : memref<!tpu.dma_semaphore, #tpu.memory_space<semaphore_mem>>) {add = true}
      %add3A_76 = arith.constant 2 : i32
      %add3A_77 = arith.addi %mul3A_49, %add3A_76 : i32
      %dma_wait3A_78 = arith.constant 0 : i32
      %dma_wait3A_79 = tpu.memref_slice %arg8[%add3A_77, %dma_wait3A_78] : memref<160x125xi32, #tpu.memory_space<vmem>> -> memref<1x125xi32, #tpu.memory_space<vmem>>
      %dma_wait3A_80 = tpu.memref_squeeze %dma_wait3A_79 : memref<1x125xi32, #tpu.memory_space<vmem>> -> memref<125xi32, #tpu.memory_space<vmem>>
      %dma_wait3A_81 = arith.constant 0 : i32
      %dma_wait3A_82 = arith.constant 0 : i32
      %dma_wait3A_83 = tpu.memref_slice %arg2[%dma_wait3A_81, %dma_wait3A_82] : memref<20480x64xf32, #tpu.memory_space<hbm>> -> memref<20480x64xf32, #tpu.memory_space<hbm>>
      tpu.wait_indirect_dma semaphore(%arg16 : memref<!tpu.dma_semaphore, #tpu.memory_space<semaphore_mem>>) src(%dma_wait3A_83 : memref<20480x64xf32, #tpu.memory_space<hbm>>) dst(%arg12 : memref<125x64xf32, #tpu.memory_space<vmem>>)
      %dma_start3A_84 = arith.constant 0 : i32
      %dma_start3A_85 = tpu.memref_slice %arg9[%add3A_77, %dma_start3A_84] : memref<160x125xi32, #tpu.memory_space<vmem>> -> memref<1x125xi32, #tpu.memory_space<vmem>>
      %dma_start3A_86 = tpu.memref_squeeze %dma_start3A_85 : memref<1x125xi32, #tpu.memory_space<vmem>> -> memref<125xi32, #tpu.memory_space<vmem>>
      %dma_start3A_87 = arith.constant 0 : i32
      %dma_start3A_88 = arith.constant 0 : i32
      %dma_start3A_89 = tpu.memref_slice %arg22[%dma_start3A_87, %dma_start3A_88] : memref<10240x64xf32, #tpu.memory_space<vmem_shared>> -> memref<10240x64xf32, #tpu.memory_space<vmem_shared>>
      tpu.enqueue_indirect_dma source(%arg12 : memref<125x64xf32, #tpu.memory_space<vmem>>) target(%dma_start3A_89 : memref<10240x64xf32, #tpu.memory_space<vmem_shared>>) offsets(%dma_start3A_86 : memref<125xi32, #tpu.memory_space<vmem>>) semaphore(%arg20 : memref<!tpu.dma_semaphore, #tpu.memory_space<semaphore_mem>>) {add = true}
      %add3A_90 = arith.constant 3 : i32
      %add3A_91 = arith.addi %mul3A_49, %add3A_90 : i32
      %dma_wait3A_92 = arith.constant 0 : i32
      %dma_wait3A_93 = tpu.memref_slice %arg8[%add3A_91, %dma_wait3A_92] : memref<160x125xi32, #tpu.memory_space<vmem>> -> memref<1x125xi32, #tpu.memory_space<vmem>>
      %dma_wait3A_94 = tpu.memref_squeeze %dma_wait3A_93 : memref<1x125xi32, #tpu.memory_space<vmem>> -> memref<125xi32, #tpu.memory_space<vmem>>
      %dma_wait3A_95 = arith.constant 0 : i32
      %dma_wait3A_96 = arith.constant 0 : i32
      %dma_wait3A_97 = tpu.memref_slice %arg2[%dma_wait3A_95, %dma_wait3A_96] : memref<20480x64xf32, #tpu.memory_space<hbm>> -> memref<20480x64xf32, #tpu.memory_space<hbm>>
      tpu.wait_indirect_dma semaphore(%arg17 : memref<!tpu.dma_semaphore, #tpu.memory_space<semaphore_mem>>) src(%dma_wait3A_97 : memref<20480x64xf32, #tpu.memory_space<hbm>>) dst(%arg13 : memref<125x64xf32, #tpu.memory_space<vmem>>)
      %dma_start3A_98 = arith.constant 0 : i32
      %dma_start3A_99 = tpu.memref_slice %arg9[%add3A_91, %dma_start3A_98] : memref<160x125xi32, #tpu.memory_space<vmem>> -> memref<1x125xi32, #tpu.memory_space<vmem>>
      %dma_start3A_100 = tpu.memref_squeeze %dma_start3A_99 : memref<1x125xi32, #tpu.memory_space<vmem>> -> memref<125xi32, #tpu.memory_space<vmem>>
      %dma_start3A_101 = arith.constant 0 : i32
      %dma_start3A_102 = arith.constant 0 : i32
      %dma_start3A_103 = tpu.memref_slice %arg22[%dma_start3A_101, %dma_start3A_102] : memref<10240x64xf32, #tpu.memory_space<vmem_shared>> -> memref<10240x64xf32, #tpu.memory_space<vmem_shared>>
      tpu.enqueue_indirect_dma source(%arg13 : memref<125x64xf32, #tpu.memory_space<vmem>>) target(%dma_start3A_103 : memref<10240x64xf32, #tpu.memory_space<vmem_shared>>) offsets(%dma_start3A_100 : memref<125xi32, #tpu.memory_space<vmem>>) semaphore(%arg21 : memref<!tpu.dma_semaphore, #tpu.memory_space<semaphore_mem>>) {add = true}
      %add3A_104 = arith.constant 0 : i32
      %add3A_105 = arith.addi %mul3A_49, %add3A_104 : i32
      %dma_wait3A_106 = arith.constant 0 : i32
      %dma_wait3A_107 = tpu.memref_slice %arg9[%add3A_105, %dma_wait3A_106] : memref<160x125xi32, #tpu.memory_space<vmem>> -> memref<1x125xi32, #tpu.memory_space<vmem>>
      %dma_wait3A_108 = tpu.memref_squeeze %dma_wait3A_107 : memref<1x125xi32, #tpu.memory_space<vmem>> -> memref<125xi32, #tpu.memory_space<vmem>>
      %dma_wait3A_109 = arith.constant 0 : i32
      %dma_wait3A_110 = arith.constant 0 : i32
      %dma_wait3A_111 = tpu.memref_slice %arg22[%dma_wait3A_109, %dma_wait3A_110] : memref<10240x64xf32, #tpu.memory_space<vmem_shared>> -> memref<10240x64xf32, #tpu.memory_space<vmem_shared>>
      tpu.wait_indirect_dma semaphore(%arg18 : memref<!tpu.dma_semaphore, #tpu.memory_space<semaphore_mem>>) src(%arg10 : memref<125x64xf32, #tpu.memory_space<vmem>>) dst(%dma_wait3A_111 : memref<10240x64xf32, #tpu.memory_space<vmem_shared>>)
      %add3A_112 = arith.constant 4 : i32
      %add3A_113 = arith.addi %add3A_105, %add3A_112 : i32
      %lt3A = arith.constant 160 : i32
      %lt3A_114 = arith.cmpi slt, %add3A_113, %lt3A : i32
      %convert_element_type3A_115 = arith.extui %lt3A_114 : i1 to i32
      %cond3A_116 = arith.constant 0 : i32
      %cond3A_117 = arith.cmpi ne, %convert_element_type3A_115, %cond3A_116 : i32
      scf.if %cond3A_117 {
        %dma_start3A_163 = arith.constant 0 : i32
        %dma_start3A_164 = tpu.memref_slice %arg8[%add3A_113, %dma_start3A_163] : memref<160x125xi32, #tpu.memory_space<vmem>> -> memref<1x125xi32, #tpu.memory_space<vmem>>
        %dma_start3A_165 = tpu.memref_squeeze %dma_start3A_164 : memref<1x125xi32, #tpu.memory_space<vmem>> -> memref<125xi32, #tpu.memory_space<vmem>>
        %dma_start3A_166 = arith.constant 0 : i32
        %dma_start3A_167 = arith.constant 0 : i32
        %dma_start3A_168 = tpu.memref_slice %arg2[%dma_start3A_166, %dma_start3A_167] : memref<20480x64xf32, #tpu.memory_space<hbm>> -> memref<20480x64xf32, #tpu.memory_space<hbm>>
        tpu.enqueue_indirect_dma source(%dma_start3A_168 : memref<20480x64xf32, #tpu.memory_space<hbm>>) target(%arg10 : memref<125x64xf32, #tpu.memory_space<vmem>>) offsets(%dma_start3A_165 : memref<125xi32, #tpu.memory_space<vmem>>) semaphore(%arg14 : memref<!tpu.dma_semaphore, #tpu.memory_space<semaphore_mem>>)
      } else {
      }
      %add3A_118 = arith.constant 1 : i32
      %add3A_119 = arith.addi %mul3A_49, %add3A_118 : i32
      %dma_wait3A_120 = arith.constant 0 : i32
      %dma_wait3A_121 = tpu.memref_slice %arg9[%add3A_119, %dma_wait3A_120] : memref<160x125xi32, #tpu.memory_space<vmem>> -> memref<1x125xi32, #tpu.memory_space<vmem>>
      %dma_wait3A_122 = tpu.memref_squeeze %dma_wait3A_121 : memref<1x125xi32, #tpu.memory_space<vmem>> -> memref<125xi32, #tpu.memory_space<vmem>>
      %dma_wait3A_123 = arith.constant 0 : i32
      %dma_wait3A_124 = arith.constant 0 : i32
      %dma_wait3A_125 = tpu.memref_slice %arg22[%dma_wait3A_123, %dma_wait3A_124] : memref<10240x64xf32, #tpu.memory_space<vmem_shared>> -> memref<10240x64xf32, #tpu.memory_space<vmem_shared>>
      tpu.wait_indirect_dma semaphore(%arg19 : memref<!tpu.dma_semaphore, #tpu.memory_space<semaphore_mem>>) src(%arg11 : memref<125x64xf32, #tpu.memory_space<vmem>>) dst(%dma_wait3A_125 : memref<10240x64xf32, #tpu.memory_space<vmem_shared>>)
      %add3A_126 = arith.constant 4 : i32
      %add3A_127 = arith.addi %add3A_119, %add3A_126 : i32
      %lt3A_128 = arith.constant 160 : i32
      %lt3A_129 = arith.cmpi slt, %add3A_127, %lt3A_128 : i32
      %convert_element_type3A_130 = arith.extui %lt3A_129 : i1 to i32
      %cond3A_131 = arith.constant 0 : i32
      %cond3A_132 = arith.cmpi ne, %convert_element_type3A_130, %cond3A_131 : i32
      scf.if %cond3A_132 {
        %dma_start3A_163 = arith.constant 0 : i32
        %dma_start3A_164 = tpu.memref_slice %arg8[%add3A_127, %dma_start3A_163] : memref<160x125xi32, #tpu.memory_space<vmem>> -> memref<1x125xi32, #tpu.memory_space<vmem>>
        %dma_start3A_165 = tpu.memref_squeeze %dma_start3A_164 : memref<1x125xi32, #tpu.memory_space<vmem>> -> memref<125xi32, #tpu.memory_space<vmem>>
        %dma_start3A_166 = arith.constant 0 : i32
        %dma_start3A_167 = arith.constant 0 : i32
        %dma_start3A_168 = tpu.memref_slice %arg2[%dma_start3A_166, %dma_start3A_167] : memref<20480x64xf32, #tpu.memory_space<hbm>> -> memref<20480x64xf32, #tpu.memory_space<hbm>>
        tpu.enqueue_indirect_dma source(%dma_start3A_168 : memref<20480x64xf32, #tpu.memory_space<hbm>>) target(%arg11 : memref<125x64xf32, #tpu.memory_space<vmem>>) offsets(%dma_start3A_165 : memref<125xi32, #tpu.memory_space<vmem>>) semaphore(%arg15 : memref<!tpu.dma_semaphore, #tpu.memory_space<semaphore_mem>>)
      } else {
      }
      %add3A_133 = arith.constant 2 : i32
      %add3A_134 = arith.addi %mul3A_49, %add3A_133 : i32
      %dma_wait3A_135 = arith.constant 0 : i32
      %dma_wait3A_136 = tpu.memref_slice %arg9[%add3A_134, %dma_wait3A_135] : memref<160x125xi32, #tpu.memory_space<vmem>> -> memref<1x125xi32, #tpu.memory_space<vmem>>
      %dma_wait3A_137 = tpu.memref_squeeze %dma_wait3A_136 : memref<1x125xi32, #tpu.memory_space<vmem>> -> memref<125xi32, #tpu.memory_space<vmem>>
      %dma_wait3A_138 = arith.constant 0 : i32
      %dma_wait3A_139 = arith.constant 0 : i32
      %dma_wait3A_140 = tpu.memref_slice %arg22[%dma_wait3A_138, %dma_wait3A_139] : memref<10240x64xf32, #tpu.memory_space<vmem_shared>> -> memref<10240x64xf32, #tpu.memory_space<vmem_shared>>
      tpu.wait_indirect_dma semaphore(%arg20 : memref<!tpu.dma_semaphore, #tpu.memory_space<semaphore_mem>>) src(%arg12 : memref<125x64xf32, #tpu.memory_space<vmem>>) dst(%dma_wait3A_140 : memref<10240x64xf32, #tpu.memory_space<vmem_shared>>)
      %add3A_141 = arith.constant 4 : i32
      %add3A_142 = arith.addi %add3A_134, %add3A_141 : i32
      %lt3A_143 = arith.constant 160 : i32
      %lt3A_144 = arith.cmpi slt, %add3A_142, %lt3A_143 : i32
      %convert_element_type3A_145 = arith.extui %lt3A_144 : i1 to i32
      %cond3A_146 = arith.constant 0 : i32
      %cond3A_147 = arith.cmpi ne, %convert_element_type3A_145, %cond3A_146 : i32
      scf.if %cond3A_147 {
        %dma_start3A_163 = arith.constant 0 : i32
        %dma_start3A_164 = tpu.memref_slice %arg8[%add3A_142, %dma_start3A_163] : memref<160x125xi32, #tpu.memory_space<vmem>> -> memref<1x125xi32, #tpu.memory_space<vmem>>
        %dma_start3A_165 = tpu.memref_squeeze %dma_start3A_164 : memref<1x125xi32, #tpu.memory_space<vmem>> -> memref<125xi32, #tpu.memory_space<vmem>>
        %dma_start3A_166 = arith.constant 0 : i32
        %dma_start3A_167 = arith.constant 0 : i32
        %dma_start3A_168 = tpu.memref_slice %arg2[%dma_start3A_166, %dma_start3A_167] : memref<20480x64xf32, #tpu.memory_space<hbm>> -> memref<20480x64xf32, #tpu.memory_space<hbm>>
        tpu.enqueue_indirect_dma source(%dma_start3A_168 : memref<20480x64xf32, #tpu.memory_space<hbm>>) target(%arg12 : memref<125x64xf32, #tpu.memory_space<vmem>>) offsets(%dma_start3A_165 : memref<125xi32, #tpu.memory_space<vmem>>) semaphore(%arg16 : memref<!tpu.dma_semaphore, #tpu.memory_space<semaphore_mem>>)
      } else {
      }
      %add3A_148 = arith.constant 3 : i32
      %add3A_149 = arith.addi %mul3A_49, %add3A_148 : i32
      %dma_wait3A_150 = arith.constant 0 : i32
      %dma_wait3A_151 = tpu.memref_slice %arg9[%add3A_149, %dma_wait3A_150] : memref<160x125xi32, #tpu.memory_space<vmem>> -> memref<1x125xi32, #tpu.memory_space<vmem>>
      %dma_wait3A_152 = tpu.memref_squeeze %dma_wait3A_151 : memref<1x125xi32, #tpu.memory_space<vmem>> -> memref<125xi32, #tpu.memory_space<vmem>>
      %dma_wait3A_153 = arith.constant 0 : i32
      %dma_wait3A_154 = arith.constant 0 : i32
      %dma_wait3A_155 = tpu.memref_slice %arg22[%dma_wait3A_153, %dma_wait3A_154] : memref<10240x64xf32, #tpu.memory_space<vmem_shared>> -> memref<10240x64xf32, #tpu.memory_space<vmem_shared>>
      tpu.wait_indirect_dma semaphore(%arg21 : memref<!tpu.dma_semaphore, #tpu.memory_space<semaphore_mem>>) src(%arg13 : memref<125x64xf32, #tpu.memory_space<vmem>>) dst(%dma_wait3A_155 : memref<10240x64xf32, #tpu.memory_space<vmem_shared>>)
      %add3A_156 = arith.constant 4 : i32
      %add3A_157 = arith.addi %add3A_149, %add3A_156 : i32
      %lt3A_158 = arith.constant 160 : i32
      %lt3A_159 = arith.cmpi slt, %add3A_157, %lt3A_158 : i32
      %convert_element_type3A_160 = arith.extui %lt3A_159 : i1 to i32
      %cond3A_161 = arith.constant 0 : i32
      %cond3A_162 = arith.cmpi ne, %convert_element_type3A_160, %cond3A_161 : i32
      scf.if %cond3A_162 {
        %dma_start3A_163 = arith.constant 0 : i32
        %dma_start3A_164 = tpu.memref_slice %arg8[%add3A_157, %dma_start3A_163] : memref<160x125xi32, #tpu.memory_space<vmem>> -> memref<1x125xi32, #tpu.memory_space<vmem>>
        %dma_start3A_165 = tpu.memref_squeeze %dma_start3A_164 : memref<1x125xi32, #tpu.memory_space<vmem>> -> memref<125xi32, #tpu.memory_space<vmem>>
        %dma_start3A_166 = arith.constant 0 : i32
        %dma_start3A_167 = arith.constant 0 : i32
        %dma_start3A_168 = tpu.memref_slice %arg2[%dma_start3A_166, %dma_start3A_167] : memref<20480x64xf32, #tpu.memory_space<hbm>> -> memref<20480x64xf32, #tpu.memory_space<hbm>>
        tpu.enqueue_indirect_dma source(%dma_start3A_168 : memref<20480x64xf32, #tpu.memory_space<hbm>>) target(%arg13 : memref<125x64xf32, #tpu.memory_space<vmem>>) offsets(%dma_start3A_165 : memref<125xi32, #tpu.memory_space<vmem>>) semaphore(%arg17 : memref<!tpu.dma_semaphore, #tpu.memory_space<semaphore_mem>>)
      } else {
      }
    }
    %scan3A_41 = arith.constant 40 : i32
    %barrier3A_42 = arith.constant 0 : index
    tpu.barrier barrier_id(%barrier3A_42)
    %mul3A_43 = arith.constant 640 : i32
    %mul3A_44 = arith.muli %arg1, %mul3A_43 : i32
    %mul3A_45 = arith.constant 640 : i32
    %mul3A_46 = arith.muli %arg1, %mul3A_45 : i32
    "tpu.region"() ({
      %run_scoped3A = tpu.sem_alloc : memref<!tpu.dma_semaphore, #tpu.memory_space<semaphore_mem>>
      %dma_start3A_47 = arith.constant 0 : i32
      %dma_start3A_48 = arith.constant 0 : i32
      %dma_start3A_49 = tpu.memref_slice %arg7[%arg0, %dma_start3A_47, %dma_start3A_48] : memref<2x10240x64xf32, #tpu.memory_space<hbm>> -> memref<1x10240x64xf32, #tpu.memory_space<hbm>>
      %dma_start3A_50 = tpu.memref_squeeze %dma_start3A_49 : memref<1x10240x64xf32, #tpu.memory_space<hbm>> -> memref<10240x64xf32, #tpu.memory_space<hbm>>
      %dma_start3A_51 = arith.constant 0 : i32
      %dma_start3A_52 = tpu.memref_slice %dma_start3A_50[%mul3A_46, %dma_start3A_51] : memref<10240x64xf32, #tpu.memory_space<hbm>> -> memref<640x64xf32, #tpu.memory_space<hbm>>
      %dma_start3A_53 = arith.constant 0 : i32
      %dma_start3A_54 = tpu.memref_slice %arg22[%mul3A_44, %dma_start3A_53] : memref<10240x64xf32, #tpu.memory_space<vmem_shared>> -> memref<640x64xf32, #tpu.memory_space<vmem_shared>>
      tpu.enqueue_dma source(%dma_start3A_54 : memref<640x64xf32, #tpu.memory_space<vmem_shared>>) target(%dma_start3A_52 : memref<640x64xf32, #tpu.memory_space<hbm>>) target_semaphore(%run_scoped3A : memref<!tpu.dma_semaphore, #tpu.memory_space<semaphore_mem>>)
      %dma_wait3A = arith.constant 0 : i32
      %dma_wait3A_55 = arith.constant 0 : i32
      %dma_wait3A_56 = tpu.memref_slice %arg7[%arg0, %dma_wait3A, %dma_wait3A_55] : memref<2x10240x64xf32, #tpu.memory_space<hbm>> -> memref<1x10240x64xf32, #tpu.memory_space<hbm>>
      %dma_wait3A_57 = tpu.memref_squeeze %dma_wait3A_56 : memref<1x10240x64xf32, #tpu.memory_space<hbm>> -> memref<10240x64xf32, #tpu.memory_space<hbm>>
      %dma_wait3A_58 = arith.constant 0 : i32
      %dma_wait3A_59 = tpu.memref_slice %dma_wait3A_57[%mul3A_46, %dma_wait3A_58] : memref<10240x64xf32, #tpu.memory_space<hbm>> -> memref<640x64xf32, #tpu.memory_space<hbm>>
      %dma_wait3A_60 = arith.constant 0 : i32
      %dma_wait3A_61 = tpu.memref_slice %arg22[%mul3A_44, %dma_wait3A_60] : memref<10240x64xf32, #tpu.memory_space<vmem_shared>> -> memref<640x64xf32, #tpu.memory_space<vmem_shared>>
      tpu.wait_dma2 semaphore(%run_scoped3A : memref<!tpu.dma_semaphore, #tpu.memory_space<semaphore_mem>>) src(%dma_wait3A_61 : memref<640x64xf32, #tpu.memory_space<vmem_shared>>) dst(%dma_wait3A_59 : memref<640x64xf32, #tpu.memory_space<hbm>>)
      tpu.yield
    }) : () -> ()
    return
  }
}

#map = affine_map<(d0, d1) -> (0, 0)>
#map1 = affine_map<(d0, d1) -> (0, 0, 0)>
module attributes {stable_mosaic.version = 14 : i64} {
  func.func @_agg_body(%arg0: i32, %arg1: i32, %arg2: memref<20480x64xf32, #tpu.memory_space<hbm>>, %arg3: memref<2560x125xi32, #tpu.memory_space<hbm>>, %arg4: memref<2560x125xi32, #tpu.memory_space<hbm>>, %arg5: memref<2560x125xi32, #tpu.memory_space<hbm>>, %arg6: memref<640x64xf32, #tpu.memory_space<hbm>>, %arg7: memref<2x10240x64xf32, #tpu.memory_space<hbm>>, %arg8: memref<160x125xi32, #tpu.memory_space<vmem>>, %arg9: memref<160x125xi32, #tpu.memory_space<vmem>>, %arg10: memref<125x64xf32, #tpu.memory_space<vmem>>, %arg11: memref<125x64xf32, #tpu.memory_space<vmem>>, %arg12: memref<125x64xf32, #tpu.memory_space<vmem>>, %arg13: memref<125x64xf32, #tpu.memory_space<vmem>>, %arg14: memref<!tpu.dma_semaphore, #tpu.memory_space<semaphore_mem>>, %arg15: memref<!tpu.dma_semaphore, #tpu.memory_space<semaphore_mem>>, %arg16: memref<!tpu.dma_semaphore, #tpu.memory_space<semaphore_mem>>, %arg17: memref<!tpu.dma_semaphore, #tpu.memory_space<semaphore_mem>>, %arg18: memref<!tpu.dma_semaphore, #tpu.memory_space<semaphore_mem>>, %arg19: memref<!tpu.dma_semaphore, #tpu.memory_space<semaphore_mem>>, %arg20: memref<!tpu.dma_semaphore, #tpu.memory_space<semaphore_mem>>, %arg21: memref<!tpu.dma_semaphore, #tpu.memory_space<semaphore_mem>>, %arg22: memref<10240x64xf32, #tpu.memory_space<vmem_shared>>) attributes {dimension_semantics = [#tpu.dimension_semantics<core_parallel>, #tpu.dimension_semantics<subcore_parallel>], iteration_bounds = array<i64: 2, 16>, scalar_prefetch = 0 : i64, scratch_operands = 15 : i64, tpu.core_type = #tpu.core_type<sc_vector_subcore>, window_params = [{transform_indices = #map}, {transform_indices = #map}, {transform_indices = #map}, {transform_indices = #map}, {transform_indices = #map}, {transform_indices = #map1}]} {
    %mul3A = arith.constant 640 : i32
    %mul3A_0 = arith.muli %arg1, %mul3A : i32
    "tpu.region"() ({
      %run_scoped3A = tpu.sem_alloc : memref<!tpu.dma_semaphore, #tpu.memory_space<semaphore_mem>>
      %dma_start3A_47 = arith.constant 0 : i32
      %dma_start3A_48 = tpu.memref_slice %arg22[%mul3A_0, %dma_start3A_47] : memref<10240x64xf32, #tpu.memory_space<vmem_shared>> -> memref<640x64xf32, #tpu.memory_space<vmem_shared>>
      tpu.enqueue_dma source(%arg6 : memref<640x64xf32, #tpu.memory_space<hbm>>) target(%dma_start3A_48 : memref<640x64xf32, #tpu.memory_space<vmem_shared>>) target_semaphore(%run_scoped3A : memref<!tpu.dma_semaphore, #tpu.memory_space<semaphore_mem>>)
      %dma_wait3A = arith.constant 0 : i32
      %dma_wait3A_49 = tpu.memref_slice %arg22[%mul3A_0, %dma_wait3A] : memref<10240x64xf32, #tpu.memory_space<vmem_shared>> -> memref<640x64xf32, #tpu.memory_space<vmem_shared>>
      tpu.wait_dma2 semaphore(%run_scoped3A : memref<!tpu.dma_semaphore, #tpu.memory_space<semaphore_mem>>) src(%arg6 : memref<640x64xf32, #tpu.memory_space<hbm>>) dst(%dma_wait3A_49 : memref<640x64xf32, #tpu.memory_space<vmem_shared>>)
      tpu.yield
    }) : () -> ()
    %eq3A = arith.constant 0 : i32
    %eq3A_1 = arith.cmpi eq, %arg0, %eq3A : i32
    %convert_element_type3A = arith.extui %eq3A_1 : i1 to i32
    %cond3A = arith.constant 0 : i32
    %cond3A_2 = arith.cmpi ne, %convert_element_type3A, %cond3A : i32
    scf.if %cond3A_2 {
      %mul3A_47 = arith.constant 160 : i32
      %mul3A_48 = arith.muli %arg1, %mul3A_47 : i32
      "tpu.region"() ({
        %run_scoped3A = tpu.sem_alloc : memref<!tpu.dma_semaphore, #tpu.memory_space<semaphore_mem>>
        %dma_start3A_49 = arith.constant 0 : i32
        %dma_start3A_50 = tpu.memref_slice %arg3[%mul3A_48, %dma_start3A_49] : memref<2560x125xi32, #tpu.memory_space<hbm>> -> memref<160x125xi32, #tpu.memory_space<hbm>>
        %dma_start3A_51 = arith.constant 0 : i32
        %dma_start3A_52 = tpu.memref_slice %arg3[%mul3A_48, %dma_start3A_51] : memref<2560x125xi32, #tpu.memory_space<hbm>> -> memref<160x125xi32, #tpu.memory_space<hbm>>
        tpu.enqueue_dma source(%dma_start3A_52 : memref<160x125xi32, #tpu.memory_space<hbm>>) target(%arg8 : memref<160x125xi32, #tpu.memory_space<vmem>>) target_semaphore(%run_scoped3A : memref<!tpu.dma_semaphore, #tpu.memory_space<semaphore_mem>>)
        %dma_wait3A = arith.constant 0 : i32
        %dma_wait3A_53 = tpu.memref_slice %arg3[%mul3A_48, %dma_wait3A] : memref<2560x125xi32, #tpu.memory_space<hbm>> -> memref<160x125xi32, #tpu.memory_space<hbm>>
        %dma_wait3A_54 = arith.constant 0 : i32
        %dma_wait3A_55 = tpu.memref_slice %arg3[%mul3A_48, %dma_wait3A_54] : memref<2560x125xi32, #tpu.memory_space<hbm>> -> memref<160x125xi32, #tpu.memory_space<hbm>>
        tpu.wait_dma2 semaphore(%run_scoped3A : memref<!tpu.dma_semaphore, #tpu.memory_space<semaphore_mem>>) src(%dma_wait3A_55 : memref<160x125xi32, #tpu.memory_space<hbm>>) dst(%arg8 : memref<160x125xi32, #tpu.memory_space<vmem>>)
        tpu.yield
      }) : () -> ()
    } else {
    }
    %eq3A_3 = arith.constant 1 : i32
    %eq3A_4 = arith.cmpi eq, %arg0, %eq3A_3 : i32
    %convert_element_type3A_5 = arith.extui %eq3A_4 : i1 to i32
    %cond3A_6 = arith.constant 0 : i32
    %cond3A_7 = arith.cmpi ne, %convert_element_type3A_5, %cond3A_6 : i32
    scf.if %cond3A_7 {
      %mul3A_47 = arith.constant 160 : i32
      %mul3A_48 = arith.muli %arg1, %mul3A_47 : i32
      "tpu.region"() ({
        %run_scoped3A = tpu.sem_alloc : memref<!tpu.dma_semaphore, #tpu.memory_space<semaphore_mem>>
        %dma_start3A_49 = arith.constant 0 : i32
        %dma_start3A_50 = tpu.memref_slice %arg4[%mul3A_48, %dma_start3A_49] : memref<2560x125xi32, #tpu.memory_space<hbm>> -> memref<160x125xi32, #tpu.memory_space<hbm>>
        %dma_start3A_51 = arith.constant 0 : i32
        %dma_start3A_52 = tpu.memref_slice %arg4[%mul3A_48, %dma_start3A_51] : memref<2560x125xi32, #tpu.memory_space<hbm>> -> memref<160x125xi32, #tpu.memory_space<hbm>>
        tpu.enqueue_dma source(%dma_start3A_52 : memref<160x125xi32, #tpu.memory_space<hbm>>) target(%arg8 : memref<160x125xi32, #tpu.memory_space<vmem>>) target_semaphore(%run_scoped3A : memref<!tpu.dma_semaphore, #tpu.memory_space<semaphore_mem>>)
        %dma_wait3A = arith.constant 0 : i32
        %dma_wait3A_53 = tpu.memref_slice %arg4[%mul3A_48, %dma_wait3A] : memref<2560x125xi32, #tpu.memory_space<hbm>> -> memref<160x125xi32, #tpu.memory_space<hbm>>
        %dma_wait3A_54 = arith.constant 0 : i32
        %dma_wait3A_55 = tpu.memref_slice %arg4[%mul3A_48, %dma_wait3A_54] : memref<2560x125xi32, #tpu.memory_space<hbm>> -> memref<160x125xi32, #tpu.memory_space<hbm>>
        tpu.wait_dma2 semaphore(%run_scoped3A : memref<!tpu.dma_semaphore, #tpu.memory_space<semaphore_mem>>) src(%dma_wait3A_55 : memref<160x125xi32, #tpu.memory_space<hbm>>) dst(%arg8 : memref<160x125xi32, #tpu.memory_space<vmem>>)
        tpu.yield
      }) : () -> ()
    } else {
    }
    %mul3A_8 = arith.constant 160 : i32
    %mul3A_9 = arith.muli %arg1, %mul3A_8 : i32
    "tpu.region"() ({
      %run_scoped3A = tpu.sem_alloc : memref<!tpu.dma_semaphore, #tpu.memory_space<semaphore_mem>>
      %dma_start3A_47 = arith.constant 0 : i32
      %dma_start3A_48 = tpu.memref_slice %arg5[%mul3A_9, %dma_start3A_47] : memref<2560x125xi32, #tpu.memory_space<hbm>> -> memref<160x125xi32, #tpu.memory_space<hbm>>
      %dma_start3A_49 = arith.constant 0 : i32
      %dma_start3A_50 = tpu.memref_slice %arg5[%mul3A_9, %dma_start3A_49] : memref<2560x125xi32, #tpu.memory_space<hbm>> -> memref<160x125xi32, #tpu.memory_space<hbm>>
      tpu.enqueue_dma source(%dma_start3A_50 : memref<160x125xi32, #tpu.memory_space<hbm>>) target(%arg9 : memref<160x125xi32, #tpu.memory_space<vmem>>) target_semaphore(%run_scoped3A : memref<!tpu.dma_semaphore, #tpu.memory_space<semaphore_mem>>)
      %dma_wait3A = arith.constant 0 : i32
      %dma_wait3A_51 = tpu.memref_slice %arg5[%mul3A_9, %dma_wait3A] : memref<2560x125xi32, #tpu.memory_space<hbm>> -> memref<160x125xi32, #tpu.memory_space<hbm>>
      %dma_wait3A_52 = arith.constant 0 : i32
      %dma_wait3A_53 = tpu.memref_slice %arg5[%mul3A_9, %dma_wait3A_52] : memref<2560x125xi32, #tpu.memory_space<hbm>> -> memref<160x125xi32, #tpu.memory_space<hbm>>
      tpu.wait_dma2 semaphore(%run_scoped3A : memref<!tpu.dma_semaphore, #tpu.memory_space<semaphore_mem>>) src(%dma_wait3A_53 : memref<160x125xi32, #tpu.memory_space<hbm>>) dst(%arg9 : memref<160x125xi32, #tpu.memory_space<vmem>>)
      tpu.yield
    }) : () -> ()
    %barrier3A = arith.constant 0 : index
    tpu.barrier barrier_id(%barrier3A)
    %dma_start3A = arith.constant 0 : i32
    %dma_start3A_10 = arith.constant 0 : i32
    %dma_start3A_11 = tpu.memref_slice %arg8[%dma_start3A, %dma_start3A_10] : memref<160x125xi32, #tpu.memory_space<vmem>> -> memref<1x125xi32, #tpu.memory_space<vmem>>
    %dma_start3A_12 = tpu.memref_squeeze %dma_start3A_11 : memref<1x125xi32, #tpu.memory_space<vmem>> -> memref<125xi32, #tpu.memory_space<vmem>>
    %dma_start3A_13 = arith.constant 0 : i32
    %dma_start3A_14 = arith.constant 0 : i32
    %dma_start3A_15 = tpu.memref_slice %arg2[%dma_start3A_13, %dma_start3A_14] : memref<20480x64xf32, #tpu.memory_space<hbm>> -> memref<20480x64xf32, #tpu.memory_space<hbm>>
    tpu.enqueue_indirect_dma source(%dma_start3A_15 : memref<20480x64xf32, #tpu.memory_space<hbm>>) target(%arg10 : memref<125x64xf32, #tpu.memory_space<vmem>>) offsets(%dma_start3A_12 : memref<125xi32, #tpu.memory_space<vmem>>) semaphore(%arg14 : memref<!tpu.dma_semaphore, #tpu.memory_space<semaphore_mem>>)
    %dma_start3A_16 = arith.constant 1 : i32
    %dma_start3A_17 = arith.constant 0 : i32
    %dma_start3A_18 = tpu.memref_slice %arg8[%dma_start3A_16, %dma_start3A_17] : memref<160x125xi32, #tpu.memory_space<vmem>> -> memref<1x125xi32, #tpu.memory_space<vmem>>
    %dma_start3A_19 = tpu.memref_squeeze %dma_start3A_18 : memref<1x125xi32, #tpu.memory_space<vmem>> -> memref<125xi32, #tpu.memory_space<vmem>>
    %dma_start3A_20 = arith.constant 0 : i32
    %dma_start3A_21 = arith.constant 0 : i32
    %dma_start3A_22 = tpu.memref_slice %arg2[%dma_start3A_20, %dma_start3A_21] : memref<20480x64xf32, #tpu.memory_space<hbm>> -> memref<20480x64xf32, #tpu.memory_space<hbm>>
    tpu.enqueue_indirect_dma source(%dma_start3A_22 : memref<20480x64xf32, #tpu.memory_space<hbm>>) target(%arg11 : memref<125x64xf32, #tpu.memory_space<vmem>>) offsets(%dma_start3A_19 : memref<125xi32, #tpu.memory_space<vmem>>) semaphore(%arg15 : memref<!tpu.dma_semaphore, #tpu.memory_space<semaphore_mem>>)
    %dma_start3A_23 = arith.constant 2 : i32
    %dma_start3A_24 = arith.constant 0 : i32
    %dma_start3A_25 = tpu.memref_slice %arg8[%dma_start3A_23, %dma_start3A_24] : memref<160x125xi32, #tpu.memory_space<vmem>> -> memref<1x125xi32, #tpu.memory_space<vmem>>
    %dma_start3A_26 = tpu.memref_squeeze %dma_start3A_25 : memref<1x125xi32, #tpu.memory_space<vmem>> -> memref<125xi32, #tpu.memory_space<vmem>>
    %dma_start3A_27 = arith.constant 0 : i32
    %dma_start3A_28 = arith.constant 0 : i32
    %dma_start3A_29 = tpu.memref_slice %arg2[%dma_start3A_27, %dma_start3A_28] : memref<20480x64xf32, #tpu.memory_space<hbm>> -> memref<20480x64xf32, #tpu.memory_space<hbm>>
    tpu.enqueue_indirect_dma source(%dma_start3A_29 : memref<20480x64xf32, #tpu.memory_space<hbm>>) target(%arg12 : memref<125x64xf32, #tpu.memory_space<vmem>>) offsets(%dma_start3A_26 : memref<125xi32, #tpu.memory_space<vmem>>) semaphore(%arg16 : memref<!tpu.dma_semaphore, #tpu.memory_space<semaphore_mem>>)
    %dma_start3A_30 = arith.constant 3 : i32
    %dma_start3A_31 = arith.constant 0 : i32
    %dma_start3A_32 = tpu.memref_slice %arg8[%dma_start3A_30, %dma_start3A_31] : memref<160x125xi32, #tpu.memory_space<vmem>> -> memref<1x125xi32, #tpu.memory_space<vmem>>
    %dma_start3A_33 = tpu.memref_squeeze %dma_start3A_32 : memref<1x125xi32, #tpu.memory_space<vmem>> -> memref<125xi32, #tpu.memory_space<vmem>>
    %dma_start3A_34 = arith.constant 0 : i32
    %dma_start3A_35 = arith.constant 0 : i32
    %dma_start3A_36 = tpu.memref_slice %arg2[%dma_start3A_34, %dma_start3A_35] : memref<20480x64xf32, #tpu.memory_space<hbm>> -> memref<20480x64xf32, #tpu.memory_space<hbm>>
    tpu.enqueue_indirect_dma source(%dma_start3A_36 : memref<20480x64xf32, #tpu.memory_space<hbm>>) target(%arg13 : memref<125x64xf32, #tpu.memory_space<vmem>>) offsets(%dma_start3A_33 : memref<125xi32, #tpu.memory_space<vmem>>) semaphore(%arg17 : memref<!tpu.dma_semaphore, #tpu.memory_space<semaphore_mem>>)
    %scan3A = arith.constant 0 : i32
    %scan3A_37 = arith.constant 0 : i32
    %scan3A_38 = arith.constant 40 : i32
    %scan3A_39 = arith.addi %scan3A_37, %scan3A_38 : i32
    %scan3A_40 = arith.constant 1 : i32
    scf.for %scan3A_47 = %scan3A_37 to %scan3A_39 step %scan3A_40  : i32 {
      %mul3A_48 = arith.constant 4 : i32
      %mul3A_49 = arith.muli %scan3A_47, %mul3A_48 : i32
      %add3A = arith.constant 0 : i32
      %add3A_50 = arith.addi %mul3A_49, %add3A : i32
      %dma_wait3A = arith.constant 0 : i32
      %dma_wait3A_51 = tpu.memref_slice %arg8[%add3A_50, %dma_wait3A] : memref<160x125xi32, #tpu.memory_space<vmem>> -> memref<1x125xi32, #tpu.memory_space<vmem>>
      %dma_wait3A_52 = tpu.memref_squeeze %dma_wait3A_51 : memref<1x125xi32, #tpu.memory_space<vmem>> -> memref<125xi32, #tpu.memory_space<vmem>>
      %dma_wait3A_53 = arith.constant 0 : i32
      %dma_wait3A_54 = arith.constant 0 : i32
      %dma_wait3A_55 = tpu.memref_slice %arg2[%dma_wait3A_53, %dma_wait3A_54] : memref<20480x64xf32, #tpu.memory_space<hbm>> -> memref<20480x64xf32, #tpu.memory_space<hbm>>
      tpu.wait_indirect_dma semaphore(%arg14 : memref<!tpu.dma_semaphore, #tpu.memory_space<semaphore_mem>>) src(%dma_wait3A_55 : memref<20480x64xf32, #tpu.memory_space<hbm>>) dst(%arg10 : memref<125x64xf32, #tpu.memory_space<vmem>>)
      %dma_start3A_56 = arith.constant 0 : i32
      %dma_start3A_57 = tpu.memref_slice %arg9[%add3A_50, %dma_start3A_56] : memref<160x125xi32, #tpu.memory_space<vmem>> -> memref<1x125xi32, #tpu.memory_space<vmem>>
      %dma_start3A_58 = tpu.memref_squeeze %dma_start3A_57 : memref<1x125xi32, #tpu.memory_space<vmem>> -> memref<125xi32, #tpu.memory_space<vmem>>
      %dma_start3A_59 = arith.constant 0 : i32
      %dma_start3A_60 = arith.constant 0 : i32
      %dma_start3A_61 = tpu.memref_slice %arg22[%dma_start3A_59, %dma_start3A_60] : memref<10240x64xf32, #tpu.memory_space<vmem_shared>> -> memref<10240x64xf32, #tpu.memory_space<vmem_shared>>
      tpu.enqueue_indirect_dma source(%arg10 : memref<125x64xf32, #tpu.memory_space<vmem>>) target(%dma_start3A_61 : memref<10240x64xf32, #tpu.memory_space<vmem_shared>>) offsets(%dma_start3A_58 : memref<125xi32, #tpu.memory_space<vmem>>) semaphore(%arg18 : memref<!tpu.dma_semaphore, #tpu.memory_space<semaphore_mem>>) {add = true}
      %add3A_62 = arith.constant 1 : i32
      %add3A_63 = arith.addi %mul3A_49, %add3A_62 : i32
      %dma_wait3A_64 = arith.constant 0 : i32
      %dma_wait3A_65 = tpu.memref_slice %arg8[%add3A_63, %dma_wait3A_64] : memref<160x125xi32, #tpu.memory_space<vmem>> -> memref<1x125xi32, #tpu.memory_space<vmem>>
      %dma_wait3A_66 = tpu.memref_squeeze %dma_wait3A_65 : memref<1x125xi32, #tpu.memory_space<vmem>> -> memref<125xi32, #tpu.memory_space<vmem>>
      %dma_wait3A_67 = arith.constant 0 : i32
      %dma_wait3A_68 = arith.constant 0 : i32
      %dma_wait3A_69 = tpu.memref_slice %arg2[%dma_wait3A_67, %dma_wait3A_68] : memref<20480x64xf32, #tpu.memory_space<hbm>> -> memref<20480x64xf32, #tpu.memory_space<hbm>>
      tpu.wait_indirect_dma semaphore(%arg15 : memref<!tpu.dma_semaphore, #tpu.memory_space<semaphore_mem>>) src(%dma_wait3A_69 : memref<20480x64xf32, #tpu.memory_space<hbm>>) dst(%arg11 : memref<125x64xf32, #tpu.memory_space<vmem>>)
      %dma_start3A_70 = arith.constant 0 : i32
      %dma_start3A_71 = tpu.memref_slice %arg9[%add3A_63, %dma_start3A_70] : memref<160x125xi32, #tpu.memory_space<vmem>> -> memref<1x125xi32, #tpu.memory_space<vmem>>
      %dma_start3A_72 = tpu.memref_squeeze %dma_start3A_71 : memref<1x125xi32, #tpu.memory_space<vmem>> -> memref<125xi32, #tpu.memory_space<vmem>>
      %dma_start3A_73 = arith.constant 0 : i32
      %dma_start3A_74 = arith.constant 0 : i32
      %dma_start3A_75 = tpu.memref_slice %arg22[%dma_start3A_73, %dma_start3A_74] : memref<10240x64xf32, #tpu.memory_space<vmem_shared>> -> memref<10240x64xf32, #tpu.memory_space<vmem_shared>>
      tpu.enqueue_indirect_dma source(%arg11 : memref<125x64xf32, #tpu.memory_space<vmem>>) target(%dma_start3A_75 : memref<10240x64xf32, #tpu.memory_space<vmem_shared>>) offsets(%dma_start3A_72 : memref<125xi32, #tpu.memory_space<vmem>>) semaphore(%arg19 : memref<!tpu.dma_semaphore, #tpu.memory_space<semaphore_mem>>) {add = true}
      %add3A_76 = arith.constant 2 : i32
      %add3A_77 = arith.addi %mul3A_49, %add3A_76 : i32
      %dma_wait3A_78 = arith.constant 0 : i32
      %dma_wait3A_79 = tpu.memref_slice %arg8[%add3A_77, %dma_wait3A_78] : memref<160x125xi32, #tpu.memory_space<vmem>> -> memref<1x125xi32, #tpu.memory_space<vmem>>
      %dma_wait3A_80 = tpu.memref_squeeze %dma_wait3A_79 : memref<1x125xi32, #tpu.memory_space<vmem>> -> memref<125xi32, #tpu.memory_space<vmem>>
      %dma_wait3A_81 = arith.constant 0 : i32
      %dma_wait3A_82 = arith.constant 0 : i32
      %dma_wait3A_83 = tpu.memref_slice %arg2[%dma_wait3A_81, %dma_wait3A_82] : memref<20480x64xf32, #tpu.memory_space<hbm>> -> memref<20480x64xf32, #tpu.memory_space<hbm>>
      tpu.wait_indirect_dma semaphore(%arg16 : memref<!tpu.dma_semaphore, #tpu.memory_space<semaphore_mem>>) src(%dma_wait3A_83 : memref<20480x64xf32, #tpu.memory_space<hbm>>) dst(%arg12 : memref<125x64xf32, #tpu.memory_space<vmem>>)
      %dma_start3A_84 = arith.constant 0 : i32
      %dma_start3A_85 = tpu.memref_slice %arg9[%add3A_77, %dma_start3A_84] : memref<160x125xi32, #tpu.memory_space<vmem>> -> memref<1x125xi32, #tpu.memory_space<vmem>>
      %dma_start3A_86 = tpu.memref_squeeze %dma_start3A_85 : memref<1x125xi32, #tpu.memory_space<vmem>> -> memref<125xi32, #tpu.memory_space<vmem>>
      %dma_start3A_87 = arith.constant 0 : i32
      %dma_start3A_88 = arith.constant 0 : i32
      %dma_start3A_89 = tpu.memref_slice %arg22[%dma_start3A_87, %dma_start3A_88] : memref<10240x64xf32, #tpu.memory_space<vmem_shared>> -> memref<10240x64xf32, #tpu.memory_space<vmem_shared>>
      tpu.enqueue_indirect_dma source(%arg12 : memref<125x64xf32, #tpu.memory_space<vmem>>) target(%dma_start3A_89 : memref<10240x64xf32, #tpu.memory_space<vmem_shared>>) offsets(%dma_start3A_86 : memref<125xi32, #tpu.memory_space<vmem>>) semaphore(%arg20 : memref<!tpu.dma_semaphore, #tpu.memory_space<semaphore_mem>>) {add = true}
      %add3A_90 = arith.constant 3 : i32
      %add3A_91 = arith.addi %mul3A_49, %add3A_90 : i32
      %dma_wait3A_92 = arith.constant 0 : i32
      %dma_wait3A_93 = tpu.memref_slice %arg8[%add3A_91, %dma_wait3A_92] : memref<160x125xi32, #tpu.memory_space<vmem>> -> memref<1x125xi32, #tpu.memory_space<vmem>>
      %dma_wait3A_94 = tpu.memref_squeeze %dma_wait3A_93 : memref<1x125xi32, #tpu.memory_space<vmem>> -> memref<125xi32, #tpu.memory_space<vmem>>
      %dma_wait3A_95 = arith.constant 0 : i32
      %dma_wait3A_96 = arith.constant 0 : i32
      %dma_wait3A_97 = tpu.memref_slice %arg2[%dma_wait3A_95, %dma_wait3A_96] : memref<20480x64xf32, #tpu.memory_space<hbm>> -> memref<20480x64xf32, #tpu.memory_space<hbm>>
      tpu.wait_indirect_dma semaphore(%arg17 : memref<!tpu.dma_semaphore, #tpu.memory_space<semaphore_mem>>) src(%dma_wait3A_97 : memref<20480x64xf32, #tpu.memory_space<hbm>>) dst(%arg13 : memref<125x64xf32, #tpu.memory_space<vmem>>)
      %dma_start3A_98 = arith.constant 0 : i32
      %dma_start3A_99 = tpu.memref_slice %arg9[%add3A_91, %dma_start3A_98] : memref<160x125xi32, #tpu.memory_space<vmem>> -> memref<1x125xi32, #tpu.memory_space<vmem>>
      %dma_start3A_100 = tpu.memref_squeeze %dma_start3A_99 : memref<1x125xi32, #tpu.memory_space<vmem>> -> memref<125xi32, #tpu.memory_space<vmem>>
      %dma_start3A_101 = arith.constant 0 : i32
      %dma_start3A_102 = arith.constant 0 : i32
      %dma_start3A_103 = tpu.memref_slice %arg22[%dma_start3A_101, %dma_start3A_102] : memref<10240x64xf32, #tpu.memory_space<vmem_shared>> -> memref<10240x64xf32, #tpu.memory_space<vmem_shared>>
      tpu.enqueue_indirect_dma source(%arg13 : memref<125x64xf32, #tpu.memory_space<vmem>>) target(%dma_start3A_103 : memref<10240x64xf32, #tpu.memory_space<vmem_shared>>) offsets(%dma_start3A_100 : memref<125xi32, #tpu.memory_space<vmem>>) semaphore(%arg21 : memref<!tpu.dma_semaphore, #tpu.memory_space<semaphore_mem>>) {add = true}
      %add3A_104 = arith.constant 0 : i32
      %add3A_105 = arith.addi %mul3A_49, %add3A_104 : i32
      %dma_wait3A_106 = arith.constant 0 : i32
      %dma_wait3A_107 = tpu.memref_slice %arg9[%add3A_105, %dma_wait3A_106] : memref<160x125xi32, #tpu.memory_space<vmem>> -> memref<1x125xi32, #tpu.memory_space<vmem>>
      %dma_wait3A_108 = tpu.memref_squeeze %dma_wait3A_107 : memref<1x125xi32, #tpu.memory_space<vmem>> -> memref<125xi32, #tpu.memory_space<vmem>>
      %dma_wait3A_109 = arith.constant 0 : i32
      %dma_wait3A_110 = arith.constant 0 : i32
      %dma_wait3A_111 = tpu.memref_slice %arg22[%dma_wait3A_109, %dma_wait3A_110] : memref<10240x64xf32, #tpu.memory_space<vmem_shared>> -> memref<10240x64xf32, #tpu.memory_space<vmem_shared>>
      tpu.wait_indirect_dma semaphore(%arg18 : memref<!tpu.dma_semaphore, #tpu.memory_space<semaphore_mem>>) src(%arg10 : memref<125x64xf32, #tpu.memory_space<vmem>>) dst(%dma_wait3A_111 : memref<10240x64xf32, #tpu.memory_space<vmem_shared>>)
      %add3A_112 = arith.constant 4 : i32
      %add3A_113 = arith.addi %add3A_105, %add3A_112 : i32
      %lt3A = arith.constant 160 : i32
      %lt3A_114 = arith.cmpi slt, %add3A_113, %lt3A : i32
      %convert_element_type3A_115 = arith.extui %lt3A_114 : i1 to i32
      %cond3A_116 = arith.constant 0 : i32
      %cond3A_117 = arith.cmpi ne, %convert_element_type3A_115, %cond3A_116 : i32
      scf.if %cond3A_117 {
        %dma_start3A_163 = arith.constant 0 : i32
        %dma_start3A_164 = tpu.memref_slice %arg8[%add3A_113, %dma_start3A_163] : memref<160x125xi32, #tpu.memory_space<vmem>> -> memref<1x125xi32, #tpu.memory_space<vmem>>
        %dma_start3A_165 = tpu.memref_squeeze %dma_start3A_164 : memref<1x125xi32, #tpu.memory_space<vmem>> -> memref<125xi32, #tpu.memory_space<vmem>>
        %dma_start3A_166 = arith.constant 0 : i32
        %dma_start3A_167 = arith.constant 0 : i32
        %dma_start3A_168 = tpu.memref_slice %arg2[%dma_start3A_166, %dma_start3A_167] : memref<20480x64xf32, #tpu.memory_space<hbm>> -> memref<20480x64xf32, #tpu.memory_space<hbm>>
        tpu.enqueue_indirect_dma source(%dma_start3A_168 : memref<20480x64xf32, #tpu.memory_space<hbm>>) target(%arg10 : memref<125x64xf32, #tpu.memory_space<vmem>>) offsets(%dma_start3A_165 : memref<125xi32, #tpu.memory_space<vmem>>) semaphore(%arg14 : memref<!tpu.dma_semaphore, #tpu.memory_space<semaphore_mem>>)
      } else {
      }
      %add3A_118 = arith.constant 1 : i32
      %add3A_119 = arith.addi %mul3A_49, %add3A_118 : i32
      %dma_wait3A_120 = arith.constant 0 : i32
      %dma_wait3A_121 = tpu.memref_slice %arg9[%add3A_119, %dma_wait3A_120] : memref<160x125xi32, #tpu.memory_space<vmem>> -> memref<1x125xi32, #tpu.memory_space<vmem>>
      %dma_wait3A_122 = tpu.memref_squeeze %dma_wait3A_121 : memref<1x125xi32, #tpu.memory_space<vmem>> -> memref<125xi32, #tpu.memory_space<vmem>>
      %dma_wait3A_123 = arith.constant 0 : i32
      %dma_wait3A_124 = arith.constant 0 : i32
      %dma_wait3A_125 = tpu.memref_slice %arg22[%dma_wait3A_123, %dma_wait3A_124] : memref<10240x64xf32, #tpu.memory_space<vmem_shared>> -> memref<10240x64xf32, #tpu.memory_space<vmem_shared>>
      tpu.wait_indirect_dma semaphore(%arg19 : memref<!tpu.dma_semaphore, #tpu.memory_space<semaphore_mem>>) src(%arg11 : memref<125x64xf32, #tpu.memory_space<vmem>>) dst(%dma_wait3A_125 : memref<10240x64xf32, #tpu.memory_space<vmem_shared>>)
      %add3A_126 = arith.constant 4 : i32
      %add3A_127 = arith.addi %add3A_119, %add3A_126 : i32
      %lt3A_128 = arith.constant 160 : i32
      %lt3A_129 = arith.cmpi slt, %add3A_127, %lt3A_128 : i32
      %convert_element_type3A_130 = arith.extui %lt3A_129 : i1 to i32
      %cond3A_131 = arith.constant 0 : i32
      %cond3A_132 = arith.cmpi ne, %convert_element_type3A_130, %cond3A_131 : i32
      scf.if %cond3A_132 {
        %dma_start3A_163 = arith.constant 0 : i32
        %dma_start3A_164 = tpu.memref_slice %arg8[%add3A_127, %dma_start3A_163] : memref<160x125xi32, #tpu.memory_space<vmem>> -> memref<1x125xi32, #tpu.memory_space<vmem>>
        %dma_start3A_165 = tpu.memref_squeeze %dma_start3A_164 : memref<1x125xi32, #tpu.memory_space<vmem>> -> memref<125xi32, #tpu.memory_space<vmem>>
        %dma_start3A_166 = arith.constant 0 : i32
        %dma_start3A_167 = arith.constant 0 : i32
        %dma_start3A_168 = tpu.memref_slice %arg2[%dma_start3A_166, %dma_start3A_167] : memref<20480x64xf32, #tpu.memory_space<hbm>> -> memref<20480x64xf32, #tpu.memory_space<hbm>>
        tpu.enqueue_indirect_dma source(%dma_start3A_168 : memref<20480x64xf32, #tpu.memory_space<hbm>>) target(%arg11 : memref<125x64xf32, #tpu.memory_space<vmem>>) offsets(%dma_start3A_165 : memref<125xi32, #tpu.memory_space<vmem>>) semaphore(%arg15 : memref<!tpu.dma_semaphore, #tpu.memory_space<semaphore_mem>>)
      } else {
      }
      %add3A_133 = arith.constant 2 : i32
      %add3A_134 = arith.addi %mul3A_49, %add3A_133 : i32
      %dma_wait3A_135 = arith.constant 0 : i32
      %dma_wait3A_136 = tpu.memref_slice %arg9[%add3A_134, %dma_wait3A_135] : memref<160x125xi32, #tpu.memory_space<vmem>> -> memref<1x125xi32, #tpu.memory_space<vmem>>
      %dma_wait3A_137 = tpu.memref_squeeze %dma_wait3A_136 : memref<1x125xi32, #tpu.memory_space<vmem>> -> memref<125xi32, #tpu.memory_space<vmem>>
      %dma_wait3A_138 = arith.constant 0 : i32
      %dma_wait3A_139 = arith.constant 0 : i32
      %dma_wait3A_140 = tpu.memref_slice %arg22[%dma_wait3A_138, %dma_wait3A_139] : memref<10240x64xf32, #tpu.memory_space<vmem_shared>> -> memref<10240x64xf32, #tpu.memory_space<vmem_shared>>
      tpu.wait_indirect_dma semaphore(%arg20 : memref<!tpu.dma_semaphore, #tpu.memory_space<semaphore_mem>>) src(%arg12 : memref<125x64xf32, #tpu.memory_space<vmem>>) dst(%dma_wait3A_140 : memref<10240x64xf32, #tpu.memory_space<vmem_shared>>)
      %add3A_141 = arith.constant 4 : i32
      %add3A_142 = arith.addi %add3A_134, %add3A_141 : i32
      %lt3A_143 = arith.constant 160 : i32
      %lt3A_144 = arith.cmpi slt, %add3A_142, %lt3A_143 : i32
      %convert_element_type3A_145 = arith.extui %lt3A_144 : i1 to i32
      %cond3A_146 = arith.constant 0 : i32
      %cond3A_147 = arith.cmpi ne, %convert_element_type3A_145, %cond3A_146 : i32
      scf.if %cond3A_147 {
        %dma_start3A_163 = arith.constant 0 : i32
        %dma_start3A_164 = tpu.memref_slice %arg8[%add3A_142, %dma_start3A_163] : memref<160x125xi32, #tpu.memory_space<vmem>> -> memref<1x125xi32, #tpu.memory_space<vmem>>
        %dma_start3A_165 = tpu.memref_squeeze %dma_start3A_164 : memref<1x125xi32, #tpu.memory_space<vmem>> -> memref<125xi32, #tpu.memory_space<vmem>>
        %dma_start3A_166 = arith.constant 0 : i32
        %dma_start3A_167 = arith.constant 0 : i32
        %dma_start3A_168 = tpu.memref_slice %arg2[%dma_start3A_166, %dma_start3A_167] : memref<20480x64xf32, #tpu.memory_space<hbm>> -> memref<20480x64xf32, #tpu.memory_space<hbm>>
        tpu.enqueue_indirect_dma source(%dma_start3A_168 : memref<20480x64xf32, #tpu.memory_space<hbm>>) target(%arg12 : memref<125x64xf32, #tpu.memory_space<vmem>>) offsets(%dma_start3A_165 : memref<125xi32, #tpu.memory_space<vmem>>) semaphore(%arg16 : memref<!tpu.dma_semaphore, #tpu.memory_space<semaphore_mem>>)
      } else {
      }
      %add3A_148 = arith.constant 3 : i32
      %add3A_149 = arith.addi %mul3A_49, %add3A_148 : i32
      %dma_wait3A_150 = arith.constant 0 : i32
      %dma_wait3A_151 = tpu.memref_slice %arg9[%add3A_149, %dma_wait3A_150] : memref<160x125xi32, #tpu.memory_space<vmem>> -> memref<1x125xi32, #tpu.memory_space<vmem>>
      %dma_wait3A_152 = tpu.memref_squeeze %dma_wait3A_151 : memref<1x125xi32, #tpu.memory_space<vmem>> -> memref<125xi32, #tpu.memory_space<vmem>>
      %dma_wait3A_153 = arith.constant 0 : i32
      %dma_wait3A_154 = arith.constant 0 : i32
      %dma_wait3A_155 = tpu.memref_slice %arg22[%dma_wait3A_153, %dma_wait3A_154] : memref<10240x64xf32, #tpu.memory_space<vmem_shared>> -> memref<10240x64xf32, #tpu.memory_space<vmem_shared>>
      tpu.wait_indirect_dma semaphore(%arg21 : memref<!tpu.dma_semaphore, #tpu.memory_space<semaphore_mem>>) src(%arg13 : memref<125x64xf32, #tpu.memory_space<vmem>>) dst(%dma_wait3A_155 : memref<10240x64xf32, #tpu.memory_space<vmem_shared>>)
      %add3A_156 = arith.constant 4 : i32
      %add3A_157 = arith.addi %add3A_149, %add3A_156 : i32
      %lt3A_158 = arith.constant 160 : i32
      %lt3A_159 = arith.cmpi slt, %add3A_157, %lt3A_158 : i32
      %convert_element_type3A_160 = arith.extui %lt3A_159 : i1 to i32
      %cond3A_161 = arith.constant 0 : i32
      %cond3A_162 = arith.cmpi ne, %convert_element_type3A_160, %cond3A_161 : i32
      scf.if %cond3A_162 {
        %dma_start3A_163 = arith.constant 0 : i32
        %dma_start3A_164 = tpu.memref_slice %arg8[%add3A_157, %dma_start3A_163] : memref<160x125xi32, #tpu.memory_space<vmem>> -> memref<1x125xi32, #tpu.memory_space<vmem>>
        %dma_start3A_165 = tpu.memref_squeeze %dma_start3A_164 : memref<1x125xi32, #tpu.memory_space<vmem>> -> memref<125xi32, #tpu.memory_space<vmem>>
        %dma_start3A_166 = arith.constant 0 : i32
        %dma_start3A_167 = arith.constant 0 : i32
        %dma_start3A_168 = tpu.memref_slice %arg2[%dma_start3A_166, %dma_start3A_167] : memref<20480x64xf32, #tpu.memory_space<hbm>> -> memref<20480x64xf32, #tpu.memory_space<hbm>>
        tpu.enqueue_indirect_dma source(%dma_start3A_168 : memref<20480x64xf32, #tpu.memory_space<hbm>>) target(%arg13 : memref<125x64xf32, #tpu.memory_space<vmem>>) offsets(%dma_start3A_165 : memref<125xi32, #tpu.memory_space<vmem>>) semaphore(%arg17 : memref<!tpu.dma_semaphore, #tpu.memory_space<semaphore_mem>>)
      } else {
      }
    }
    %scan3A_41 = arith.constant 40 : i32
    %barrier3A_42 = arith.constant 0 : index
    tpu.barrier barrier_id(%barrier3A_42)
    %mul3A_43 = arith.constant 640 : i32
    %mul3A_44 = arith.muli %arg1, %mul3A_43 : i32
    %mul3A_45 = arith.constant 640 : i32
    %mul3A_46 = arith.muli %arg1, %mul3A_45 : i32
    "tpu.region"() ({
      %run_scoped3A = tpu.sem_alloc : memref<!tpu.dma_semaphore, #tpu.memory_space<semaphore_mem>>
      %dma_start3A_47 = arith.constant 0 : i32
      %dma_start3A_48 = arith.constant 0 : i32
      %dma_start3A_49 = tpu.memref_slice %arg7[%arg0, %dma_start3A_47, %dma_start3A_48] : memref<2x10240x64xf32, #tpu.memory_space<hbm>> -> memref<1x10240x64xf32, #tpu.memory_space<hbm>>
      %dma_start3A_50 = tpu.memref_squeeze %dma_start3A_49 : memref<1x10240x64xf32, #tpu.memory_space<hbm>> -> memref<10240x64xf32, #tpu.memory_space<hbm>>
      %dma_start3A_51 = arith.constant 0 : i32
      %dma_start3A_52 = tpu.memref_slice %dma_start3A_50[%mul3A_46, %dma_start3A_51] : memref<10240x64xf32, #tpu.memory_space<hbm>> -> memref<640x64xf32, #tpu.memory_space<hbm>>
      %dma_start3A_53 = arith.constant 0 : i32
      %dma_start3A_54 = tpu.memref_slice %arg22[%mul3A_44, %dma_start3A_53] : memref<10240x64xf32, #tpu.memory_space<vmem_shared>> -> memref<640x64xf32, #tpu.memory_space<vmem_shared>>
      tpu.enqueue_dma source(%dma_start3A_54 : memref<640x64xf32, #tpu.memory_space<vmem_shared>>) target(%dma_start3A_52 : memref<640x64xf32, #tpu.memory_space<hbm>>) target_semaphore(%run_scoped3A : memref<!tpu.dma_semaphore, #tpu.memory_space<semaphore_mem>>)
      %dma_wait3A = arith.constant 0 : i32
      %dma_wait3A_55 = arith.constant 0 : i32
      %dma_wait3A_56 = tpu.memref_slice %arg7[%arg0, %dma_wait3A, %dma_wait3A_55] : memref<2x10240x64xf32, #tpu.memory_space<hbm>> -> memref<1x10240x64xf32, #tpu.memory_space<hbm>>
      %dma_wait3A_57 = tpu.memref_squeeze %dma_wait3A_56 : memref<1x10240x64xf32, #tpu.memory_space<hbm>> -> memref<10240x64xf32, #tpu.memory_space<hbm>>
      %dma_wait3A_58 = arith.constant 0 : i32
      %dma_wait3A_59 = tpu.memref_slice %dma_wait3A_57[%mul3A_46, %dma_wait3A_58] : memref<10240x64xf32, #tpu.memory_space<hbm>> -> memref<640x64xf32, #tpu.memory_space<hbm>>
      %dma_wait3A_60 = arith.constant 0 : i32
      %dma_wait3A_61 = tpu.memref_slice %arg22[%mul3A_44, %dma_wait3A_60] : memref<10240x64xf32, #tpu.memory_space<vmem_shared>> -> memref<640x64xf32, #tpu.memory_space<vmem_shared>>
      tpu.wait_dma2 semaphore(%run_scoped3A : memref<!tpu.dma_semaphore, #tpu.memory_space<semaphore_mem>>) src(%dma_wait3A_61 : memref<640x64xf32, #tpu.memory_space<vmem_shared>>) dst(%dma_wait3A_59 : memref<640x64xf32, #tpu.memory_space<hbm>>)
      tpu.yield
    }) : () -> ()
    return
  }
}

#map = affine_map<(d0, d1) -> (0, 0)>
#map1 = affine_map<(d0, d1) -> (0, 0, 0)>
module attributes {stable_mosaic.version = 14 : i64} {
  func.func @_deg_body(%arg0: i32, %arg1: i32, %arg2: memref<2560x125xi32, #tpu.memory_space<hbm>>, %arg3: memref<125x16xf32, #tpu.memory_space<hbm>>, %arg4: memref<640x16xf32, #tpu.memory_space<hbm>>, %arg5: memref<2x10240x16xf32, #tpu.memory_space<hbm>>, %arg6: memref<80x125xi32, #tpu.memory_space<vmem>>, %arg7: memref<125x16xf32, #tpu.memory_space<vmem>>, %arg8: memref<10240x16xf32, #tpu.memory_space<vmem_shared>>, %arg9: memref<!tpu.dma_semaphore, #tpu.memory_space<semaphore_mem>>, %arg10: memref<!tpu.dma_semaphore, #tpu.memory_space<semaphore_mem>>, %arg11: memref<!tpu.dma_semaphore, #tpu.memory_space<semaphore_mem>>, %arg12: memref<!tpu.dma_semaphore, #tpu.memory_space<semaphore_mem>>) attributes {dimension_semantics = [#tpu.dimension_semantics<core_parallel>, #tpu.dimension_semantics<subcore_parallel>], iteration_bounds = array<i64: 2, 16>, scalar_prefetch = 0 : i64, scratch_operands = 7 : i64, tpu.core_type = #tpu.core_type<sc_vector_subcore>, window_params = [{transform_indices = #map}, {transform_indices = #map}, {transform_indices = #map}, {transform_indices = #map1}]} {
    %mul3A = arith.constant 16 : i32
    %mul3A_0 = arith.muli %arg0, %mul3A : i32
    %add3A = arith.addi %mul3A_0, %arg1 : i32
    %mul3A_1 = arith.constant 640 : i32
    %mul3A_2 = arith.muli %arg1, %mul3A_1 : i32
    "tpu.region"() ({
      %run_scoped3A = tpu.sem_alloc : memref<!tpu.dma_semaphore, #tpu.memory_space<semaphore_mem>>
      %dma_start3A = arith.constant 0 : i32
      %dma_start3A_15 = tpu.memref_slice %arg8[%mul3A_2, %dma_start3A] : memref<10240x16xf32, #tpu.memory_space<vmem_shared>> -> memref<640x16xf32, #tpu.memory_space<vmem_shared>>
      tpu.enqueue_dma source(%arg4 : memref<640x16xf32, #tpu.memory_space<hbm>>) target(%dma_start3A_15 : memref<640x16xf32, #tpu.memory_space<vmem_shared>>) target_semaphore(%run_scoped3A : memref<!tpu.dma_semaphore, #tpu.memory_space<semaphore_mem>>)
      %dma_wait3A = arith.constant 0 : i32
      %dma_wait3A_16 = tpu.memref_slice %arg8[%mul3A_2, %dma_wait3A] : memref<10240x16xf32, #tpu.memory_space<vmem_shared>> -> memref<640x16xf32, #tpu.memory_space<vmem_shared>>
      tpu.wait_dma2 semaphore(%run_scoped3A : memref<!tpu.dma_semaphore, #tpu.memory_space<semaphore_mem>>) src(%arg4 : memref<640x16xf32, #tpu.memory_space<hbm>>) dst(%dma_wait3A_16 : memref<640x16xf32, #tpu.memory_space<vmem_shared>>)
      tpu.yield
    }) : () -> ()
    "tpu.region"() ({
      %run_scoped3A = tpu.sem_alloc : memref<!tpu.dma_semaphore, #tpu.memory_space<semaphore_mem>>
      tpu.enqueue_dma source(%arg3 : memref<125x16xf32, #tpu.memory_space<hbm>>) target(%arg7 : memref<125x16xf32, #tpu.memory_space<vmem>>) target_semaphore(%run_scoped3A : memref<!tpu.dma_semaphore, #tpu.memory_space<semaphore_mem>>)
      tpu.wait_dma2 semaphore(%run_scoped3A : memref<!tpu.dma_semaphore, #tpu.memory_space<semaphore_mem>>) src(%arg3 : memref<125x16xf32, #tpu.memory_space<hbm>>) dst(%arg7 : memref<125x16xf32, #tpu.memory_space<vmem>>)
      tpu.yield
    }) : () -> ()
    %mul3A_3 = arith.constant 80 : i32
    %mul3A_4 = arith.muli %add3A, %mul3A_3 : i32
    "tpu.region"() ({
      %run_scoped3A = tpu.sem_alloc : memref<!tpu.dma_semaphore, #tpu.memory_space<semaphore_mem>>
      %dma_start3A = arith.constant 0 : i32
      %dma_start3A_15 = tpu.memref_slice %arg2[%mul3A_4, %dma_start3A] : memref<2560x125xi32, #tpu.memory_space<hbm>> -> memref<80x125xi32, #tpu.memory_space<hbm>>
      %dma_start3A_16 = arith.constant 0 : i32
      %dma_start3A_17 = tpu.memref_slice %arg2[%mul3A_4, %dma_start3A_16] : memref<2560x125xi32, #tpu.memory_space<hbm>> -> memref<80x125xi32, #tpu.memory_space<hbm>>
      tpu.enqueue_dma source(%dma_start3A_17 : memref<80x125xi32, #tpu.memory_space<hbm>>) target(%arg6 : memref<80x125xi32, #tpu.memory_space<vmem>>) target_semaphore(%run_scoped3A : memref<!tpu.dma_semaphore, #tpu.memory_space<semaphore_mem>>)
      %dma_wait3A = arith.constant 0 : i32
      %dma_wait3A_18 = tpu.memref_slice %arg2[%mul3A_4, %dma_wait3A] : memref<2560x125xi32, #tpu.memory_space<hbm>> -> memref<80x125xi32, #tpu.memory_space<hbm>>
      %dma_wait3A_19 = arith.constant 0 : i32
      %dma_wait3A_20 = tpu.memref_slice %arg2[%mul3A_4, %dma_wait3A_19] : memref<2560x125xi32, #tpu.memory_space<hbm>> -> memref<80x125xi32, #tpu.memory_space<hbm>>
      tpu.wait_dma2 semaphore(%run_scoped3A : memref<!tpu.dma_semaphore, #tpu.memory_space<semaphore_mem>>) src(%dma_wait3A_20 : memref<80x125xi32, #tpu.memory_space<hbm>>) dst(%arg6 : memref<80x125xi32, #tpu.memory_space<vmem>>)
      tpu.yield
    }) : () -> ()
    %barrier3A = arith.constant 0 : index
    tpu.barrier barrier_id(%barrier3A)
    %scan3A = arith.constant 0 : i32
    %scan3A_5 = arith.constant 0 : i32
    %scan3A_6 = arith.constant 20 : i32
    %scan3A_7 = arith.addi %scan3A_5, %scan3A_6 : i32
    %scan3A_8 = arith.constant 1 : i32
    scf.for %scan3A_15 = %scan3A_5 to %scan3A_7 step %scan3A_8  : i32 {
      %mul3A_16 = arith.constant 4 : i32
      %mul3A_17 = arith.muli %scan3A_15, %mul3A_16 : i32
      %add3A_18 = arith.constant 0 : i32
      %add3A_19 = arith.addi %mul3A_17, %add3A_18 : i32
      %dma_start3A = arith.constant 0 : i32
      %dma_start3A_20 = tpu.memref_slice %arg6[%add3A_19, %dma_start3A] : memref<80x125xi32, #tpu.memory_space<vmem>> -> memref<1x125xi32, #tpu.memory_space<vmem>>
      %dma_start3A_21 = tpu.memref_squeeze %dma_start3A_20 : memref<1x125xi32, #tpu.memory_space<vmem>> -> memref<125xi32, #tpu.memory_space<vmem>>
      %dma_start3A_22 = arith.constant 0 : i32
      %dma_start3A_23 = arith.constant 0 : i32
      %dma_start3A_24 = tpu.memref_slice %arg8[%dma_start3A_22, %dma_start3A_23] : memref<10240x16xf32, #tpu.memory_space<vmem_shared>> -> memref<10240x16xf32, #tpu.memory_space<vmem_shared>>
      tpu.enqueue_indirect_dma source(%arg7 : memref<125x16xf32, #tpu.memory_space<vmem>>) target(%dma_start3A_24 : memref<10240x16xf32, #tpu.memory_space<vmem_shared>>) offsets(%dma_start3A_21 : memref<125xi32, #tpu.memory_space<vmem>>) semaphore(%arg9 : memref<!tpu.dma_semaphore, #tpu.memory_space<semaphore_mem>>) {add = true}
      %mul3A_25 = arith.constant 4 : i32
      %mul3A_26 = arith.muli %scan3A_15, %mul3A_25 : i32
      %add3A_27 = arith.constant 1 : i32
      %add3A_28 = arith.addi %mul3A_26, %add3A_27 : i32
      %dma_start3A_29 = arith.constant 0 : i32
      %dma_start3A_30 = tpu.memref_slice %arg6[%add3A_28, %dma_start3A_29] : memref<80x125xi32, #tpu.memory_space<vmem>> -> memref<1x125xi32, #tpu.memory_space<vmem>>
      %dma_start3A_31 = tpu.memref_squeeze %dma_start3A_30 : memref<1x125xi32, #tpu.memory_space<vmem>> -> memref<125xi32, #tpu.memory_space<vmem>>
      %dma_start3A_32 = arith.constant 0 : i32
      %dma_start3A_33 = arith.constant 0 : i32
      %dma_start3A_34 = tpu.memref_slice %arg8[%dma_start3A_32, %dma_start3A_33] : memref<10240x16xf32, #tpu.memory_space<vmem_shared>> -> memref<10240x16xf32, #tpu.memory_space<vmem_shared>>
      tpu.enqueue_indirect_dma source(%arg7 : memref<125x16xf32, #tpu.memory_space<vmem>>) target(%dma_start3A_34 : memref<10240x16xf32, #tpu.memory_space<vmem_shared>>) offsets(%dma_start3A_31 : memref<125xi32, #tpu.memory_space<vmem>>) semaphore(%arg10 : memref<!tpu.dma_semaphore, #tpu.memory_space<semaphore_mem>>) {add = true}
      %mul3A_35 = arith.constant 4 : i32
      %mul3A_36 = arith.muli %scan3A_15, %mul3A_35 : i32
      %add3A_37 = arith.constant 2 : i32
      %add3A_38 = arith.addi %mul3A_36, %add3A_37 : i32
      %dma_start3A_39 = arith.constant 0 : i32
      %dma_start3A_40 = tpu.memref_slice %arg6[%add3A_38, %dma_start3A_39] : memref<80x125xi32, #tpu.memory_space<vmem>> -> memref<1x125xi32, #tpu.memory_space<vmem>>
      %dma_start3A_41 = tpu.memref_squeeze %dma_start3A_40 : memref<1x125xi32, #tpu.memory_space<vmem>> -> memref<125xi32, #tpu.memory_space<vmem>>
      %dma_start3A_42 = arith.constant 0 : i32
      %dma_start3A_43 = arith.constant 0 : i32
      %dma_start3A_44 = tpu.memref_slice %arg8[%dma_start3A_42, %dma_start3A_43] : memref<10240x16xf32, #tpu.memory_space<vmem_shared>> -> memref<10240x16xf32, #tpu.memory_space<vmem_shared>>
      tpu.enqueue_indirect_dma source(%arg7 : memref<125x16xf32, #tpu.memory_space<vmem>>) target(%dma_start3A_44 : memref<10240x16xf32, #tpu.memory_space<vmem_shared>>) offsets(%dma_start3A_41 : memref<125xi32, #tpu.memory_space<vmem>>) semaphore(%arg11 : memref<!tpu.dma_semaphore, #tpu.memory_space<semaphore_mem>>) {add = true}
      %mul3A_45 = arith.constant 4 : i32
      %mul3A_46 = arith.muli %scan3A_15, %mul3A_45 : i32
      %add3A_47 = arith.constant 3 : i32
      %add3A_48 = arith.addi %mul3A_46, %add3A_47 : i32
      %dma_start3A_49 = arith.constant 0 : i32
      %dma_start3A_50 = tpu.memref_slice %arg6[%add3A_48, %dma_start3A_49] : memref<80x125xi32, #tpu.memory_space<vmem>> -> memref<1x125xi32, #tpu.memory_space<vmem>>
      %dma_start3A_51 = tpu.memref_squeeze %dma_start3A_50 : memref<1x125xi32, #tpu.memory_space<vmem>> -> memref<125xi32, #tpu.memory_space<vmem>>
      %dma_start3A_52 = arith.constant 0 : i32
      %dma_start3A_53 = arith.constant 0 : i32
      %dma_start3A_54 = tpu.memref_slice %arg8[%dma_start3A_52, %dma_start3A_53] : memref<10240x16xf32, #tpu.memory_space<vmem_shared>> -> memref<10240x16xf32, #tpu.memory_space<vmem_shared>>
      tpu.enqueue_indirect_dma source(%arg7 : memref<125x16xf32, #tpu.memory_space<vmem>>) target(%dma_start3A_54 : memref<10240x16xf32, #tpu.memory_space<vmem_shared>>) offsets(%dma_start3A_51 : memref<125xi32, #tpu.memory_space<vmem>>) semaphore(%arg12 : memref<!tpu.dma_semaphore, #tpu.memory_space<semaphore_mem>>) {add = true}
      %dma_wait3A = arith.constant 0 : i32
      %dma_wait3A_55 = tpu.memref_slice %arg6[%add3A_19, %dma_wait3A] : memref<80x125xi32, #tpu.memory_space<vmem>> -> memref<1x125xi32, #tpu.memory_space<vmem>>
      %dma_wait3A_56 = tpu.memref_squeeze %dma_wait3A_55 : memref<1x125xi32, #tpu.memory_space<vmem>> -> memref<125xi32, #tpu.memory_space<vmem>>
      %dma_wait3A_57 = arith.constant 0 : i32
      %dma_wait3A_58 = arith.constant 0 : i32
      %dma_wait3A_59 = tpu.memref_slice %arg8[%dma_wait3A_57, %dma_wait3A_58] : memref<10240x16xf32, #tpu.memory_space<vmem_shared>> -> memref<10240x16xf32, #tpu.memory_space<vmem_shared>>
      tpu.wait_indirect_dma semaphore(%arg9 : memref<!tpu.dma_semaphore, #tpu.memory_space<semaphore_mem>>) src(%arg7 : memref<125x16xf32, #tpu.memory_space<vmem>>) dst(%dma_wait3A_59 : memref<10240x16xf32, #tpu.memory_space<vmem_shared>>)
      %dma_wait3A_60 = arith.constant 0 : i32
      %dma_wait3A_61 = tpu.memref_slice %arg6[%add3A_28, %dma_wait3A_60] : memref<80x125xi32, #tpu.memory_space<vmem>> -> memref<1x125xi32, #tpu.memory_space<vmem>>
      %dma_wait3A_62 = tpu.memref_squeeze %dma_wait3A_61 : memref<1x125xi32, #tpu.memory_space<vmem>> -> memref<125xi32, #tpu.memory_space<vmem>>
      %dma_wait3A_63 = arith.constant 0 : i32
      %dma_wait3A_64 = arith.constant 0 : i32
      %dma_wait3A_65 = tpu.memref_slice %arg8[%dma_wait3A_63, %dma_wait3A_64] : memref<10240x16xf32, #tpu.memory_space<vmem_shared>> -> memref<10240x16xf32, #tpu.memory_space<vmem_shared>>
      tpu.wait_indirect_dma semaphore(%arg10 : memref<!tpu.dma_semaphore, #tpu.memory_space<semaphore_mem>>) src(%arg7 : memref<125x16xf32, #tpu.memory_space<vmem>>) dst(%dma_wait3A_65 : memref<10240x16xf32, #tpu.memory_space<vmem_shared>>)
      %dma_wait3A_66 = arith.constant 0 : i32
      %dma_wait3A_67 = tpu.memref_slice %arg6[%add3A_38, %dma_wait3A_66] : memref<80x125xi32, #tpu.memory_space<vmem>> -> memref<1x125xi32, #tpu.memory_space<vmem>>
      %dma_wait3A_68 = tpu.memref_squeeze %dma_wait3A_67 : memref<1x125xi32, #tpu.memory_space<vmem>> -> memref<125xi32, #tpu.memory_space<vmem>>
      %dma_wait3A_69 = arith.constant 0 : i32
      %dma_wait3A_70 = arith.constant 0 : i32
      %dma_wait3A_71 = tpu.memref_slice %arg8[%dma_wait3A_69, %dma_wait3A_70] : memref<10240x16xf32, #tpu.memory_space<vmem_shared>> -> memref<10240x16xf32, #tpu.memory_space<vmem_shared>>
      tpu.wait_indirect_dma semaphore(%arg11 : memref<!tpu.dma_semaphore, #tpu.memory_space<semaphore_mem>>) src(%arg7 : memref<125x16xf32, #tpu.memory_space<vmem>>) dst(%dma_wait3A_71 : memref<10240x16xf32, #tpu.memory_space<vmem_shared>>)
      %dma_wait3A_72 = arith.constant 0 : i32
      %dma_wait3A_73 = tpu.memref_slice %arg6[%add3A_48, %dma_wait3A_72] : memref<80x125xi32, #tpu.memory_space<vmem>> -> memref<1x125xi32, #tpu.memory_space<vmem>>
      %dma_wait3A_74 = tpu.memref_squeeze %dma_wait3A_73 : memref<1x125xi32, #tpu.memory_space<vmem>> -> memref<125xi32, #tpu.memory_space<vmem>>
      %dma_wait3A_75 = arith.constant 0 : i32
      %dma_wait3A_76 = arith.constant 0 : i32
      %dma_wait3A_77 = tpu.memref_slice %arg8[%dma_wait3A_75, %dma_wait3A_76] : memref<10240x16xf32, #tpu.memory_space<vmem_shared>> -> memref<10240x16xf32, #tpu.memory_space<vmem_shared>>
      tpu.wait_indirect_dma semaphore(%arg12 : memref<!tpu.dma_semaphore, #tpu.memory_space<semaphore_mem>>) src(%arg7 : memref<125x16xf32, #tpu.memory_space<vmem>>) dst(%dma_wait3A_77 : memref<10240x16xf32, #tpu.memory_space<vmem_shared>>)
    }
    %scan3A_9 = arith.constant 20 : i32
    %barrier3A_10 = arith.constant 0 : index
    tpu.barrier barrier_id(%barrier3A_10)
    %mul3A_11 = arith.constant 640 : i32
    %mul3A_12 = arith.muli %arg1, %mul3A_11 : i32
    %mul3A_13 = arith.constant 640 : i32
    %mul3A_14 = arith.muli %arg1, %mul3A_13 : i32
    "tpu.region"() ({
      %run_scoped3A = tpu.sem_alloc : memref<!tpu.dma_semaphore, #tpu.memory_space<semaphore_mem>>
      %dma_start3A = arith.constant 0 : i32
      %dma_start3A_15 = arith.constant 0 : i32
      %dma_start3A_16 = tpu.memref_slice %arg5[%arg0, %dma_start3A, %dma_start3A_15] : memref<2x10240x16xf32, #tpu.memory_space<hbm>> -> memref<1x10240x16xf32, #tpu.memory_space<hbm>>
      %dma_start3A_17 = tpu.memref_squeeze %dma_start3A_16 : memref<1x10240x16xf32, #tpu.memory_space<hbm>> -> memref<10240x16xf32, #tpu.memory_space<hbm>>
      %dma_start3A_18 = arith.constant 0 : i32
      %dma_start3A_19 = tpu.memref_slice %dma_start3A_17[%mul3A_14, %dma_start3A_18] : memref<10240x16xf32, #tpu.memory_space<hbm>> -> memref<640x16xf32, #tpu.memory_space<hbm>>
      %dma_start3A_20 = arith.constant 0 : i32
      %dma_start3A_21 = tpu.memref_slice %arg8[%mul3A_12, %dma_start3A_20] : memref<10240x16xf32, #tpu.memory_space<vmem_shared>> -> memref<640x16xf32, #tpu.memory_space<vmem_shared>>
      tpu.enqueue_dma source(%dma_start3A_21 : memref<640x16xf32, #tpu.memory_space<vmem_shared>>) target(%dma_start3A_19 : memref<640x16xf32, #tpu.memory_space<hbm>>) target_semaphore(%run_scoped3A : memref<!tpu.dma_semaphore, #tpu.memory_space<semaphore_mem>>)
      %dma_wait3A = arith.constant 0 : i32
      %dma_wait3A_22 = arith.constant 0 : i32
      %dma_wait3A_23 = tpu.memref_slice %arg5[%arg0, %dma_wait3A, %dma_wait3A_22] : memref<2x10240x16xf32, #tpu.memory_space<hbm>> -> memref<1x10240x16xf32, #tpu.memory_space<hbm>>
      %dma_wait3A_24 = tpu.memref_squeeze %dma_wait3A_23 : memref<1x10240x16xf32, #tpu.memory_space<hbm>> -> memref<10240x16xf32, #tpu.memory_space<hbm>>
      %dma_wait3A_25 = arith.constant 0 : i32
      %dma_wait3A_26 = tpu.memref_slice %dma_wait3A_24[%mul3A_14, %dma_wait3A_25] : memref<10240x16xf32, #tpu.memory_space<hbm>> -> memref<640x16xf32, #tpu.memory_space<hbm>>
      %dma_wait3A_27 = arith.constant 0 : i32
      %dma_wait3A_28 = tpu.memref_slice %arg8[%mul3A_12, %dma_wait3A_27] : memref<10240x16xf32, #tpu.memory_space<vmem_shared>> -> memref<640x16xf32, #tpu.memory_space<vmem_shared>>
      tpu.wait_dma2 semaphore(%run_scoped3A : memref<!tpu.dma_semaphore, #tpu.memory_space<semaphore_mem>>) src(%dma_wait3A_28 : memref<640x16xf32, #tpu.memory_space<vmem_shared>>) dst(%dma_wait3A_26 : memref<640x16xf32, #tpu.memory_space<hbm>>)
      tpu.yield
    }) : () -> ()
    return
  }
}

#map = affine_map<(d0, d1) -> (0, 0)>
#map1 = affine_map<(d0, d1) -> (0, 0, 0)>
module attributes {stable_mosaic.version = 14 : i64} {
  func.func @_agg_body(%arg0: i32, %arg1: i32, %arg2: memref<20480x64xf32, #tpu.memory_space<hbm>>, %arg3: memref<2560x125xi32, #tpu.memory_space<hbm>>, %arg4: memref<2560x125xi32, #tpu.memory_space<hbm>>, %arg5: memref<2560x125xi32, #tpu.memory_space<hbm>>, %arg6: memref<640x64xf32, #tpu.memory_space<hbm>>, %arg7: memref<2x10240x64xf32, #tpu.memory_space<hbm>>, %arg8: memref<160x125xi32, #tpu.memory_space<vmem>>, %arg9: memref<160x125xi32, #tpu.memory_space<vmem>>, %arg10: memref<125x64xf32, #tpu.memory_space<vmem>>, %arg11: memref<125x64xf32, #tpu.memory_space<vmem>>, %arg12: memref<125x64xf32, #tpu.memory_space<vmem>>, %arg13: memref<125x64xf32, #tpu.memory_space<vmem>>, %arg14: memref<!tpu.dma_semaphore, #tpu.memory_space<semaphore_mem>>, %arg15: memref<!tpu.dma_semaphore, #tpu.memory_space<semaphore_mem>>, %arg16: memref<!tpu.dma_semaphore, #tpu.memory_space<semaphore_mem>>, %arg17: memref<!tpu.dma_semaphore, #tpu.memory_space<semaphore_mem>>, %arg18: memref<!tpu.dma_semaphore, #tpu.memory_space<semaphore_mem>>, %arg19: memref<!tpu.dma_semaphore, #tpu.memory_space<semaphore_mem>>, %arg20: memref<!tpu.dma_semaphore, #tpu.memory_space<semaphore_mem>>, %arg21: memref<!tpu.dma_semaphore, #tpu.memory_space<semaphore_mem>>, %arg22: memref<10240x64xf32, #tpu.memory_space<vmem_shared>>) attributes {dimension_semantics = [#tpu.dimension_semantics<core_parallel>, #tpu.dimension_semantics<subcore_parallel>], iteration_bounds = array<i64: 2, 16>, scalar_prefetch = 0 : i64, scratch_operands = 15 : i64, tpu.core_type = #tpu.core_type<sc_vector_subcore>, window_params = [{transform_indices = #map}, {transform_indices = #map}, {transform_indices = #map}, {transform_indices = #map}, {transform_indices = #map}, {transform_indices = #map1}]} {
    %mul3A = arith.constant 640 : i32
    %mul3A_0 = arith.muli %arg1, %mul3A : i32
    "tpu.region"() ({
      %run_scoped3A = tpu.sem_alloc : memref<!tpu.dma_semaphore, #tpu.memory_space<semaphore_mem>>
      %dma_start3A_47 = arith.constant 0 : i32
      %dma_start3A_48 = tpu.memref_slice %arg22[%mul3A_0, %dma_start3A_47] : memref<10240x64xf32, #tpu.memory_space<vmem_shared>> -> memref<640x64xf32, #tpu.memory_space<vmem_shared>>
      tpu.enqueue_dma source(%arg6 : memref<640x64xf32, #tpu.memory_space<hbm>>) target(%dma_start3A_48 : memref<640x64xf32, #tpu.memory_space<vmem_shared>>) target_semaphore(%run_scoped3A : memref<!tpu.dma_semaphore, #tpu.memory_space<semaphore_mem>>)
      %dma_wait3A = arith.constant 0 : i32
      %dma_wait3A_49 = tpu.memref_slice %arg22[%mul3A_0, %dma_wait3A] : memref<10240x64xf32, #tpu.memory_space<vmem_shared>> -> memref<640x64xf32, #tpu.memory_space<vmem_shared>>
      tpu.wait_dma2 semaphore(%run_scoped3A : memref<!tpu.dma_semaphore, #tpu.memory_space<semaphore_mem>>) src(%arg6 : memref<640x64xf32, #tpu.memory_space<hbm>>) dst(%dma_wait3A_49 : memref<640x64xf32, #tpu.memory_space<vmem_shared>>)
      tpu.yield
    }) : () -> ()
    %eq3A = arith.constant 0 : i32
    %eq3A_1 = arith.cmpi eq, %arg0, %eq3A : i32
    %convert_element_type3A = arith.extui %eq3A_1 : i1 to i32
    %cond3A = arith.constant 0 : i32
    %cond3A_2 = arith.cmpi ne, %convert_element_type3A, %cond3A : i32
    scf.if %cond3A_2 {
      %mul3A_47 = arith.constant 160 : i32
      %mul3A_48 = arith.muli %arg1, %mul3A_47 : i32
      "tpu.region"() ({
        %run_scoped3A = tpu.sem_alloc : memref<!tpu.dma_semaphore, #tpu.memory_space<semaphore_mem>>
        %dma_start3A_49 = arith.constant 0 : i32
        %dma_start3A_50 = tpu.memref_slice %arg3[%mul3A_48, %dma_start3A_49] : memref<2560x125xi32, #tpu.memory_space<hbm>> -> memref<160x125xi32, #tpu.memory_space<hbm>>
        %dma_start3A_51 = arith.constant 0 : i32
        %dma_start3A_52 = tpu.memref_slice %arg3[%mul3A_48, %dma_start3A_51] : memref<2560x125xi32, #tpu.memory_space<hbm>> -> memref<160x125xi32, #tpu.memory_space<hbm>>
        tpu.enqueue_dma source(%dma_start3A_52 : memref<160x125xi32, #tpu.memory_space<hbm>>) target(%arg8 : memref<160x125xi32, #tpu.memory_space<vmem>>) target_semaphore(%run_scoped3A : memref<!tpu.dma_semaphore, #tpu.memory_space<semaphore_mem>>)
        %dma_wait3A = arith.constant 0 : i32
        %dma_wait3A_53 = tpu.memref_slice %arg3[%mul3A_48, %dma_wait3A] : memref<2560x125xi32, #tpu.memory_space<hbm>> -> memref<160x125xi32, #tpu.memory_space<hbm>>
        %dma_wait3A_54 = arith.constant 0 : i32
        %dma_wait3A_55 = tpu.memref_slice %arg3[%mul3A_48, %dma_wait3A_54] : memref<2560x125xi32, #tpu.memory_space<hbm>> -> memref<160x125xi32, #tpu.memory_space<hbm>>
        tpu.wait_dma2 semaphore(%run_scoped3A : memref<!tpu.dma_semaphore, #tpu.memory_space<semaphore_mem>>) src(%dma_wait3A_55 : memref<160x125xi32, #tpu.memory_space<hbm>>) dst(%arg8 : memref<160x125xi32, #tpu.memory_space<vmem>>)
        tpu.yield
      }) : () -> ()
    } else {
    }
    %eq3A_3 = arith.constant 1 : i32
    %eq3A_4 = arith.cmpi eq, %arg0, %eq3A_3 : i32
    %convert_element_type3A_5 = arith.extui %eq3A_4 : i1 to i32
    %cond3A_6 = arith.constant 0 : i32
    %cond3A_7 = arith.cmpi ne, %convert_element_type3A_5, %cond3A_6 : i32
    scf.if %cond3A_7 {
      %mul3A_47 = arith.constant 160 : i32
      %mul3A_48 = arith.muli %arg1, %mul3A_47 : i32
      "tpu.region"() ({
        %run_scoped3A = tpu.sem_alloc : memref<!tpu.dma_semaphore, #tpu.memory_space<semaphore_mem>>
        %dma_start3A_49 = arith.constant 0 : i32
        %dma_start3A_50 = tpu.memref_slice %arg4[%mul3A_48, %dma_start3A_49] : memref<2560x125xi32, #tpu.memory_space<hbm>> -> memref<160x125xi32, #tpu.memory_space<hbm>>
        %dma_start3A_51 = arith.constant 0 : i32
        %dma_start3A_52 = tpu.memref_slice %arg4[%mul3A_48, %dma_start3A_51] : memref<2560x125xi32, #tpu.memory_space<hbm>> -> memref<160x125xi32, #tpu.memory_space<hbm>>
        tpu.enqueue_dma source(%dma_start3A_52 : memref<160x125xi32, #tpu.memory_space<hbm>>) target(%arg8 : memref<160x125xi32, #tpu.memory_space<vmem>>) target_semaphore(%run_scoped3A : memref<!tpu.dma_semaphore, #tpu.memory_space<semaphore_mem>>)
        %dma_wait3A = arith.constant 0 : i32
        %dma_wait3A_53 = tpu.memref_slice %arg4[%mul3A_48, %dma_wait3A] : memref<2560x125xi32, #tpu.memory_space<hbm>> -> memref<160x125xi32, #tpu.memory_space<hbm>>
        %dma_wait3A_54 = arith.constant 0 : i32
        %dma_wait3A_55 = tpu.memref_slice %arg4[%mul3A_48, %dma_wait3A_54] : memref<2560x125xi32, #tpu.memory_space<hbm>> -> memref<160x125xi32, #tpu.memory_space<hbm>>
        tpu.wait_dma2 semaphore(%run_scoped3A : memref<!tpu.dma_semaphore, #tpu.memory_space<semaphore_mem>>) src(%dma_wait3A_55 : memref<160x125xi32, #tpu.memory_space<hbm>>) dst(%arg8 : memref<160x125xi32, #tpu.memory_space<vmem>>)
        tpu.yield
      }) : () -> ()
    } else {
    }
    %mul3A_8 = arith.constant 160 : i32
    %mul3A_9 = arith.muli %arg1, %mul3A_8 : i32
    "tpu.region"() ({
      %run_scoped3A = tpu.sem_alloc : memref<!tpu.dma_semaphore, #tpu.memory_space<semaphore_mem>>
      %dma_start3A_47 = arith.constant 0 : i32
      %dma_start3A_48 = tpu.memref_slice %arg5[%mul3A_9, %dma_start3A_47] : memref<2560x125xi32, #tpu.memory_space<hbm>> -> memref<160x125xi32, #tpu.memory_space<hbm>>
      %dma_start3A_49 = arith.constant 0 : i32
      %dma_start3A_50 = tpu.memref_slice %arg5[%mul3A_9, %dma_start3A_49] : memref<2560x125xi32, #tpu.memory_space<hbm>> -> memref<160x125xi32, #tpu.memory_space<hbm>>
      tpu.enqueue_dma source(%dma_start3A_50 : memref<160x125xi32, #tpu.memory_space<hbm>>) target(%arg9 : memref<160x125xi32, #tpu.memory_space<vmem>>) target_semaphore(%run_scoped3A : memref<!tpu.dma_semaphore, #tpu.memory_space<semaphore_mem>>)
      %dma_wait3A = arith.constant 0 : i32
      %dma_wait3A_51 = tpu.memref_slice %arg5[%mul3A_9, %dma_wait3A] : memref<2560x125xi32, #tpu.memory_space<hbm>> -> memref<160x125xi32, #tpu.memory_space<hbm>>
      %dma_wait3A_52 = arith.constant 0 : i32
      %dma_wait3A_53 = tpu.memref_slice %arg5[%mul3A_9, %dma_wait3A_52] : memref<2560x125xi32, #tpu.memory_space<hbm>> -> memref<160x125xi32, #tpu.memory_space<hbm>>
      tpu.wait_dma2 semaphore(%run_scoped3A : memref<!tpu.dma_semaphore, #tpu.memory_space<semaphore_mem>>) src(%dma_wait3A_53 : memref<160x125xi32, #tpu.memory_space<hbm>>) dst(%arg9 : memref<160x125xi32, #tpu.memory_space<vmem>>)
      tpu.yield
    }) : () -> ()
    %barrier3A = arith.constant 0 : index
    tpu.barrier barrier_id(%barrier3A)
    %dma_start3A = arith.constant 0 : i32
    %dma_start3A_10 = arith.constant 0 : i32
    %dma_start3A_11 = tpu.memref_slice %arg8[%dma_start3A, %dma_start3A_10] : memref<160x125xi32, #tpu.memory_space<vmem>> -> memref<1x125xi32, #tpu.memory_space<vmem>>
    %dma_start3A_12 = tpu.memref_squeeze %dma_start3A_11 : memref<1x125xi32, #tpu.memory_space<vmem>> -> memref<125xi32, #tpu.memory_space<vmem>>
    %dma_start3A_13 = arith.constant 0 : i32
    %dma_start3A_14 = arith.constant 0 : i32
    %dma_start3A_15 = tpu.memref_slice %arg2[%dma_start3A_13, %dma_start3A_14] : memref<20480x64xf32, #tpu.memory_space<hbm>> -> memref<20480x64xf32, #tpu.memory_space<hbm>>
    tpu.enqueue_indirect_dma source(%dma_start3A_15 : memref<20480x64xf32, #tpu.memory_space<hbm>>) target(%arg10 : memref<125x64xf32, #tpu.memory_space<vmem>>) offsets(%dma_start3A_12 : memref<125xi32, #tpu.memory_space<vmem>>) semaphore(%arg14 : memref<!tpu.dma_semaphore, #tpu.memory_space<semaphore_mem>>)
    %dma_start3A_16 = arith.constant 1 : i32
    %dma_start3A_17 = arith.constant 0 : i32
    %dma_start3A_18 = tpu.memref_slice %arg8[%dma_start3A_16, %dma_start3A_17] : memref<160x125xi32, #tpu.memory_space<vmem>> -> memref<1x125xi32, #tpu.memory_space<vmem>>
    %dma_start3A_19 = tpu.memref_squeeze %dma_start3A_18 : memref<1x125xi32, #tpu.memory_space<vmem>> -> memref<125xi32, #tpu.memory_space<vmem>>
    %dma_start3A_20 = arith.constant 0 : i32
    %dma_start3A_21 = arith.constant 0 : i32
    %dma_start3A_22 = tpu.memref_slice %arg2[%dma_start3A_20, %dma_start3A_21] : memref<20480x64xf32, #tpu.memory_space<hbm>> -> memref<20480x64xf32, #tpu.memory_space<hbm>>
    tpu.enqueue_indirect_dma source(%dma_start3A_22 : memref<20480x64xf32, #tpu.memory_space<hbm>>) target(%arg11 : memref<125x64xf32, #tpu.memory_space<vmem>>) offsets(%dma_start3A_19 : memref<125xi32, #tpu.memory_space<vmem>>) semaphore(%arg15 : memref<!tpu.dma_semaphore, #tpu.memory_space<semaphore_mem>>)
    %dma_start3A_23 = arith.constant 2 : i32
    %dma_start3A_24 = arith.constant 0 : i32
    %dma_start3A_25 = tpu.memref_slice %arg8[%dma_start3A_23, %dma_start3A_24] : memref<160x125xi32, #tpu.memory_space<vmem>> -> memref<1x125xi32, #tpu.memory_space<vmem>>
    %dma_start3A_26 = tpu.memref_squeeze %dma_start3A_25 : memref<1x125xi32, #tpu.memory_space<vmem>> -> memref<125xi32, #tpu.memory_space<vmem>>
    %dma_start3A_27 = arith.constant 0 : i32
    %dma_start3A_28 = arith.constant 0 : i32
    %dma_start3A_29 = tpu.memref_slice %arg2[%dma_start3A_27, %dma_start3A_28] : memref<20480x64xf32, #tpu.memory_space<hbm>> -> memref<20480x64xf32, #tpu.memory_space<hbm>>
    tpu.enqueue_indirect_dma source(%dma_start3A_29 : memref<20480x64xf32, #tpu.memory_space<hbm>>) target(%arg12 : memref<125x64xf32, #tpu.memory_space<vmem>>) offsets(%dma_start3A_26 : memref<125xi32, #tpu.memory_space<vmem>>) semaphore(%arg16 : memref<!tpu.dma_semaphore, #tpu.memory_space<semaphore_mem>>)
    %dma_start3A_30 = arith.constant 3 : i32
    %dma_start3A_31 = arith.constant 0 : i32
    %dma_start3A_32 = tpu.memref_slice %arg8[%dma_start3A_30, %dma_start3A_31] : memref<160x125xi32, #tpu.memory_space<vmem>> -> memref<1x125xi32, #tpu.memory_space<vmem>>
    %dma_start3A_33 = tpu.memref_squeeze %dma_start3A_32 : memref<1x125xi32, #tpu.memory_space<vmem>> -> memref<125xi32, #tpu.memory_space<vmem>>
    %dma_start3A_34 = arith.constant 0 : i32
    %dma_start3A_35 = arith.constant 0 : i32
    %dma_start3A_36 = tpu.memref_slice %arg2[%dma_start3A_34, %dma_start3A_35] : memref<20480x64xf32, #tpu.memory_space<hbm>> -> memref<20480x64xf32, #tpu.memory_space<hbm>>
    tpu.enqueue_indirect_dma source(%dma_start3A_36 : memref<20480x64xf32, #tpu.memory_space<hbm>>) target(%arg13 : memref<125x64xf32, #tpu.memory_space<vmem>>) offsets(%dma_start3A_33 : memref<125xi32, #tpu.memory_space<vmem>>) semaphore(%arg17 : memref<!tpu.dma_semaphore, #tpu.memory_space<semaphore_mem>>)
    %scan3A = arith.constant 0 : i32
    %scan3A_37 = arith.constant 0 : i32
    %scan3A_38 = arith.constant 40 : i32
    %scan3A_39 = arith.addi %scan3A_37, %scan3A_38 : i32
    %scan3A_40 = arith.constant 1 : i32
    scf.for %scan3A_47 = %scan3A_37 to %scan3A_39 step %scan3A_40  : i32 {
      %mul3A_48 = arith.constant 4 : i32
      %mul3A_49 = arith.muli %scan3A_47, %mul3A_48 : i32
      %add3A = arith.constant 0 : i32
      %add3A_50 = arith.addi %mul3A_49, %add3A : i32
      %dma_wait3A = arith.constant 0 : i32
      %dma_wait3A_51 = tpu.memref_slice %arg8[%add3A_50, %dma_wait3A] : memref<160x125xi32, #tpu.memory_space<vmem>> -> memref<1x125xi32, #tpu.memory_space<vmem>>
      %dma_wait3A_52 = tpu.memref_squeeze %dma_wait3A_51 : memref<1x125xi32, #tpu.memory_space<vmem>> -> memref<125xi32, #tpu.memory_space<vmem>>
      %dma_wait3A_53 = arith.constant 0 : i32
      %dma_wait3A_54 = arith.constant 0 : i32
      %dma_wait3A_55 = tpu.memref_slice %arg2[%dma_wait3A_53, %dma_wait3A_54] : memref<20480x64xf32, #tpu.memory_space<hbm>> -> memref<20480x64xf32, #tpu.memory_space<hbm>>
      tpu.wait_indirect_dma semaphore(%arg14 : memref<!tpu.dma_semaphore, #tpu.memory_space<semaphore_mem>>) src(%dma_wait3A_55 : memref<20480x64xf32, #tpu.memory_space<hbm>>) dst(%arg10 : memref<125x64xf32, #tpu.memory_space<vmem>>)
      %dma_start3A_56 = arith.constant 0 : i32
      %dma_start3A_57 = tpu.memref_slice %arg9[%add3A_50, %dma_start3A_56] : memref<160x125xi32, #tpu.memory_space<vmem>> -> memref<1x125xi32, #tpu.memory_space<vmem>>
      %dma_start3A_58 = tpu.memref_squeeze %dma_start3A_57 : memref<1x125xi32, #tpu.memory_space<vmem>> -> memref<125xi32, #tpu.memory_space<vmem>>
      %dma_start3A_59 = arith.constant 0 : i32
      %dma_start3A_60 = arith.constant 0 : i32
      %dma_start3A_61 = tpu.memref_slice %arg22[%dma_start3A_59, %dma_start3A_60] : memref<10240x64xf32, #tpu.memory_space<vmem_shared>> -> memref<10240x64xf32, #tpu.memory_space<vmem_shared>>
      tpu.enqueue_indirect_dma source(%arg10 : memref<125x64xf32, #tpu.memory_space<vmem>>) target(%dma_start3A_61 : memref<10240x64xf32, #tpu.memory_space<vmem_shared>>) offsets(%dma_start3A_58 : memref<125xi32, #tpu.memory_space<vmem>>) semaphore(%arg18 : memref<!tpu.dma_semaphore, #tpu.memory_space<semaphore_mem>>) {add = true}
      %add3A_62 = arith.constant 1 : i32
      %add3A_63 = arith.addi %mul3A_49, %add3A_62 : i32
      %dma_wait3A_64 = arith.constant 0 : i32
      %dma_wait3A_65 = tpu.memref_slice %arg8[%add3A_63, %dma_wait3A_64] : memref<160x125xi32, #tpu.memory_space<vmem>> -> memref<1x125xi32, #tpu.memory_space<vmem>>
      %dma_wait3A_66 = tpu.memref_squeeze %dma_wait3A_65 : memref<1x125xi32, #tpu.memory_space<vmem>> -> memref<125xi32, #tpu.memory_space<vmem>>
      %dma_wait3A_67 = arith.constant 0 : i32
      %dma_wait3A_68 = arith.constant 0 : i32
      %dma_wait3A_69 = tpu.memref_slice %arg2[%dma_wait3A_67, %dma_wait3A_68] : memref<20480x64xf32, #tpu.memory_space<hbm>> -> memref<20480x64xf32, #tpu.memory_space<hbm>>
      tpu.wait_indirect_dma semaphore(%arg15 : memref<!tpu.dma_semaphore, #tpu.memory_space<semaphore_mem>>) src(%dma_wait3A_69 : memref<20480x64xf32, #tpu.memory_space<hbm>>) dst(%arg11 : memref<125x64xf32, #tpu.memory_space<vmem>>)
      %dma_start3A_70 = arith.constant 0 : i32
      %dma_start3A_71 = tpu.memref_slice %arg9[%add3A_63, %dma_start3A_70] : memref<160x125xi32, #tpu.memory_space<vmem>> -> memref<1x125xi32, #tpu.memory_space<vmem>>
      %dma_start3A_72 = tpu.memref_squeeze %dma_start3A_71 : memref<1x125xi32, #tpu.memory_space<vmem>> -> memref<125xi32, #tpu.memory_space<vmem>>
      %dma_start3A_73 = arith.constant 0 : i32
      %dma_start3A_74 = arith.constant 0 : i32
      %dma_start3A_75 = tpu.memref_slice %arg22[%dma_start3A_73, %dma_start3A_74] : memref<10240x64xf32, #tpu.memory_space<vmem_shared>> -> memref<10240x64xf32, #tpu.memory_space<vmem_shared>>
      tpu.enqueue_indirect_dma source(%arg11 : memref<125x64xf32, #tpu.memory_space<vmem>>) target(%dma_start3A_75 : memref<10240x64xf32, #tpu.memory_space<vmem_shared>>) offsets(%dma_start3A_72 : memref<125xi32, #tpu.memory_space<vmem>>) semaphore(%arg19 : memref<!tpu.dma_semaphore, #tpu.memory_space<semaphore_mem>>) {add = true}
      %add3A_76 = arith.constant 2 : i32
      %add3A_77 = arith.addi %mul3A_49, %add3A_76 : i32
      %dma_wait3A_78 = arith.constant 0 : i32
      %dma_wait3A_79 = tpu.memref_slice %arg8[%add3A_77, %dma_wait3A_78] : memref<160x125xi32, #tpu.memory_space<vmem>> -> memref<1x125xi32, #tpu.memory_space<vmem>>
      %dma_wait3A_80 = tpu.memref_squeeze %dma_wait3A_79 : memref<1x125xi32, #tpu.memory_space<vmem>> -> memref<125xi32, #tpu.memory_space<vmem>>
      %dma_wait3A_81 = arith.constant 0 : i32
      %dma_wait3A_82 = arith.constant 0 : i32
      %dma_wait3A_83 = tpu.memref_slice %arg2[%dma_wait3A_81, %dma_wait3A_82] : memref<20480x64xf32, #tpu.memory_space<hbm>> -> memref<20480x64xf32, #tpu.memory_space<hbm>>
      tpu.wait_indirect_dma semaphore(%arg16 : memref<!tpu.dma_semaphore, #tpu.memory_space<semaphore_mem>>) src(%dma_wait3A_83 : memref<20480x64xf32, #tpu.memory_space<hbm>>) dst(%arg12 : memref<125x64xf32, #tpu.memory_space<vmem>>)
      %dma_start3A_84 = arith.constant 0 : i32
      %dma_start3A_85 = tpu.memref_slice %arg9[%add3A_77, %dma_start3A_84] : memref<160x125xi32, #tpu.memory_space<vmem>> -> memref<1x125xi32, #tpu.memory_space<vmem>>
      %dma_start3A_86 = tpu.memref_squeeze %dma_start3A_85 : memref<1x125xi32, #tpu.memory_space<vmem>> -> memref<125xi32, #tpu.memory_space<vmem>>
      %dma_start3A_87 = arith.constant 0 : i32
      %dma_start3A_88 = arith.constant 0 : i32
      %dma_start3A_89 = tpu.memref_slice %arg22[%dma_start3A_87, %dma_start3A_88] : memref<10240x64xf32, #tpu.memory_space<vmem_shared>> -> memref<10240x64xf32, #tpu.memory_space<vmem_shared>>
      tpu.enqueue_indirect_dma source(%arg12 : memref<125x64xf32, #tpu.memory_space<vmem>>) target(%dma_start3A_89 : memref<10240x64xf32, #tpu.memory_space<vmem_shared>>) offsets(%dma_start3A_86 : memref<125xi32, #tpu.memory_space<vmem>>) semaphore(%arg20 : memref<!tpu.dma_semaphore, #tpu.memory_space<semaphore_mem>>) {add = true}
      %add3A_90 = arith.constant 3 : i32
      %add3A_91 = arith.addi %mul3A_49, %add3A_90 : i32
      %dma_wait3A_92 = arith.constant 0 : i32
      %dma_wait3A_93 = tpu.memref_slice %arg8[%add3A_91, %dma_wait3A_92] : memref<160x125xi32, #tpu.memory_space<vmem>> -> memref<1x125xi32, #tpu.memory_space<vmem>>
      %dma_wait3A_94 = tpu.memref_squeeze %dma_wait3A_93 : memref<1x125xi32, #tpu.memory_space<vmem>> -> memref<125xi32, #tpu.memory_space<vmem>>
      %dma_wait3A_95 = arith.constant 0 : i32
      %dma_wait3A_96 = arith.constant 0 : i32
      %dma_wait3A_97 = tpu.memref_slice %arg2[%dma_wait3A_95, %dma_wait3A_96] : memref<20480x64xf32, #tpu.memory_space<hbm>> -> memref<20480x64xf32, #tpu.memory_space<hbm>>
      tpu.wait_indirect_dma semaphore(%arg17 : memref<!tpu.dma_semaphore, #tpu.memory_space<semaphore_mem>>) src(%dma_wait3A_97 : memref<20480x64xf32, #tpu.memory_space<hbm>>) dst(%arg13 : memref<125x64xf32, #tpu.memory_space<vmem>>)
      %dma_start3A_98 = arith.constant 0 : i32
      %dma_start3A_99 = tpu.memref_slice %arg9[%add3A_91, %dma_start3A_98] : memref<160x125xi32, #tpu.memory_space<vmem>> -> memref<1x125xi32, #tpu.memory_space<vmem>>
      %dma_start3A_100 = tpu.memref_squeeze %dma_start3A_99 : memref<1x125xi32, #tpu.memory_space<vmem>> -> memref<125xi32, #tpu.memory_space<vmem>>
      %dma_start3A_101 = arith.constant 0 : i32
      %dma_start3A_102 = arith.constant 0 : i32
      %dma_start3A_103 = tpu.memref_slice %arg22[%dma_start3A_101, %dma_start3A_102] : memref<10240x64xf32, #tpu.memory_space<vmem_shared>> -> memref<10240x64xf32, #tpu.memory_space<vmem_shared>>
      tpu.enqueue_indirect_dma source(%arg13 : memref<125x64xf32, #tpu.memory_space<vmem>>) target(%dma_start3A_103 : memref<10240x64xf32, #tpu.memory_space<vmem_shared>>) offsets(%dma_start3A_100 : memref<125xi32, #tpu.memory_space<vmem>>) semaphore(%arg21 : memref<!tpu.dma_semaphore, #tpu.memory_space<semaphore_mem>>) {add = true}
      %add3A_104 = arith.constant 0 : i32
      %add3A_105 = arith.addi %mul3A_49, %add3A_104 : i32
      %dma_wait3A_106 = arith.constant 0 : i32
      %dma_wait3A_107 = tpu.memref_slice %arg9[%add3A_105, %dma_wait3A_106] : memref<160x125xi32, #tpu.memory_space<vmem>> -> memref<1x125xi32, #tpu.memory_space<vmem>>
      %dma_wait3A_108 = tpu.memref_squeeze %dma_wait3A_107 : memref<1x125xi32, #tpu.memory_space<vmem>> -> memref<125xi32, #tpu.memory_space<vmem>>
      %dma_wait3A_109 = arith.constant 0 : i32
      %dma_wait3A_110 = arith.constant 0 : i32
      %dma_wait3A_111 = tpu.memref_slice %arg22[%dma_wait3A_109, %dma_wait3A_110] : memref<10240x64xf32, #tpu.memory_space<vmem_shared>> -> memref<10240x64xf32, #tpu.memory_space<vmem_shared>>
      tpu.wait_indirect_dma semaphore(%arg18 : memref<!tpu.dma_semaphore, #tpu.memory_space<semaphore_mem>>) src(%arg10 : memref<125x64xf32, #tpu.memory_space<vmem>>) dst(%dma_wait3A_111 : memref<10240x64xf32, #tpu.memory_space<vmem_shared>>)
      %add3A_112 = arith.constant 4 : i32
      %add3A_113 = arith.addi %add3A_105, %add3A_112 : i32
      %lt3A = arith.constant 160 : i32
      %lt3A_114 = arith.cmpi slt, %add3A_113, %lt3A : i32
      %convert_element_type3A_115 = arith.extui %lt3A_114 : i1 to i32
      %cond3A_116 = arith.constant 0 : i32
      %cond3A_117 = arith.cmpi ne, %convert_element_type3A_115, %cond3A_116 : i32
      scf.if %cond3A_117 {
        %dma_start3A_163 = arith.constant 0 : i32
        %dma_start3A_164 = tpu.memref_slice %arg8[%add3A_113, %dma_start3A_163] : memref<160x125xi32, #tpu.memory_space<vmem>> -> memref<1x125xi32, #tpu.memory_space<vmem>>
        %dma_start3A_165 = tpu.memref_squeeze %dma_start3A_164 : memref<1x125xi32, #tpu.memory_space<vmem>> -> memref<125xi32, #tpu.memory_space<vmem>>
        %dma_start3A_166 = arith.constant 0 : i32
        %dma_start3A_167 = arith.constant 0 : i32
        %dma_start3A_168 = tpu.memref_slice %arg2[%dma_start3A_166, %dma_start3A_167] : memref<20480x64xf32, #tpu.memory_space<hbm>> -> memref<20480x64xf32, #tpu.memory_space<hbm>>
        tpu.enqueue_indirect_dma source(%dma_start3A_168 : memref<20480x64xf32, #tpu.memory_space<hbm>>) target(%arg10 : memref<125x64xf32, #tpu.memory_space<vmem>>) offsets(%dma_start3A_165 : memref<125xi32, #tpu.memory_space<vmem>>) semaphore(%arg14 : memref<!tpu.dma_semaphore, #tpu.memory_space<semaphore_mem>>)
      } else {
      }
      %add3A_118 = arith.constant 1 : i32
      %add3A_119 = arith.addi %mul3A_49, %add3A_118 : i32
      %dma_wait3A_120 = arith.constant 0 : i32
      %dma_wait3A_121 = tpu.memref_slice %arg9[%add3A_119, %dma_wait3A_120] : memref<160x125xi32, #tpu.memory_space<vmem>> -> memref<1x125xi32, #tpu.memory_space<vmem>>
      %dma_wait3A_122 = tpu.memref_squeeze %dma_wait3A_121 : memref<1x125xi32, #tpu.memory_space<vmem>> -> memref<125xi32, #tpu.memory_space<vmem>>
      %dma_wait3A_123 = arith.constant 0 : i32
      %dma_wait3A_124 = arith.constant 0 : i32
      %dma_wait3A_125 = tpu.memref_slice %arg22[%dma_wait3A_123, %dma_wait3A_124] : memref<10240x64xf32, #tpu.memory_space<vmem_shared>> -> memref<10240x64xf32, #tpu.memory_space<vmem_shared>>
      tpu.wait_indirect_dma semaphore(%arg19 : memref<!tpu.dma_semaphore, #tpu.memory_space<semaphore_mem>>) src(%arg11 : memref<125x64xf32, #tpu.memory_space<vmem>>) dst(%dma_wait3A_125 : memref<10240x64xf32, #tpu.memory_space<vmem_shared>>)
      %add3A_126 = arith.constant 4 : i32
      %add3A_127 = arith.addi %add3A_119, %add3A_126 : i32
      %lt3A_128 = arith.constant 160 : i32
      %lt3A_129 = arith.cmpi slt, %add3A_127, %lt3A_128 : i32
      %convert_element_type3A_130 = arith.extui %lt3A_129 : i1 to i32
      %cond3A_131 = arith.constant 0 : i32
      %cond3A_132 = arith.cmpi ne, %convert_element_type3A_130, %cond3A_131 : i32
      scf.if %cond3A_132 {
        %dma_start3A_163 = arith.constant 0 : i32
        %dma_start3A_164 = tpu.memref_slice %arg8[%add3A_127, %dma_start3A_163] : memref<160x125xi32, #tpu.memory_space<vmem>> -> memref<1x125xi32, #tpu.memory_space<vmem>>
        %dma_start3A_165 = tpu.memref_squeeze %dma_start3A_164 : memref<1x125xi32, #tpu.memory_space<vmem>> -> memref<125xi32, #tpu.memory_space<vmem>>
        %dma_start3A_166 = arith.constant 0 : i32
        %dma_start3A_167 = arith.constant 0 : i32
        %dma_start3A_168 = tpu.memref_slice %arg2[%dma_start3A_166, %dma_start3A_167] : memref<20480x64xf32, #tpu.memory_space<hbm>> -> memref<20480x64xf32, #tpu.memory_space<hbm>>
        tpu.enqueue_indirect_dma source(%dma_start3A_168 : memref<20480x64xf32, #tpu.memory_space<hbm>>) target(%arg11 : memref<125x64xf32, #tpu.memory_space<vmem>>) offsets(%dma_start3A_165 : memref<125xi32, #tpu.memory_space<vmem>>) semaphore(%arg15 : memref<!tpu.dma_semaphore, #tpu.memory_space<semaphore_mem>>)
      } else {
      }
      %add3A_133 = arith.constant 2 : i32
      %add3A_134 = arith.addi %mul3A_49, %add3A_133 : i32
      %dma_wait3A_135 = arith.constant 0 : i32
      %dma_wait3A_136 = tpu.memref_slice %arg9[%add3A_134, %dma_wait3A_135] : memref<160x125xi32, #tpu.memory_space<vmem>> -> memref<1x125xi32, #tpu.memory_space<vmem>>
      %dma_wait3A_137 = tpu.memref_squeeze %dma_wait3A_136 : memref<1x125xi32, #tpu.memory_space<vmem>> -> memref<125xi32, #tpu.memory_space<vmem>>
      %dma_wait3A_138 = arith.constant 0 : i32
      %dma_wait3A_139 = arith.constant 0 : i32
      %dma_wait3A_140 = tpu.memref_slice %arg22[%dma_wait3A_138, %dma_wait3A_139] : memref<10240x64xf32, #tpu.memory_space<vmem_shared>> -> memref<10240x64xf32, #tpu.memory_space<vmem_shared>>
      tpu.wait_indirect_dma semaphore(%arg20 : memref<!tpu.dma_semaphore, #tpu.memory_space<semaphore_mem>>) src(%arg12 : memref<125x64xf32, #tpu.memory_space<vmem>>) dst(%dma_wait3A_140 : memref<10240x64xf32, #tpu.memory_space<vmem_shared>>)
      %add3A_141 = arith.constant 4 : i32
      %add3A_142 = arith.addi %add3A_134, %add3A_141 : i32
      %lt3A_143 = arith.constant 160 : i32
      %lt3A_144 = arith.cmpi slt, %add3A_142, %lt3A_143 : i32
      %convert_element_type3A_145 = arith.extui %lt3A_144 : i1 to i32
      %cond3A_146 = arith.constant 0 : i32
      %cond3A_147 = arith.cmpi ne, %convert_element_type3A_145, %cond3A_146 : i32
      scf.if %cond3A_147 {
        %dma_start3A_163 = arith.constant 0 : i32
        %dma_start3A_164 = tpu.memref_slice %arg8[%add3A_142, %dma_start3A_163] : memref<160x125xi32, #tpu.memory_space<vmem>> -> memref<1x125xi32, #tpu.memory_space<vmem>>
        %dma_start3A_165 = tpu.memref_squeeze %dma_start3A_164 : memref<1x125xi32, #tpu.memory_space<vmem>> -> memref<125xi32, #tpu.memory_space<vmem>>
        %dma_start3A_166 = arith.constant 0 : i32
        %dma_start3A_167 = arith.constant 0 : i32
        %dma_start3A_168 = tpu.memref_slice %arg2[%dma_start3A_166, %dma_start3A_167] : memref<20480x64xf32, #tpu.memory_space<hbm>> -> memref<20480x64xf32, #tpu.memory_space<hbm>>
        tpu.enqueue_indirect_dma source(%dma_start3A_168 : memref<20480x64xf32, #tpu.memory_space<hbm>>) target(%arg12 : memref<125x64xf32, #tpu.memory_space<vmem>>) offsets(%dma_start3A_165 : memref<125xi32, #tpu.memory_space<vmem>>) semaphore(%arg16 : memref<!tpu.dma_semaphore, #tpu.memory_space<semaphore_mem>>)
      } else {
      }
      %add3A_148 = arith.constant 3 : i32
      %add3A_149 = arith.addi %mul3A_49, %add3A_148 : i32
      %dma_wait3A_150 = arith.constant 0 : i32
      %dma_wait3A_151 = tpu.memref_slice %arg9[%add3A_149, %dma_wait3A_150] : memref<160x125xi32, #tpu.memory_space<vmem>> -> memref<1x125xi32, #tpu.memory_space<vmem>>
      %dma_wait3A_152 = tpu.memref_squeeze %dma_wait3A_151 : memref<1x125xi32, #tpu.memory_space<vmem>> -> memref<125xi32, #tpu.memory_space<vmem>>
      %dma_wait3A_153 = arith.constant 0 : i32
      %dma_wait3A_154 = arith.constant 0 : i32
      %dma_wait3A_155 = tpu.memref_slice %arg22[%dma_wait3A_153, %dma_wait3A_154] : memref<10240x64xf32, #tpu.memory_space<vmem_shared>> -> memref<10240x64xf32, #tpu.memory_space<vmem_shared>>
      tpu.wait_indirect_dma semaphore(%arg21 : memref<!tpu.dma_semaphore, #tpu.memory_space<semaphore_mem>>) src(%arg13 : memref<125x64xf32, #tpu.memory_space<vmem>>) dst(%dma_wait3A_155 : memref<10240x64xf32, #tpu.memory_space<vmem_shared>>)
      %add3A_156 = arith.constant 4 : i32
      %add3A_157 = arith.addi %add3A_149, %add3A_156 : i32
      %lt3A_158 = arith.constant 160 : i32
      %lt3A_159 = arith.cmpi slt, %add3A_157, %lt3A_158 : i32
      %convert_element_type3A_160 = arith.extui %lt3A_159 : i1 to i32
      %cond3A_161 = arith.constant 0 : i32
      %cond3A_162 = arith.cmpi ne, %convert_element_type3A_160, %cond3A_161 : i32
      scf.if %cond3A_162 {
        %dma_start3A_163 = arith.constant 0 : i32
        %dma_start3A_164 = tpu.memref_slice %arg8[%add3A_157, %dma_start3A_163] : memref<160x125xi32, #tpu.memory_space<vmem>> -> memref<1x125xi32, #tpu.memory_space<vmem>>
        %dma_start3A_165 = tpu.memref_squeeze %dma_start3A_164 : memref<1x125xi32, #tpu.memory_space<vmem>> -> memref<125xi32, #tpu.memory_space<vmem>>
        %dma_start3A_166 = arith.constant 0 : i32
        %dma_start3A_167 = arith.constant 0 : i32
        %dma_start3A_168 = tpu.memref_slice %arg2[%dma_start3A_166, %dma_start3A_167] : memref<20480x64xf32, #tpu.memory_space<hbm>> -> memref<20480x64xf32, #tpu.memory_space<hbm>>
        tpu.enqueue_indirect_dma source(%dma_start3A_168 : memref<20480x64xf32, #tpu.memory_space<hbm>>) target(%arg13 : memref<125x64xf32, #tpu.memory_space<vmem>>) offsets(%dma_start3A_165 : memref<125xi32, #tpu.memory_space<vmem>>) semaphore(%arg17 : memref<!tpu.dma_semaphore, #tpu.memory_space<semaphore_mem>>)
      } else {
      }
    }
    %scan3A_41 = arith.constant 40 : i32
    %barrier3A_42 = arith.constant 0 : index
    tpu.barrier barrier_id(%barrier3A_42)
    %mul3A_43 = arith.constant 640 : i32
    %mul3A_44 = arith.muli %arg1, %mul3A_43 : i32
    %mul3A_45 = arith.constant 640 : i32
    %mul3A_46 = arith.muli %arg1, %mul3A_45 : i32
    "tpu.region"() ({
      %run_scoped3A = tpu.sem_alloc : memref<!tpu.dma_semaphore, #tpu.memory_space<semaphore_mem>>
      %dma_start3A_47 = arith.constant 0 : i32
      %dma_start3A_48 = arith.constant 0 : i32
      %dma_start3A_49 = tpu.memref_slice %arg7[%arg0, %dma_start3A_47, %dma_start3A_48] : memref<2x10240x64xf32, #tpu.memory_space<hbm>> -> memref<1x10240x64xf32, #tpu.memory_space<hbm>>
      %dma_start3A_50 = tpu.memref_squeeze %dma_start3A_49 : memref<1x10240x64xf32, #tpu.memory_space<hbm>> -> memref<10240x64xf32, #tpu.memory_space<hbm>>
      %dma_start3A_51 = arith.constant 0 : i32
      %dma_start3A_52 = tpu.memref_slice %dma_start3A_50[%mul3A_46, %dma_start3A_51] : memref<10240x64xf32, #tpu.memory_space<hbm>> -> memref<640x64xf32, #tpu.memory_space<hbm>>
      %dma_start3A_53 = arith.constant 0 : i32
      %dma_start3A_54 = tpu.memref_slice %arg22[%mul3A_44, %dma_start3A_53] : memref<10240x64xf32, #tpu.memory_space<vmem_shared>> -> memref<640x64xf32, #tpu.memory_space<vmem_shared>>
      tpu.enqueue_dma source(%dma_start3A_54 : memref<640x64xf32, #tpu.memory_space<vmem_shared>>) target(%dma_start3A_52 : memref<640x64xf32, #tpu.memory_space<hbm>>) target_semaphore(%run_scoped3A : memref<!tpu.dma_semaphore, #tpu.memory_space<semaphore_mem>>)
      %dma_wait3A = arith.constant 0 : i32
      %dma_wait3A_55 = arith.constant 0 : i32
      %dma_wait3A_56 = tpu.memref_slice %arg7[%arg0, %dma_wait3A, %dma_wait3A_55] : memref<2x10240x64xf32, #tpu.memory_space<hbm>> -> memref<1x10240x64xf32, #tpu.memory_space<hbm>>
      %dma_wait3A_57 = tpu.memref_squeeze %dma_wait3A_56 : memref<1x10240x64xf32, #tpu.memory_space<hbm>> -> memref<10240x64xf32, #tpu.memory_space<hbm>>
      %dma_wait3A_58 = arith.constant 0 : i32
      %dma_wait3A_59 = tpu.memref_slice %dma_wait3A_57[%mul3A_46, %dma_wait3A_58] : memref<10240x64xf32, #tpu.memory_space<hbm>> -> memref<640x64xf32, #tpu.memory_space<hbm>>
      %dma_wait3A_60 = arith.constant 0 : i32
      %dma_wait3A_61 = tpu.memref_slice %arg22[%mul3A_44, %dma_wait3A_60] : memref<10240x64xf32, #tpu.memory_space<vmem_shared>> -> memref<640x64xf32, #tpu.memory_space<vmem_shared>>
      tpu.wait_dma2 semaphore(%run_scoped3A : memref<!tpu.dma_semaphore, #tpu.memory_space<semaphore_mem>>) src(%dma_wait3A_61 : memref<640x64xf32, #tpu.memory_space<vmem_shared>>) dst(%dma_wait3A_59 : memref<640x64xf32, #tpu.memory_space<hbm>>)
      tpu.yield
    }) : () -> ()
    return
  }
}

#map = affine_map<(d0, d1) -> (0, 0)>
#map1 = affine_map<(d0, d1) -> (0, 0, 0)>
module attributes {stable_mosaic.version = 14 : i64} {
  func.func @_agg_body(%arg0: i32, %arg1: i32, %arg2: memref<20480x64xf32, #tpu.memory_space<hbm>>, %arg3: memref<2560x125xi32, #tpu.memory_space<hbm>>, %arg4: memref<2560x125xi32, #tpu.memory_space<hbm>>, %arg5: memref<2560x125xi32, #tpu.memory_space<hbm>>, %arg6: memref<640x64xf32, #tpu.memory_space<hbm>>, %arg7: memref<2x10240x64xf32, #tpu.memory_space<hbm>>, %arg8: memref<160x125xi32, #tpu.memory_space<vmem>>, %arg9: memref<160x125xi32, #tpu.memory_space<vmem>>, %arg10: memref<125x64xf32, #tpu.memory_space<vmem>>, %arg11: memref<125x64xf32, #tpu.memory_space<vmem>>, %arg12: memref<125x64xf32, #tpu.memory_space<vmem>>, %arg13: memref<125x64xf32, #tpu.memory_space<vmem>>, %arg14: memref<!tpu.dma_semaphore, #tpu.memory_space<semaphore_mem>>, %arg15: memref<!tpu.dma_semaphore, #tpu.memory_space<semaphore_mem>>, %arg16: memref<!tpu.dma_semaphore, #tpu.memory_space<semaphore_mem>>, %arg17: memref<!tpu.dma_semaphore, #tpu.memory_space<semaphore_mem>>, %arg18: memref<!tpu.dma_semaphore, #tpu.memory_space<semaphore_mem>>, %arg19: memref<!tpu.dma_semaphore, #tpu.memory_space<semaphore_mem>>, %arg20: memref<!tpu.dma_semaphore, #tpu.memory_space<semaphore_mem>>, %arg21: memref<!tpu.dma_semaphore, #tpu.memory_space<semaphore_mem>>, %arg22: memref<10240x64xf32, #tpu.memory_space<vmem_shared>>) attributes {dimension_semantics = [#tpu.dimension_semantics<core_parallel>, #tpu.dimension_semantics<subcore_parallel>], iteration_bounds = array<i64: 2, 16>, scalar_prefetch = 0 : i64, scratch_operands = 15 : i64, tpu.core_type = #tpu.core_type<sc_vector_subcore>, window_params = [{transform_indices = #map}, {transform_indices = #map}, {transform_indices = #map}, {transform_indices = #map}, {transform_indices = #map}, {transform_indices = #map1}]} {
    %mul3A = arith.constant 640 : i32
    %mul3A_0 = arith.muli %arg1, %mul3A : i32
    "tpu.region"() ({
      %run_scoped3A = tpu.sem_alloc : memref<!tpu.dma_semaphore, #tpu.memory_space<semaphore_mem>>
      %dma_start3A_47 = arith.constant 0 : i32
      %dma_start3A_48 = tpu.memref_slice %arg22[%mul3A_0, %dma_start3A_47] : memref<10240x64xf32, #tpu.memory_space<vmem_shared>> -> memref<640x64xf32, #tpu.memory_space<vmem_shared>>
      tpu.enqueue_dma source(%arg6 : memref<640x64xf32, #tpu.memory_space<hbm>>) target(%dma_start3A_48 : memref<640x64xf32, #tpu.memory_space<vmem_shared>>) target_semaphore(%run_scoped3A : memref<!tpu.dma_semaphore, #tpu.memory_space<semaphore_mem>>)
      %dma_wait3A = arith.constant 0 : i32
      %dma_wait3A_49 = tpu.memref_slice %arg22[%mul3A_0, %dma_wait3A] : memref<10240x64xf32, #tpu.memory_space<vmem_shared>> -> memref<640x64xf32, #tpu.memory_space<vmem_shared>>
      tpu.wait_dma2 semaphore(%run_scoped3A : memref<!tpu.dma_semaphore, #tpu.memory_space<semaphore_mem>>) src(%arg6 : memref<640x64xf32, #tpu.memory_space<hbm>>) dst(%dma_wait3A_49 : memref<640x64xf32, #tpu.memory_space<vmem_shared>>)
      tpu.yield
    }) : () -> ()
    %eq3A = arith.constant 0 : i32
    %eq3A_1 = arith.cmpi eq, %arg0, %eq3A : i32
    %convert_element_type3A = arith.extui %eq3A_1 : i1 to i32
    %cond3A = arith.constant 0 : i32
    %cond3A_2 = arith.cmpi ne, %convert_element_type3A, %cond3A : i32
    scf.if %cond3A_2 {
      %mul3A_47 = arith.constant 160 : i32
      %mul3A_48 = arith.muli %arg1, %mul3A_47 : i32
      "tpu.region"() ({
        %run_scoped3A = tpu.sem_alloc : memref<!tpu.dma_semaphore, #tpu.memory_space<semaphore_mem>>
        %dma_start3A_49 = arith.constant 0 : i32
        %dma_start3A_50 = tpu.memref_slice %arg3[%mul3A_48, %dma_start3A_49] : memref<2560x125xi32, #tpu.memory_space<hbm>> -> memref<160x125xi32, #tpu.memory_space<hbm>>
        %dma_start3A_51 = arith.constant 0 : i32
        %dma_start3A_52 = tpu.memref_slice %arg3[%mul3A_48, %dma_start3A_51] : memref<2560x125xi32, #tpu.memory_space<hbm>> -> memref<160x125xi32, #tpu.memory_space<hbm>>
        tpu.enqueue_dma source(%dma_start3A_52 : memref<160x125xi32, #tpu.memory_space<hbm>>) target(%arg8 : memref<160x125xi32, #tpu.memory_space<vmem>>) target_semaphore(%run_scoped3A : memref<!tpu.dma_semaphore, #tpu.memory_space<semaphore_mem>>)
        %dma_wait3A = arith.constant 0 : i32
        %dma_wait3A_53 = tpu.memref_slice %arg3[%mul3A_48, %dma_wait3A] : memref<2560x125xi32, #tpu.memory_space<hbm>> -> memref<160x125xi32, #tpu.memory_space<hbm>>
        %dma_wait3A_54 = arith.constant 0 : i32
        %dma_wait3A_55 = tpu.memref_slice %arg3[%mul3A_48, %dma_wait3A_54] : memref<2560x125xi32, #tpu.memory_space<hbm>> -> memref<160x125xi32, #tpu.memory_space<hbm>>
        tpu.wait_dma2 semaphore(%run_scoped3A : memref<!tpu.dma_semaphore, #tpu.memory_space<semaphore_mem>>) src(%dma_wait3A_55 : memref<160x125xi32, #tpu.memory_space<hbm>>) dst(%arg8 : memref<160x125xi32, #tpu.memory_space<vmem>>)
        tpu.yield
      }) : () -> ()
    } else {
    }
    %eq3A_3 = arith.constant 1 : i32
    %eq3A_4 = arith.cmpi eq, %arg0, %eq3A_3 : i32
    %convert_element_type3A_5 = arith.extui %eq3A_4 : i1 to i32
    %cond3A_6 = arith.constant 0 : i32
    %cond3A_7 = arith.cmpi ne, %convert_element_type3A_5, %cond3A_6 : i32
    scf.if %cond3A_7 {
      %mul3A_47 = arith.constant 160 : i32
      %mul3A_48 = arith.muli %arg1, %mul3A_47 : i32
      "tpu.region"() ({
        %run_scoped3A = tpu.sem_alloc : memref<!tpu.dma_semaphore, #tpu.memory_space<semaphore_mem>>
        %dma_start3A_49 = arith.constant 0 : i32
        %dma_start3A_50 = tpu.memref_slice %arg4[%mul3A_48, %dma_start3A_49] : memref<2560x125xi32, #tpu.memory_space<hbm>> -> memref<160x125xi32, #tpu.memory_space<hbm>>
        %dma_start3A_51 = arith.constant 0 : i32
        %dma_start3A_52 = tpu.memref_slice %arg4[%mul3A_48, %dma_start3A_51] : memref<2560x125xi32, #tpu.memory_space<hbm>> -> memref<160x125xi32, #tpu.memory_space<hbm>>
        tpu.enqueue_dma source(%dma_start3A_52 : memref<160x125xi32, #tpu.memory_space<hbm>>) target(%arg8 : memref<160x125xi32, #tpu.memory_space<vmem>>) target_semaphore(%run_scoped3A : memref<!tpu.dma_semaphore, #tpu.memory_space<semaphore_mem>>)
        %dma_wait3A = arith.constant 0 : i32
        %dma_wait3A_53 = tpu.memref_slice %arg4[%mul3A_48, %dma_wait3A] : memref<2560x125xi32, #tpu.memory_space<hbm>> -> memref<160x125xi32, #tpu.memory_space<hbm>>
        %dma_wait3A_54 = arith.constant 0 : i32
        %dma_wait3A_55 = tpu.memref_slice %arg4[%mul3A_48, %dma_wait3A_54] : memref<2560x125xi32, #tpu.memory_space<hbm>> -> memref<160x125xi32, #tpu.memory_space<hbm>>
        tpu.wait_dma2 semaphore(%run_scoped3A : memref<!tpu.dma_semaphore, #tpu.memory_space<semaphore_mem>>) src(%dma_wait3A_55 : memref<160x125xi32, #tpu.memory_space<hbm>>) dst(%arg8 : memref<160x125xi32, #tpu.memory_space<vmem>>)
        tpu.yield
      }) : () -> ()
    } else {
    }
    %mul3A_8 = arith.constant 160 : i32
    %mul3A_9 = arith.muli %arg1, %mul3A_8 : i32
    "tpu.region"() ({
      %run_scoped3A = tpu.sem_alloc : memref<!tpu.dma_semaphore, #tpu.memory_space<semaphore_mem>>
      %dma_start3A_47 = arith.constant 0 : i32
      %dma_start3A_48 = tpu.memref_slice %arg5[%mul3A_9, %dma_start3A_47] : memref<2560x125xi32, #tpu.memory_space<hbm>> -> memref<160x125xi32, #tpu.memory_space<hbm>>
      %dma_start3A_49 = arith.constant 0 : i32
      %dma_start3A_50 = tpu.memref_slice %arg5[%mul3A_9, %dma_start3A_49] : memref<2560x125xi32, #tpu.memory_space<hbm>> -> memref<160x125xi32, #tpu.memory_space<hbm>>
      tpu.enqueue_dma source(%dma_start3A_50 : memref<160x125xi32, #tpu.memory_space<hbm>>) target(%arg9 : memref<160x125xi32, #tpu.memory_space<vmem>>) target_semaphore(%run_scoped3A : memref<!tpu.dma_semaphore, #tpu.memory_space<semaphore_mem>>)
      %dma_wait3A = arith.constant 0 : i32
      %dma_wait3A_51 = tpu.memref_slice %arg5[%mul3A_9, %dma_wait3A] : memref<2560x125xi32, #tpu.memory_space<hbm>> -> memref<160x125xi32, #tpu.memory_space<hbm>>
      %dma_wait3A_52 = arith.constant 0 : i32
      %dma_wait3A_53 = tpu.memref_slice %arg5[%mul3A_9, %dma_wait3A_52] : memref<2560x125xi32, #tpu.memory_space<hbm>> -> memref<160x125xi32, #tpu.memory_space<hbm>>
      tpu.wait_dma2 semaphore(%run_scoped3A : memref<!tpu.dma_semaphore, #tpu.memory_space<semaphore_mem>>) src(%dma_wait3A_53 : memref<160x125xi32, #tpu.memory_space<hbm>>) dst(%arg9 : memref<160x125xi32, #tpu.memory_space<vmem>>)
      tpu.yield
    }) : () -> ()
    %barrier3A = arith.constant 0 : index
    tpu.barrier barrier_id(%barrier3A)
    %dma_start3A = arith.constant 0 : i32
    %dma_start3A_10 = arith.constant 0 : i32
    %dma_start3A_11 = tpu.memref_slice %arg8[%dma_start3A, %dma_start3A_10] : memref<160x125xi32, #tpu.memory_space<vmem>> -> memref<1x125xi32, #tpu.memory_space<vmem>>
    %dma_start3A_12 = tpu.memref_squeeze %dma_start3A_11 : memref<1x125xi32, #tpu.memory_space<vmem>> -> memref<125xi32, #tpu.memory_space<vmem>>
    %dma_start3A_13 = arith.constant 0 : i32
    %dma_start3A_14 = arith.constant 0 : i32
    %dma_start3A_15 = tpu.memref_slice %arg2[%dma_start3A_13, %dma_start3A_14] : memref<20480x64xf32, #tpu.memory_space<hbm>> -> memref<20480x64xf32, #tpu.memory_space<hbm>>
    tpu.enqueue_indirect_dma source(%dma_start3A_15 : memref<20480x64xf32, #tpu.memory_space<hbm>>) target(%arg10 : memref<125x64xf32, #tpu.memory_space<vmem>>) offsets(%dma_start3A_12 : memref<125xi32, #tpu.memory_space<vmem>>) semaphore(%arg14 : memref<!tpu.dma_semaphore, #tpu.memory_space<semaphore_mem>>)
    %dma_start3A_16 = arith.constant 1 : i32
    %dma_start3A_17 = arith.constant 0 : i32
    %dma_start3A_18 = tpu.memref_slice %arg8[%dma_start3A_16, %dma_start3A_17] : memref<160x125xi32, #tpu.memory_space<vmem>> -> memref<1x125xi32, #tpu.memory_space<vmem>>
    %dma_start3A_19 = tpu.memref_squeeze %dma_start3A_18 : memref<1x125xi32, #tpu.memory_space<vmem>> -> memref<125xi32, #tpu.memory_space<vmem>>
    %dma_start3A_20 = arith.constant 0 : i32
    %dma_start3A_21 = arith.constant 0 : i32
    %dma_start3A_22 = tpu.memref_slice %arg2[%dma_start3A_20, %dma_start3A_21] : memref<20480x64xf32, #tpu.memory_space<hbm>> -> memref<20480x64xf32, #tpu.memory_space<hbm>>
    tpu.enqueue_indirect_dma source(%dma_start3A_22 : memref<20480x64xf32, #tpu.memory_space<hbm>>) target(%arg11 : memref<125x64xf32, #tpu.memory_space<vmem>>) offsets(%dma_start3A_19 : memref<125xi32, #tpu.memory_space<vmem>>) semaphore(%arg15 : memref<!tpu.dma_semaphore, #tpu.memory_space<semaphore_mem>>)
    %dma_start3A_23 = arith.constant 2 : i32
    %dma_start3A_24 = arith.constant 0 : i32
    %dma_start3A_25 = tpu.memref_slice %arg8[%dma_start3A_23, %dma_start3A_24] : memref<160x125xi32, #tpu.memory_space<vmem>> -> memref<1x125xi32, #tpu.memory_space<vmem>>
    %dma_start3A_26 = tpu.memref_squeeze %dma_start3A_25 : memref<1x125xi32, #tpu.memory_space<vmem>> -> memref<125xi32, #tpu.memory_space<vmem>>
    %dma_start3A_27 = arith.constant 0 : i32
    %dma_start3A_28 = arith.constant 0 : i32
    %dma_start3A_29 = tpu.memref_slice %arg2[%dma_start3A_27, %dma_start3A_28] : memref<20480x64xf32, #tpu.memory_space<hbm>> -> memref<20480x64xf32, #tpu.memory_space<hbm>>
    tpu.enqueue_indirect_dma source(%dma_start3A_29 : memref<20480x64xf32, #tpu.memory_space<hbm>>) target(%arg12 : memref<125x64xf32, #tpu.memory_space<vmem>>) offsets(%dma_start3A_26 : memref<125xi32, #tpu.memory_space<vmem>>) semaphore(%arg16 : memref<!tpu.dma_semaphore, #tpu.memory_space<semaphore_mem>>)
    %dma_start3A_30 = arith.constant 3 : i32
    %dma_start3A_31 = arith.constant 0 : i32
    %dma_start3A_32 = tpu.memref_slice %arg8[%dma_start3A_30, %dma_start3A_31] : memref<160x125xi32, #tpu.memory_space<vmem>> -> memref<1x125xi32, #tpu.memory_space<vmem>>
    %dma_start3A_33 = tpu.memref_squeeze %dma_start3A_32 : memref<1x125xi32, #tpu.memory_space<vmem>> -> memref<125xi32, #tpu.memory_space<vmem>>
    %dma_start3A_34 = arith.constant 0 : i32
    %dma_start3A_35 = arith.constant 0 : i32
    %dma_start3A_36 = tpu.memref_slice %arg2[%dma_start3A_34, %dma_start3A_35] : memref<20480x64xf32, #tpu.memory_space<hbm>> -> memref<20480x64xf32, #tpu.memory_space<hbm>>
    tpu.enqueue_indirect_dma source(%dma_start3A_36 : memref<20480x64xf32, #tpu.memory_space<hbm>>) target(%arg13 : memref<125x64xf32, #tpu.memory_space<vmem>>) offsets(%dma_start3A_33 : memref<125xi32, #tpu.memory_space<vmem>>) semaphore(%arg17 : memref<!tpu.dma_semaphore, #tpu.memory_space<semaphore_mem>>)
    %scan3A = arith.constant 0 : i32
    %scan3A_37 = arith.constant 0 : i32
    %scan3A_38 = arith.constant 40 : i32
    %scan3A_39 = arith.addi %scan3A_37, %scan3A_38 : i32
    %scan3A_40 = arith.constant 1 : i32
    scf.for %scan3A_47 = %scan3A_37 to %scan3A_39 step %scan3A_40  : i32 {
      %mul3A_48 = arith.constant 4 : i32
      %mul3A_49 = arith.muli %scan3A_47, %mul3A_48 : i32
      %add3A = arith.constant 0 : i32
      %add3A_50 = arith.addi %mul3A_49, %add3A : i32
      %dma_wait3A = arith.constant 0 : i32
      %dma_wait3A_51 = tpu.memref_slice %arg8[%add3A_50, %dma_wait3A] : memref<160x125xi32, #tpu.memory_space<vmem>> -> memref<1x125xi32, #tpu.memory_space<vmem>>
      %dma_wait3A_52 = tpu.memref_squeeze %dma_wait3A_51 : memref<1x125xi32, #tpu.memory_space<vmem>> -> memref<125xi32, #tpu.memory_space<vmem>>
      %dma_wait3A_53 = arith.constant 0 : i32
      %dma_wait3A_54 = arith.constant 0 : i32
      %dma_wait3A_55 = tpu.memref_slice %arg2[%dma_wait3A_53, %dma_wait3A_54] : memref<20480x64xf32, #tpu.memory_space<hbm>> -> memref<20480x64xf32, #tpu.memory_space<hbm>>
      tpu.wait_indirect_dma semaphore(%arg14 : memref<!tpu.dma_semaphore, #tpu.memory_space<semaphore_mem>>) src(%dma_wait3A_55 : memref<20480x64xf32, #tpu.memory_space<hbm>>) dst(%arg10 : memref<125x64xf32, #tpu.memory_space<vmem>>)
      %dma_start3A_56 = arith.constant 0 : i32
      %dma_start3A_57 = tpu.memref_slice %arg9[%add3A_50, %dma_start3A_56] : memref<160x125xi32, #tpu.memory_space<vmem>> -> memref<1x125xi32, #tpu.memory_space<vmem>>
      %dma_start3A_58 = tpu.memref_squeeze %dma_start3A_57 : memref<1x125xi32, #tpu.memory_space<vmem>> -> memref<125xi32, #tpu.memory_space<vmem>>
      %dma_start3A_59 = arith.constant 0 : i32
      %dma_start3A_60 = arith.constant 0 : i32
      %dma_start3A_61 = tpu.memref_slice %arg22[%dma_start3A_59, %dma_start3A_60] : memref<10240x64xf32, #tpu.memory_space<vmem_shared>> -> memref<10240x64xf32, #tpu.memory_space<vmem_shared>>
      tpu.enqueue_indirect_dma source(%arg10 : memref<125x64xf32, #tpu.memory_space<vmem>>) target(%dma_start3A_61 : memref<10240x64xf32, #tpu.memory_space<vmem_shared>>) offsets(%dma_start3A_58 : memref<125xi32, #tpu.memory_space<vmem>>) semaphore(%arg18 : memref<!tpu.dma_semaphore, #tpu.memory_space<semaphore_mem>>) {add = true}
      %add3A_62 = arith.constant 1 : i32
      %add3A_63 = arith.addi %mul3A_49, %add3A_62 : i32
      %dma_wait3A_64 = arith.constant 0 : i32
      %dma_wait3A_65 = tpu.memref_slice %arg8[%add3A_63, %dma_wait3A_64] : memref<160x125xi32, #tpu.memory_space<vmem>> -> memref<1x125xi32, #tpu.memory_space<vmem>>
      %dma_wait3A_66 = tpu.memref_squeeze %dma_wait3A_65 : memref<1x125xi32, #tpu.memory_space<vmem>> -> memref<125xi32, #tpu.memory_space<vmem>>
      %dma_wait3A_67 = arith.constant 0 : i32
      %dma_wait3A_68 = arith.constant 0 : i32
      %dma_wait3A_69 = tpu.memref_slice %arg2[%dma_wait3A_67, %dma_wait3A_68] : memref<20480x64xf32, #tpu.memory_space<hbm>> -> memref<20480x64xf32, #tpu.memory_space<hbm>>
      tpu.wait_indirect_dma semaphore(%arg15 : memref<!tpu.dma_semaphore, #tpu.memory_space<semaphore_mem>>) src(%dma_wait3A_69 : memref<20480x64xf32, #tpu.memory_space<hbm>>) dst(%arg11 : memref<125x64xf32, #tpu.memory_space<vmem>>)
      %dma_start3A_70 = arith.constant 0 : i32
      %dma_start3A_71 = tpu.memref_slice %arg9[%add3A_63, %dma_start3A_70] : memref<160x125xi32, #tpu.memory_space<vmem>> -> memref<1x125xi32, #tpu.memory_space<vmem>>
      %dma_start3A_72 = tpu.memref_squeeze %dma_start3A_71 : memref<1x125xi32, #tpu.memory_space<vmem>> -> memref<125xi32, #tpu.memory_space<vmem>>
      %dma_start3A_73 = arith.constant 0 : i32
      %dma_start3A_74 = arith.constant 0 : i32
      %dma_start3A_75 = tpu.memref_slice %arg22[%dma_start3A_73, %dma_start3A_74] : memref<10240x64xf32, #tpu.memory_space<vmem_shared>> -> memref<10240x64xf32, #tpu.memory_space<vmem_shared>>
      tpu.enqueue_indirect_dma source(%arg11 : memref<125x64xf32, #tpu.memory_space<vmem>>) target(%dma_start3A_75 : memref<10240x64xf32, #tpu.memory_space<vmem_shared>>) offsets(%dma_start3A_72 : memref<125xi32, #tpu.memory_space<vmem>>) semaphore(%arg19 : memref<!tpu.dma_semaphore, #tpu.memory_space<semaphore_mem>>) {add = true}
      %add3A_76 = arith.constant 2 : i32
      %add3A_77 = arith.addi %mul3A_49, %add3A_76 : i32
      %dma_wait3A_78 = arith.constant 0 : i32
      %dma_wait3A_79 = tpu.memref_slice %arg8[%add3A_77, %dma_wait3A_78] : memref<160x125xi32, #tpu.memory_space<vmem>> -> memref<1x125xi32, #tpu.memory_space<vmem>>
      %dma_wait3A_80 = tpu.memref_squeeze %dma_wait3A_79 : memref<1x125xi32, #tpu.memory_space<vmem>> -> memref<125xi32, #tpu.memory_space<vmem>>
      %dma_wait3A_81 = arith.constant 0 : i32
      %dma_wait3A_82 = arith.constant 0 : i32
      %dma_wait3A_83 = tpu.memref_slice %arg2[%dma_wait3A_81, %dma_wait3A_82] : memref<20480x64xf32, #tpu.memory_space<hbm>> -> memref<20480x64xf32, #tpu.memory_space<hbm>>
      tpu.wait_indirect_dma semaphore(%arg16 : memref<!tpu.dma_semaphore, #tpu.memory_space<semaphore_mem>>) src(%dma_wait3A_83 : memref<20480x64xf32, #tpu.memory_space<hbm>>) dst(%arg12 : memref<125x64xf32, #tpu.memory_space<vmem>>)
      %dma_start3A_84 = arith.constant 0 : i32
      %dma_start3A_85 = tpu.memref_slice %arg9[%add3A_77, %dma_start3A_84] : memref<160x125xi32, #tpu.memory_space<vmem>> -> memref<1x125xi32, #tpu.memory_space<vmem>>
      %dma_start3A_86 = tpu.memref_squeeze %dma_start3A_85 : memref<1x125xi32, #tpu.memory_space<vmem>> -> memref<125xi32, #tpu.memory_space<vmem>>
      %dma_start3A_87 = arith.constant 0 : i32
      %dma_start3A_88 = arith.constant 0 : i32
      %dma_start3A_89 = tpu.memref_slice %arg22[%dma_start3A_87, %dma_start3A_88] : memref<10240x64xf32, #tpu.memory_space<vmem_shared>> -> memref<10240x64xf32, #tpu.memory_space<vmem_shared>>
      tpu.enqueue_indirect_dma source(%arg12 : memref<125x64xf32, #tpu.memory_space<vmem>>) target(%dma_start3A_89 : memref<10240x64xf32, #tpu.memory_space<vmem_shared>>) offsets(%dma_start3A_86 : memref<125xi32, #tpu.memory_space<vmem>>) semaphore(%arg20 : memref<!tpu.dma_semaphore, #tpu.memory_space<semaphore_mem>>) {add = true}
      %add3A_90 = arith.constant 3 : i32
      %add3A_91 = arith.addi %mul3A_49, %add3A_90 : i32
      %dma_wait3A_92 = arith.constant 0 : i32
      %dma_wait3A_93 = tpu.memref_slice %arg8[%add3A_91, %dma_wait3A_92] : memref<160x125xi32, #tpu.memory_space<vmem>> -> memref<1x125xi32, #tpu.memory_space<vmem>>
      %dma_wait3A_94 = tpu.memref_squeeze %dma_wait3A_93 : memref<1x125xi32, #tpu.memory_space<vmem>> -> memref<125xi32, #tpu.memory_space<vmem>>
      %dma_wait3A_95 = arith.constant 0 : i32
      %dma_wait3A_96 = arith.constant 0 : i32
      %dma_wait3A_97 = tpu.memref_slice %arg2[%dma_wait3A_95, %dma_wait3A_96] : memref<20480x64xf32, #tpu.memory_space<hbm>> -> memref<20480x64xf32, #tpu.memory_space<hbm>>
      tpu.wait_indirect_dma semaphore(%arg17 : memref<!tpu.dma_semaphore, #tpu.memory_space<semaphore_mem>>) src(%dma_wait3A_97 : memref<20480x64xf32, #tpu.memory_space<hbm>>) dst(%arg13 : memref<125x64xf32, #tpu.memory_space<vmem>>)
      %dma_start3A_98 = arith.constant 0 : i32
      %dma_start3A_99 = tpu.memref_slice %arg9[%add3A_91, %dma_start3A_98] : memref<160x125xi32, #tpu.memory_space<vmem>> -> memref<1x125xi32, #tpu.memory_space<vmem>>
      %dma_start3A_100 = tpu.memref_squeeze %dma_start3A_99 : memref<1x125xi32, #tpu.memory_space<vmem>> -> memref<125xi32, #tpu.memory_space<vmem>>
      %dma_start3A_101 = arith.constant 0 : i32
      %dma_start3A_102 = arith.constant 0 : i32
      %dma_start3A_103 = tpu.memref_slice %arg22[%dma_start3A_101, %dma_start3A_102] : memref<10240x64xf32, #tpu.memory_space<vmem_shared>> -> memref<10240x64xf32, #tpu.memory_space<vmem_shared>>
      tpu.enqueue_indirect_dma source(%arg13 : memref<125x64xf32, #tpu.memory_space<vmem>>) target(%dma_start3A_103 : memref<10240x64xf32, #tpu.memory_space<vmem_shared>>) offsets(%dma_start3A_100 : memref<125xi32, #tpu.memory_space<vmem>>) semaphore(%arg21 : memref<!tpu.dma_semaphore, #tpu.memory_space<semaphore_mem>>) {add = true}
      %add3A_104 = arith.constant 0 : i32
      %add3A_105 = arith.addi %mul3A_49, %add3A_104 : i32
      %dma_wait3A_106 = arith.constant 0 : i32
      %dma_wait3A_107 = tpu.memref_slice %arg9[%add3A_105, %dma_wait3A_106] : memref<160x125xi32, #tpu.memory_space<vmem>> -> memref<1x125xi32, #tpu.memory_space<vmem>>
      %dma_wait3A_108 = tpu.memref_squeeze %dma_wait3A_107 : memref<1x125xi32, #tpu.memory_space<vmem>> -> memref<125xi32, #tpu.memory_space<vmem>>
      %dma_wait3A_109 = arith.constant 0 : i32
      %dma_wait3A_110 = arith.constant 0 : i32
      %dma_wait3A_111 = tpu.memref_slice %arg22[%dma_wait3A_109, %dma_wait3A_110] : memref<10240x64xf32, #tpu.memory_space<vmem_shared>> -> memref<10240x64xf32, #tpu.memory_space<vmem_shared>>
      tpu.wait_indirect_dma semaphore(%arg18 : memref<!tpu.dma_semaphore, #tpu.memory_space<semaphore_mem>>) src(%arg10 : memref<125x64xf32, #tpu.memory_space<vmem>>) dst(%dma_wait3A_111 : memref<10240x64xf32, #tpu.memory_space<vmem_shared>>)
      %add3A_112 = arith.constant 4 : i32
      %add3A_113 = arith.addi %add3A_105, %add3A_112 : i32
      %lt3A = arith.constant 160 : i32
      %lt3A_114 = arith.cmpi slt, %add3A_113, %lt3A : i32
      %convert_element_type3A_115 = arith.extui %lt3A_114 : i1 to i32
      %cond3A_116 = arith.constant 0 : i32
      %cond3A_117 = arith.cmpi ne, %convert_element_type3A_115, %cond3A_116 : i32
      scf.if %cond3A_117 {
        %dma_start3A_163 = arith.constant 0 : i32
        %dma_start3A_164 = tpu.memref_slice %arg8[%add3A_113, %dma_start3A_163] : memref<160x125xi32, #tpu.memory_space<vmem>> -> memref<1x125xi32, #tpu.memory_space<vmem>>
        %dma_start3A_165 = tpu.memref_squeeze %dma_start3A_164 : memref<1x125xi32, #tpu.memory_space<vmem>> -> memref<125xi32, #tpu.memory_space<vmem>>
        %dma_start3A_166 = arith.constant 0 : i32
        %dma_start3A_167 = arith.constant 0 : i32
        %dma_start3A_168 = tpu.memref_slice %arg2[%dma_start3A_166, %dma_start3A_167] : memref<20480x64xf32, #tpu.memory_space<hbm>> -> memref<20480x64xf32, #tpu.memory_space<hbm>>
        tpu.enqueue_indirect_dma source(%dma_start3A_168 : memref<20480x64xf32, #tpu.memory_space<hbm>>) target(%arg10 : memref<125x64xf32, #tpu.memory_space<vmem>>) offsets(%dma_start3A_165 : memref<125xi32, #tpu.memory_space<vmem>>) semaphore(%arg14 : memref<!tpu.dma_semaphore, #tpu.memory_space<semaphore_mem>>)
      } else {
      }
      %add3A_118 = arith.constant 1 : i32
      %add3A_119 = arith.addi %mul3A_49, %add3A_118 : i32
      %dma_wait3A_120 = arith.constant 0 : i32
      %dma_wait3A_121 = tpu.memref_slice %arg9[%add3A_119, %dma_wait3A_120] : memref<160x125xi32, #tpu.memory_space<vmem>> -> memref<1x125xi32, #tpu.memory_space<vmem>>
      %dma_wait3A_122 = tpu.memref_squeeze %dma_wait3A_121 : memref<1x125xi32, #tpu.memory_space<vmem>> -> memref<125xi32, #tpu.memory_space<vmem>>
      %dma_wait3A_123 = arith.constant 0 : i32
      %dma_wait3A_124 = arith.constant 0 : i32
      %dma_wait3A_125 = tpu.memref_slice %arg22[%dma_wait3A_123, %dma_wait3A_124] : memref<10240x64xf32, #tpu.memory_space<vmem_shared>> -> memref<10240x64xf32, #tpu.memory_space<vmem_shared>>
      tpu.wait_indirect_dma semaphore(%arg19 : memref<!tpu.dma_semaphore, #tpu.memory_space<semaphore_mem>>) src(%arg11 : memref<125x64xf32, #tpu.memory_space<vmem>>) dst(%dma_wait3A_125 : memref<10240x64xf32, #tpu.memory_space<vmem_shared>>)
      %add3A_126 = arith.constant 4 : i32
      %add3A_127 = arith.addi %add3A_119, %add3A_126 : i32
      %lt3A_128 = arith.constant 160 : i32
      %lt3A_129 = arith.cmpi slt, %add3A_127, %lt3A_128 : i32
      %convert_element_type3A_130 = arith.extui %lt3A_129 : i1 to i32
      %cond3A_131 = arith.constant 0 : i32
      %cond3A_132 = arith.cmpi ne, %convert_element_type3A_130, %cond3A_131 : i32
      scf.if %cond3A_132 {
        %dma_start3A_163 = arith.constant 0 : i32
        %dma_start3A_164 = tpu.memref_slice %arg8[%add3A_127, %dma_start3A_163] : memref<160x125xi32, #tpu.memory_space<vmem>> -> memref<1x125xi32, #tpu.memory_space<vmem>>
        %dma_start3A_165 = tpu.memref_squeeze %dma_start3A_164 : memref<1x125xi32, #tpu.memory_space<vmem>> -> memref<125xi32, #tpu.memory_space<vmem>>
        %dma_start3A_166 = arith.constant 0 : i32
        %dma_start3A_167 = arith.constant 0 : i32
        %dma_start3A_168 = tpu.memref_slice %arg2[%dma_start3A_166, %dma_start3A_167] : memref<20480x64xf32, #tpu.memory_space<hbm>> -> memref<20480x64xf32, #tpu.memory_space<hbm>>
        tpu.enqueue_indirect_dma source(%dma_start3A_168 : memref<20480x64xf32, #tpu.memory_space<hbm>>) target(%arg11 : memref<125x64xf32, #tpu.memory_space<vmem>>) offsets(%dma_start3A_165 : memref<125xi32, #tpu.memory_space<vmem>>) semaphore(%arg15 : memref<!tpu.dma_semaphore, #tpu.memory_space<semaphore_mem>>)
      } else {
      }
      %add3A_133 = arith.constant 2 : i32
      %add3A_134 = arith.addi %mul3A_49, %add3A_133 : i32
      %dma_wait3A_135 = arith.constant 0 : i32
      %dma_wait3A_136 = tpu.memref_slice %arg9[%add3A_134, %dma_wait3A_135] : memref<160x125xi32, #tpu.memory_space<vmem>> -> memref<1x125xi32, #tpu.memory_space<vmem>>
      %dma_wait3A_137 = tpu.memref_squeeze %dma_wait3A_136 : memref<1x125xi32, #tpu.memory_space<vmem>> -> memref<125xi32, #tpu.memory_space<vmem>>
      %dma_wait3A_138 = arith.constant 0 : i32
      %dma_wait3A_139 = arith.constant 0 : i32
      %dma_wait3A_140 = tpu.memref_slice %arg22[%dma_wait3A_138, %dma_wait3A_139] : memref<10240x64xf32, #tpu.memory_space<vmem_shared>> -> memref<10240x64xf32, #tpu.memory_space<vmem_shared>>
      tpu.wait_indirect_dma semaphore(%arg20 : memref<!tpu.dma_semaphore, #tpu.memory_space<semaphore_mem>>) src(%arg12 : memref<125x64xf32, #tpu.memory_space<vmem>>) dst(%dma_wait3A_140 : memref<10240x64xf32, #tpu.memory_space<vmem_shared>>)
      %add3A_141 = arith.constant 4 : i32
      %add3A_142 = arith.addi %add3A_134, %add3A_141 : i32
      %lt3A_143 = arith.constant 160 : i32
      %lt3A_144 = arith.cmpi slt, %add3A_142, %lt3A_143 : i32
      %convert_element_type3A_145 = arith.extui %lt3A_144 : i1 to i32
      %cond3A_146 = arith.constant 0 : i32
      %cond3A_147 = arith.cmpi ne, %convert_element_type3A_145, %cond3A_146 : i32
      scf.if %cond3A_147 {
        %dma_start3A_163 = arith.constant 0 : i32
        %dma_start3A_164 = tpu.memref_slice %arg8[%add3A_142, %dma_start3A_163] : memref<160x125xi32, #tpu.memory_space<vmem>> -> memref<1x125xi32, #tpu.memory_space<vmem>>
        %dma_start3A_165 = tpu.memref_squeeze %dma_start3A_164 : memref<1x125xi32, #tpu.memory_space<vmem>> -> memref<125xi32, #tpu.memory_space<vmem>>
        %dma_start3A_166 = arith.constant 0 : i32
        %dma_start3A_167 = arith.constant 0 : i32
        %dma_start3A_168 = tpu.memref_slice %arg2[%dma_start3A_166, %dma_start3A_167] : memref<20480x64xf32, #tpu.memory_space<hbm>> -> memref<20480x64xf32, #tpu.memory_space<hbm>>
        tpu.enqueue_indirect_dma source(%dma_start3A_168 : memref<20480x64xf32, #tpu.memory_space<hbm>>) target(%arg12 : memref<125x64xf32, #tpu.memory_space<vmem>>) offsets(%dma_start3A_165 : memref<125xi32, #tpu.memory_space<vmem>>) semaphore(%arg16 : memref<!tpu.dma_semaphore, #tpu.memory_space<semaphore_mem>>)
      } else {
      }
      %add3A_148 = arith.constant 3 : i32
      %add3A_149 = arith.addi %mul3A_49, %add3A_148 : i32
      %dma_wait3A_150 = arith.constant 0 : i32
      %dma_wait3A_151 = tpu.memref_slice %arg9[%add3A_149, %dma_wait3A_150] : memref<160x125xi32, #tpu.memory_space<vmem>> -> memref<1x125xi32, #tpu.memory_space<vmem>>
      %dma_wait3A_152 = tpu.memref_squeeze %dma_wait3A_151 : memref<1x125xi32, #tpu.memory_space<vmem>> -> memref<125xi32, #tpu.memory_space<vmem>>
      %dma_wait3A_153 = arith.constant 0 : i32
      %dma_wait3A_154 = arith.constant 0 : i32
      %dma_wait3A_155 = tpu.memref_slice %arg22[%dma_wait3A_153, %dma_wait3A_154] : memref<10240x64xf32, #tpu.memory_space<vmem_shared>> -> memref<10240x64xf32, #tpu.memory_space<vmem_shared>>
      tpu.wait_indirect_dma semaphore(%arg21 : memref<!tpu.dma_semaphore, #tpu.memory_space<semaphore_mem>>) src(%arg13 : memref<125x64xf32, #tpu.memory_space<vmem>>) dst(%dma_wait3A_155 : memref<10240x64xf32, #tpu.memory_space<vmem_shared>>)
      %add3A_156 = arith.constant 4 : i32
      %add3A_157 = arith.addi %add3A_149, %add3A_156 : i32
      %lt3A_158 = arith.constant 160 : i32
      %lt3A_159 = arith.cmpi slt, %add3A_157, %lt3A_158 : i32
      %convert_element_type3A_160 = arith.extui %lt3A_159 : i1 to i32
      %cond3A_161 = arith.constant 0 : i32
      %cond3A_162 = arith.cmpi ne, %convert_element_type3A_160, %cond3A_161 : i32
      scf.if %cond3A_162 {
        %dma_start3A_163 = arith.constant 0 : i32
        %dma_start3A_164 = tpu.memref_slice %arg8[%add3A_157, %dma_start3A_163] : memref<160x125xi32, #tpu.memory_space<vmem>> -> memref<1x125xi32, #tpu.memory_space<vmem>>
        %dma_start3A_165 = tpu.memref_squeeze %dma_start3A_164 : memref<1x125xi32, #tpu.memory_space<vmem>> -> memref<125xi32, #tpu.memory_space<vmem>>
        %dma_start3A_166 = arith.constant 0 : i32
        %dma_start3A_167 = arith.constant 0 : i32
        %dma_start3A_168 = tpu.memref_slice %arg2[%dma_start3A_166, %dma_start3A_167] : memref<20480x64xf32, #tpu.memory_space<hbm>> -> memref<20480x64xf32, #tpu.memory_space<hbm>>
        tpu.enqueue_indirect_dma source(%dma_start3A_168 : memref<20480x64xf32, #tpu.memory_space<hbm>>) target(%arg13 : memref<125x64xf32, #tpu.memory_space<vmem>>) offsets(%dma_start3A_165 : memref<125xi32, #tpu.memory_space<vmem>>) semaphore(%arg17 : memref<!tpu.dma_semaphore, #tpu.memory_space<semaphore_mem>>)
      } else {
      }
    }
    %scan3A_41 = arith.constant 40 : i32
    %barrier3A_42 = arith.constant 0 : index
    tpu.barrier barrier_id(%barrier3A_42)
    %mul3A_43 = arith.constant 640 : i32
    %mul3A_44 = arith.muli %arg1, %mul3A_43 : i32
    %mul3A_45 = arith.constant 640 : i32
    %mul3A_46 = arith.muli %arg1, %mul3A_45 : i32
    "tpu.region"() ({
      %run_scoped3A = tpu.sem_alloc : memref<!tpu.dma_semaphore, #tpu.memory_space<semaphore_mem>>
      %dma_start3A_47 = arith.constant 0 : i32
      %dma_start3A_48 = arith.constant 0 : i32
      %dma_start3A_49 = tpu.memref_slice %arg7[%arg0, %dma_start3A_47, %dma_start3A_48] : memref<2x10240x64xf32, #tpu.memory_space<hbm>> -> memref<1x10240x64xf32, #tpu.memory_space<hbm>>
      %dma_start3A_50 = tpu.memref_squeeze %dma_start3A_49 : memref<1x10240x64xf32, #tpu.memory_space<hbm>> -> memref<10240x64xf32, #tpu.memory_space<hbm>>
      %dma_start3A_51 = arith.constant 0 : i32
      %dma_start3A_52 = tpu.memref_slice %dma_start3A_50[%mul3A_46, %dma_start3A_51] : memref<10240x64xf32, #tpu.memory_space<hbm>> -> memref<640x64xf32, #tpu.memory_space<hbm>>
      %dma_start3A_53 = arith.constant 0 : i32
      %dma_start3A_54 = tpu.memref_slice %arg22[%mul3A_44, %dma_start3A_53] : memref<10240x64xf32, #tpu.memory_space<vmem_shared>> -> memref<640x64xf32, #tpu.memory_space<vmem_shared>>
      tpu.enqueue_dma source(%dma_start3A_54 : memref<640x64xf32, #tpu.memory_space<vmem_shared>>) target(%dma_start3A_52 : memref<640x64xf32, #tpu.memory_space<hbm>>) target_semaphore(%run_scoped3A : memref<!tpu.dma_semaphore, #tpu.memory_space<semaphore_mem>>)
      %dma_wait3A = arith.constant 0 : i32
      %dma_wait3A_55 = arith.constant 0 : i32
      %dma_wait3A_56 = tpu.memref_slice %arg7[%arg0, %dma_wait3A, %dma_wait3A_55] : memref<2x10240x64xf32, #tpu.memory_space<hbm>> -> memref<1x10240x64xf32, #tpu.memory_space<hbm>>
      %dma_wait3A_57 = tpu.memref_squeeze %dma_wait3A_56 : memref<1x10240x64xf32, #tpu.memory_space<hbm>> -> memref<10240x64xf32, #tpu.memory_space<hbm>>
      %dma_wait3A_58 = arith.constant 0 : i32
      %dma_wait3A_59 = tpu.memref_slice %dma_wait3A_57[%mul3A_46, %dma_wait3A_58] : memref<10240x64xf32, #tpu.memory_space<hbm>> -> memref<640x64xf32, #tpu.memory_space<hbm>>
      %dma_wait3A_60 = arith.constant 0 : i32
      %dma_wait3A_61 = tpu.memref_slice %arg22[%mul3A_44, %dma_wait3A_60] : memref<10240x64xf32, #tpu.memory_space<vmem_shared>> -> memref<640x64xf32, #tpu.memory_space<vmem_shared>>
      tpu.wait_dma2 semaphore(%run_scoped3A : memref<!tpu.dma_semaphore, #tpu.memory_space<semaphore_mem>>) src(%dma_wait3A_61 : memref<640x64xf32, #tpu.memory_space<vmem_shared>>) dst(%dma_wait3A_59 : memref<640x64xf32, #tpu.memory_space<hbm>>)
      tpu.yield
    }) : () -> ()
    return
  }
}

#map = affine_map<(d0, d1) -> (0, 0)>
#map1 = affine_map<(d0, d1) -> (0, 0, 0)>
module attributes {stable_mosaic.version = 14 : i64} {
  func.func @_agg_body(%arg0: i32, %arg1: i32, %arg2: memref<20480x64xf32, #tpu.memory_space<hbm>>, %arg3: memref<2560x125xi32, #tpu.memory_space<hbm>>, %arg4: memref<2560x125xi32, #tpu.memory_space<hbm>>, %arg5: memref<2560x125xi32, #tpu.memory_space<hbm>>, %arg6: memref<640x64xf32, #tpu.memory_space<hbm>>, %arg7: memref<2x10240x64xf32, #tpu.memory_space<hbm>>, %arg8: memref<160x125xi32, #tpu.memory_space<vmem>>, %arg9: memref<160x125xi32, #tpu.memory_space<vmem>>, %arg10: memref<125x64xf32, #tpu.memory_space<vmem>>, %arg11: memref<125x64xf32, #tpu.memory_space<vmem>>, %arg12: memref<125x64xf32, #tpu.memory_space<vmem>>, %arg13: memref<125x64xf32, #tpu.memory_space<vmem>>, %arg14: memref<!tpu.dma_semaphore, #tpu.memory_space<semaphore_mem>>, %arg15: memref<!tpu.dma_semaphore, #tpu.memory_space<semaphore_mem>>, %arg16: memref<!tpu.dma_semaphore, #tpu.memory_space<semaphore_mem>>, %arg17: memref<!tpu.dma_semaphore, #tpu.memory_space<semaphore_mem>>, %arg18: memref<!tpu.dma_semaphore, #tpu.memory_space<semaphore_mem>>, %arg19: memref<!tpu.dma_semaphore, #tpu.memory_space<semaphore_mem>>, %arg20: memref<!tpu.dma_semaphore, #tpu.memory_space<semaphore_mem>>, %arg21: memref<!tpu.dma_semaphore, #tpu.memory_space<semaphore_mem>>, %arg22: memref<10240x64xf32, #tpu.memory_space<vmem_shared>>) attributes {dimension_semantics = [#tpu.dimension_semantics<core_parallel>, #tpu.dimension_semantics<subcore_parallel>], iteration_bounds = array<i64: 2, 16>, scalar_prefetch = 0 : i64, scratch_operands = 15 : i64, tpu.core_type = #tpu.core_type<sc_vector_subcore>, window_params = [{transform_indices = #map}, {transform_indices = #map}, {transform_indices = #map}, {transform_indices = #map}, {transform_indices = #map}, {transform_indices = #map1}]} {
    %mul3A = arith.constant 640 : i32
    %mul3A_0 = arith.muli %arg1, %mul3A : i32
    "tpu.region"() ({
      %run_scoped3A = tpu.sem_alloc : memref<!tpu.dma_semaphore, #tpu.memory_space<semaphore_mem>>
      %dma_start3A_47 = arith.constant 0 : i32
      %dma_start3A_48 = tpu.memref_slice %arg22[%mul3A_0, %dma_start3A_47] : memref<10240x64xf32, #tpu.memory_space<vmem_shared>> -> memref<640x64xf32, #tpu.memory_space<vmem_shared>>
      tpu.enqueue_dma source(%arg6 : memref<640x64xf32, #tpu.memory_space<hbm>>) target(%dma_start3A_48 : memref<640x64xf32, #tpu.memory_space<vmem_shared>>) target_semaphore(%run_scoped3A : memref<!tpu.dma_semaphore, #tpu.memory_space<semaphore_mem>>)
      %dma_wait3A = arith.constant 0 : i32
      %dma_wait3A_49 = tpu.memref_slice %arg22[%mul3A_0, %dma_wait3A] : memref<10240x64xf32, #tpu.memory_space<vmem_shared>> -> memref<640x64xf32, #tpu.memory_space<vmem_shared>>
      tpu.wait_dma2 semaphore(%run_scoped3A : memref<!tpu.dma_semaphore, #tpu.memory_space<semaphore_mem>>) src(%arg6 : memref<640x64xf32, #tpu.memory_space<hbm>>) dst(%dma_wait3A_49 : memref<640x64xf32, #tpu.memory_space<vmem_shared>>)
      tpu.yield
    }) : () -> ()
    %eq3A = arith.constant 0 : i32
    %eq3A_1 = arith.cmpi eq, %arg0, %eq3A : i32
    %convert_element_type3A = arith.extui %eq3A_1 : i1 to i32
    %cond3A = arith.constant 0 : i32
    %cond3A_2 = arith.cmpi ne, %convert_element_type3A, %cond3A : i32
    scf.if %cond3A_2 {
      %mul3A_47 = arith.constant 160 : i32
      %mul3A_48 = arith.muli %arg1, %mul3A_47 : i32
      "tpu.region"() ({
        %run_scoped3A = tpu.sem_alloc : memref<!tpu.dma_semaphore, #tpu.memory_space<semaphore_mem>>
        %dma_start3A_49 = arith.constant 0 : i32
        %dma_start3A_50 = tpu.memref_slice %arg3[%mul3A_48, %dma_start3A_49] : memref<2560x125xi32, #tpu.memory_space<hbm>> -> memref<160x125xi32, #tpu.memory_space<hbm>>
        %dma_start3A_51 = arith.constant 0 : i32
        %dma_start3A_52 = tpu.memref_slice %arg3[%mul3A_48, %dma_start3A_51] : memref<2560x125xi32, #tpu.memory_space<hbm>> -> memref<160x125xi32, #tpu.memory_space<hbm>>
        tpu.enqueue_dma source(%dma_start3A_52 : memref<160x125xi32, #tpu.memory_space<hbm>>) target(%arg8 : memref<160x125xi32, #tpu.memory_space<vmem>>) target_semaphore(%run_scoped3A : memref<!tpu.dma_semaphore, #tpu.memory_space<semaphore_mem>>)
        %dma_wait3A = arith.constant 0 : i32
        %dma_wait3A_53 = tpu.memref_slice %arg3[%mul3A_48, %dma_wait3A] : memref<2560x125xi32, #tpu.memory_space<hbm>> -> memref<160x125xi32, #tpu.memory_space<hbm>>
        %dma_wait3A_54 = arith.constant 0 : i32
        %dma_wait3A_55 = tpu.memref_slice %arg3[%mul3A_48, %dma_wait3A_54] : memref<2560x125xi32, #tpu.memory_space<hbm>> -> memref<160x125xi32, #tpu.memory_space<hbm>>
        tpu.wait_dma2 semaphore(%run_scoped3A : memref<!tpu.dma_semaphore, #tpu.memory_space<semaphore_mem>>) src(%dma_wait3A_55 : memref<160x125xi32, #tpu.memory_space<hbm>>) dst(%arg8 : memref<160x125xi32, #tpu.memory_space<vmem>>)
        tpu.yield
      }) : () -> ()
    } else {
    }
    %eq3A_3 = arith.constant 1 : i32
    %eq3A_4 = arith.cmpi eq, %arg0, %eq3A_3 : i32
    %convert_element_type3A_5 = arith.extui %eq3A_4 : i1 to i32
    %cond3A_6 = arith.constant 0 : i32
    %cond3A_7 = arith.cmpi ne, %convert_element_type3A_5, %cond3A_6 : i32
    scf.if %cond3A_7 {
      %mul3A_47 = arith.constant 160 : i32
      %mul3A_48 = arith.muli %arg1, %mul3A_47 : i32
      "tpu.region"() ({
        %run_scoped3A = tpu.sem_alloc : memref<!tpu.dma_semaphore, #tpu.memory_space<semaphore_mem>>
        %dma_start3A_49 = arith.constant 0 : i32
        %dma_start3A_50 = tpu.memref_slice %arg4[%mul3A_48, %dma_start3A_49] : memref<2560x125xi32, #tpu.memory_space<hbm>> -> memref<160x125xi32, #tpu.memory_space<hbm>>
        %dma_start3A_51 = arith.constant 0 : i32
        %dma_start3A_52 = tpu.memref_slice %arg4[%mul3A_48, %dma_start3A_51] : memref<2560x125xi32, #tpu.memory_space<hbm>> -> memref<160x125xi32, #tpu.memory_space<hbm>>
        tpu.enqueue_dma source(%dma_start3A_52 : memref<160x125xi32, #tpu.memory_space<hbm>>) target(%arg8 : memref<160x125xi32, #tpu.memory_space<vmem>>) target_semaphore(%run_scoped3A : memref<!tpu.dma_semaphore, #tpu.memory_space<semaphore_mem>>)
        %dma_wait3A = arith.constant 0 : i32
        %dma_wait3A_53 = tpu.memref_slice %arg4[%mul3A_48, %dma_wait3A] : memref<2560x125xi32, #tpu.memory_space<hbm>> -> memref<160x125xi32, #tpu.memory_space<hbm>>
        %dma_wait3A_54 = arith.constant 0 : i32
        %dma_wait3A_55 = tpu.memref_slice %arg4[%mul3A_48, %dma_wait3A_54] : memref<2560x125xi32, #tpu.memory_space<hbm>> -> memref<160x125xi32, #tpu.memory_space<hbm>>
        tpu.wait_dma2 semaphore(%run_scoped3A : memref<!tpu.dma_semaphore, #tpu.memory_space<semaphore_mem>>) src(%dma_wait3A_55 : memref<160x125xi32, #tpu.memory_space<hbm>>) dst(%arg8 : memref<160x125xi32, #tpu.memory_space<vmem>>)
        tpu.yield
      }) : () -> ()
    } else {
    }
    %mul3A_8 = arith.constant 160 : i32
    %mul3A_9 = arith.muli %arg1, %mul3A_8 : i32
    "tpu.region"() ({
      %run_scoped3A = tpu.sem_alloc : memref<!tpu.dma_semaphore, #tpu.memory_space<semaphore_mem>>
      %dma_start3A_47 = arith.constant 0 : i32
      %dma_start3A_48 = tpu.memref_slice %arg5[%mul3A_9, %dma_start3A_47] : memref<2560x125xi32, #tpu.memory_space<hbm>> -> memref<160x125xi32, #tpu.memory_space<hbm>>
      %dma_start3A_49 = arith.constant 0 : i32
      %dma_start3A_50 = tpu.memref_slice %arg5[%mul3A_9, %dma_start3A_49] : memref<2560x125xi32, #tpu.memory_space<hbm>> -> memref<160x125xi32, #tpu.memory_space<hbm>>
      tpu.enqueue_dma source(%dma_start3A_50 : memref<160x125xi32, #tpu.memory_space<hbm>>) target(%arg9 : memref<160x125xi32, #tpu.memory_space<vmem>>) target_semaphore(%run_scoped3A : memref<!tpu.dma_semaphore, #tpu.memory_space<semaphore_mem>>)
      %dma_wait3A = arith.constant 0 : i32
      %dma_wait3A_51 = tpu.memref_slice %arg5[%mul3A_9, %dma_wait3A] : memref<2560x125xi32, #tpu.memory_space<hbm>> -> memref<160x125xi32, #tpu.memory_space<hbm>>
      %dma_wait3A_52 = arith.constant 0 : i32
      %dma_wait3A_53 = tpu.memref_slice %arg5[%mul3A_9, %dma_wait3A_52] : memref<2560x125xi32, #tpu.memory_space<hbm>> -> memref<160x125xi32, #tpu.memory_space<hbm>>
      tpu.wait_dma2 semaphore(%run_scoped3A : memref<!tpu.dma_semaphore, #tpu.memory_space<semaphore_mem>>) src(%dma_wait3A_53 : memref<160x125xi32, #tpu.memory_space<hbm>>) dst(%arg9 : memref<160x125xi32, #tpu.memory_space<vmem>>)
      tpu.yield
    }) : () -> ()
    %barrier3A = arith.constant 0 : index
    tpu.barrier barrier_id(%barrier3A)
    %dma_start3A = arith.constant 0 : i32
    %dma_start3A_10 = arith.constant 0 : i32
    %dma_start3A_11 = tpu.memref_slice %arg8[%dma_start3A, %dma_start3A_10] : memref<160x125xi32, #tpu.memory_space<vmem>> -> memref<1x125xi32, #tpu.memory_space<vmem>>
    %dma_start3A_12 = tpu.memref_squeeze %dma_start3A_11 : memref<1x125xi32, #tpu.memory_space<vmem>> -> memref<125xi32, #tpu.memory_space<vmem>>
    %dma_start3A_13 = arith.constant 0 : i32
    %dma_start3A_14 = arith.constant 0 : i32
    %dma_start3A_15 = tpu.memref_slice %arg2[%dma_start3A_13, %dma_start3A_14] : memref<20480x64xf32, #tpu.memory_space<hbm>> -> memref<20480x64xf32, #tpu.memory_space<hbm>>
    tpu.enqueue_indirect_dma source(%dma_start3A_15 : memref<20480x64xf32, #tpu.memory_space<hbm>>) target(%arg10 : memref<125x64xf32, #tpu.memory_space<vmem>>) offsets(%dma_start3A_12 : memref<125xi32, #tpu.memory_space<vmem>>) semaphore(%arg14 : memref<!tpu.dma_semaphore, #tpu.memory_space<semaphore_mem>>)
    %dma_start3A_16 = arith.constant 1 : i32
    %dma_start3A_17 = arith.constant 0 : i32
    %dma_start3A_18 = tpu.memref_slice %arg8[%dma_start3A_16, %dma_start3A_17] : memref<160x125xi32, #tpu.memory_space<vmem>> -> memref<1x125xi32, #tpu.memory_space<vmem>>
    %dma_start3A_19 = tpu.memref_squeeze %dma_start3A_18 : memref<1x125xi32, #tpu.memory_space<vmem>> -> memref<125xi32, #tpu.memory_space<vmem>>
    %dma_start3A_20 = arith.constant 0 : i32
    %dma_start3A_21 = arith.constant 0 : i32
    %dma_start3A_22 = tpu.memref_slice %arg2[%dma_start3A_20, %dma_start3A_21] : memref<20480x64xf32, #tpu.memory_space<hbm>> -> memref<20480x64xf32, #tpu.memory_space<hbm>>
    tpu.enqueue_indirect_dma source(%dma_start3A_22 : memref<20480x64xf32, #tpu.memory_space<hbm>>) target(%arg11 : memref<125x64xf32, #tpu.memory_space<vmem>>) offsets(%dma_start3A_19 : memref<125xi32, #tpu.memory_space<vmem>>) semaphore(%arg15 : memref<!tpu.dma_semaphore, #tpu.memory_space<semaphore_mem>>)
    %dma_start3A_23 = arith.constant 2 : i32
    %dma_start3A_24 = arith.constant 0 : i32
    %dma_start3A_25 = tpu.memref_slice %arg8[%dma_start3A_23, %dma_start3A_24] : memref<160x125xi32, #tpu.memory_space<vmem>> -> memref<1x125xi32, #tpu.memory_space<vmem>>
    %dma_start3A_26 = tpu.memref_squeeze %dma_start3A_25 : memref<1x125xi32, #tpu.memory_space<vmem>> -> memref<125xi32, #tpu.memory_space<vmem>>
    %dma_start3A_27 = arith.constant 0 : i32
    %dma_start3A_28 = arith.constant 0 : i32
    %dma_start3A_29 = tpu.memref_slice %arg2[%dma_start3A_27, %dma_start3A_28] : memref<20480x64xf32, #tpu.memory_space<hbm>> -> memref<20480x64xf32, #tpu.memory_space<hbm>>
    tpu.enqueue_indirect_dma source(%dma_start3A_29 : memref<20480x64xf32, #tpu.memory_space<hbm>>) target(%arg12 : memref<125x64xf32, #tpu.memory_space<vmem>>) offsets(%dma_start3A_26 : memref<125xi32, #tpu.memory_space<vmem>>) semaphore(%arg16 : memref<!tpu.dma_semaphore, #tpu.memory_space<semaphore_mem>>)
    %dma_start3A_30 = arith.constant 3 : i32
    %dma_start3A_31 = arith.constant 0 : i32
    %dma_start3A_32 = tpu.memref_slice %arg8[%dma_start3A_30, %dma_start3A_31] : memref<160x125xi32, #tpu.memory_space<vmem>> -> memref<1x125xi32, #tpu.memory_space<vmem>>
    %dma_start3A_33 = tpu.memref_squeeze %dma_start3A_32 : memref<1x125xi32, #tpu.memory_space<vmem>> -> memref<125xi32, #tpu.memory_space<vmem>>
    %dma_start3A_34 = arith.constant 0 : i32
    %dma_start3A_35 = arith.constant 0 : i32
    %dma_start3A_36 = tpu.memref_slice %arg2[%dma_start3A_34, %dma_start3A_35] : memref<20480x64xf32, #tpu.memory_space<hbm>> -> memref<20480x64xf32, #tpu.memory_space<hbm>>
    tpu.enqueue_indirect_dma source(%dma_start3A_36 : memref<20480x64xf32, #tpu.memory_space<hbm>>) target(%arg13 : memref<125x64xf32, #tpu.memory_space<vmem>>) offsets(%dma_start3A_33 : memref<125xi32, #tpu.memory_space<vmem>>) semaphore(%arg17 : memref<!tpu.dma_semaphore, #tpu.memory_space<semaphore_mem>>)
    %scan3A = arith.constant 0 : i32
    %scan3A_37 = arith.constant 0 : i32
    %scan3A_38 = arith.constant 40 : i32
    %scan3A_39 = arith.addi %scan3A_37, %scan3A_38 : i32
    %scan3A_40 = arith.constant 1 : i32
    scf.for %scan3A_47 = %scan3A_37 to %scan3A_39 step %scan3A_40  : i32 {
      %mul3A_48 = arith.constant 4 : i32
      %mul3A_49 = arith.muli %scan3A_47, %mul3A_48 : i32
      %add3A = arith.constant 0 : i32
      %add3A_50 = arith.addi %mul3A_49, %add3A : i32
      %dma_wait3A = arith.constant 0 : i32
      %dma_wait3A_51 = tpu.memref_slice %arg8[%add3A_50, %dma_wait3A] : memref<160x125xi32, #tpu.memory_space<vmem>> -> memref<1x125xi32, #tpu.memory_space<vmem>>
      %dma_wait3A_52 = tpu.memref_squeeze %dma_wait3A_51 : memref<1x125xi32, #tpu.memory_space<vmem>> -> memref<125xi32, #tpu.memory_space<vmem>>
      %dma_wait3A_53 = arith.constant 0 : i32
      %dma_wait3A_54 = arith.constant 0 : i32
      %dma_wait3A_55 = tpu.memref_slice %arg2[%dma_wait3A_53, %dma_wait3A_54] : memref<20480x64xf32, #tpu.memory_space<hbm>> -> memref<20480x64xf32, #tpu.memory_space<hbm>>
      tpu.wait_indirect_dma semaphore(%arg14 : memref<!tpu.dma_semaphore, #tpu.memory_space<semaphore_mem>>) src(%dma_wait3A_55 : memref<20480x64xf32, #tpu.memory_space<hbm>>) dst(%arg10 : memref<125x64xf32, #tpu.memory_space<vmem>>)
      %dma_start3A_56 = arith.constant 0 : i32
      %dma_start3A_57 = tpu.memref_slice %arg9[%add3A_50, %dma_start3A_56] : memref<160x125xi32, #tpu.memory_space<vmem>> -> memref<1x125xi32, #tpu.memory_space<vmem>>
      %dma_start3A_58 = tpu.memref_squeeze %dma_start3A_57 : memref<1x125xi32, #tpu.memory_space<vmem>> -> memref<125xi32, #tpu.memory_space<vmem>>
      %dma_start3A_59 = arith.constant 0 : i32
      %dma_start3A_60 = arith.constant 0 : i32
      %dma_start3A_61 = tpu.memref_slice %arg22[%dma_start3A_59, %dma_start3A_60] : memref<10240x64xf32, #tpu.memory_space<vmem_shared>> -> memref<10240x64xf32, #tpu.memory_space<vmem_shared>>
      tpu.enqueue_indirect_dma source(%arg10 : memref<125x64xf32, #tpu.memory_space<vmem>>) target(%dma_start3A_61 : memref<10240x64xf32, #tpu.memory_space<vmem_shared>>) offsets(%dma_start3A_58 : memref<125xi32, #tpu.memory_space<vmem>>) semaphore(%arg18 : memref<!tpu.dma_semaphore, #tpu.memory_space<semaphore_mem>>) {add = true}
      %add3A_62 = arith.constant 1 : i32
      %add3A_63 = arith.addi %mul3A_49, %add3A_62 : i32
      %dma_wait3A_64 = arith.constant 0 : i32
      %dma_wait3A_65 = tpu.memref_slice %arg8[%add3A_63, %dma_wait3A_64] : memref<160x125xi32, #tpu.memory_space<vmem>> -> memref<1x125xi32, #tpu.memory_space<vmem>>
      %dma_wait3A_66 = tpu.memref_squeeze %dma_wait3A_65 : memref<1x125xi32, #tpu.memory_space<vmem>> -> memref<125xi32, #tpu.memory_space<vmem>>
      %dma_wait3A_67 = arith.constant 0 : i32
      %dma_wait3A_68 = arith.constant 0 : i32
      %dma_wait3A_69 = tpu.memref_slice %arg2[%dma_wait3A_67, %dma_wait3A_68] : memref<20480x64xf32, #tpu.memory_space<hbm>> -> memref<20480x64xf32, #tpu.memory_space<hbm>>
      tpu.wait_indirect_dma semaphore(%arg15 : memref<!tpu.dma_semaphore, #tpu.memory_space<semaphore_mem>>) src(%dma_wait3A_69 : memref<20480x64xf32, #tpu.memory_space<hbm>>) dst(%arg11 : memref<125x64xf32, #tpu.memory_space<vmem>>)
      %dma_start3A_70 = arith.constant 0 : i32
      %dma_start3A_71 = tpu.memref_slice %arg9[%add3A_63, %dma_start3A_70] : memref<160x125xi32, #tpu.memory_space<vmem>> -> memref<1x125xi32, #tpu.memory_space<vmem>>
      %dma_start3A_72 = tpu.memref_squeeze %dma_start3A_71 : memref<1x125xi32, #tpu.memory_space<vmem>> -> memref<125xi32, #tpu.memory_space<vmem>>
      %dma_start3A_73 = arith.constant 0 : i32
      %dma_start3A_74 = arith.constant 0 : i32
      %dma_start3A_75 = tpu.memref_slice %arg22[%dma_start3A_73, %dma_start3A_74] : memref<10240x64xf32, #tpu.memory_space<vmem_shared>> -> memref<10240x64xf32, #tpu.memory_space<vmem_shared>>
      tpu.enqueue_indirect_dma source(%arg11 : memref<125x64xf32, #tpu.memory_space<vmem>>) target(%dma_start3A_75 : memref<10240x64xf32, #tpu.memory_space<vmem_shared>>) offsets(%dma_start3A_72 : memref<125xi32, #tpu.memory_space<vmem>>) semaphore(%arg19 : memref<!tpu.dma_semaphore, #tpu.memory_space<semaphore_mem>>) {add = true}
      %add3A_76 = arith.constant 2 : i32
      %add3A_77 = arith.addi %mul3A_49, %add3A_76 : i32
      %dma_wait3A_78 = arith.constant 0 : i32
      %dma_wait3A_79 = tpu.memref_slice %arg8[%add3A_77, %dma_wait3A_78] : memref<160x125xi32, #tpu.memory_space<vmem>> -> memref<1x125xi32, #tpu.memory_space<vmem>>
      %dma_wait3A_80 = tpu.memref_squeeze %dma_wait3A_79 : memref<1x125xi32, #tpu.memory_space<vmem>> -> memref<125xi32, #tpu.memory_space<vmem>>
      %dma_wait3A_81 = arith.constant 0 : i32
      %dma_wait3A_82 = arith.constant 0 : i32
      %dma_wait3A_83 = tpu.memref_slice %arg2[%dma_wait3A_81, %dma_wait3A_82] : memref<20480x64xf32, #tpu.memory_space<hbm>> -> memref<20480x64xf32, #tpu.memory_space<hbm>>
      tpu.wait_indirect_dma semaphore(%arg16 : memref<!tpu.dma_semaphore, #tpu.memory_space<semaphore_mem>>) src(%dma_wait3A_83 : memref<20480x64xf32, #tpu.memory_space<hbm>>) dst(%arg12 : memref<125x64xf32, #tpu.memory_space<vmem>>)
      %dma_start3A_84 = arith.constant 0 : i32
      %dma_start3A_85 = tpu.memref_slice %arg9[%add3A_77, %dma_start3A_84] : memref<160x125xi32, #tpu.memory_space<vmem>> -> memref<1x125xi32, #tpu.memory_space<vmem>>
      %dma_start3A_86 = tpu.memref_squeeze %dma_start3A_85 : memref<1x125xi32, #tpu.memory_space<vmem>> -> memref<125xi32, #tpu.memory_space<vmem>>
      %dma_start3A_87 = arith.constant 0 : i32
      %dma_start3A_88 = arith.constant 0 : i32
      %dma_start3A_89 = tpu.memref_slice %arg22[%dma_start3A_87, %dma_start3A_88] : memref<10240x64xf32, #tpu.memory_space<vmem_shared>> -> memref<10240x64xf32, #tpu.memory_space<vmem_shared>>
      tpu.enqueue_indirect_dma source(%arg12 : memref<125x64xf32, #tpu.memory_space<vmem>>) target(%dma_start3A_89 : memref<10240x64xf32, #tpu.memory_space<vmem_shared>>) offsets(%dma_start3A_86 : memref<125xi32, #tpu.memory_space<vmem>>) semaphore(%arg20 : memref<!tpu.dma_semaphore, #tpu.memory_space<semaphore_mem>>) {add = true}
      %add3A_90 = arith.constant 3 : i32
      %add3A_91 = arith.addi %mul3A_49, %add3A_90 : i32
      %dma_wait3A_92 = arith.constant 0 : i32
      %dma_wait3A_93 = tpu.memref_slice %arg8[%add3A_91, %dma_wait3A_92] : memref<160x125xi32, #tpu.memory_space<vmem>> -> memref<1x125xi32, #tpu.memory_space<vmem>>
      %dma_wait3A_94 = tpu.memref_squeeze %dma_wait3A_93 : memref<1x125xi32, #tpu.memory_space<vmem>> -> memref<125xi32, #tpu.memory_space<vmem>>
      %dma_wait3A_95 = arith.constant 0 : i32
      %dma_wait3A_96 = arith.constant 0 : i32
      %dma_wait3A_97 = tpu.memref_slice %arg2[%dma_wait3A_95, %dma_wait3A_96] : memref<20480x64xf32, #tpu.memory_space<hbm>> -> memref<20480x64xf32, #tpu.memory_space<hbm>>
      tpu.wait_indirect_dma semaphore(%arg17 : memref<!tpu.dma_semaphore, #tpu.memory_space<semaphore_mem>>) src(%dma_wait3A_97 : memref<20480x64xf32, #tpu.memory_space<hbm>>) dst(%arg13 : memref<125x64xf32, #tpu.memory_space<vmem>>)
      %dma_start3A_98 = arith.constant 0 : i32
      %dma_start3A_99 = tpu.memref_slice %arg9[%add3A_91, %dma_start3A_98] : memref<160x125xi32, #tpu.memory_space<vmem>> -> memref<1x125xi32, #tpu.memory_space<vmem>>
      %dma_start3A_100 = tpu.memref_squeeze %dma_start3A_99 : memref<1x125xi32, #tpu.memory_space<vmem>> -> memref<125xi32, #tpu.memory_space<vmem>>
      %dma_start3A_101 = arith.constant 0 : i32
      %dma_start3A_102 = arith.constant 0 : i32
      %dma_start3A_103 = tpu.memref_slice %arg22[%dma_start3A_101, %dma_start3A_102] : memref<10240x64xf32, #tpu.memory_space<vmem_shared>> -> memref<10240x64xf32, #tpu.memory_space<vmem_shared>>
      tpu.enqueue_indirect_dma source(%arg13 : memref<125x64xf32, #tpu.memory_space<vmem>>) target(%dma_start3A_103 : memref<10240x64xf32, #tpu.memory_space<vmem_shared>>) offsets(%dma_start3A_100 : memref<125xi32, #tpu.memory_space<vmem>>) semaphore(%arg21 : memref<!tpu.dma_semaphore, #tpu.memory_space<semaphore_mem>>) {add = true}
      %add3A_104 = arith.constant 0 : i32
      %add3A_105 = arith.addi %mul3A_49, %add3A_104 : i32
      %dma_wait3A_106 = arith.constant 0 : i32
      %dma_wait3A_107 = tpu.memref_slice %arg9[%add3A_105, %dma_wait3A_106] : memref<160x125xi32, #tpu.memory_space<vmem>> -> memref<1x125xi32, #tpu.memory_space<vmem>>
      %dma_wait3A_108 = tpu.memref_squeeze %dma_wait3A_107 : memref<1x125xi32, #tpu.memory_space<vmem>> -> memref<125xi32, #tpu.memory_space<vmem>>
      %dma_wait3A_109 = arith.constant 0 : i32
      %dma_wait3A_110 = arith.constant 0 : i32
      %dma_wait3A_111 = tpu.memref_slice %arg22[%dma_wait3A_109, %dma_wait3A_110] : memref<10240x64xf32, #tpu.memory_space<vmem_shared>> -> memref<10240x64xf32, #tpu.memory_space<vmem_shared>>
      tpu.wait_indirect_dma semaphore(%arg18 : memref<!tpu.dma_semaphore, #tpu.memory_space<semaphore_mem>>) src(%arg10 : memref<125x64xf32, #tpu.memory_space<vmem>>) dst(%dma_wait3A_111 : memref<10240x64xf32, #tpu.memory_space<vmem_shared>>)
      %add3A_112 = arith.constant 4 : i32
      %add3A_113 = arith.addi %add3A_105, %add3A_112 : i32
      %lt3A = arith.constant 160 : i32
      %lt3A_114 = arith.cmpi slt, %add3A_113, %lt3A : i32
      %convert_element_type3A_115 = arith.extui %lt3A_114 : i1 to i32
      %cond3A_116 = arith.constant 0 : i32
      %cond3A_117 = arith.cmpi ne, %convert_element_type3A_115, %cond3A_116 : i32
      scf.if %cond3A_117 {
        %dma_start3A_163 = arith.constant 0 : i32
        %dma_start3A_164 = tpu.memref_slice %arg8[%add3A_113, %dma_start3A_163] : memref<160x125xi32, #tpu.memory_space<vmem>> -> memref<1x125xi32, #tpu.memory_space<vmem>>
        %dma_start3A_165 = tpu.memref_squeeze %dma_start3A_164 : memref<1x125xi32, #tpu.memory_space<vmem>> -> memref<125xi32, #tpu.memory_space<vmem>>
        %dma_start3A_166 = arith.constant 0 : i32
        %dma_start3A_167 = arith.constant 0 : i32
        %dma_start3A_168 = tpu.memref_slice %arg2[%dma_start3A_166, %dma_start3A_167] : memref<20480x64xf32, #tpu.memory_space<hbm>> -> memref<20480x64xf32, #tpu.memory_space<hbm>>
        tpu.enqueue_indirect_dma source(%dma_start3A_168 : memref<20480x64xf32, #tpu.memory_space<hbm>>) target(%arg10 : memref<125x64xf32, #tpu.memory_space<vmem>>) offsets(%dma_start3A_165 : memref<125xi32, #tpu.memory_space<vmem>>) semaphore(%arg14 : memref<!tpu.dma_semaphore, #tpu.memory_space<semaphore_mem>>)
      } else {
      }
      %add3A_118 = arith.constant 1 : i32
      %add3A_119 = arith.addi %mul3A_49, %add3A_118 : i32
      %dma_wait3A_120 = arith.constant 0 : i32
      %dma_wait3A_121 = tpu.memref_slice %arg9[%add3A_119, %dma_wait3A_120] : memref<160x125xi32, #tpu.memory_space<vmem>> -> memref<1x125xi32, #tpu.memory_space<vmem>>
      %dma_wait3A_122 = tpu.memref_squeeze %dma_wait3A_121 : memref<1x125xi32, #tpu.memory_space<vmem>> -> memref<125xi32, #tpu.memory_space<vmem>>
      %dma_wait3A_123 = arith.constant 0 : i32
      %dma_wait3A_124 = arith.constant 0 : i32
      %dma_wait3A_125 = tpu.memref_slice %arg22[%dma_wait3A_123, %dma_wait3A_124] : memref<10240x64xf32, #tpu.memory_space<vmem_shared>> -> memref<10240x64xf32, #tpu.memory_space<vmem_shared>>
      tpu.wait_indirect_dma semaphore(%arg19 : memref<!tpu.dma_semaphore, #tpu.memory_space<semaphore_mem>>) src(%arg11 : memref<125x64xf32, #tpu.memory_space<vmem>>) dst(%dma_wait3A_125 : memref<10240x64xf32, #tpu.memory_space<vmem_shared>>)
      %add3A_126 = arith.constant 4 : i32
      %add3A_127 = arith.addi %add3A_119, %add3A_126 : i32
      %lt3A_128 = arith.constant 160 : i32
      %lt3A_129 = arith.cmpi slt, %add3A_127, %lt3A_128 : i32
      %convert_element_type3A_130 = arith.extui %lt3A_129 : i1 to i32
      %cond3A_131 = arith.constant 0 : i32
      %cond3A_132 = arith.cmpi ne, %convert_element_type3A_130, %cond3A_131 : i32
      scf.if %cond3A_132 {
        %dma_start3A_163 = arith.constant 0 : i32
        %dma_start3A_164 = tpu.memref_slice %arg8[%add3A_127, %dma_start3A_163] : memref<160x125xi32, #tpu.memory_space<vmem>> -> memref<1x125xi32, #tpu.memory_space<vmem>>
        %dma_start3A_165 = tpu.memref_squeeze %dma_start3A_164 : memref<1x125xi32, #tpu.memory_space<vmem>> -> memref<125xi32, #tpu.memory_space<vmem>>
        %dma_start3A_166 = arith.constant 0 : i32
        %dma_start3A_167 = arith.constant 0 : i32
        %dma_start3A_168 = tpu.memref_slice %arg2[%dma_start3A_166, %dma_start3A_167] : memref<20480x64xf32, #tpu.memory_space<hbm>> -> memref<20480x64xf32, #tpu.memory_space<hbm>>
        tpu.enqueue_indirect_dma source(%dma_start3A_168 : memref<20480x64xf32, #tpu.memory_space<hbm>>) target(%arg11 : memref<125x64xf32, #tpu.memory_space<vmem>>) offsets(%dma_start3A_165 : memref<125xi32, #tpu.memory_space<vmem>>) semaphore(%arg15 : memref<!tpu.dma_semaphore, #tpu.memory_space<semaphore_mem>>)
      } else {
      }
      %add3A_133 = arith.constant 2 : i32
      %add3A_134 = arith.addi %mul3A_49, %add3A_133 : i32
      %dma_wait3A_135 = arith.constant 0 : i32
      %dma_wait3A_136 = tpu.memref_slice %arg9[%add3A_134, %dma_wait3A_135] : memref<160x125xi32, #tpu.memory_space<vmem>> -> memref<1x125xi32, #tpu.memory_space<vmem>>
      %dma_wait3A_137 = tpu.memref_squeeze %dma_wait3A_136 : memref<1x125xi32, #tpu.memory_space<vmem>> -> memref<125xi32, #tpu.memory_space<vmem>>
      %dma_wait3A_138 = arith.constant 0 : i32
      %dma_wait3A_139 = arith.constant 0 : i32
      %dma_wait3A_140 = tpu.memref_slice %arg22[%dma_wait3A_138, %dma_wait3A_139] : memref<10240x64xf32, #tpu.memory_space<vmem_shared>> -> memref<10240x64xf32, #tpu.memory_space<vmem_shared>>
      tpu.wait_indirect_dma semaphore(%arg20 : memref<!tpu.dma_semaphore, #tpu.memory_space<semaphore_mem>>) src(%arg12 : memref<125x64xf32, #tpu.memory_space<vmem>>) dst(%dma_wait3A_140 : memref<10240x64xf32, #tpu.memory_space<vmem_shared>>)
      %add3A_141 = arith.constant 4 : i32
      %add3A_142 = arith.addi %add3A_134, %add3A_141 : i32
      %lt3A_143 = arith.constant 160 : i32
      %lt3A_144 = arith.cmpi slt, %add3A_142, %lt3A_143 : i32
      %convert_element_type3A_145 = arith.extui %lt3A_144 : i1 to i32
      %cond3A_146 = arith.constant 0 : i32
      %cond3A_147 = arith.cmpi ne, %convert_element_type3A_145, %cond3A_146 : i32
      scf.if %cond3A_147 {
        %dma_start3A_163 = arith.constant 0 : i32
        %dma_start3A_164 = tpu.memref_slice %arg8[%add3A_142, %dma_start3A_163] : memref<160x125xi32, #tpu.memory_space<vmem>> -> memref<1x125xi32, #tpu.memory_space<vmem>>
        %dma_start3A_165 = tpu.memref_squeeze %dma_start3A_164 : memref<1x125xi32, #tpu.memory_space<vmem>> -> memref<125xi32, #tpu.memory_space<vmem>>
        %dma_start3A_166 = arith.constant 0 : i32
        %dma_start3A_167 = arith.constant 0 : i32
        %dma_start3A_168 = tpu.memref_slice %arg2[%dma_start3A_166, %dma_start3A_167] : memref<20480x64xf32, #tpu.memory_space<hbm>> -> memref<20480x64xf32, #tpu.memory_space<hbm>>
        tpu.enqueue_indirect_dma source(%dma_start3A_168 : memref<20480x64xf32, #tpu.memory_space<hbm>>) target(%arg12 : memref<125x64xf32, #tpu.memory_space<vmem>>) offsets(%dma_start3A_165 : memref<125xi32, #tpu.memory_space<vmem>>) semaphore(%arg16 : memref<!tpu.dma_semaphore, #tpu.memory_space<semaphore_mem>>)
      } else {
      }
      %add3A_148 = arith.constant 3 : i32
      %add3A_149 = arith.addi %mul3A_49, %add3A_148 : i32
      %dma_wait3A_150 = arith.constant 0 : i32
      %dma_wait3A_151 = tpu.memref_slice %arg9[%add3A_149, %dma_wait3A_150] : memref<160x125xi32, #tpu.memory_space<vmem>> -> memref<1x125xi32, #tpu.memory_space<vmem>>
      %dma_wait3A_152 = tpu.memref_squeeze %dma_wait3A_151 : memref<1x125xi32, #tpu.memory_space<vmem>> -> memref<125xi32, #tpu.memory_space<vmem>>
      %dma_wait3A_153 = arith.constant 0 : i32
      %dma_wait3A_154 = arith.constant 0 : i32
      %dma_wait3A_155 = tpu.memref_slice %arg22[%dma_wait3A_153, %dma_wait3A_154] : memref<10240x64xf32, #tpu.memory_space<vmem_shared>> -> memref<10240x64xf32, #tpu.memory_space<vmem_shared>>
      tpu.wait_indirect_dma semaphore(%arg21 : memref<!tpu.dma_semaphore, #tpu.memory_space<semaphore_mem>>) src(%arg13 : memref<125x64xf32, #tpu.memory_space<vmem>>) dst(%dma_wait3A_155 : memref<10240x64xf32, #tpu.memory_space<vmem_shared>>)
      %add3A_156 = arith.constant 4 : i32
      %add3A_157 = arith.addi %add3A_149, %add3A_156 : i32
      %lt3A_158 = arith.constant 160 : i32
      %lt3A_159 = arith.cmpi slt, %add3A_157, %lt3A_158 : i32
      %convert_element_type3A_160 = arith.extui %lt3A_159 : i1 to i32
      %cond3A_161 = arith.constant 0 : i32
      %cond3A_162 = arith.cmpi ne, %convert_element_type3A_160, %cond3A_161 : i32
      scf.if %cond3A_162 {
        %dma_start3A_163 = arith.constant 0 : i32
        %dma_start3A_164 = tpu.memref_slice %arg8[%add3A_157, %dma_start3A_163] : memref<160x125xi32, #tpu.memory_space<vmem>> -> memref<1x125xi32, #tpu.memory_space<vmem>>
        %dma_start3A_165 = tpu.memref_squeeze %dma_start3A_164 : memref<1x125xi32, #tpu.memory_space<vmem>> -> memref<125xi32, #tpu.memory_space<vmem>>
        %dma_start3A_166 = arith.constant 0 : i32
        %dma_start3A_167 = arith.constant 0 : i32
        %dma_start3A_168 = tpu.memref_slice %arg2[%dma_start3A_166, %dma_start3A_167] : memref<20480x64xf32, #tpu.memory_space<hbm>> -> memref<20480x64xf32, #tpu.memory_space<hbm>>
        tpu.enqueue_indirect_dma source(%dma_start3A_168 : memref<20480x64xf32, #tpu.memory_space<hbm>>) target(%arg13 : memref<125x64xf32, #tpu.memory_space<vmem>>) offsets(%dma_start3A_165 : memref<125xi32, #tpu.memory_space<vmem>>) semaphore(%arg17 : memref<!tpu.dma_semaphore, #tpu.memory_space<semaphore_mem>>)
      } else {
      }
    }
    %scan3A_41 = arith.constant 40 : i32
    %barrier3A_42 = arith.constant 0 : index
    tpu.barrier barrier_id(%barrier3A_42)
    %mul3A_43 = arith.constant 640 : i32
    %mul3A_44 = arith.muli %arg1, %mul3A_43 : i32
    %mul3A_45 = arith.constant 640 : i32
    %mul3A_46 = arith.muli %arg1, %mul3A_45 : i32
    "tpu.region"() ({
      %run_scoped3A = tpu.sem_alloc : memref<!tpu.dma_semaphore, #tpu.memory_space<semaphore_mem>>
      %dma_start3A_47 = arith.constant 0 : i32
      %dma_start3A_48 = arith.constant 0 : i32
      %dma_start3A_49 = tpu.memref_slice %arg7[%arg0, %dma_start3A_47, %dma_start3A_48] : memref<2x10240x64xf32, #tpu.memory_space<hbm>> -> memref<1x10240x64xf32, #tpu.memory_space<hbm>>
      %dma_start3A_50 = tpu.memref_squeeze %dma_start3A_49 : memref<1x10240x64xf32, #tpu.memory_space<hbm>> -> memref<10240x64xf32, #tpu.memory_space<hbm>>
      %dma_start3A_51 = arith.constant 0 : i32
      %dma_start3A_52 = tpu.memref_slice %dma_start3A_50[%mul3A_46, %dma_start3A_51] : memref<10240x64xf32, #tpu.memory_space<hbm>> -> memref<640x64xf32, #tpu.memory_space<hbm>>
      %dma_start3A_53 = arith.constant 0 : i32
      %dma_start3A_54 = tpu.memref_slice %arg22[%mul3A_44, %dma_start3A_53] : memref<10240x64xf32, #tpu.memory_space<vmem_shared>> -> memref<640x64xf32, #tpu.memory_space<vmem_shared>>
      tpu.enqueue_dma source(%dma_start3A_54 : memref<640x64xf32, #tpu.memory_space<vmem_shared>>) target(%dma_start3A_52 : memref<640x64xf32, #tpu.memory_space<hbm>>) target_semaphore(%run_scoped3A : memref<!tpu.dma_semaphore, #tpu.memory_space<semaphore_mem>>)
      %dma_wait3A = arith.constant 0 : i32
      %dma_wait3A_55 = arith.constant 0 : i32
      %dma_wait3A_56 = tpu.memref_slice %arg7[%arg0, %dma_wait3A, %dma_wait3A_55] : memref<2x10240x64xf32, #tpu.memory_space<hbm>> -> memref<1x10240x64xf32, #tpu.memory_space<hbm>>
      %dma_wait3A_57 = tpu.memref_squeeze %dma_wait3A_56 : memref<1x10240x64xf32, #tpu.memory_space<hbm>> -> memref<10240x64xf32, #tpu.memory_space<hbm>>
      %dma_wait3A_58 = arith.constant 0 : i32
      %dma_wait3A_59 = tpu.memref_slice %dma_wait3A_57[%mul3A_46, %dma_wait3A_58] : memref<10240x64xf32, #tpu.memory_space<hbm>> -> memref<640x64xf32, #tpu.memory_space<hbm>>
      %dma_wait3A_60 = arith.constant 0 : i32
      %dma_wait3A_61 = tpu.memref_slice %arg22[%mul3A_44, %dma_wait3A_60] : memref<10240x64xf32, #tpu.memory_space<vmem_shared>> -> memref<640x64xf32, #tpu.memory_space<vmem_shared>>
      tpu.wait_dma2 semaphore(%run_scoped3A : memref<!tpu.dma_semaphore, #tpu.memory_space<semaphore_mem>>) src(%dma_wait3A_61 : memref<640x64xf32, #tpu.memory_space<vmem_shared>>) dst(%dma_wait3A_59 : memref<640x64xf32, #tpu.memory_space<hbm>>)
      tpu.yield
    }) : () -> ()
    return
  }
}

#map = affine_map<(d0, d1) -> (0, 0)>
#map1 = affine_map<(d0, d1) -> (0, 0, 0)>
module attributes {stable_mosaic.version = 14 : i64} {
  func.func @_agg_body(%arg0: i32, %arg1: i32, %arg2: memref<20480x64xf32, #tpu.memory_space<hbm>>, %arg3: memref<2560x125xi32, #tpu.memory_space<hbm>>, %arg4: memref<2560x125xi32, #tpu.memory_space<hbm>>, %arg5: memref<2560x125xi32, #tpu.memory_space<hbm>>, %arg6: memref<640x64xf32, #tpu.memory_space<hbm>>, %arg7: memref<2x10240x64xf32, #tpu.memory_space<hbm>>, %arg8: memref<160x125xi32, #tpu.memory_space<vmem>>, %arg9: memref<160x125xi32, #tpu.memory_space<vmem>>, %arg10: memref<125x64xf32, #tpu.memory_space<vmem>>, %arg11: memref<125x64xf32, #tpu.memory_space<vmem>>, %arg12: memref<125x64xf32, #tpu.memory_space<vmem>>, %arg13: memref<125x64xf32, #tpu.memory_space<vmem>>, %arg14: memref<!tpu.dma_semaphore, #tpu.memory_space<semaphore_mem>>, %arg15: memref<!tpu.dma_semaphore, #tpu.memory_space<semaphore_mem>>, %arg16: memref<!tpu.dma_semaphore, #tpu.memory_space<semaphore_mem>>, %arg17: memref<!tpu.dma_semaphore, #tpu.memory_space<semaphore_mem>>, %arg18: memref<!tpu.dma_semaphore, #tpu.memory_space<semaphore_mem>>, %arg19: memref<!tpu.dma_semaphore, #tpu.memory_space<semaphore_mem>>, %arg20: memref<!tpu.dma_semaphore, #tpu.memory_space<semaphore_mem>>, %arg21: memref<!tpu.dma_semaphore, #tpu.memory_space<semaphore_mem>>, %arg22: memref<10240x64xf32, #tpu.memory_space<vmem_shared>>) attributes {dimension_semantics = [#tpu.dimension_semantics<core_parallel>, #tpu.dimension_semantics<subcore_parallel>], iteration_bounds = array<i64: 2, 16>, scalar_prefetch = 0 : i64, scratch_operands = 15 : i64, tpu.core_type = #tpu.core_type<sc_vector_subcore>, window_params = [{transform_indices = #map}, {transform_indices = #map}, {transform_indices = #map}, {transform_indices = #map}, {transform_indices = #map}, {transform_indices = #map1}]} {
    %mul3A = arith.constant 640 : i32
    %mul3A_0 = arith.muli %arg1, %mul3A : i32
    "tpu.region"() ({
      %run_scoped3A = tpu.sem_alloc : memref<!tpu.dma_semaphore, #tpu.memory_space<semaphore_mem>>
      %dma_start3A_47 = arith.constant 0 : i32
      %dma_start3A_48 = tpu.memref_slice %arg22[%mul3A_0, %dma_start3A_47] : memref<10240x64xf32, #tpu.memory_space<vmem_shared>> -> memref<640x64xf32, #tpu.memory_space<vmem_shared>>
      tpu.enqueue_dma source(%arg6 : memref<640x64xf32, #tpu.memory_space<hbm>>) target(%dma_start3A_48 : memref<640x64xf32, #tpu.memory_space<vmem_shared>>) target_semaphore(%run_scoped3A : memref<!tpu.dma_semaphore, #tpu.memory_space<semaphore_mem>>)
      %dma_wait3A = arith.constant 0 : i32
      %dma_wait3A_49 = tpu.memref_slice %arg22[%mul3A_0, %dma_wait3A] : memref<10240x64xf32, #tpu.memory_space<vmem_shared>> -> memref<640x64xf32, #tpu.memory_space<vmem_shared>>
      tpu.wait_dma2 semaphore(%run_scoped3A : memref<!tpu.dma_semaphore, #tpu.memory_space<semaphore_mem>>) src(%arg6 : memref<640x64xf32, #tpu.memory_space<hbm>>) dst(%dma_wait3A_49 : memref<640x64xf32, #tpu.memory_space<vmem_shared>>)
      tpu.yield
    }) : () -> ()
    %eq3A = arith.constant 0 : i32
    %eq3A_1 = arith.cmpi eq, %arg0, %eq3A : i32
    %convert_element_type3A = arith.extui %eq3A_1 : i1 to i32
    %cond3A = arith.constant 0 : i32
    %cond3A_2 = arith.cmpi ne, %convert_element_type3A, %cond3A : i32
    scf.if %cond3A_2 {
      %mul3A_47 = arith.constant 160 : i32
      %mul3A_48 = arith.muli %arg1, %mul3A_47 : i32
      "tpu.region"() ({
        %run_scoped3A = tpu.sem_alloc : memref<!tpu.dma_semaphore, #tpu.memory_space<semaphore_mem>>
        %dma_start3A_49 = arith.constant 0 : i32
        %dma_start3A_50 = tpu.memref_slice %arg3[%mul3A_48, %dma_start3A_49] : memref<2560x125xi32, #tpu.memory_space<hbm>> -> memref<160x125xi32, #tpu.memory_space<hbm>>
        %dma_start3A_51 = arith.constant 0 : i32
        %dma_start3A_52 = tpu.memref_slice %arg3[%mul3A_48, %dma_start3A_51] : memref<2560x125xi32, #tpu.memory_space<hbm>> -> memref<160x125xi32, #tpu.memory_space<hbm>>
        tpu.enqueue_dma source(%dma_start3A_52 : memref<160x125xi32, #tpu.memory_space<hbm>>) target(%arg8 : memref<160x125xi32, #tpu.memory_space<vmem>>) target_semaphore(%run_scoped3A : memref<!tpu.dma_semaphore, #tpu.memory_space<semaphore_mem>>)
        %dma_wait3A = arith.constant 0 : i32
        %dma_wait3A_53 = tpu.memref_slice %arg3[%mul3A_48, %dma_wait3A] : memref<2560x125xi32, #tpu.memory_space<hbm>> -> memref<160x125xi32, #tpu.memory_space<hbm>>
        %dma_wait3A_54 = arith.constant 0 : i32
        %dma_wait3A_55 = tpu.memref_slice %arg3[%mul3A_48, %dma_wait3A_54] : memref<2560x125xi32, #tpu.memory_space<hbm>> -> memref<160x125xi32, #tpu.memory_space<hbm>>
        tpu.wait_dma2 semaphore(%run_scoped3A : memref<!tpu.dma_semaphore, #tpu.memory_space<semaphore_mem>>) src(%dma_wait3A_55 : memref<160x125xi32, #tpu.memory_space<hbm>>) dst(%arg8 : memref<160x125xi32, #tpu.memory_space<vmem>>)
        tpu.yield
      }) : () -> ()
    } else {
    }
    %eq3A_3 = arith.constant 1 : i32
    %eq3A_4 = arith.cmpi eq, %arg0, %eq3A_3 : i32
    %convert_element_type3A_5 = arith.extui %eq3A_4 : i1 to i32
    %cond3A_6 = arith.constant 0 : i32
    %cond3A_7 = arith.cmpi ne, %convert_element_type3A_5, %cond3A_6 : i32
    scf.if %cond3A_7 {
      %mul3A_47 = arith.constant 160 : i32
      %mul3A_48 = arith.muli %arg1, %mul3A_47 : i32
      "tpu.region"() ({
        %run_scoped3A = tpu.sem_alloc : memref<!tpu.dma_semaphore, #tpu.memory_space<semaphore_mem>>
        %dma_start3A_49 = arith.constant 0 : i32
        %dma_start3A_50 = tpu.memref_slice %arg4[%mul3A_48, %dma_start3A_49] : memref<2560x125xi32, #tpu.memory_space<hbm>> -> memref<160x125xi32, #tpu.memory_space<hbm>>
        %dma_start3A_51 = arith.constant 0 : i32
        %dma_start3A_52 = tpu.memref_slice %arg4[%mul3A_48, %dma_start3A_51] : memref<2560x125xi32, #tpu.memory_space<hbm>> -> memref<160x125xi32, #tpu.memory_space<hbm>>
        tpu.enqueue_dma source(%dma_start3A_52 : memref<160x125xi32, #tpu.memory_space<hbm>>) target(%arg8 : memref<160x125xi32, #tpu.memory_space<vmem>>) target_semaphore(%run_scoped3A : memref<!tpu.dma_semaphore, #tpu.memory_space<semaphore_mem>>)
        %dma_wait3A = arith.constant 0 : i32
        %dma_wait3A_53 = tpu.memref_slice %arg4[%mul3A_48, %dma_wait3A] : memref<2560x125xi32, #tpu.memory_space<hbm>> -> memref<160x125xi32, #tpu.memory_space<hbm>>
        %dma_wait3A_54 = arith.constant 0 : i32
        %dma_wait3A_55 = tpu.memref_slice %arg4[%mul3A_48, %dma_wait3A_54] : memref<2560x125xi32, #tpu.memory_space<hbm>> -> memref<160x125xi32, #tpu.memory_space<hbm>>
        tpu.wait_dma2 semaphore(%run_scoped3A : memref<!tpu.dma_semaphore, #tpu.memory_space<semaphore_mem>>) src(%dma_wait3A_55 : memref<160x125xi32, #tpu.memory_space<hbm>>) dst(%arg8 : memref<160x125xi32, #tpu.memory_space<vmem>>)
        tpu.yield
      }) : () -> ()
    } else {
    }
    %mul3A_8 = arith.constant 160 : i32
    %mul3A_9 = arith.muli %arg1, %mul3A_8 : i32
    "tpu.region"() ({
      %run_scoped3A = tpu.sem_alloc : memref<!tpu.dma_semaphore, #tpu.memory_space<semaphore_mem>>
      %dma_start3A_47 = arith.constant 0 : i32
      %dma_start3A_48 = tpu.memref_slice %arg5[%mul3A_9, %dma_start3A_47] : memref<2560x125xi32, #tpu.memory_space<hbm>> -> memref<160x125xi32, #tpu.memory_space<hbm>>
      %dma_start3A_49 = arith.constant 0 : i32
      %dma_start3A_50 = tpu.memref_slice %arg5[%mul3A_9, %dma_start3A_49] : memref<2560x125xi32, #tpu.memory_space<hbm>> -> memref<160x125xi32, #tpu.memory_space<hbm>>
      tpu.enqueue_dma source(%dma_start3A_50 : memref<160x125xi32, #tpu.memory_space<hbm>>) target(%arg9 : memref<160x125xi32, #tpu.memory_space<vmem>>) target_semaphore(%run_scoped3A : memref<!tpu.dma_semaphore, #tpu.memory_space<semaphore_mem>>)
      %dma_wait3A = arith.constant 0 : i32
      %dma_wait3A_51 = tpu.memref_slice %arg5[%mul3A_9, %dma_wait3A] : memref<2560x125xi32, #tpu.memory_space<hbm>> -> memref<160x125xi32, #tpu.memory_space<hbm>>
      %dma_wait3A_52 = arith.constant 0 : i32
      %dma_wait3A_53 = tpu.memref_slice %arg5[%mul3A_9, %dma_wait3A_52] : memref<2560x125xi32, #tpu.memory_space<hbm>> -> memref<160x125xi32, #tpu.memory_space<hbm>>
      tpu.wait_dma2 semaphore(%run_scoped3A : memref<!tpu.dma_semaphore, #tpu.memory_space<semaphore_mem>>) src(%dma_wait3A_53 : memref<160x125xi32, #tpu.memory_space<hbm>>) dst(%arg9 : memref<160x125xi32, #tpu.memory_space<vmem>>)
      tpu.yield
    }) : () -> ()
    %barrier3A = arith.constant 0 : index
    tpu.barrier barrier_id(%barrier3A)
    %dma_start3A = arith.constant 0 : i32
    %dma_start3A_10 = arith.constant 0 : i32
    %dma_start3A_11 = tpu.memref_slice %arg8[%dma_start3A, %dma_start3A_10] : memref<160x125xi32, #tpu.memory_space<vmem>> -> memref<1x125xi32, #tpu.memory_space<vmem>>
    %dma_start3A_12 = tpu.memref_squeeze %dma_start3A_11 : memref<1x125xi32, #tpu.memory_space<vmem>> -> memref<125xi32, #tpu.memory_space<vmem>>
    %dma_start3A_13 = arith.constant 0 : i32
    %dma_start3A_14 = arith.constant 0 : i32
    %dma_start3A_15 = tpu.memref_slice %arg2[%dma_start3A_13, %dma_start3A_14] : memref<20480x64xf32, #tpu.memory_space<hbm>> -> memref<20480x64xf32, #tpu.memory_space<hbm>>
    tpu.enqueue_indirect_dma source(%dma_start3A_15 : memref<20480x64xf32, #tpu.memory_space<hbm>>) target(%arg10 : memref<125x64xf32, #tpu.memory_space<vmem>>) offsets(%dma_start3A_12 : memref<125xi32, #tpu.memory_space<vmem>>) semaphore(%arg14 : memref<!tpu.dma_semaphore, #tpu.memory_space<semaphore_mem>>)
    %dma_start3A_16 = arith.constant 1 : i32
    %dma_start3A_17 = arith.constant 0 : i32
    %dma_start3A_18 = tpu.memref_slice %arg8[%dma_start3A_16, %dma_start3A_17] : memref<160x125xi32, #tpu.memory_space<vmem>> -> memref<1x125xi32, #tpu.memory_space<vmem>>
    %dma_start3A_19 = tpu.memref_squeeze %dma_start3A_18 : memref<1x125xi32, #tpu.memory_space<vmem>> -> memref<125xi32, #tpu.memory_space<vmem>>
    %dma_start3A_20 = arith.constant 0 : i32
    %dma_start3A_21 = arith.constant 0 : i32
    %dma_start3A_22 = tpu.memref_slice %arg2[%dma_start3A_20, %dma_start3A_21] : memref<20480x64xf32, #tpu.memory_space<hbm>> -> memref<20480x64xf32, #tpu.memory_space<hbm>>
    tpu.enqueue_indirect_dma source(%dma_start3A_22 : memref<20480x64xf32, #tpu.memory_space<hbm>>) target(%arg11 : memref<125x64xf32, #tpu.memory_space<vmem>>) offsets(%dma_start3A_19 : memref<125xi32, #tpu.memory_space<vmem>>) semaphore(%arg15 : memref<!tpu.dma_semaphore, #tpu.memory_space<semaphore_mem>>)
    %dma_start3A_23 = arith.constant 2 : i32
    %dma_start3A_24 = arith.constant 0 : i32
    %dma_start3A_25 = tpu.memref_slice %arg8[%dma_start3A_23, %dma_start3A_24] : memref<160x125xi32, #tpu.memory_space<vmem>> -> memref<1x125xi32, #tpu.memory_space<vmem>>
    %dma_start3A_26 = tpu.memref_squeeze %dma_start3A_25 : memref<1x125xi32, #tpu.memory_space<vmem>> -> memref<125xi32, #tpu.memory_space<vmem>>
    %dma_start3A_27 = arith.constant 0 : i32
    %dma_start3A_28 = arith.constant 0 : i32
    %dma_start3A_29 = tpu.memref_slice %arg2[%dma_start3A_27, %dma_start3A_28] : memref<20480x64xf32, #tpu.memory_space<hbm>> -> memref<20480x64xf32, #tpu.memory_space<hbm>>
    tpu.enqueue_indirect_dma source(%dma_start3A_29 : memref<20480x64xf32, #tpu.memory_space<hbm>>) target(%arg12 : memref<125x64xf32, #tpu.memory_space<vmem>>) offsets(%dma_start3A_26 : memref<125xi32, #tpu.memory_space<vmem>>) semaphore(%arg16 : memref<!tpu.dma_semaphore, #tpu.memory_space<semaphore_mem>>)
    %dma_start3A_30 = arith.constant 3 : i32
    %dma_start3A_31 = arith.constant 0 : i32
    %dma_start3A_32 = tpu.memref_slice %arg8[%dma_start3A_30, %dma_start3A_31] : memref<160x125xi32, #tpu.memory_space<vmem>> -> memref<1x125xi32, #tpu.memory_space<vmem>>
    %dma_start3A_33 = tpu.memref_squeeze %dma_start3A_32 : memref<1x125xi32, #tpu.memory_space<vmem>> -> memref<125xi32, #tpu.memory_space<vmem>>
    %dma_start3A_34 = arith.constant 0 : i32
    %dma_start3A_35 = arith.constant 0 : i32
    %dma_start3A_36 = tpu.memref_slice %arg2[%dma_start3A_34, %dma_start3A_35] : memref<20480x64xf32, #tpu.memory_space<hbm>> -> memref<20480x64xf32, #tpu.memory_space<hbm>>
    tpu.enqueue_indirect_dma source(%dma_start3A_36 : memref<20480x64xf32, #tpu.memory_space<hbm>>) target(%arg13 : memref<125x64xf32, #tpu.memory_space<vmem>>) offsets(%dma_start3A_33 : memref<125xi32, #tpu.memory_space<vmem>>) semaphore(%arg17 : memref<!tpu.dma_semaphore, #tpu.memory_space<semaphore_mem>>)
    %scan3A = arith.constant 0 : i32
    %scan3A_37 = arith.constant 0 : i32
    %scan3A_38 = arith.constant 40 : i32
    %scan3A_39 = arith.addi %scan3A_37, %scan3A_38 : i32
    %scan3A_40 = arith.constant 1 : i32
    scf.for %scan3A_47 = %scan3A_37 to %scan3A_39 step %scan3A_40  : i32 {
      %mul3A_48 = arith.constant 4 : i32
      %mul3A_49 = arith.muli %scan3A_47, %mul3A_48 : i32
      %add3A = arith.constant 0 : i32
      %add3A_50 = arith.addi %mul3A_49, %add3A : i32
      %dma_wait3A = arith.constant 0 : i32
      %dma_wait3A_51 = tpu.memref_slice %arg8[%add3A_50, %dma_wait3A] : memref<160x125xi32, #tpu.memory_space<vmem>> -> memref<1x125xi32, #tpu.memory_space<vmem>>
      %dma_wait3A_52 = tpu.memref_squeeze %dma_wait3A_51 : memref<1x125xi32, #tpu.memory_space<vmem>> -> memref<125xi32, #tpu.memory_space<vmem>>
      %dma_wait3A_53 = arith.constant 0 : i32
      %dma_wait3A_54 = arith.constant 0 : i32
      %dma_wait3A_55 = tpu.memref_slice %arg2[%dma_wait3A_53, %dma_wait3A_54] : memref<20480x64xf32, #tpu.memory_space<hbm>> -> memref<20480x64xf32, #tpu.memory_space<hbm>>
      tpu.wait_indirect_dma semaphore(%arg14 : memref<!tpu.dma_semaphore, #tpu.memory_space<semaphore_mem>>) src(%dma_wait3A_55 : memref<20480x64xf32, #tpu.memory_space<hbm>>) dst(%arg10 : memref<125x64xf32, #tpu.memory_space<vmem>>)
      %dma_start3A_56 = arith.constant 0 : i32
      %dma_start3A_57 = tpu.memref_slice %arg9[%add3A_50, %dma_start3A_56] : memref<160x125xi32, #tpu.memory_space<vmem>> -> memref<1x125xi32, #tpu.memory_space<vmem>>
      %dma_start3A_58 = tpu.memref_squeeze %dma_start3A_57 : memref<1x125xi32, #tpu.memory_space<vmem>> -> memref<125xi32, #tpu.memory_space<vmem>>
      %dma_start3A_59 = arith.constant 0 : i32
      %dma_start3A_60 = arith.constant 0 : i32
      %dma_start3A_61 = tpu.memref_slice %arg22[%dma_start3A_59, %dma_start3A_60] : memref<10240x64xf32, #tpu.memory_space<vmem_shared>> -> memref<10240x64xf32, #tpu.memory_space<vmem_shared>>
      tpu.enqueue_indirect_dma source(%arg10 : memref<125x64xf32, #tpu.memory_space<vmem>>) target(%dma_start3A_61 : memref<10240x64xf32, #tpu.memory_space<vmem_shared>>) offsets(%dma_start3A_58 : memref<125xi32, #tpu.memory_space<vmem>>) semaphore(%arg18 : memref<!tpu.dma_semaphore, #tpu.memory_space<semaphore_mem>>) {add = true}
      %add3A_62 = arith.constant 1 : i32
      %add3A_63 = arith.addi %mul3A_49, %add3A_62 : i32
      %dma_wait3A_64 = arith.constant 0 : i32
      %dma_wait3A_65 = tpu.memref_slice %arg8[%add3A_63, %dma_wait3A_64] : memref<160x125xi32, #tpu.memory_space<vmem>> -> memref<1x125xi32, #tpu.memory_space<vmem>>
      %dma_wait3A_66 = tpu.memref_squeeze %dma_wait3A_65 : memref<1x125xi32, #tpu.memory_space<vmem>> -> memref<125xi32, #tpu.memory_space<vmem>>
      %dma_wait3A_67 = arith.constant 0 : i32
      %dma_wait3A_68 = arith.constant 0 : i32
      %dma_wait3A_69 = tpu.memref_slice %arg2[%dma_wait3A_67, %dma_wait3A_68] : memref<20480x64xf32, #tpu.memory_space<hbm>> -> memref<20480x64xf32, #tpu.memory_space<hbm>>
      tpu.wait_indirect_dma semaphore(%arg15 : memref<!tpu.dma_semaphore, #tpu.memory_space<semaphore_mem>>) src(%dma_wait3A_69 : memref<20480x64xf32, #tpu.memory_space<hbm>>) dst(%arg11 : memref<125x64xf32, #tpu.memory_space<vmem>>)
      %dma_start3A_70 = arith.constant 0 : i32
      %dma_start3A_71 = tpu.memref_slice %arg9[%add3A_63, %dma_start3A_70] : memref<160x125xi32, #tpu.memory_space<vmem>> -> memref<1x125xi32, #tpu.memory_space<vmem>>
      %dma_start3A_72 = tpu.memref_squeeze %dma_start3A_71 : memref<1x125xi32, #tpu.memory_space<vmem>> -> memref<125xi32, #tpu.memory_space<vmem>>
      %dma_start3A_73 = arith.constant 0 : i32
      %dma_start3A_74 = arith.constant 0 : i32
      %dma_start3A_75 = tpu.memref_slice %arg22[%dma_start3A_73, %dma_start3A_74] : memref<10240x64xf32, #tpu.memory_space<vmem_shared>> -> memref<10240x64xf32, #tpu.memory_space<vmem_shared>>
      tpu.enqueue_indirect_dma source(%arg11 : memref<125x64xf32, #tpu.memory_space<vmem>>) target(%dma_start3A_75 : memref<10240x64xf32, #tpu.memory_space<vmem_shared>>) offsets(%dma_start3A_72 : memref<125xi32, #tpu.memory_space<vmem>>) semaphore(%arg19 : memref<!tpu.dma_semaphore, #tpu.memory_space<semaphore_mem>>) {add = true}
      %add3A_76 = arith.constant 2 : i32
      %add3A_77 = arith.addi %mul3A_49, %add3A_76 : i32
      %dma_wait3A_78 = arith.constant 0 : i32
      %dma_wait3A_79 = tpu.memref_slice %arg8[%add3A_77, %dma_wait3A_78] : memref<160x125xi32, #tpu.memory_space<vmem>> -> memref<1x125xi32, #tpu.memory_space<vmem>>
      %dma_wait3A_80 = tpu.memref_squeeze %dma_wait3A_79 : memref<1x125xi32, #tpu.memory_space<vmem>> -> memref<125xi32, #tpu.memory_space<vmem>>
      %dma_wait3A_81 = arith.constant 0 : i32
      %dma_wait3A_82 = arith.constant 0 : i32
      %dma_wait3A_83 = tpu.memref_slice %arg2[%dma_wait3A_81, %dma_wait3A_82] : memref<20480x64xf32, #tpu.memory_space<hbm>> -> memref<20480x64xf32, #tpu.memory_space<hbm>>
      tpu.wait_indirect_dma semaphore(%arg16 : memref<!tpu.dma_semaphore, #tpu.memory_space<semaphore_mem>>) src(%dma_wait3A_83 : memref<20480x64xf32, #tpu.memory_space<hbm>>) dst(%arg12 : memref<125x64xf32, #tpu.memory_space<vmem>>)
      %dma_start3A_84 = arith.constant 0 : i32
      %dma_start3A_85 = tpu.memref_slice %arg9[%add3A_77, %dma_start3A_84] : memref<160x125xi32, #tpu.memory_space<vmem>> -> memref<1x125xi32, #tpu.memory_space<vmem>>
      %dma_start3A_86 = tpu.memref_squeeze %dma_start3A_85 : memref<1x125xi32, #tpu.memory_space<vmem>> -> memref<125xi32, #tpu.memory_space<vmem>>
      %dma_start3A_87 = arith.constant 0 : i32
      %dma_start3A_88 = arith.constant 0 : i32
      %dma_start3A_89 = tpu.memref_slice %arg22[%dma_start3A_87, %dma_start3A_88] : memref<10240x64xf32, #tpu.memory_space<vmem_shared>> -> memref<10240x64xf32, #tpu.memory_space<vmem_shared>>
      tpu.enqueue_indirect_dma source(%arg12 : memref<125x64xf32, #tpu.memory_space<vmem>>) target(%dma_start3A_89 : memref<10240x64xf32, #tpu.memory_space<vmem_shared>>) offsets(%dma_start3A_86 : memref<125xi32, #tpu.memory_space<vmem>>) semaphore(%arg20 : memref<!tpu.dma_semaphore, #tpu.memory_space<semaphore_mem>>) {add = true}
      %add3A_90 = arith.constant 3 : i32
      %add3A_91 = arith.addi %mul3A_49, %add3A_90 : i32
      %dma_wait3A_92 = arith.constant 0 : i32
      %dma_wait3A_93 = tpu.memref_slice %arg8[%add3A_91, %dma_wait3A_92] : memref<160x125xi32, #tpu.memory_space<vmem>> -> memref<1x125xi32, #tpu.memory_space<vmem>>
      %dma_wait3A_94 = tpu.memref_squeeze %dma_wait3A_93 : memref<1x125xi32, #tpu.memory_space<vmem>> -> memref<125xi32, #tpu.memory_space<vmem>>
      %dma_wait3A_95 = arith.constant 0 : i32
      %dma_wait3A_96 = arith.constant 0 : i32
      %dma_wait3A_97 = tpu.memref_slice %arg2[%dma_wait3A_95, %dma_wait3A_96] : memref<20480x64xf32, #tpu.memory_space<hbm>> -> memref<20480x64xf32, #tpu.memory_space<hbm>>
      tpu.wait_indirect_dma semaphore(%arg17 : memref<!tpu.dma_semaphore, #tpu.memory_space<semaphore_mem>>) src(%dma_wait3A_97 : memref<20480x64xf32, #tpu.memory_space<hbm>>) dst(%arg13 : memref<125x64xf32, #tpu.memory_space<vmem>>)
      %dma_start3A_98 = arith.constant 0 : i32
      %dma_start3A_99 = tpu.memref_slice %arg9[%add3A_91, %dma_start3A_98] : memref<160x125xi32, #tpu.memory_space<vmem>> -> memref<1x125xi32, #tpu.memory_space<vmem>>
      %dma_start3A_100 = tpu.memref_squeeze %dma_start3A_99 : memref<1x125xi32, #tpu.memory_space<vmem>> -> memref<125xi32, #tpu.memory_space<vmem>>
      %dma_start3A_101 = arith.constant 0 : i32
      %dma_start3A_102 = arith.constant 0 : i32
      %dma_start3A_103 = tpu.memref_slice %arg22[%dma_start3A_101, %dma_start3A_102] : memref<10240x64xf32, #tpu.memory_space<vmem_shared>> -> memref<10240x64xf32, #tpu.memory_space<vmem_shared>>
      tpu.enqueue_indirect_dma source(%arg13 : memref<125x64xf32, #tpu.memory_space<vmem>>) target(%dma_start3A_103 : memref<10240x64xf32, #tpu.memory_space<vmem_shared>>) offsets(%dma_start3A_100 : memref<125xi32, #tpu.memory_space<vmem>>) semaphore(%arg21 : memref<!tpu.dma_semaphore, #tpu.memory_space<semaphore_mem>>) {add = true}
      %add3A_104 = arith.constant 0 : i32
      %add3A_105 = arith.addi %mul3A_49, %add3A_104 : i32
      %dma_wait3A_106 = arith.constant 0 : i32
      %dma_wait3A_107 = tpu.memref_slice %arg9[%add3A_105, %dma_wait3A_106] : memref<160x125xi32, #tpu.memory_space<vmem>> -> memref<1x125xi32, #tpu.memory_space<vmem>>
      %dma_wait3A_108 = tpu.memref_squeeze %dma_wait3A_107 : memref<1x125xi32, #tpu.memory_space<vmem>> -> memref<125xi32, #tpu.memory_space<vmem>>
      %dma_wait3A_109 = arith.constant 0 : i32
      %dma_wait3A_110 = arith.constant 0 : i32
      %dma_wait3A_111 = tpu.memref_slice %arg22[%dma_wait3A_109, %dma_wait3A_110] : memref<10240x64xf32, #tpu.memory_space<vmem_shared>> -> memref<10240x64xf32, #tpu.memory_space<vmem_shared>>
      tpu.wait_indirect_dma semaphore(%arg18 : memref<!tpu.dma_semaphore, #tpu.memory_space<semaphore_mem>>) src(%arg10 : memref<125x64xf32, #tpu.memory_space<vmem>>) dst(%dma_wait3A_111 : memref<10240x64xf32, #tpu.memory_space<vmem_shared>>)
      %add3A_112 = arith.constant 4 : i32
      %add3A_113 = arith.addi %add3A_105, %add3A_112 : i32
      %lt3A = arith.constant 160 : i32
      %lt3A_114 = arith.cmpi slt, %add3A_113, %lt3A : i32
      %convert_element_type3A_115 = arith.extui %lt3A_114 : i1 to i32
      %cond3A_116 = arith.constant 0 : i32
      %cond3A_117 = arith.cmpi ne, %convert_element_type3A_115, %cond3A_116 : i32
      scf.if %cond3A_117 {
        %dma_start3A_163 = arith.constant 0 : i32
        %dma_start3A_164 = tpu.memref_slice %arg8[%add3A_113, %dma_start3A_163] : memref<160x125xi32, #tpu.memory_space<vmem>> -> memref<1x125xi32, #tpu.memory_space<vmem>>
        %dma_start3A_165 = tpu.memref_squeeze %dma_start3A_164 : memref<1x125xi32, #tpu.memory_space<vmem>> -> memref<125xi32, #tpu.memory_space<vmem>>
        %dma_start3A_166 = arith.constant 0 : i32
        %dma_start3A_167 = arith.constant 0 : i32
        %dma_start3A_168 = tpu.memref_slice %arg2[%dma_start3A_166, %dma_start3A_167] : memref<20480x64xf32, #tpu.memory_space<hbm>> -> memref<20480x64xf32, #tpu.memory_space<hbm>>
        tpu.enqueue_indirect_dma source(%dma_start3A_168 : memref<20480x64xf32, #tpu.memory_space<hbm>>) target(%arg10 : memref<125x64xf32, #tpu.memory_space<vmem>>) offsets(%dma_start3A_165 : memref<125xi32, #tpu.memory_space<vmem>>) semaphore(%arg14 : memref<!tpu.dma_semaphore, #tpu.memory_space<semaphore_mem>>)
      } else {
      }
      %add3A_118 = arith.constant 1 : i32
      %add3A_119 = arith.addi %mul3A_49, %add3A_118 : i32
      %dma_wait3A_120 = arith.constant 0 : i32
      %dma_wait3A_121 = tpu.memref_slice %arg9[%add3A_119, %dma_wait3A_120] : memref<160x125xi32, #tpu.memory_space<vmem>> -> memref<1x125xi32, #tpu.memory_space<vmem>>
      %dma_wait3A_122 = tpu.memref_squeeze %dma_wait3A_121 : memref<1x125xi32, #tpu.memory_space<vmem>> -> memref<125xi32, #tpu.memory_space<vmem>>
      %dma_wait3A_123 = arith.constant 0 : i32
      %dma_wait3A_124 = arith.constant 0 : i32
      %dma_wait3A_125 = tpu.memref_slice %arg22[%dma_wait3A_123, %dma_wait3A_124] : memref<10240x64xf32, #tpu.memory_space<vmem_shared>> -> memref<10240x64xf32, #tpu.memory_space<vmem_shared>>
      tpu.wait_indirect_dma semaphore(%arg19 : memref<!tpu.dma_semaphore, #tpu.memory_space<semaphore_mem>>) src(%arg11 : memref<125x64xf32, #tpu.memory_space<vmem>>) dst(%dma_wait3A_125 : memref<10240x64xf32, #tpu.memory_space<vmem_shared>>)
      %add3A_126 = arith.constant 4 : i32
      %add3A_127 = arith.addi %add3A_119, %add3A_126 : i32
      %lt3A_128 = arith.constant 160 : i32
      %lt3A_129 = arith.cmpi slt, %add3A_127, %lt3A_128 : i32
      %convert_element_type3A_130 = arith.extui %lt3A_129 : i1 to i32
      %cond3A_131 = arith.constant 0 : i32
      %cond3A_132 = arith.cmpi ne, %convert_element_type3A_130, %cond3A_131 : i32
      scf.if %cond3A_132 {
        %dma_start3A_163 = arith.constant 0 : i32
        %dma_start3A_164 = tpu.memref_slice %arg8[%add3A_127, %dma_start3A_163] : memref<160x125xi32, #tpu.memory_space<vmem>> -> memref<1x125xi32, #tpu.memory_space<vmem>>
        %dma_start3A_165 = tpu.memref_squeeze %dma_start3A_164 : memref<1x125xi32, #tpu.memory_space<vmem>> -> memref<125xi32, #tpu.memory_space<vmem>>
        %dma_start3A_166 = arith.constant 0 : i32
        %dma_start3A_167 = arith.constant 0 : i32
        %dma_start3A_168 = tpu.memref_slice %arg2[%dma_start3A_166, %dma_start3A_167] : memref<20480x64xf32, #tpu.memory_space<hbm>> -> memref<20480x64xf32, #tpu.memory_space<hbm>>
        tpu.enqueue_indirect_dma source(%dma_start3A_168 : memref<20480x64xf32, #tpu.memory_space<hbm>>) target(%arg11 : memref<125x64xf32, #tpu.memory_space<vmem>>) offsets(%dma_start3A_165 : memref<125xi32, #tpu.memory_space<vmem>>) semaphore(%arg15 : memref<!tpu.dma_semaphore, #tpu.memory_space<semaphore_mem>>)
      } else {
      }
      %add3A_133 = arith.constant 2 : i32
      %add3A_134 = arith.addi %mul3A_49, %add3A_133 : i32
      %dma_wait3A_135 = arith.constant 0 : i32
      %dma_wait3A_136 = tpu.memref_slice %arg9[%add3A_134, %dma_wait3A_135] : memref<160x125xi32, #tpu.memory_space<vmem>> -> memref<1x125xi32, #tpu.memory_space<vmem>>
      %dma_wait3A_137 = tpu.memref_squeeze %dma_wait3A_136 : memref<1x125xi32, #tpu.memory_space<vmem>> -> memref<125xi32, #tpu.memory_space<vmem>>
      %dma_wait3A_138 = arith.constant 0 : i32
      %dma_wait3A_139 = arith.constant 0 : i32
      %dma_wait3A_140 = tpu.memref_slice %arg22[%dma_wait3A_138, %dma_wait3A_139] : memref<10240x64xf32, #tpu.memory_space<vmem_shared>> -> memref<10240x64xf32, #tpu.memory_space<vmem_shared>>
      tpu.wait_indirect_dma semaphore(%arg20 : memref<!tpu.dma_semaphore, #tpu.memory_space<semaphore_mem>>) src(%arg12 : memref<125x64xf32, #tpu.memory_space<vmem>>) dst(%dma_wait3A_140 : memref<10240x64xf32, #tpu.memory_space<vmem_shared>>)
      %add3A_141 = arith.constant 4 : i32
      %add3A_142 = arith.addi %add3A_134, %add3A_141 : i32
      %lt3A_143 = arith.constant 160 : i32
      %lt3A_144 = arith.cmpi slt, %add3A_142, %lt3A_143 : i32
      %convert_element_type3A_145 = arith.extui %lt3A_144 : i1 to i32
      %cond3A_146 = arith.constant 0 : i32
      %cond3A_147 = arith.cmpi ne, %convert_element_type3A_145, %cond3A_146 : i32
      scf.if %cond3A_147 {
        %dma_start3A_163 = arith.constant 0 : i32
        %dma_start3A_164 = tpu.memref_slice %arg8[%add3A_142, %dma_start3A_163] : memref<160x125xi32, #tpu.memory_space<vmem>> -> memref<1x125xi32, #tpu.memory_space<vmem>>
        %dma_start3A_165 = tpu.memref_squeeze %dma_start3A_164 : memref<1x125xi32, #tpu.memory_space<vmem>> -> memref<125xi32, #tpu.memory_space<vmem>>
        %dma_start3A_166 = arith.constant 0 : i32
        %dma_start3A_167 = arith.constant 0 : i32
        %dma_start3A_168 = tpu.memref_slice %arg2[%dma_start3A_166, %dma_start3A_167] : memref<20480x64xf32, #tpu.memory_space<hbm>> -> memref<20480x64xf32, #tpu.memory_space<hbm>>
        tpu.enqueue_indirect_dma source(%dma_start3A_168 : memref<20480x64xf32, #tpu.memory_space<hbm>>) target(%arg12 : memref<125x64xf32, #tpu.memory_space<vmem>>) offsets(%dma_start3A_165 : memref<125xi32, #tpu.memory_space<vmem>>) semaphore(%arg16 : memref<!tpu.dma_semaphore, #tpu.memory_space<semaphore_mem>>)
      } else {
      }
      %add3A_148 = arith.constant 3 : i32
      %add3A_149 = arith.addi %mul3A_49, %add3A_148 : i32
      %dma_wait3A_150 = arith.constant 0 : i32
      %dma_wait3A_151 = tpu.memref_slice %arg9[%add3A_149, %dma_wait3A_150] : memref<160x125xi32, #tpu.memory_space<vmem>> -> memref<1x125xi32, #tpu.memory_space<vmem>>
      %dma_wait3A_152 = tpu.memref_squeeze %dma_wait3A_151 : memref<1x125xi32, #tpu.memory_space<vmem>> -> memref<125xi32, #tpu.memory_space<vmem>>
      %dma_wait3A_153 = arith.constant 0 : i32
      %dma_wait3A_154 = arith.constant 0 : i32
      %dma_wait3A_155 = tpu.memref_slice %arg22[%dma_wait3A_153, %dma_wait3A_154] : memref<10240x64xf32, #tpu.memory_space<vmem_shared>> -> memref<10240x64xf32, #tpu.memory_space<vmem_shared>>
      tpu.wait_indirect_dma semaphore(%arg21 : memref<!tpu.dma_semaphore, #tpu.memory_space<semaphore_mem>>) src(%arg13 : memref<125x64xf32, #tpu.memory_space<vmem>>) dst(%dma_wait3A_155 : memref<10240x64xf32, #tpu.memory_space<vmem_shared>>)
      %add3A_156 = arith.constant 4 : i32
      %add3A_157 = arith.addi %add3A_149, %add3A_156 : i32
      %lt3A_158 = arith.constant 160 : i32
      %lt3A_159 = arith.cmpi slt, %add3A_157, %lt3A_158 : i32
      %convert_element_type3A_160 = arith.extui %lt3A_159 : i1 to i32
      %cond3A_161 = arith.constant 0 : i32
      %cond3A_162 = arith.cmpi ne, %convert_element_type3A_160, %cond3A_161 : i32
      scf.if %cond3A_162 {
        %dma_start3A_163 = arith.constant 0 : i32
        %dma_start3A_164 = tpu.memref_slice %arg8[%add3A_157, %dma_start3A_163] : memref<160x125xi32, #tpu.memory_space<vmem>> -> memref<1x125xi32, #tpu.memory_space<vmem>>
        %dma_start3A_165 = tpu.memref_squeeze %dma_start3A_164 : memref<1x125xi32, #tpu.memory_space<vmem>> -> memref<125xi32, #tpu.memory_space<vmem>>
        %dma_start3A_166 = arith.constant 0 : i32
        %dma_start3A_167 = arith.constant 0 : i32
        %dma_start3A_168 = tpu.memref_slice %arg2[%dma_start3A_166, %dma_start3A_167] : memref<20480x64xf32, #tpu.memory_space<hbm>> -> memref<20480x64xf32, #tpu.memory_space<hbm>>
        tpu.enqueue_indirect_dma source(%dma_start3A_168 : memref<20480x64xf32, #tpu.memory_space<hbm>>) target(%arg13 : memref<125x64xf32, #tpu.memory_space<vmem>>) offsets(%dma_start3A_165 : memref<125xi32, #tpu.memory_space<vmem>>) semaphore(%arg17 : memref<!tpu.dma_semaphore, #tpu.memory_space<semaphore_mem>>)
      } else {
      }
    }
    %scan3A_41 = arith.constant 40 : i32
    %barrier3A_42 = arith.constant 0 : index
    tpu.barrier barrier_id(%barrier3A_42)
    %mul3A_43 = arith.constant 640 : i32
    %mul3A_44 = arith.muli %arg1, %mul3A_43 : i32
    %mul3A_45 = arith.constant 640 : i32
    %mul3A_46 = arith.muli %arg1, %mul3A_45 : i32
    "tpu.region"() ({
      %run_scoped3A = tpu.sem_alloc : memref<!tpu.dma_semaphore, #tpu.memory_space<semaphore_mem>>
      %dma_start3A_47 = arith.constant 0 : i32
      %dma_start3A_48 = arith.constant 0 : i32
      %dma_start3A_49 = tpu.memref_slice %arg7[%arg0, %dma_start3A_47, %dma_start3A_48] : memref<2x10240x64xf32, #tpu.memory_space<hbm>> -> memref<1x10240x64xf32, #tpu.memory_space<hbm>>
      %dma_start3A_50 = tpu.memref_squeeze %dma_start3A_49 : memref<1x10240x64xf32, #tpu.memory_space<hbm>> -> memref<10240x64xf32, #tpu.memory_space<hbm>>
      %dma_start3A_51 = arith.constant 0 : i32
      %dma_start3A_52 = tpu.memref_slice %dma_start3A_50[%mul3A_46, %dma_start3A_51] : memref<10240x64xf32, #tpu.memory_space<hbm>> -> memref<640x64xf32, #tpu.memory_space<hbm>>
      %dma_start3A_53 = arith.constant 0 : i32
      %dma_start3A_54 = tpu.memref_slice %arg22[%mul3A_44, %dma_start3A_53] : memref<10240x64xf32, #tpu.memory_space<vmem_shared>> -> memref<640x64xf32, #tpu.memory_space<vmem_shared>>
      tpu.enqueue_dma source(%dma_start3A_54 : memref<640x64xf32, #tpu.memory_space<vmem_shared>>) target(%dma_start3A_52 : memref<640x64xf32, #tpu.memory_space<hbm>>) target_semaphore(%run_scoped3A : memref<!tpu.dma_semaphore, #tpu.memory_space<semaphore_mem>>)
      %dma_wait3A = arith.constant 0 : i32
      %dma_wait3A_55 = arith.constant 0 : i32
      %dma_wait3A_56 = tpu.memref_slice %arg7[%arg0, %dma_wait3A, %dma_wait3A_55] : memref<2x10240x64xf32, #tpu.memory_space<hbm>> -> memref<1x10240x64xf32, #tpu.memory_space<hbm>>
      %dma_wait3A_57 = tpu.memref_squeeze %dma_wait3A_56 : memref<1x10240x64xf32, #tpu.memory_space<hbm>> -> memref<10240x64xf32, #tpu.memory_space<hbm>>
      %dma_wait3A_58 = arith.constant 0 : i32
      %dma_wait3A_59 = tpu.memref_slice %dma_wait3A_57[%mul3A_46, %dma_wait3A_58] : memref<10240x64xf32, #tpu.memory_space<hbm>> -> memref<640x64xf32, #tpu.memory_space<hbm>>
      %dma_wait3A_60 = arith.constant 0 : i32
      %dma_wait3A_61 = tpu.memref_slice %arg22[%mul3A_44, %dma_wait3A_60] : memref<10240x64xf32, #tpu.memory_space<vmem_shared>> -> memref<640x64xf32, #tpu.memory_space<vmem_shared>>
      tpu.wait_dma2 semaphore(%run_scoped3A : memref<!tpu.dma_semaphore, #tpu.memory_space<semaphore_mem>>) src(%dma_wait3A_61 : memref<640x64xf32, #tpu.memory_space<vmem_shared>>) dst(%dma_wait3A_59 : memref<640x64xf32, #tpu.memory_space<hbm>>)
      tpu.yield
    }) : () -> ()
    return
  }
}

module attributes {stable_mosaic.version = 14 : i64} {
  func.func @_prep_body(%arg0: i32, %arg1: memref<1x1024x16xf32, #tpu.memory_space<vmem>>, %arg2: memref<1x1024x16xf32, #tpu.memory_space<vmem>>, %arg3: memref<1024x128xf32, #tpu.memory_space<vmem>>, %arg4: memref<128x128xf32, #tpu.memory_space<vmem>>, %arg5: memref<1024x1xf32, #tpu.memory_space<vmem>>, %arg6: memref<1024x128xf32, #tpu.memory_space<vmem>>) attributes {dimension_semantics = [#tpu.dimension_semantics<arbitrary>], iteration_bounds = array<i64: 10>, scalar_prefetch = 0 : i64, scratch_operands = 0 : i64, tpu.core_type = #tpu.core_type<tc>, window_params = [{transform_indices = @transform_0, window_bounds = array<i64: 1, 1024, 16>}, {transform_indices = @transform_1, window_bounds = array<i64: 1, 1024, 16>}, {transform_indices = @transform_2, window_bounds = array<i64: 1024, 128>}, {pipeline_mode = #tpu.pipeline_mode<synchronous>, transform_indices = @transform_3, window_bounds = array<i64: 128, 128>}, {transform_indices = @transform_4, window_bounds = array<i64: 1024, 1>}, {transform_indices = @transform_5, window_bounds = array<i64: 1024, 128>}]} {
    %get3A = arith.constant 0 : index
    %get3A_0 = arith.constant 0 : index
    %get3A_1 = arith.constant 0 : index
    %get3A_2 = vector.load %arg1[%get3A, %get3A_0, %get3A_1] : memref<1x1024x16xf32, #tpu.memory_space<vmem>>, vector<1x1024x1xf32>
    %get3A_3 = vector.shape_cast %get3A_2 : vector<1x1024x1xf32> to vector<1024x1xf32>
    %get3A_4 = arith.constant 0 : index
    %get3A_5 = arith.constant 0 : index
    %get3A_6 = arith.constant 0 : index
    %get3A_7 = vector.load %arg2[%get3A_4, %get3A_5, %get3A_6] : memref<1x1024x16xf32, #tpu.memory_space<vmem>>, vector<1x1024x1xf32>
    %get3A_8 = vector.shape_cast %get3A_7 : vector<1x1024x1xf32> to vector<1024x1xf32>
    %add3A = arith.addf %get3A_3, %get3A_8 : vector<1024x1xf32>
    %add3A_9 = arith.constant 1.000000e+00 : f32
    %add3A_10 = vector.broadcast %add3A_9 : f32 to vector<1024x1xf32>
    %add3A_11 = arith.addf %add3A, %add3A_10 : vector<1024x1xf32>
    %rsqrt3A = math.rsqrt %add3A_11 : vector<1024x1xf32>
    %swap3A = arith.constant 0 : index
    %swap3A_12 = arith.constant 0 : index
    %swap3A_13 = vector.load %arg5[%swap3A, %swap3A_12] : memref<1024x1xf32, #tpu.memory_space<vmem>>, vector<1024x1xf32>
    tpu.vector_store %arg5[%swap3A, %swap3A_12], %rsqrt3A {strides = array<i32>} : memref<1024x1xf32, #tpu.memory_space<vmem>>, vector<1024x1xf32>,
    %get3A_14 = arith.constant 0 : index
    %get3A_15 = arith.constant 0 : index
    %get3A_16 = vector.load %arg3[%get3A_14, %get3A_15] : memref<1024x128xf32, #tpu.memory_space<vmem>>, vector<1024x128xf32>
    %get3A_17 = arith.constant 0 : index
    %get3A_18 = arith.constant 0 : index
    %get3A_19 = vector.load %arg4[%get3A_17, %get3A_18] : memref<128x128xf32, #tpu.memory_space<vmem>>, vector<128x128xf32>
    %dot_general3A = arith.constant dense<0.000000e+00> : vector<1024x128xf32>
    %dot_general3A_20 = tpu.matmul %get3A_16, %get3A_19, %dot_general3A {dimension_numbers = #tpu.dot_dimension_numbers<[1], [0], [0], [1], [0, 0, 1, 1], [], []>, transpose_lhs_hint = false} : vector<1024x128xf32>, vector<128x128xf32>, vector<1024x128xf32> -> vector<1024x128xf32>
    %mul3A = vector.broadcast %rsqrt3A : vector<1024x1xf32> to vector<1024x128xf32>
    %mul3A_21 = arith.mulf %mul3A, %dot_general3A_20 : vector<1024x128xf32>
    %swap3A_22 = arith.constant 0 : index
    %swap3A_23 = arith.constant 0 : index
    %swap3A_24 = vector.load %arg6[%swap3A_22, %swap3A_23] : memref<1024x128xf32, #tpu.memory_space<vmem>>, vector<1024x128xf32>
    tpu.vector_store %arg6[%swap3A_22, %swap3A_23], %mul3A_21 {strides = array<i32>} : memref<1024x128xf32, #tpu.memory_space<vmem>>, vector<1024x128xf32>,
    return
  }
  func.func @transform_0(%arg0: i32) -> (i32, i32, i32) {
    %c0_i32 = arith.constant 0 : i32
    %c0_i32_0 = arith.constant 0 : i32
    %c0_i32_1 = arith.constant 0 : i32
    return %c0_i32, %arg0, %c0_i32_0 : i32, i32, i32
  }
  func.func @transform_1(%arg0: i32) -> (i32, i32, i32) {
    %c1_i32 = arith.constant 1 : i32
    %c0_i32 = arith.constant 0 : i32
    %c0_i32_0 = arith.constant 0 : i32
    return %c1_i32, %arg0, %c0_i32 : i32, i32, i32
  }
  func.func @transform_2(%arg0: i32) -> (i32, i32) {
    %c0_i32 = arith.constant 0 : i32
    %c0_i32_0 = arith.constant 0 : i32
    return %arg0, %c0_i32 : i32, i32
  }
  func.func @transform_3(%arg0: i32) -> (i32, i32) {
    %c0_i32 = arith.constant 0 : i32
    %c0_i32_0 = arith.constant 0 : i32
    %c0_i32_1 = arith.constant 0 : i32
    return %c0_i32, %c0_i32_0 : i32, i32
  }
  func.func @transform_4(%arg0: i32) -> (i32, i32) {
    %c0_i32 = arith.constant 0 : i32
    %c0_i32_0 = arith.constant 0 : i32
    return %arg0, %c0_i32 : i32, i32
  }
  func.func @transform_5(%arg0: i32) -> (i32, i32) {
    %c0_i32 = arith.constant 0 : i32
    %c0_i32_0 = arith.constant 0 : i32
    return %arg0, %c0_i32 : i32, i32
  }
}

module attributes {stable_mosaic.version = 14 : i64} {
  func.func @_layer_body(%arg0: i32, %arg1: memref<1x1024x64xf32, #tpu.memory_space<vmem>>, %arg2: memref<1x1024x64xf32, #tpu.memory_space<vmem>>, %arg3: memref<1024x128xf32, #tpu.memory_space<vmem>>, %arg4: memref<1024x1xf32, #tpu.memory_space<vmem>>, %arg5: memref<1x128xf32, #tpu.memory_space<vmem>>, %arg6: memref<128x128xf32, #tpu.memory_space<vmem>>, %arg7: memref<1024x128xf32, #tpu.memory_space<vmem>>) attributes {dimension_semantics = [#tpu.dimension_semantics<arbitrary>], iteration_bounds = array<i64: 10>, scalar_prefetch = 0 : i64, scratch_operands = 0 : i64, tpu.core_type = #tpu.core_type<tc>, window_params = [{transform_indices = @transform_0, window_bounds = array<i64: 1, 1024, 64>}, {transform_indices = @transform_1, window_bounds = array<i64: 1, 1024, 64>}, {transform_indices = @transform_2, window_bounds = array<i64: 1024, 128>}, {transform_indices = @transform_3, window_bounds = array<i64: 1024, 1>}, {pipeline_mode = #tpu.pipeline_mode<synchronous>, transform_indices = @transform_4, window_bounds = array<i64: 1, 128>}, {pipeline_mode = #tpu.pipeline_mode<synchronous>, transform_indices = @transform_5, window_bounds = array<i64: 128, 128>}, {transform_indices = @transform_6, window_bounds = array<i64: 1024, 128>}]} {
    %get3A = arith.constant 0 : index
    %get3A_0 = arith.constant 0 : index
    %get3A_1 = vector.load %arg4[%get3A, %get3A_0] : memref<1024x1xf32, #tpu.memory_space<vmem>>, vector<1024x1xf32>
    %get3A_2 = arith.constant 0 : index
    %get3A_3 = arith.constant 0 : index
    %get3A_4 = arith.constant 0 : index
    %get3A_5 = vector.load %arg1[%get3A_2, %get3A_3, %get3A_4] : memref<1x1024x64xf32, #tpu.memory_space<vmem>>, vector<1x1024x64xf32>
    %get3A_6 = vector.shape_cast %get3A_5 : vector<1x1024x64xf32> to vector<1024x64xf32>
    %get3A_7 = arith.constant 0 : index
    %get3A_8 = arith.constant 0 : index
    %get3A_9 = arith.constant 0 : index
    %get3A_10 = vector.load %arg2[%get3A_7, %get3A_8, %get3A_9] : memref<1x1024x64xf32, #tpu.memory_space<vmem>>, vector<1x1024x64xf32>
    %get3A_11 = vector.shape_cast %get3A_10 : vector<1x1024x64xf32> to vector<1024x64xf32>
    %concatenate3A = tpu.concatenate %get3A_6, %get3A_11 in 1 : vector<1024x64xf32>, vector<1024x64xf32> -> vector<1024x128xf32>
    %get3A_12 = arith.constant 0 : index
    %get3A_13 = arith.constant 0 : index
    %get3A_14 = vector.load %arg3[%get3A_12, %get3A_13] : memref<1024x128xf32, #tpu.memory_space<vmem>>, vector<1024x128xf32>
    %add3A = arith.addf %concatenate3A, %get3A_14 : vector<1024x128xf32>
    %mul3A = vector.broadcast %get3A_1 : vector<1024x1xf32> to vector<1024x128xf32>
    %mul3A_15 = arith.mulf %mul3A, %add3A : vector<1024x128xf32>
    %get3A_16 = arith.constant 0 : index
    %get3A_17 = arith.constant 0 : index
    %get3A_18 = vector.load %arg5[%get3A_16, %get3A_17] : memref<1x128xf32, #tpu.memory_space<vmem>>, vector<1x128xf32>
    %add3A_19 = vector.broadcast %get3A_18 : vector<1x128xf32> to vector<1024x128xf32>
    %add3A_20 = arith.addf %mul3A_15, %add3A_19 : vector<1024x128xf32>
    %max3A = arith.constant 0.000000e+00 : f32
    %max3A_21 = vector.broadcast %max3A : f32 to vector<1024x128xf32>
    %max3A_22 = arith.maximumf %add3A_20, %max3A_21 : vector<1024x128xf32>
    %get3A_23 = arith.constant 0 : index
    %get3A_24 = arith.constant 0 : index
    %get3A_25 = vector.load %arg6[%get3A_23, %get3A_24] : memref<128x128xf32, #tpu.memory_space<vmem>>, vector<128x128xf32>
    %dot_general3A = arith.constant dense<0.000000e+00> : vector<1024x128xf32>
    %dot_general3A_26 = tpu.matmul %max3A_22, %get3A_25, %dot_general3A {dimension_numbers = #tpu.dot_dimension_numbers<[1], [0], [0], [1], [0, 0, 1, 1], [], []>, transpose_lhs_hint = false} : vector<1024x128xf32>, vector<128x128xf32>, vector<1024x128xf32> -> vector<1024x128xf32>
    %mul3A_27 = vector.broadcast %get3A_1 : vector<1024x1xf32> to vector<1024x128xf32>
    %mul3A_28 = arith.mulf %mul3A_27, %dot_general3A_26 : vector<1024x128xf32>
    %swap3A = arith.constant 0 : index
    %swap3A_29 = arith.constant 0 : index
    %swap3A_30 = vector.load %arg7[%swap3A, %swap3A_29] : memref<1024x128xf32, #tpu.memory_space<vmem>>, vector<1024x128xf32>
    tpu.vector_store %arg7[%swap3A, %swap3A_29], %mul3A_28 {strides = array<i32>} : memref<1024x128xf32, #tpu.memory_space<vmem>>, vector<1024x128xf32>,
    return
  }
  func.func @transform_0(%arg0: i32) -> (i32, i32, i32) {
    %c0_i32 = arith.constant 0 : i32
    %c0_i32_0 = arith.constant 0 : i32
    %c0_i32_1 = arith.constant 0 : i32
    return %c0_i32, %arg0, %c0_i32_0 : i32, i32, i32
  }
  func.func @transform_1(%arg0: i32) -> (i32, i32, i32) {
    %c1_i32 = arith.constant 1 : i32
    %c0_i32 = arith.constant 0 : i32
    %c0_i32_0 = arith.constant 0 : i32
    return %c1_i32, %arg0, %c0_i32 : i32, i32, i32
  }
  func.func @transform_2(%arg0: i32) -> (i32, i32) {
    %c0_i32 = arith.constant 0 : i32
    %c0_i32_0 = arith.constant 0 : i32
    return %arg0, %c0_i32 : i32, i32
  }
  func.func @transform_3(%arg0: i32) -> (i32, i32) {
    %c0_i32 = arith.constant 0 : i32
    %c0_i32_0 = arith.constant 0 : i32
    return %arg0, %c0_i32 : i32, i32
  }
  func.func @transform_4(%arg0: i32) -> (i32, i32) {
    %c0_i32 = arith.constant 0 : i32
    %c0_i32_0 = arith.constant 0 : i32
    %c0_i32_1 = arith.constant 0 : i32
    return %c0_i32, %c0_i32_0 : i32, i32
  }
  func.func @transform_5(%arg0: i32) -> (i32, i32) {
    %c0_i32 = arith.constant 0 : i32
    %c0_i32_0 = arith.constant 0 : i32
    %c0_i32_1 = arith.constant 0 : i32
    return %c0_i32, %c0_i32_0 : i32, i32
  }
  func.func @transform_6(%arg0: i32) -> (i32, i32) {
    %c0_i32 = arith.constant 0 : i32
    %c0_i32_0 = arith.constant 0 : i32
    return %arg0, %c0_i32 : i32, i32
  }
}

module attributes {stable_mosaic.version = 14 : i64} {
  func.func @_final_body(%arg0: i32, %arg1: memref<1x1024x64xf32, #tpu.memory_space<vmem>>, %arg2: memref<1x1024x64xf32, #tpu.memory_space<vmem>>, %arg3: memref<1024x128xf32, #tpu.memory_space<vmem>>, %arg4: memref<1024x1xf32, #tpu.memory_space<vmem>>, %arg5: memref<1x128xf32, #tpu.memory_space<vmem>>, %arg6: memref<1024x128xf32, #tpu.memory_space<vmem>>) attributes {dimension_semantics = [#tpu.dimension_semantics<arbitrary>], iteration_bounds = array<i64: 10>, scalar_prefetch = 0 : i64, scratch_operands = 0 : i64, tpu.core_type = #tpu.core_type<tc>, window_params = [{transform_indices = @transform_0, window_bounds = array<i64: 1, 1024, 64>}, {transform_indices = @transform_1, window_bounds = array<i64: 1, 1024, 64>}, {transform_indices = @transform_2, window_bounds = array<i64: 1024, 128>}, {transform_indices = @transform_3, window_bounds = array<i64: 1024, 1>}, {pipeline_mode = #tpu.pipeline_mode<synchronous>, transform_indices = @transform_4, window_bounds = array<i64: 1, 128>}, {transform_indices = @transform_5, window_bounds = array<i64: 1024, 128>}]} {
    %get3A = arith.constant 0 : index
    %get3A_0 = arith.constant 0 : index
    %get3A_1 = arith.constant 0 : index
    %get3A_2 = vector.load %arg1[%get3A, %get3A_0, %get3A_1] : memref<1x1024x64xf32, #tpu.memory_space<vmem>>, vector<1x1024x64xf32>
    %get3A_3 = vector.shape_cast %get3A_2 : vector<1x1024x64xf32> to vector<1024x64xf32>
    %get3A_4 = arith.constant 0 : index
    %get3A_5 = arith.constant 0 : index
    %get3A_6 = arith.constant 0 : index
    %get3A_7 = vector.load %arg2[%get3A_4, %get3A_5, %get3A_6] : memref<1x1024x64xf32, #tpu.memory_space<vmem>>, vector<1x1024x64xf32>
    %get3A_8 = vector.shape_cast %get3A_7 : vector<1x1024x64xf32> to vector<1024x64xf32>
    %concatenate3A = tpu.concatenate %get3A_3, %get3A_8 in 1 : vector<1024x64xf32>, vector<1024x64xf32> -> vector<1024x128xf32>
    %get3A_9 = arith.constant 0 : index
    %get3A_10 = arith.constant 0 : index
    %get3A_11 = vector.load %arg4[%get3A_9, %get3A_10] : memref<1024x1xf32, #tpu.memory_space<vmem>>, vector<1024x1xf32>
    %get3A_12 = arith.constant 0 : index
    %get3A_13 = arith.constant 0 : index
    %get3A_14 = vector.load %arg3[%get3A_12, %get3A_13] : memref<1024x128xf32, #tpu.memory_space<vmem>>, vector<1024x128xf32>
    %add3A = arith.addf %concatenate3A, %get3A_14 : vector<1024x128xf32>
    %mul3A = vector.broadcast %get3A_11 : vector<1024x1xf32> to vector<1024x128xf32>
    %mul3A_15 = arith.mulf %mul3A, %add3A : vector<1024x128xf32>
    %get3A_16 = arith.constant 0 : index
    %get3A_17 = arith.constant 0 : index
    %get3A_18 = vector.load %arg5[%get3A_16, %get3A_17] : memref<1x128xf32, #tpu.memory_space<vmem>>, vector<1x128xf32>
    %add3A_19 = vector.broadcast %get3A_18 : vector<1x128xf32> to vector<1024x128xf32>
    %add3A_20 = arith.addf %mul3A_15, %add3A_19 : vector<1024x128xf32>
    %swap3A = arith.constant 0 : index
    %swap3A_21 = arith.constant 0 : index
    %swap3A_22 = vector.load %arg6[%swap3A, %swap3A_21] : memref<1024x128xf32, #tpu.memory_space<vmem>>, vector<1024x128xf32>
    tpu.vector_store %arg6[%swap3A, %swap3A_21], %add3A_20 {strides = array<i32>} : memref<1024x128xf32, #tpu.memory_space<vmem>>, vector<1024x128xf32>,
    return
  }
  func.func @transform_0(%arg0: i32) -> (i32, i32, i32) {
    %c0_i32 = arith.constant 0 : i32
    %c0_i32_0 = arith.constant 0 : i32
    %c0_i32_1 = arith.constant 0 : i32
    return %c0_i32, %arg0, %c0_i32_0 : i32, i32, i32
  }
  func.func @transform_1(%arg0: i32) -> (i32, i32, i32) {
    %c1_i32 = arith.constant 1 : i32
    %c0_i32 = arith.constant 0 : i32
    %c0_i32_0 = arith.constant 0 : i32
    return %c1_i32, %arg0, %c0_i32 : i32, i32, i32
  }
  func.func @transform_2(%arg0: i32) -> (i32, i32) {
    %c0_i32 = arith.constant 0 : i32
    %c0_i32_0 = arith.constant 0 : i32
    return %arg0, %c0_i32 : i32, i32
  }
  func.func @transform_3(%arg0: i32) -> (i32, i32) {
    %c0_i32 = arith.constant 0 : i32
    %c0_i32_0 = arith.constant 0 : i32
    return %arg0, %c0_i32 : i32, i32
  }
  func.func @transform_4(%arg0: i32) -> (i32, i32) {
    %c0_i32 = arith.constant 0 : i32
    %c0_i32_0 = arith.constant 0 : i32
    %c0_i32_1 = arith.constant 0 : i32
    return %c0_i32, %c0_i32_0 : i32, i32
  }
  func.func @transform_5(%arg0: i32) -> (i32, i32) {
    %c0_i32 = arith.constant 0 : i32
    %c0_i32_0 = arith.constant 0 : i32
    return %arg0, %c0_i32 : i32, i32
  }
}

</mosaic_0001>

<sc_bundles>
// kernel: kernel.16.cloned.1.call-start
scs
__scs_entry_jumppad:
0x0: {  	(pc) =	sbr.rel $0x88, $3  }
0x1: {  	(tag) =	ssettag $0x0;
	lr =	simm.s32 $0x1  }
0x2: {  	[smem:$0x3F99] =	sst lr;
	_ =	strace $0xD0000000  }
0x3: {  	_ = 	snop  }
0x4: {  	_ = 	snop  }
0x5: {  	_ = 	snop  }
0x6: {  	_ = 	snop  }
0x7: {  	_ = 	snop  }
__scs_overlays_trampoline_lowered:
0x8: {  	[smem:$0x3FA8] =	sst s0  }
0x9: {  	[smem:$0x3FA9] =	sst s1  }
0xa: {  	[smem:$0x3FAA] =	sst s2  }
0xb: {  	[smem:$0x3FAB] =	sst s3  }
0xc: {  	[smem:$0x3FAC] =	sst s4  }
0xd: {  	[smem:$0x3FAD] =	sst s5  }
0xe: {  	[smem:$0x3FAE] =	sst s6  }
0xf: {  	[smem:$0x3FAF] =	sst s7  }
0x10: {  	[smem:$0x3FB0] =	sst s8  }
0x11: {  	[smem:$0x3FB1] =	sst s9;
	s0 =	simm.s32 @!p0 $0x0  }
0x12: {  	s1 =	sld [smem:$0x3F97];
	s0 =	simm.s32 @p0 $0x1  }
0x13: {  	[smem:$0x3FB2] =	sst s0;
	s0 =	simm.s32 @!p1 $0x0  }
0x14: {  	s2 =	sld [smem:$0x3F96];
	s0 =	simm.s32 @p1 $0x1  }
0x15: {  	[smem:$0x3FB3] =	sst s0;
	s0 =	simm.s32 @!p2 $0x0  }
0x16: {  	s3 =	sld [smem:$0x3FDB];
	s0 =	simm.s32 @p2 $0x1  }
0x17: {  	s4 =	simm.s32 $0x1BF5;
	[smem:$0x3FB5] =	sst s0  }
0x18: {  	s0 =	sld [smem:$0x3F98];
	_ =	swait.ge [sflag:s4], $0x0  }
0x19: {  	s7 =	sld [smem:$0x3F99]  }
0x1a: {  	s8 =	sadd.s32 $0xFFFFE003, lr  }
0x1b: {  	s9 =	sadd.s32 $0xFFFFFEF7, lr;
	s5 =	simm.s32 $0xFFFFFFFF;
	p2 =	slt.u32 s8, $0xFFFFF086  }
0x1c: {  	p1 =	slt.u32 s9, $0xF7A;
	s5 =	simm.s32 @!p2 $0x0  }
0x1d: {  	s5 =	simm.s32 @p1 $0x1;
	p0 =	seq.s32 s7, s2  }
0x1e: {  	s7 =	smul.u32 @!p0 $0xF7A, s2;
	p2 =	seq.s32 @!p0 s5, $0x0  }
0x1f: {  	s9 =	smul.u32 $0xF7A, s1;
	s8 =	simm.s32 @!p0 $0x1BF5;
	p2 =	por !p2, p0  }
0x20: {  	[sflag:s8] =	ssyncset.s32 @!p0 $0xFFFFF086;
	s6 =	sadd.s32 @!p0 s3, s7;
	s7 =	simm.s32 @!p0 $0x108  }
0x21: {  	s3 =	sadd.s32 s3, s9;
	s6 =	sadd.s32 @!p0 $0x88, s6;
	s7 =	simm.s32 @p2 $0x1082  }
0x22: {  	[simem:s7], [sflag:s8] =	dma.local @!p0 [hbm:s6], $0xF7A  }
0x23: {  	s9 =	sor.u32 $0xD0000000, s2;
	s6 =	simm.s32 $0x108;
	_ =	swait.ge @!p0 [sflag:s8], $0x0  }
0x24: {  	s3 =	sadd.s32 $0x88, s3;
	s6 =	simm.s32 @!p1 $0x1082;
	[sflag:s4] =	ssyncset.s32 $0xFFFFF086  }
0x25: {  	[simem:s6], [sflag:s4] =	dma.local [hbm:s3], $0xF7A  }
0x26: {  	[smem:$0x3F99] =	sst s1;
	(tag) =	ssettag s2;
	_ =	strace s9  }
0x27: {  	s1 =	sld [smem:$0x3FA9]  }
0x28: {  	s2 =	sld [smem:$0x3FAA]  }
0x29: {  	s4 =	sld [smem:$0x3FAC]  }
0x2a: {  	p0 =	seq.s32 s5, $0x0;
	s5 =	sld [smem:$0x3FAD]  }
0x2b: {  	s6 =	sld [smem:$0x3FAE]  }
0x2c: {  	s7 =	sld [smem:$0x3FAF]  }
0x2d: {  	s3 =	simm.s32 $0x108;
	s8 =	sld [smem:$0x3FB0]  }
0x2e: {  	s3 =	simm.s32 @!p0 $0x1082;
	s9 =	sld [smem:$0x3FB1]  }
0x2f: {  	lr =	sadd.s32 s0, s3;
	s0 =	sld [smem:$0x3FA8]  }
0x30: {  	s3 =	sld [smem:$0x3FAB]  }
0x31: {  	[smem:$0x3FB4] =	sst s10  }
0x32: {  	s10 =	sld [smem:$0x3FB2];
	_ =	sdelay $0x3  }
0x33: {  	p0 =	seq.s32 s10, $0x1;
	s10 =	sld [smem:$0x3FB4];
	_ =	sdelay $0x3  }
0x34: {  	[smem:$0x3FB4] =	sst s10  }
0x35: {  	s10 =	sld [smem:$0x3FB3];
	_ =	sdelay $0x3  }
0x36: {  	p1 =	seq.s32 s10, $0x1;
	s10 =	sld [smem:$0x3FB4];
	_ =	sdelay $0x3  }
0x37: {  	[smem:$0x3FB4] =	sst s10  }
0x38: {  	s10 =	sld [smem:$0x3FB5]  }
0x39: {  	_ = 	snop;
	(pc) =	sbr.ind lr, $3  }
0x3a: {  	_ = 	snop  }
0x3b: {  	_ = 	snop  }
0x3c: {  	p2 =	seq.s32 s10, $0x1;
	s10 =	sld [smem:$0x3FB4]  }
0x3d: {  	_ =	shalt  }
0x3e: {  	_ =	shalt  }
0x3f: {  	_ =	shalt  }
0x40: {  	_ =	shalt  }
0x41: {  	_ =	shalt  }
0x42: {  	_ =	shalt  }
0x43: {  	_ =	shalt  }
0x44: {  	_ =	shalt  }
0x45: {  	_ =	shalt  }
0x46: {  	_ =	shalt  }
0x47: {  	_ =	shalt  }
0x48: {  	_ =	shalt  }
0x49: {  	_ =	shalt  }
0x4a: {  	_ =	shalt  }
0x4b: {  	_ =	shalt  }
0x4c: {  	_ =	shalt  }
0x4d: {  	_ =	shalt  }
0x4e: {  	_ =	shalt  }
0x4f: {  	_ =	shalt  }
0x50: {  	_ =	shalt  }
0x51: {  	_ =	shalt  }
0x52: {  	_ =	shalt  }
0x53: {  	_ =	shalt  }
0x54: {  	_ =	shalt  }
0x55: {  	_ =	shalt  }
0x56: {  	_ =	shalt  }
0x57: {  	_ =	shalt  }
0x58: {  	_ =	shalt  }
0x59: {  	_ =	shalt  }
0x5a: {  	_ =	shalt  }
0x5b: {  	_ =	shalt  }
0x5c: {  	_ =	shalt  }
0x5d: {  	_ =	shalt  }
0x5e: {  	_ =	shalt  }
0x5f: {  	_ =	shalt  }
0x60: {  	_ =	shalt  }
0x61: {  	_ =	shalt  }
0x62: {  	_ =	shalt  }
0x63: {  	_ =	shalt  }
0x64: {  	_ =	shalt  }
0x65: {  	_ =	shalt  }
0x66: {  	_ =	shalt  }
0x67: {  	_ =	shalt  }
0x68: {  	_ =	shalt  }
0x69: {  	_ =	shalt  }
0x6a: {  	_ =	shalt  }
0x6b: {  	_ =	shalt  }
0x6c: {  	_ =	shalt  }
0x6d: {  	_ =	shalt  }
0x6e: {  	_ =	shalt  }
0x6f: {  	_ =	shalt  }
0x70: {  	_ =	shalt  }
0x71: {  	_ =	shalt  }
0x72: {  	_ =	shalt  }
0x73: {  	_ =	shalt  }
0x74: {  	_ =	shalt  }
0x75: {  	_ =	shalt  }
0x76: {  	_ =	shalt  }
0x77: {  	_ =	shalt  }
0x78: {  	_ =	shalt  }
0x79: {  	_ =	shalt  }
0x7a: {  	_ =	shalt  }
0x7b: {  	_ =	shalt  }
0x7c: {  	_ =	shalt  }
0x7d: {  	_ =	shalt  }
0x7e: {  	_ =	shalt  }
0x7f: {  	_ =	shalt  }
0x80: {  	_ =	shalt  }
0x81: {  	_ =	shalt  }
0x82: {  	_ =	shalt  }
0x83: {  	_ =	shalt  }
0x84: {  	_ =	shalt  }
0x85: {  	_ =	shalt  }
0x86: {  	_ =	shalt  }
0x87: {  	_ =	shalt  }
.Lfunc_end0:
.L_simem_size_0:
called_computation_lowered:
.L_overlay_start_0:
0x88: {  	s2 =	sld [smem:$0x3FD9]  }
0x89: {  	s3 =	sld [smem:$0x3FFE];
	_ =	sdelay $0x1  }
0x8a: {  	s1 =	srdreg.scid  }
0x8b: {  	s0 =	sand.u32 $0x1, s1  }
0x8c: {  	s17 =	sshll.u32 s0, $0xA;
	s2 =	sadd.s32 s3, s2  }
0x8d: {  	s2 =	sadd.s32 s2, s17  }
0x8e: {  	[smem:$0x3FC0] =	sst s2  }
0x8f: {  	_ = 	snop  }
0x90: {  	s2 =	sld [smem:$0x3FD0];
	(tm) =	ssettm $0x1  }
0x91: {  	s18 =	sld [smem:$0x3FFB];
	_ =	sdelay $0x3  }
0x92: {  	_ =	strace s18  }
0x93: {  	s3 =	sld [smem:$0x3FFC];
	_ =	sdelay $0x3  }
0x94: {  	_ =	strace s3  }
0x95: {  	s3 =	sld [smem:$0x3FFD];
	_ =	sdelay $0x3  }
0x96: {  	_ =	strace s3  }
0x97: {  	_ =	strace $0x8FFFFFFF  }
0x98: {  	s19 =	sld [smem:$0x3FDB];
	_ =	sdelay $0x1  }
0x99: {  	s4 =	simm.s32 $_scs_section_size  }
0x9a: {  	s5 =	simm.s32 $_size__tile_overlayer_lowered;
	s6 =	simm.s32 $_tile_overlayer_lowered  }
0x9b: {  	s22 =	simm.s32 $0x1BFF;
	s21 =	sshll.u32 s6, $0x1;
	s3 =	sadd.s32 s4, s19  }
0x9c: {  	s7 =	simm.s32 $0x0;
	s20 =	sshll.u32 s5, $0x1;
	s5 =	sadd.s32 s21, s3  }
0x9d: {  	[timem:s7], [sflag:s22] =	dma.local [hbm:s5], s20  }
0x9e: {  	_ =	swait.ge [sflag:s22], s20  }
0x9f: {  	s4 =	ssub.s32 $0x0, s20;
	[sflag:s22] =	ssyncset.done $0x0  }
0xa0: {  	[sflag:s22] =	ssyncadd.s32 s4;
	_ =	sdelay $0x1  }
0xa1: {  	s23 =	simm.s32 $0x1B8B  }
0xa2: {  	_ =	swait.ge [sflag:s23], $0x1  }
0xa3: {  	[sflag:s23] =	ssyncset.done $0x0  }
0xa4: {  	s25 =	simm.s32 $0x1B8E;
	s24 =	sld [smem:$0x3FFE];
	[sflag:s23] =	ssyncadd.s32 $0xFFFFFFFF  }
0xa5: {  	s26 =	simm.s32 $execute0_lowered;
	[smem:$0x3FD2] =	sst s25  }
0xa6: {  	s5 =	sshll.u32 s26, $0x1;
	_ =	strace $0x80000046;
	[dreg:$0x1] =	wrdreg $0xFFFFFFFF  }
0xa7: {  	s28 =	simm.s32 $_size_execute0_lowered;
	s3 =	sadd.s32 s3, s5;
	[dreg:$0x0] =	wrdreg $0x0  }
0xa8: {  	s5 =	sshll.u32 s28, $0x1;
	[dreg:$0x2] =	wrdreg s3  }
0xa9: {  	[dreg:$0x3] =	wrdreg s5  }
0xaa: {  	[dreg:$0x4] =	wrdreg $0xC0  }
0xab: {  	_ =	task [dreg:s7], $0x5FFFF  }
0xac: {  	[dreg:$0x1] =	wrdreg $0xFFFFFFFF  }
0xad: {  	[dreg:$0x0] =	wrdreg $0x60  }
0xae: {  	[dreg:$0x2] =	wrdreg s24  }
0xaf: {  	[dreg:$0x3] =	wrdreg s2  }
0xb0: {  	[dreg:$0x4] =	wrdreg $0x2FD00  }
0xb1: {  	[dreg:$0x5] =	wrdreg $0x9  }
0xb2: {  	_ =	task.clear_ibuf [dreg:s7], $0x6FFFF;
	_ =	strace $0x90000046  }
0xb3: {  	s29 =	simm.s32 $0x9;
	_ =	strace $0x80000048  }
0xb4: {  	_ =	swait.ge [sflag:s29], $0x1  }
0xb5: {  	[sflag:s29] =	ssyncadd.s32 $0xFFFFFFFF  }
0xb6: {  	_ =	strace $0x90000048  }
0xb7: {  	_ =	sfence  }
0xb8: {  	s30 =	sld [smem:$0x0];
	_ =	sdelay $0x2  }
0xb9: {  	s31 =	sshll.u32 s1, $0xD;
	s1 =	sshrl.u32 s1, $0x2  }
0xba: {  	s3 =	sand.u32 $0x4000, s31;
	s1 =	sadd.s32 s1, s30  }
0xbb: {  	s0 =	sor.u32 s3, s0;
	s1 =	sshll.u32 s1, $0x11  }
0xbc: {  	s0 =	sor.u32 s1, s0  }
0xbd: {  	s0 =	sadd.s32 $0x8F2B, s0  }
0xbe: {  	[sflag:s0] =	ssyncadd.remote.s32 $0x1  }
0xbf: {  	_ =	sfence.sel $0xFFFF  }
0xc0: {  	[dreg:$0x0] =	wrdreg $0xFFFFFFFF;
	(pc) =	sbr.abs _section_cstart, $3  }
0xc1: {  	[dreg:$0x1] =	wrdreg $0xFFFFFFFF  }
0xc2: {  	_ =	task.clear_ibuf [dreg:s7], $0x2FFFF;
	_ =	strace $0x9FFFFFFF  }
0xc3: {  	(tm) =	ssettm $0x7FFFFFFF  }
tec
execute0_lowered:
.L_overlay_start_1:
0x0: {  	(tag) =	ssettag $0x1  }
0x1: {  	s6 =	rddreg [dreg:$0x0]  }
0x2: {  	s0 =	srdreg.scid;
	s2 =	rddreg [dreg:$0x1]  }
0x3: {  	s3 =	rddreg [dreg:$0x2];
	s1 =	stileid.u32  }
0x4: {  	s4 =	simm.s32 $0x0;
	s12 =	simm.s32 $0x7D;
	s13 =	simm.s32 $0x1  }
0x5: {  	s14 =	simm.s32 $0x2;
	s5 =	sand.u32 $0x1, s0;
	s0 =	rddreg [dreg:$0x3]  }
0x6: {  	s15 =	simm.s32 $0x3;
	s16 =	simm.s32 $0x4;
	[smem:$0x7FF] =	sst s4  }
0x7: {  	s10 =	smul.u32 $0x2800, s1;
	s31 =	sshll.u32 s1, $0x6;
	s7 =	sshll.u32 s5, $0x4  }
0x8: {  	_ =	strace $0x80000047;
	s8 =	smul.u32 $0x5000, s5;
	s9 =	ssub.s32 $0x2, s5  }
0x9: {  	s5 =	sadd.s32 $0xDC00, s6;
	s7 =	sor.u32 s1, s7;
	s30 =	sshrl.u32 s9, $0x1  }
0xa: {  	s11 =	sadd.s32 s10, s3;
	s18 =	sshrl.u32 s10, $0x3;
	s10 =	simm.s32 $0x5  }
0xb: {  	s7 =	smul.u32 $0x500, s7;
	s8 =	sadd.s32 s8, s6;
	s9 =	ssub.s32 s9, s30  }
0xc: {  	s17 =	sadd.s32 $0xDE00, s8;
	s8 =	smax.u32 s9, $0x1;
	s9 =	sshrl.u32 s11, $0x3  }
0xd: {  	s11 =	simm.s32 $0x2800;
	s7 =	sadd.s32 s7, s6;
	s6 =	sor.u32 $0x1C05, s31  }
0xe: {  	s17 =	sadd.s32 s18, s17;
	s18 =	simm.s32 $0x0;
	s7 =	sadd.s32 $0x3C00, s7  }
.LBB2_1:
0xf: {  	[spmem:s9], [sflag:s6] =	dma.local [hbm:s2], $0x500  }
0x10: {  	_ =	swait.ge [sflag:s10], $0x500  }
0x11: {  	[sflag:s10] =	ssyncset.done $0x0  }
0x12: {  	[sflag:s10] =	ssyncadd.s32 $0xFFFFFB00  }
0x13: {  	[tilespmem:s11], [sflag:$0x5] =	stream.linear.gather [hbm4b:s5+s4], $0x7D0, $0x38;
	[tilespmem:$0x57D0] =	vst v63  }
0x14: {  	_ =	swait.ge [sflag:s10], $0x7D0  }
0x15: {  	[sflag:s10] =	ssyncset.done $0x0  }
0x16: {  	[sflag:s10] =	ssyncadd.s32 $0xFFFFF830  }
0x17: {  	[tilespmem:s4], [sflag:$0x5] =	stream.linear.gather [hbm4b:s7+s4], $0x2800, $0x38;
	[tilespmem:$0x57D0] =	vst v63  }
0x18: {  	_ =	swait.ge [sflag:s10], $0x2800  }
0x19: {  	[sflag:s10] =	ssyncset.done $0x0  }
0x1a: {  	[sflag:s10] =	ssyncadd.s32 $0xFFFFD800  }
0x1b: {  	s19 =	simm.s32 $0x0;
	[bflag:$0x0] =	sbarrier.arrive $0xFFFF  }
0x1c: {  	[spmem:s3] =	stream.indirect.scatter.add.f32 [tilespmem:s11], [sflag:$0x1], $0x10, s19, s12, $0xb8;
	[tilespmem:$0x57D0] =	vst v63  }
0x1d: {  	s29 =	simm.s32 $0x80  }
0x1e: {  	[spmem:s3] =	stream.indirect.scatter.add.f32 [tilespmem:s11], [sflag:$0x2], $0x10, s29, s12, $0xb8;
	[tilespmem:$0x57D0] =	vst v63  }
0x1f: {  	s30 =	simm.s32 $0x100  }
0x20: {  	[spmem:s3] =	stream.indirect.scatter.add.f32 [tilespmem:s11], [sflag:$0x3], $0x10, s30, s12, $0xb8;
	[tilespmem:$0x57D0] =	vst v63  }
0x21: {  	s31 =	simm.s32 $0x180  }
0x22: {  	[spmem:s3] =	stream.indirect.scatter.add.f32 [tilespmem:s11], [sflag:$0x4], $0x10, s31, s12, $0xb8;
	[tilespmem:$0x57D0] =	vst v63  }
0x23: {  	_ =	swait.ge [sflag:s13], $0x7D0  }
0x24: {  	[sflag:s13] =	ssyncset.done $0x0  }
0x25: {  	[sflag:s13] =	ssyncadd.s32 $0xFFFFF830  }
0x26: {  	_ =	swait.ge [sflag:s14], $0x7D0  }
0x27: {  	[sflag:s14] =	ssyncset.done $0x0  }
0x28: {  	[sflag:s14] =	ssyncadd.s32 $0xFFFFF830  }
0x29: {  	_ =	swait.ge [sflag:s15], $0x7D0  }
0x2a: {  	[sflag:s15] =	ssyncset.done $0x0  }
0x2b: {  	[sflag:s15] =	ssyncadd.s32 $0xFFFFF830  }
0x2c: {  	_ =	swait.ge [sflag:s16], $0x7D0  }
0x2d: {  	s20 =	simm.s32 $0x1000;
	s19 =	simm.s32 $0x800;
	[sflag:s16] =	ssyncset.done $0x0  }
.LBB2_2:
0x2e: {  	s21 =	sshra.s32 s19, $0x2  }
0x2f: {  	[sflag:s16] =	ssyncadd.s32 $0xFFFFF830;
	s19 =	smov.u32 s20;
	s22 =	sadd.s32 $0x800, s20  }
0x30: {  	[spmem:s3] =	stream.indirect.scatter.add.f32 [tilespmem:s11], [sflag:$0x1], $0x10, s21, s12, $0xb8;
	[tilespmem:$0x57D0] =	vst v63  }
0x31: {  	p0 =	sne.s32 s20, $0x9800;
	s20 =	sadd.s32 $0x80, s21  }
0x32: {  	[spmem:s3] =	stream.indirect.scatter.add.f32 [tilespmem:s11], [sflag:$0x2], $0x10, s20, s12, $0xb8;
	[tilespmem:$0x57D0] =	vst v63  }
0x33: {  	s20 =	sadd.s32 $0x100, s21  }
0x34: {  	[spmem:s3] =	stream.indirect.scatter.add.f32 [tilespmem:s11], [sflag:$0x3], $0x10, s20, s12, $0xb8;
	[tilespmem:$0x57D0] =	vst v63  }
0x35: {  	s20 =	sadd.s32 $0x180, s21  }
0x36: {  	[spmem:s3] =	stream.indirect.scatter.add.f32 [tilespmem:s11], [sflag:$0x4], $0x10, s20, s12, $0xb8;
	[tilespmem:$0x57D0] =	vst v63  }
0x37: {  	_ =	swait.ge [sflag:s13], $0x7D0  }
0x38: {  	[sflag:s13] =	ssyncset.done $0x0  }
0x39: {  	[sflag:s13] =	ssyncadd.s32 $0xFFFFF830  }
0x3a: {  	_ =	swait.ge [sflag:s14], $0x7D0  }
0x3b: {  	[sflag:s14] =	ssyncset.done $0x0  }
0x3c: {  	[sflag:s14] =	ssyncadd.s32 $0xFFFFF830  }
.Ltmp0:
0x3d: {  	_ =	swait.ge [sflag:s15], $0x7D0;
	(pc) =	sbr.rel @p0 .LBB2_2-.Ltmp0, $4  }
0x3e: {  	[sflag:s15] =	ssyncset.done $0x0  }
0x3f: {  	[sflag:s15] =	ssyncadd.s32 $0xFFFFF830  }
0x40: {  	_ =	swait.ge [sflag:s16], $0x7D0  }
0x41: {  	s20 =	smov.u32 s22;
	[sflag:s16] =	ssyncset.done $0x0  }
0x42: {  	s19 =	sshra.s32 s19, $0x2;
	[sflag:s16] =	ssyncadd.s32 $0xFFFFF830  }
0x43: {  	[spmem:s3] =	stream.indirect.scatter.add.f32 [tilespmem:s11], [sflag:$0x1], $0x10, s19, s12, $0xb8;
	[tilespmem:$0x57D0] =	vst v63  }
0x44: {  	s20 =	sadd.s32 $0x80, s19  }
0x45: {  	[spmem:s3] =	stream.indirect.scatter.add.f32 [tilespmem:s11], [sflag:$0x2], $0x10, s20, s12, $0xb8;
	[tilespmem:$0x57D0] =	vst v63  }
0x46: {  	s31 =	sadd.s32 $0x100, s19  }
0x47: {  	[spmem:s3] =	stream.indirect.scatter.add.f32 [tilespmem:s11], [sflag:$0x3], $0x10, s31, s12, $0xb8;
	[tilespmem:$0x57D0] =	vst v63  }
0x48: {  	s19 =	sadd.s32 $0x180, s19  }
0x49: {  	[spmem:s3] =	stream.indirect.scatter.add.f32 [tilespmem:s11], [sflag:$0x4], $0x10, s19, s12, $0xb8;
	[tilespmem:$0x57D0] =	vst v63  }
0x4a: {  	_ =	swait.ge [sflag:s13], $0x7D0  }
0x4b: {  	[sflag:s13] =	ssyncset.done $0x0  }
0x4c: {  	[sflag:s13] =	ssyncadd.s32 $0xFFFFF830  }
0x4d: {  	_ =	swait.ge [sflag:s14], $0x7D0  }
0x4e: {  	[sflag:s14] =	ssyncset.done $0x0  }
0x4f: {  	[sflag:s14] =	ssyncadd.s32 $0xFFFFF830  }
0x50: {  	_ =	swait.ge [sflag:s15], $0x7D0  }
0x51: {  	[sflag:s15] =	ssyncset.done $0x0  }
0x52: {  	[sflag:s15] =	ssyncadd.s32 $0xFFFFF830  }
0x53: {  	_ =	swait.ge [sflag:s16], $0x7D0  }
0x54: {  	s18 =	sadd.s32 $0x1, s18;
	[sflag:s16] =	ssyncset.done $0x0  }
0x55: {  	p0 =	sne.s32 s18, s8;
	[sflag:s16] =	ssyncadd.s32 $0xFFFFF830  }
.Ltmp1:
0x56: {  	[bflag:$0x0] =	sbarrier.arrive $0xFFFF;
	(pc) =	sbr.rel @p0 .LBB2_1-.Ltmp1, $4  }
0x57: {  	[hbm:s17], [sflag:s6] =	dma.local [spmem:s9], $0x500  }
0x58: {  	_ =	swait.ge [sflag:s10], $0x500  }
0x59: {  	[sflag:s10] =	ssyncset.done $0x0  }
0x5a: {  	[sflag:s10] =	ssyncadd.s32 $0xFFFFFB00  }
0x5b: {  	_ =	sfence.sel $0x180000  }
0x5c: {  	[bflag:$0x0] =	sbarrier.arrive $0xFFFF  }
0x5d: {  	p0 =	sne.s32 s1, $0x0;
	_ =	strace $0x90000047  }
0x5e: {  	s0 =	sadd.s32 @!p0 $0x100000, s0;
	[bflag:$0x2] =	sbarrier.arrive $0xFFFF  }
0x5f: {  	[sflag:s0] =	ssyncadd.tile.s32 @!p0 $0x1;
	_ =	shalt  }
.Lfunc_end2:
_tile_overlayer_lowered:
.L_overlay_start_2:
0x60: {  	(tag) =	ssettag $0x2  }
0x61: {  	s0 =	rddreg [dreg:$0x0];
	s2 =	stileid.u32  }
0x62: {  	s1 =	rddreg [dreg:$0x1];
	p0 =	sne.s32 s2, $0x0  }
0x63: {  	s3 =	rddreg [dreg:$0x2];
	[bflag:$0x3] =	sbarrier.arrive $0xFFFF;
	s2 =	simm.s32 @!p0 $0x1C05  }
0x64: {  	[timem:s3], [sflag:s2] =	dma.local @!p0 [hbm:s0], s1  }
0x65: {  	s0 =	simm.s32 @!p0 $0x5  }
0x66: {  	_ =	swait.ge @!p0 [sflag:s0], s1  }
0x67: {  	s1 =	ssub.s32 @!p0 $0x0, s1;
	[sflag:s0] =	ssyncset.done @!p0 $0x0  }
0x68: {  	[sflag:s0] =	ssyncadd.s32 @!p0 s1  }
0x69: {  	[bflag:$0x3] =	sbarrier.arrive $0xFFFF  }
0x6a: {  	_ =	shalt  }

// kernel: kernel.19.cloned.1.call-start
scs
__scs_entry_jumppad:
0x0: {  	(pc) =	sbr.rel $0x88, $3  }
0x1: {  	(tag) =	ssettag $0x0;
	lr =	simm.s32 $0x1  }
0x2: {  	[smem:$0x3F99] =	sst lr;
	_ =	strace $0xD0000000  }
0x3: {  	_ = 	snop  }
0x4: {  	_ = 	snop  }
0x5: {  	_ = 	snop  }
0x6: {  	_ = 	snop  }
0x7: {  	_ = 	snop  }
__scs_overlays_trampoline_lowered:
0x8: {  	[smem:$0x3FA8] =	sst s0  }
0x9: {  	[smem:$0x3FA9] =	sst s1  }
0xa: {  	[smem:$0x3FAA] =	sst s2  }
0xb: {  	[smem:$0x3FAB] =	sst s3  }
0xc: {  	[smem:$0x3FAC] =	sst s4  }
0xd: {  	[smem:$0x3FAD] =	sst s5  }
0xe: {  	[smem:$0x3FAE] =	sst s6  }
0xf: {  	[smem:$0x3FAF] =	sst s7  }
0x10: {  	[smem:$0x3FB0] =	sst s8  }
0x11: {  	[smem:$0x3FB1] =	sst s9;
	s0 =	simm.s32 @!p0 $0x0  }
0x12: {  	s1 =	sld [smem:$0x3F97];
	s0 =	simm.s32 @p0 $0x1  }
0x13: {  	[smem:$0x3FB2] =	sst s0;
	s0 =	simm.s32 @!p1 $0x0  }
0x14: {  	s2 =	sld [smem:$0x3F96];
	s0 =	simm.s32 @p1 $0x1  }
0x15: {  	[smem:$0x3FB3] =	sst s0;
	s0 =	simm.s32 @!p2 $0x0  }
0x16: {  	s3 =	sld [smem:$0x3FDB];
	s0 =	simm.s32 @p2 $0x1  }
0x17: {  	s4 =	simm.s32 $0x1BF5;
	[smem:$0x3FB5] =	sst s0  }
0x18: {  	s0 =	sld [smem:$0x3F98];
	_ =	swait.ge [sflag:s4], $0x0  }
0x19: {  	s7 =	sld [smem:$0x3F99]  }
0x1a: {  	s8 =	sadd.s32 $0xFFFFE003, lr  }
0x1b: {  	s9 =	sadd.s32 $0xFFFFFEF7, lr;
	s5 =	simm.s32 $0xFFFFFFFF;
	p2 =	slt.u32 s8, $0xFFFFF086  }
0x1c: {  	p1 =	slt.u32 s9, $0xF7A;
	s5 =	simm.s32 @!p2 $0x0  }
0x1d: {  	s5 =	simm.s32 @p1 $0x1;
	p0 =	seq.s32 s7, s2  }
0x1e: {  	s7 =	smul.u32 @!p0 $0xF7A, s2;
	p2 =	seq.s32 @!p0 s5, $0x0  }
0x1f: {  	s9 =	smul.u32 $0xF7A, s1;
	s8 =	simm.s32 @!p0 $0x1BF5;
	p2 =	por !p2, p0  }
0x20: {  	[sflag:s8] =	ssyncset.s32 @!p0 $0xFFFFF086;
	s6 =	sadd.s32 @!p0 s3, s7;
	s7 =	simm.s32 @!p0 $0x108  }
0x21: {  	s3 =	sadd.s32 s3, s9;
	s6 =	sadd.s32 @!p0 $0x88, s6;
	s7 =	simm.s32 @p2 $0x1082  }
0x22: {  	[simem:s7], [sflag:s8] =	dma.local @!p0 [hbm:s6], $0xF7A  }
0x23: {  	s9 =	sor.u32 $0xD0000000, s2;
	s6 =	simm.s32 $0x108;
	_ =	swait.ge @!p0 [sflag:s8], $0x0  }
0x24: {  	s3 =	sadd.s32 $0x88, s3;
	s6 =	simm.s32 @!p1 $0x1082;
	[sflag:s4] =	ssyncset.s32 $0xFFFFF086  }
0x25: {  	[simem:s6], [sflag:s4] =	dma.local [hbm:s3], $0xF7A  }
0x26: {  	[smem:$0x3F99] =	sst s1;
	(tag) =	ssettag s2;
	_ =	strace s9  }
0x27: {  	s1 =	sld [smem:$0x3FA9]  }
0x28: {  	s2 =	sld [smem:$0x3FAA]  }
0x29: {  	s4 =	sld [smem:$0x3FAC]  }
0x2a: {  	p0 =	seq.s32 s5, $0x0;
	s5 =	sld [smem:$0x3FAD]  }
0x2b: {  	s6 =	sld [smem:$0x3FAE]  }
0x2c: {  	s7 =	sld [smem:$0x3FAF]  }
0x2d: {  	s3 =	simm.s32 $0x108;
	s8 =	sld [smem:$0x3FB0]  }
0x2e: {  	s3 =	simm.s32 @!p0 $0x1082;
	s9 =	sld [smem:$0x3FB1]  }
0x2f: {  	lr =	sadd.s32 s0, s3;
	s0 =	sld [smem:$0x3FA8]  }
0x30: {  	s3 =	sld [smem:$0x3FAB]  }
0x31: {  	[smem:$0x3FB4] =	sst s10  }
0x32: {  	s10 =	sld [smem:$0x3FB2];
	_ =	sdelay $0x3  }
0x33: {  	p0 =	seq.s32 s10, $0x1;
	s10 =	sld [smem:$0x3FB4];
	_ =	sdelay $0x3  }
0x34: {  	[smem:$0x3FB4] =	sst s10  }
0x35: {  	s10 =	sld [smem:$0x3FB3];
	_ =	sdelay $0x3  }
0x36: {  	p1 =	seq.s32 s10, $0x1;
	s10 =	sld [smem:$0x3FB4];
	_ =	sdelay $0x3  }
0x37: {  	[smem:$0x3FB4] =	sst s10  }
0x38: {  	s10 =	sld [smem:$0x3FB5]  }
0x39: {  	_ = 	snop;
	(pc) =	sbr.ind lr, $3  }
0x3a: {  	_ = 	snop  }
0x3b: {  	_ = 	snop  }
0x3c: {  	p2 =	seq.s32 s10, $0x1;
	s10 =	sld [smem:$0x3FB4]  }
0x3d: {  	_ =	shalt  }
0x3e: {  	_ =	shalt  }
0x3f: {  	_ =	shalt  }
0x40: {  	_ =	shalt  }
0x41: {  	_ =	shalt  }
0x42: {  	_ =	shalt  }
0x43: {  	_ =	shalt  }
0x44: {  	_ =	shalt  }
0x45: {  	_ =	shalt  }
0x46: {  	_ =	shalt  }
0x47: {  	_ =	shalt  }
0x48: {  	_ =	shalt  }
0x49: {  	_ =	shalt  }
0x4a: {  	_ =	shalt  }
0x4b: {  	_ =	shalt  }
0x4c: {  	_ =	shalt  }
0x4d: {  	_ =	shalt  }
0x4e: {  	_ =	shalt  }
0x4f: {  	_ =	shalt  }
0x50: {  	_ =	shalt  }
0x51: {  	_ =	shalt  }
0x52: {  	_ =	shalt  }
0x53: {  	_ =	shalt  }
0x54: {  	_ =	shalt  }
0x55: {  	_ =	shalt  }
0x56: {  	_ =	shalt  }
0x57: {  	_ =	shalt  }
0x58: {  	_ =	shalt  }
0x59: {  	_ =	shalt  }
0x5a: {  	_ =	shalt  }
0x5b: {  	_ =	shalt  }
0x5c: {  	_ =	shalt  }
0x5d: {  	_ =	shalt  }
0x5e: {  	_ =	shalt  }
0x5f: {  	_ =	shalt  }
0x60: {  	_ =	shalt  }
0x61: {  	_ =	shalt  }
0x62: {  	_ =	shalt  }
0x63: {  	_ =	shalt  }
0x64: {  	_ =	shalt  }
0x65: {  	_ =	shalt  }
0x66: {  	_ =	shalt  }
0x67: {  	_ =	shalt  }
0x68: {  	_ =	shalt  }
0x69: {  	_ =	shalt  }
0x6a: {  	_ =	shalt  }
0x6b: {  	_ =	shalt  }
0x6c: {  	_ =	shalt  }
0x6d: {  	_ =	shalt  }
0x6e: {  	_ =	shalt  }
0x6f: {  	_ =	shalt  }
0x70: {  	_ =	shalt  }
0x71: {  	_ =	shalt  }
0x72: {  	_ =	shalt  }
0x73: {  	_ =	shalt  }
0x74: {  	_ =	shalt  }
0x75: {  	_ =	shalt  }
0x76: {  	_ =	shalt  }
0x77: {  	_ =	shalt  }
0x78: {  	_ =	shalt  }
0x79: {  	_ =	shalt  }
0x7a: {  	_ =	shalt  }
0x7b: {  	_ =	shalt  }
0x7c: {  	_ =	shalt  }
0x7d: {  	_ =	shalt  }
0x7e: {  	_ =	shalt  }
0x7f: {  	_ =	shalt  }
0x80: {  	_ =	shalt  }
0x81: {  	_ =	shalt  }
0x82: {  	_ =	shalt  }
0x83: {  	_ =	shalt  }
0x84: {  	_ =	shalt  }
0x85: {  	_ =	shalt  }
0x86: {  	_ =	shalt  }
0x87: {  	_ =	shalt  }
.Lfunc_end0:
.L_simem_size_0:
called_computation.1_lowered:
.L_overlay_start_0:
0x88: {  	s2 =	sld [smem:$0x3FD9]  }
0x89: {  	s3 =	sld [smem:$0x3FFE];
	_ =	sdelay $0x1  }
0x8a: {  	s1 =	srdreg.scid  }
0x8b: {  	s0 =	sand.u32 $0x1, s1  }
0x8c: {  	s16 =	sshll.u32 s0, $0xA;
	s2 =	sadd.s32 s3, s2  }
0x8d: {  	s2 =	sadd.s32 s2, s16  }
0x8e: {  	[smem:$0x3FC0] =	sst s2  }
0x8f: {  	_ = 	snop  }
0x90: {  	(tm) =	ssettm $0x1  }
0x91: {  	s17 =	sld [smem:$0x3FFB];
	_ =	sdelay $0x3  }
0x92: {  	_ =	strace s17  }
0x93: {  	s2 =	sld [smem:$0x3FFC];
	_ =	sdelay $0x3  }
0x94: {  	_ =	strace s2  }
0x95: {  	s2 =	sld [smem:$0x3FFD];
	_ =	sdelay $0x3  }
0x96: {  	_ =	strace s2  }
0x97: {  	_ =	strace $0x8FFFFFFF  }
0x98: {  	s18 =	sld [smem:$0x3FDB];
	_ =	sdelay $0x1  }
0x99: {  	s19 =	simm.s32 $_scs_section_size  }
0x9a: {  	s4 =	simm.s32 $_size__tile_overlayer_lowered;
	s5 =	simm.s32 $_tile_overlayer_lowered  }
0x9b: {  	s22 =	simm.s32 $0x1BFF;
	s21 =	sshll.u32 s5, $0x1;
	s2 =	sadd.s32 s19, s18  }
0x9c: {  	s6 =	simm.s32 $0x0;
	s20 =	sshll.u32 s4, $0x1;
	s4 =	sadd.s32 s21, s2  }
0x9d: {  	[timem:s6], [sflag:s22] =	dma.local [hbm:s4], s20  }
0x9e: {  	_ =	swait.ge [sflag:s22], s20  }
0x9f: {  	s3 =	ssub.s32 $0x0, s20;
	[sflag:s22] =	ssyncset.done $0x0  }
0xa0: {  	[sflag:s22] =	ssyncadd.s32 s3;
	_ =	sdelay $0x1  }
0xa1: {  	s23 =	simm.s32 $0x1B8B  }
0xa2: {  	_ =	swait.ge [sflag:s23], $0x1  }
0xa3: {  	[sflag:s23] =	ssyncset.done $0x0  }
0xa4: {  	s25 =	simm.s32 $0x1B8E;
	s24 =	sld [smem:$0x3FFE];
	[sflag:s23] =	ssyncadd.s32 $0xFFFFFFFF  }
0xa5: {  	s26 =	simm.s32 $execute0_lowered;
	[smem:$0x3FD2] =	sst s25  }
0xa6: {  	s4 =	sshll.u32 s26, $0x1;
	_ =	strace $0x80000049;
	[dreg:$0x1] =	wrdreg $0xFFFFFFFF  }
0xa7: {  	s28 =	simm.s32 $_size_execute0_lowered;
	s2 =	sadd.s32 s2, s4;
	[dreg:$0x0] =	wrdreg $0x0  }
0xa8: {  	s4 =	sshll.u32 s28, $0x1;
	[dreg:$0x2] =	wrdreg s2  }
0xa9: {  	[dreg:$0x3] =	wrdreg s4  }
0xaa: {  	[dreg:$0x4] =	wrdreg $0xC0  }
0xab: {  	_ =	task [dreg:s6], $0x5FFFF  }
0xac: {  	[dreg:$0x1] =	wrdreg $0xFFFFFFFF  }
0xad: {  	[dreg:$0x0] =	wrdreg $0x60  }
0xae: {  	[dreg:$0x2] =	wrdreg s24  }
0xaf: {  	[dreg:$0x3] =	wrdreg $0x11D000  }
0xb0: {  	[dreg:$0x4] =	wrdreg $0x9  }
0xb1: {  	_ =	task.clear_ibuf [dreg:s6], $0x5FFFF;
	_ =	strace $0x90000049  }
0xb2: {  	s29 =	simm.s32 $0x9;
	_ =	strace $0x8000004B  }
0xb3: {  	_ =	swait.ge [sflag:s29], $0x1  }
0xb4: {  	[sflag:s29] =	ssyncadd.s32 $0xFFFFFFFF  }
0xb5: {  	_ =	strace $0x9000004B  }
0xb6: {  	_ =	sfence  }
0xb7: {  	s30 =	sld [smem:$0x0];
	_ =	sdelay $0x2  }
0xb8: {  	s31 =	sshll.u32 s1, $0xD;
	s1 =	sshrl.u32 s1, $0x2  }
0xb9: {  	s3 =	sand.u32 $0x4000, s31;
	s1 =	sadd.s32 s1, s30  }
0xba: {  	s0 =	sor.u32 s3, s0;
	s1 =	sshll.u32 s1, $0x11  }
0xbb: {  	s0 =	sor.u32 s1, s0  }
0xbc: {  	s0 =	sadd.s32 $0x8F2B, s0  }
0xbd: {  	[sflag:s0] =	ssyncadd.remote.s32 $0x1  }
0xbe: {  	_ =	sfence.sel $0xFFFF  }
0xbf: {  	[dreg:$0x0] =	wrdreg $0xFFFFFFFF;
	(pc) =	sbr.abs _section_cstart, $3  }
0xc0: {  	[dreg:$0x1] =	wrdreg $0xFFFFFFFF  }
0xc1: {  	_ =	task.clear_ibuf [dreg:s6], $0x2FFFF;
	_ =	strace $0x9FFFFFFF  }
0xc2: {  	(tm) =	ssettm $0x7FFFFFFF  }
0xc3: {  	_ =	shalt  }
tec
execute0_lowered:
.L_overlay_start_1:
0x0: {  	(tag) =	ssettag $0x1  }
0x1: {  	s0 =	rddreg [dreg:$0x0]  }
0x2: {  	s2 =	rddreg [dreg:$0x1];
	s3 =	simm.s32 $0x0;
	s10 =	stileid.u32  }
0x3: {  	s4 =	srdreg.scid;
	s13 =	simm.s32 $0x7D;
	s14 =	simm.s32 $0xA000  }
0x4: {  	s16 =	simm.s32 $0xBF40;
	s18 =	simm.s32 $0xDE80;
	s20 =	simm.s32 $0xFDC0  }
0x5: {  	s21 =	simm.s32 $0x1;
	s22 =	simm.s32 $0x2;
	s23 =	simm.s32 $0x3  }
0x6: {  	s25 =	simm.s32 $0x4;
	s26 =	simm.s32 $0x5;
	s28 =	simm.s32 $0x6  }
0x7: {  	s29 =	simm.s32 $0x7;
	s30 =	simm.s32 $0x8;
	s15 =	simm.s32 $0x0  }
0x8: {  	[smem:$0x7FF] =	sst s3;
	s1 =	smul.u32 $0xA00, s10;
	s7 =	sand.u32 $0x1, s4  }
0x9: {  	s4 =	sadd.s32 $0x2BE00, s0;
	s5 =	sadd.s32 $0xDC00, s0;
	s9 =	smul.u32 $0xA000, s10  }
0xa: {  	s10 =	sshll.u32 s10, $0x6;
	_ =	strace $0x8000004A;
	s6 =	smul.u32 $0x14000, s7  }
0xb: {  	s8 =	ssub.s32 $0x2, s7;
	p0 =	seq.s32 s7, $0x1;
	s1 =	sadd.s32 s1, s0  }
0xc: {  	s31 =	sshrl.u32 s8, $0x1;
	s11 =	sadd.s32 s9, s2;
	s12 =	sshrl.u32 s9, $0x3  }
0xd: {  	s0 =	sadd.s32 s6, s0;
	s6 =	sor.u32 $0x1C09, s10;
	s10 =	simm.s32 $0x21E00  }
0xe: {  	s8 =	ssub.s32 s8, s31;
	s7 =	sadd.s32 $0x3C00, s1;
	s10 =	simm.s32 @!p0 $0x17E00  }
0xf: {  	s0 =	sadd.s32 $0x53E00, s0;
	s8 =	smax.u32 s8, $0x1;
	s9 =	sadd.s32 s10, s1  }
0x10: {  	s10 =	sshrl.u32 s11, $0x3;
	s11 =	simm.s32 $0x9;
	s24 =	sadd.s32 s12, s0  }
0x11: {  	s0 =	simm.s32 $0x9E80;
	s1 =	simm.s32 $0x9F00;
	s12 =	simm.s32 $0x9F80  }
.LBB2_1:
0x12: {  	[spmem:s10], [sflag:s6] =	dma.local [hbm:s5], $0x1400  }
0x13: {  	_ =	swait.ge [sflag:s11], $0x1400  }
0x14: {  	[sflag:s11] =	ssyncset.done $0x0  }
0x15: {  	[sflag:s11] =	ssyncadd.s32 $0xFFFFEC00  }
0x16: {  	[tilespmem:s3], [sflag:$0x9] =	stream.linear.gather [hbm4b:s9+s3], $0x5000, $0x38;
	[tilespmem:$0x1BD00] =	vst v63  }
0x17: {  	_ =	swait.ge [sflag:s11], $0x5000  }
0x18: {  	[sflag:s11] =	ssyncset.done $0x0  }
0x19: {  	s17 =	simm.s32 $0x5000;
	[sflag:s11] =	ssyncadd.s32 $0xFFFFB000  }
0x1a: {  	[tilespmem:s17], [sflag:$0x9] =	stream.linear.gather [hbm4b:s7+s3], $0x5000, $0x38;
	[tilespmem:$0x1BD00] =	vst v63  }
0x1b: {  	_ =	swait.ge [sflag:s11], $0x5000  }
0x1c: {  	[sflag:s11] =	ssyncset.done $0x0  }
0x1d: {  	[sflag:s11] =	ssyncadd.s32 $0xFFFFB000  }
0x1e: {  	[bflag:$0x0] =	sbarrier.arrive $0xFFFF  }
0x1f: {  	[tilespmem:s14], [sflag:$0x1] =	stream.indirect.gather [hbm4b:s4+s13], $0x40, s3, s13, $0xb8;
	[tilespmem:$0x1BD00] =	vst v63  }
0x20: {  	s19 =	simm.s32 $0x80  }
0x21: {  	[tilespmem:s16], [sflag:$0x2] =	stream.indirect.gather [hbm4b:s4+s13], $0x40, s19, s13, $0xb8;
	[tilespmem:$0x1BD00] =	vst v63  }
0x22: {  	s31 =	simm.s32 $0x100  }
0x23: {  	[tilespmem:s18], [sflag:$0x3] =	stream.indirect.gather [hbm4b:s4+s13], $0x40, s31, s13, $0xb8;
	[tilespmem:$0x1BD00] =	vst v63  }
0x24: {  	s19 =	simm.s32 $0x180  }
0x25: {  	[tilespmem:s20], [sflag:$0x4] =	stream.indirect.gather [hbm4b:s4+s13], $0x40, s19, s13, $0xb8;
	[tilespmem:$0x1BD00] =	vst v63  }
0x26: {  	_ =	swait.ge [sflag:s21], $0x1F40  }
0x27: {  	[sflag:s21] =	ssyncset.done $0x0  }
0x28: {  	s31 =	simm.s32 $0x5000;
	[sflag:s21] =	ssyncadd.s32 $0xFFFFE0C0  }
0x29: {  	[spmem:s2] =	stream.indirect.scatter.add.f32 [tilespmem:s14], [sflag:$0x5], $0x40, s31, s13, $0xb8;
	[tilespmem:$0x1BD00] =	vst v63  }
0x2a: {  	_ =	swait.ge [sflag:s22], $0x1F40  }
0x2b: {  	[sflag:s22] =	ssyncset.done $0x0  }
0x2c: {  	s19 =	simm.s32 $0x5080;
	[sflag:s22] =	ssyncadd.s32 $0xFFFFE0C0  }
0x2d: {  	[spmem:s2] =	stream.indirect.scatter.add.f32 [tilespmem:s16], [sflag:$0x6], $0x40, s19, s13, $0xb8;
	[tilespmem:$0x1BD00] =	vst v63  }
0x2e: {  	_ =	swait.ge [sflag:s23], $0x1F40  }
0x2f: {  	[sflag:s23] =	ssyncset.done $0x0  }
0x30: {  	s31 =	simm.s32 $0x5100;
	[sflag:s23] =	ssyncadd.s32 $0xFFFFE0C0  }
0x31: {  	[spmem:s2] =	stream.indirect.scatter.add.f32 [tilespmem:s18], [sflag:$0x7], $0x40, s31, s13, $0xb8;
	[tilespmem:$0x1BD00] =	vst v63  }
0x32: {  	_ =	swait.ge [sflag:s25], $0x1F40  }
0x33: {  	[sflag:s25] =	ssyncset.done $0x0  }
0x34: {  	s19 =	simm.s32 $0x5180;
	[sflag:s25] =	ssyncadd.s32 $0xFFFFE0C0  }
0x35: {  	[spmem:s2] =	stream.indirect.scatter.add.f32 [tilespmem:s20], [sflag:$0x8], $0x40, s19, s13, $0xb8;
	[tilespmem:$0x1BD00] =	vst v63  }
0x36: {  	_ =	swait.ge [sflag:s26], $0x1F40  }
0x37: {  	[sflag:s26] =	ssyncset.done $0x0  }
0x38: {  	s31 =	simm.s32 $0x200;
	[sflag:s26] =	ssyncadd.s32 $0xFFFFE0C0  }
0x39: {  	[tilespmem:s14], [sflag:$0x1] =	stream.indirect.gather [hbm4b:s4+s13], $0x40, s31, s13, $0xb8;
	[tilespmem:$0x1BD00] =	vst v63  }
0x3a: {  	_ =	swait.ge [sflag:s28], $0x1F40  }
0x3b: {  	[sflag:s28] =	ssyncset.done $0x0  }
0x3c: {  	s19 =	simm.s32 $0x280;
	[sflag:s28] =	ssyncadd.s32 $0xFFFFE0C0  }
0x3d: {  	[tilespmem:s16], [sflag:$0x2] =	stream.indirect.gather [hbm4b:s4+s13], $0x40, s19, s13, $0xb8;
	[tilespmem:$0x1BD00] =	vst v63  }
0x3e: {  	_ =	swait.ge [sflag:s29], $0x1F40  }
0x3f: {  	[sflag:s29] =	ssyncset.done $0x0  }
0x40: {  	s31 =	simm.s32 $0x300;
	[sflag:s29] =	ssyncadd.s32 $0xFFFFE0C0  }
0x41: {  	[tilespmem:s18], [sflag:$0x3] =	stream.indirect.gather [hbm4b:s4+s13], $0x40, s31, s13, $0xb8;
	[tilespmem:$0x1BD00] =	vst v63  }
0x42: {  	_ =	swait.ge [sflag:s30], $0x1F40  }
0x43: {  	[sflag:s30] =	ssyncset.done $0x0  }
0x44: {  	s17 =	simm.s32 $0x800;
	s19 =	simm.s32 $0x380;
	[sflag:s30] =	ssyncadd.s32 $0xFFFFE0C0  }
.LBB2_2:
0x45: {  	[tilespmem:s20], [sflag:$0x4] =	stream.indirect.gather [hbm4b:s4+s13], $0x40, s19, s13, $0xb8;
	[tilespmem:$0x1BD00] =	vst v63  }
0x46: {  	s19 =	smov.u32 s17  }
0x47: {  	p0 =	sne.s32 s17, $0x13000;
	s17 =	sadd.s32 $0x800, s17;
	_ =	swait.ge [sflag:s21], $0x1F40  }
0x48: {  	s19 =	sshra.s32 s19, $0x2;
	[sflag:s21] =	ssyncset.done $0x0  }
0x49: {  	s31 =	sadd.s32 $0x5000, s19;
	[sflag:s21] =	ssyncadd.s32 $0xFFFFE0C0  }
0x4a: {  	[spmem:s2] =	stream.indirect.scatter.add.f32 [tilespmem:s14], [sflag:$0x5], $0x40, s31, s13, $0xb8;
	[tilespmem:$0x1BD00] =	vst v63  }
0x4b: {  	_ =	swait.ge [sflag:s22], $0x1F40  }
0x4c: {  	[sflag:s22] =	ssyncset.done $0x0  }
0x4d: {  	s31 =	sadd.s32 $0x5080, s19;
	[sflag:s22] =	ssyncadd.s32 $0xFFFFE0C0  }
0x4e: {  	[spmem:s2] =	stream.indirect.scatter.add.f32 [tilespmem:s16], [sflag:$0x6], $0x40, s31, s13, $0xb8;
	[tilespmem:$0x1BD00] =	vst v63  }
0x4f: {  	_ =	swait.ge [sflag:s23], $0x1F40  }
0x50: {  	[sflag:s23] =	ssyncset.done $0x0  }
0x51: {  	s31 =	sadd.s32 $0x5100, s19;
	[sflag:s23] =	ssyncadd.s32 $0xFFFFE0C0  }
0x52: {  	[spmem:s2] =	stream.indirect.scatter.add.f32 [tilespmem:s18], [sflag:$0x7], $0x40, s31, s13, $0xb8;
	[tilespmem:$0x1BD00] =	vst v63  }
0x53: {  	_ =	swait.ge [sflag:s25], $0x1F40  }
0x54: {  	[sflag:s25] =	ssyncset.done $0x0  }
0x55: {  	s31 =	sadd.s32 $0x5180, s19;
	[sflag:s25] =	ssyncadd.s32 $0xFFFFE0C0  }
0x56: {  	[spmem:s2] =	stream.indirect.scatter.add.f32 [tilespmem:s20], [sflag:$0x8], $0x40, s31, s13, $0xb8;
	[tilespmem:$0x1BD00] =	vst v63  }
0x57: {  	_ =	swait.ge [sflag:s26], $0x1F40  }
0x58: {  	[sflag:s26] =	ssyncset.done $0x0  }
0x59: {  	s31 =	sadd.s32 $0x200, s19;
	[sflag:s26] =	ssyncadd.s32 $0xFFFFE0C0  }
0x5a: {  	[tilespmem:s14], [sflag:$0x1] =	stream.indirect.gather [hbm4b:s4+s13], $0x40, s31, s13, $0xb8;
	[tilespmem:$0x1BD00] =	vst v63  }
0x5b: {  	_ =	swait.ge [sflag:s28], $0x1F40  }
0x5c: {  	[sflag:s28] =	ssyncset.done $0x0  }
0x5d: {  	s31 =	sadd.s32 $0x280, s19;
	[sflag:s28] =	ssyncadd.s32 $0xFFFFE0C0  }
0x5e: {  	[tilespmem:s16], [sflag:$0x2] =	stream.indirect.gather [hbm4b:s4+s13], $0x40, s31, s13, $0xb8;
	[tilespmem:$0x1BD00] =	vst v63  }
0x5f: {  	_ =	swait.ge [sflag:s29], $0x1F40  }
0x60: {  	[sflag:s29] =	ssyncset.done $0x0  }
.Ltmp0:
0x61: {  	s31 =	sadd.s32 $0x300, s19;
	[sflag:s29] =	ssyncadd.s32 $0xFFFFE0C0;
	(pc) =	sbr.rel @p0 .LBB2_2-.Ltmp0, $4  }
0x62: {  	[tilespmem:s18], [sflag:$0x3] =	stream.indirect.gather [hbm4b:s4+s13], $0x40, s31, s13, $0xb8;
	[tilespmem:$0x1BD00] =	vst v63  }
0x63: {  	_ =	swait.ge [sflag:s30], $0x1F40  }
0x64: {  	[sflag:s30] =	ssyncset.done $0x0  }
0x65: {  	s19 =	sadd.s32 $0x380, s19;
	[sflag:s30] =	ssyncadd.s32 $0xFFFFE0C0  }
0x66: {  	[tilespmem:s20], [sflag:$0x4] =	stream.indirect.gather [hbm4b:s4+s13], $0x40, s19, s13, $0xb8;
	[tilespmem:$0x1BD00] =	vst v63  }
0x67: {  	_ =	swait.ge [sflag:s21], $0x1F40  }
0x68: {  	[sflag:s21] =	ssyncset.done $0x0  }
0x69: {  	s17 =	simm.s32 $0x9E00;
	[sflag:s21] =	ssyncadd.s32 $0xFFFFE0C0  }
0x6a: {  	[spmem:s2] =	stream.indirect.scatter.add.f32 [tilespmem:s14], [sflag:$0x5], $0x40, s17, s13, $0xb8;
	[tilespmem:$0x1BD00] =	vst v63  }
0x6b: {  	_ =	swait.ge [sflag:s22], $0x1F40  }
0x6c: {  	[sflag:s22] =	ssyncset.done $0x0  }
0x6d: {  	[sflag:s22] =	ssyncadd.s32 $0xFFFFE0C0  }
0x6e: {  	[spmem:s2] =	stream.indirect.scatter.add.f32 [tilespmem:s16], [sflag:$0x6], $0x40, s0, s13, $0xb8;
	[tilespmem:$0x1BD00] =	vst v63  }
0x6f: {  	_ =	swait.ge [sflag:s23], $0x1F40  }
0x70: {  	[sflag:s23] =	ssyncset.done $0x0  }
0x71: {  	[sflag:s23] =	ssyncadd.s32 $0xFFFFE0C0  }
0x72: {  	[spmem:s2] =	stream.indirect.scatter.add.f32 [tilespmem:s18], [sflag:$0x7], $0x40, s1, s13, $0xb8;
	[tilespmem:$0x1BD00] =	vst v63  }
0x73: {  	_ =	swait.ge [sflag:s25], $0x1F40  }
0x74: {  	[sflag:s25] =	ssyncset.done $0x0  }
0x75: {  	[sflag:s25] =	ssyncadd.s32 $0xFFFFE0C0  }
0x76: {  	[spmem:s2] =	stream.indirect.scatter.add.f32 [tilespmem:s20], [sflag:$0x8], $0x40, s12, s13, $0xb8;
	[tilespmem:$0x1BD00] =	vst v63  }
0x77: {  	_ =	swait.ge [sflag:s26], $0x1F40  }
0x78: {  	[sflag:s26] =	ssyncset.done $0x0  }
0x79: {  	[sflag:s26] =	ssyncadd.s32 $0xFFFFE0C0  }
0x7a: {  	_ =	swait.ge [sflag:s28], $0x1F40  }
0x7b: {  	[sflag:s28] =	ssyncset.done $0x0  }
0x7c: {  	[sflag:s28] =	ssyncadd.s32 $0xFFFFE0C0  }
0x7d: {  	_ =	swait.ge [sflag:s29], $0x1F40  }
0x7e: {  	[sflag:s29] =	ssyncset.done $0x0  }
0x7f: {  	[sflag:s29] =	ssyncadd.s32 $0xFFFFE0C0  }
0x80: {  	_ =	swait.ge [sflag:s30], $0x1F40  }
0x81: {  	s15 =	sadd.s32 $0x1, s15;
	[sflag:s30] =	ssyncset.done $0x0  }
0x82: {  	p0 =	sne.s32 s15, s8;
	[sflag:s30] =	ssyncadd.s32 $0xFFFFE0C0  }
.Ltmp1:
0x83: {  	[bflag:$0x0] =	sbarrier.arrive $0xFFFF;
	(pc) =	sbr.rel @p0 .LBB2_1-.Ltmp1, $4  }
0x84: {  	[hbm:s24], [sflag:s6] =	dma.local [spmem:s10], $0x1400  }
0x85: {  	_ =	swait.ge [sflag:s11], $0x1400  }
0x86: {  	[sflag:s11] =	ssyncset.done $0x0  }
0x87: {  	[sflag:s11] =	ssyncadd.s32 $0xFFFFEC00  }
0x88: {  	_ =	sfence.sel $0x180000  }
0x89: {  	[bflag:$0x0] =	sbarrier.arrive $0xFFFF  }
0x8a: {  	_ =	strace $0x9000004A  }
0x8b: {  	s0 =	stileid.u32;
	[bflag:$0x2] =	sbarrier.arrive $0xFFFF  }
0x8c: {  	p0 =	sne.s32 s0, $0x0;
	s0 =	rddreg [dreg:$0x2]  }
0x8d: {  	s0 =	sadd.s32 @!p0 $0x100000, s0  }
0x8e: {  	[sflag:s0] =	ssyncadd.tile.s32 @!p0 $0x1;
	_ =	shalt  }
.Lfunc_end2:
_tile_overlayer_lowered:
.L_overlay_start_2:
0x8f: {  	(tag) =	ssettag $0x2  }
0x90: {  	s0 =	rddreg [dreg:$0x0];
	s2 =	stileid.u32  }
0x91: {  	s1 =	rddreg [dreg:$0x1];
	p0 =	sne.s32 s2, $0x0  }
0x92: {  	s3 =	rddreg [dreg:$0x2];
	[bflag:$0x3] =	sbarrier.arrive $0xFFFF;
	s2 =	simm.s32 @!p0 $0x1C09  }
0x93: {  	[timem:s3], [sflag:s2] =	dma.local @!p0 [hbm:s0], s1  }
0x94: {  	s0 =	simm.s32 @!p0 $0x9  }
0x95: {  	_ =	swait.ge @!p0 [sflag:s0], s1  }
0x96: {  	s1 =	ssub.s32 @!p0 $0x0, s1;
	[sflag:s0] =	ssyncset.done @!p0 $0x0  }
0x97: {  	[sflag:s0] =	ssyncadd.s32 @!p0 s1  }
0x98: {  	[bflag:$0x3] =	sbarrier.arrive $0xFFFF  }
0x99: {  	_ =	shalt  }

// kernel: kernel.22.cloned.1.call-start
scs
__scs_entry_jumppad:
0x0: {  	(pc) =	sbr.rel $0x88, $3  }
0x1: {  	(tag) =	ssettag $0x0;
	lr =	simm.s32 $0x1  }
0x2: {  	[smem:$0x3F99] =	sst lr;
	_ =	strace $0xD0000000  }
0x3: {  	_ = 	snop  }
0x4: {  	_ = 	snop  }
0x5: {  	_ = 	snop  }
0x6: {  	_ = 	snop  }
0x7: {  	_ = 	snop  }
__scs_overlays_trampoline_lowered:
0x8: {  	[smem:$0x3FA8] =	sst s0  }
0x9: {  	[smem:$0x3FA9] =	sst s1  }
0xa: {  	[smem:$0x3FAA] =	sst s2  }
0xb: {  	[smem:$0x3FAB] =	sst s3  }
0xc: {  	[smem:$0x3FAC] =	sst s4  }
0xd: {  	[smem:$0x3FAD] =	sst s5  }
0xe: {  	[smem:$0x3FAE] =	sst s6  }
0xf: {  	[smem:$0x3FAF] =	sst s7  }
0x10: {  	[smem:$0x3FB0] =	sst s8  }
0x11: {  	[smem:$0x3FB1] =	sst s9;
	s0 =	simm.s32 @!p0 $0x0  }
0x12: {  	s1 =	sld [smem:$0x3F97];
	s0 =	simm.s32 @p0 $0x1  }
0x13: {  	[smem:$0x3FB2] =	sst s0;
	s0 =	simm.s32 @!p1 $0x0  }
0x14: {  	s2 =	sld [smem:$0x3F96];
	s0 =	simm.s32 @p1 $0x1  }
0x15: {  	[smem:$0x3FB3] =	sst s0;
	s0 =	simm.s32 @!p2 $0x0  }
0x16: {  	s3 =	sld [smem:$0x3FDB];
	s0 =	simm.s32 @p2 $0x1  }
0x17: {  	s4 =	simm.s32 $0x1BF5;
	[smem:$0x3FB5] =	sst s0  }
0x18: {  	s0 =	sld [smem:$0x3F98];
	_ =	swait.ge [sflag:s4], $0x0  }
0x19: {  	s7 =	sld [smem:$0x3F99]  }
0x1a: {  	s8 =	sadd.s32 $0xFFFFE003, lr  }
0x1b: {  	s9 =	sadd.s32 $0xFFFFFEF7, lr;
	s5 =	simm.s32 $0xFFFFFFFF;
	p2 =	slt.u32 s8, $0xFFFFF086  }
0x1c: {  	p1 =	slt.u32 s9, $0xF7A;
	s5 =	simm.s32 @!p2 $0x0  }
0x1d: {  	s5 =	simm.s32 @p1 $0x1;
	p0 =	seq.s32 s7, s2  }
0x1e: {  	s7 =	smul.u32 @!p0 $0xF7A, s2;
	p2 =	seq.s32 @!p0 s5, $0x0  }
0x1f: {  	s9 =	smul.u32 $0xF7A, s1;
	s8 =	simm.s32 @!p0 $0x1BF5;
	p2 =	por !p2, p0  }
0x20: {  	[sflag:s8] =	ssyncset.s32 @!p0 $0xFFFFF086;
	s6 =	sadd.s32 @!p0 s3, s7;
	s7 =	simm.s32 @!p0 $0x108  }
0x21: {  	s3 =	sadd.s32 s3, s9;
	s6 =	sadd.s32 @!p0 $0x88, s6;
	s7 =	simm.s32 @p2 $0x1082  }
0x22: {  	[simem:s7], [sflag:s8] =	dma.local @!p0 [hbm:s6], $0xF7A  }
0x23: {  	s9 =	sor.u32 $0xD0000000, s2;
	s6 =	simm.s32 $0x108;
	_ =	swait.ge @!p0 [sflag:s8], $0x0  }
0x24: {  	s3 =	sadd.s32 $0x88, s3;
	s6 =	simm.s32 @!p1 $0x1082;
	[sflag:s4] =	ssyncset.s32 $0xFFFFF086  }
0x25: {  	[simem:s6], [sflag:s4] =	dma.local [hbm:s3], $0xF7A  }
0x26: {  	[smem:$0x3F99] =	sst s1;
	(tag) =	ssettag s2;
	_ =	strace s9  }
0x27: {  	s1 =	sld [smem:$0x3FA9]  }
0x28: {  	s2 =	sld [smem:$0x3FAA]  }
0x29: {  	s4 =	sld [smem:$0x3FAC]  }
0x2a: {  	p0 =	seq.s32 s5, $0x0;
	s5 =	sld [smem:$0x3FAD]  }
0x2b: {  	s6 =	sld [smem:$0x3FAE]  }
0x2c: {  	s7 =	sld [smem:$0x3FAF]  }
0x2d: {  	s3 =	simm.s32 $0x108;
	s8 =	sld [smem:$0x3FB0]  }
0x2e: {  	s3 =	simm.s32 @!p0 $0x1082;
	s9 =	sld [smem:$0x3FB1]  }
0x2f: {  	lr =	sadd.s32 s0, s3;
	s0 =	sld [smem:$0x3FA8]  }
0x30: {  	s3 =	sld [smem:$0x3FAB]  }
0x31: {  	[smem:$0x3FB4] =	sst s10  }
0x32: {  	s10 =	sld [smem:$0x3FB2];
	_ =	sdelay $0x3  }
0x33: {  	p0 =	seq.s32 s10, $0x1;
	s10 =	sld [smem:$0x3FB4];
	_ =	sdelay $0x3  }
0x34: {  	[smem:$0x3FB4] =	sst s10  }
0x35: {  	s10 =	sld [smem:$0x3FB3];
	_ =	sdelay $0x3  }
0x36: {  	p1 =	seq.s32 s10, $0x1;
	s10 =	sld [smem:$0x3FB4];
	_ =	sdelay $0x3  }
0x37: {  	[smem:$0x3FB4] =	sst s10  }
0x38: {  	s10 =	sld [smem:$0x3FB5]  }
0x39: {  	_ = 	snop;
	(pc) =	sbr.ind lr, $3  }
0x3a: {  	_ = 	snop  }
0x3b: {  	_ = 	snop  }
0x3c: {  	p2 =	seq.s32 s10, $0x1;
	s10 =	sld [smem:$0x3FB4]  }
0x3d: {  	_ =	shalt  }
0x3e: {  	_ =	shalt  }
0x3f: {  	_ =	shalt  }
0x40: {  	_ =	shalt  }
0x41: {  	_ =	shalt  }
0x42: {  	_ =	shalt  }
0x43: {  	_ =	shalt  }
0x44: {  	_ =	shalt  }
0x45: {  	_ =	shalt  }
0x46: {  	_ =	shalt  }
0x47: {  	_ =	shalt  }
0x48: {  	_ =	shalt  }
0x49: {  	_ =	shalt  }
0x4a: {  	_ =	shalt  }
0x4b: {  	_ =	shalt  }
0x4c: {  	_ =	shalt  }
0x4d: {  	_ =	shalt  }
0x4e: {  	_ =	shalt  }
0x4f: {  	_ =	shalt  }
0x50: {  	_ =	shalt  }
0x51: {  	_ =	shalt  }
0x52: {  	_ =	shalt  }
0x53: {  	_ =	shalt  }
0x54: {  	_ =	shalt  }
0x55: {  	_ =	shalt  }
0x56: {  	_ =	shalt  }
0x57: {  	_ =	shalt  }
0x58: {  	_ =	shalt  }
0x59: {  	_ =	shalt  }
0x5a: {  	_ =	shalt  }
0x5b: {  	_ =	shalt  }
0x5c: {  	_ =	shalt  }
0x5d: {  	_ =	shalt  }
0x5e: {  	_ =	shalt  }
0x5f: {  	_ =	shalt  }
0x60: {  	_ =	shalt  }
0x61: {  	_ =	shalt  }
0x62: {  	_ =	shalt  }
0x63: {  	_ =	shalt  }
0x64: {  	_ =	shalt  }
0x65: {  	_ =	shalt  }
0x66: {  	_ =	shalt  }
0x67: {  	_ =	shalt  }
0x68: {  	_ =	shalt  }
0x69: {  	_ =	shalt  }
0x6a: {  	_ =	shalt  }
0x6b: {  	_ =	shalt  }
0x6c: {  	_ =	shalt  }
0x6d: {  	_ =	shalt  }
0x6e: {  	_ =	shalt  }
0x6f: {  	_ =	shalt  }
0x70: {  	_ =	shalt  }
0x71: {  	_ =	shalt  }
0x72: {  	_ =	shalt  }
0x73: {  	_ =	shalt  }
0x74: {  	_ =	shalt  }
0x75: {  	_ =	shalt  }
0x76: {  	_ =	shalt  }
0x77: {  	_ =	shalt  }
0x78: {  	_ =	shalt  }
0x79: {  	_ =	shalt  }
0x7a: {  	_ =	shalt  }
0x7b: {  	_ =	shalt  }
0x7c: {  	_ =	shalt  }
0x7d: {  	_ =	shalt  }
0x7e: {  	_ =	shalt  }
0x7f: {  	_ =	shalt  }
0x80: {  	_ =	shalt  }
0x81: {  	_ =	shalt  }
0x82: {  	_ =	shalt  }
0x83: {  	_ =	shalt  }
0x84: {  	_ =	shalt  }
0x85: {  	_ =	shalt  }
0x86: {  	_ =	shalt  }
0x87: {  	_ =	shalt  }
.Lfunc_end0:
.L_simem_size_0:
called_computation.2_lowered:
.L_overlay_start_0:
0x88: {  	s2 =	sld [smem:$0x3FD9]  }
0x89: {  	s3 =	sld [smem:$0x3FFE];
	_ =	sdelay $0x1  }
0x8a: {  	s1 =	srdreg.scid  }
0x8b: {  	s0 =	sand.u32 $0x1, s1  }
0x8c: {  	s16 =	sshll.u32 s0, $0xA;
	s2 =	sadd.s32 s3, s2  }
0x8d: {  	s2 =	sadd.s32 s2, s16  }
0x8e: {  	[smem:$0x3FC0] =	sst s2  }
0x8f: {  	_ = 	snop  }
0x90: {  	(tm) =	ssettm $0x1  }
0x91: {  	s17 =	sld [smem:$0x3FFB];
	_ =	sdelay $0x3  }
0x92: {  	_ =	strace s17  }
0x93: {  	s2 =	sld [smem:$0x3FFC];
	_ =	sdelay $0x3  }
0x94: {  	_ =	strace s2  }
0x95: {  	s2 =	sld [smem:$0x3FFD];
	_ =	sdelay $0x3  }
0x96: {  	_ =	strace s2  }
0x97: {  	_ =	strace $0x8FFFFFFF  }
0x98: {  	s18 =	sld [smem:$0x3FDB];
	_ =	sdelay $0x1  }
0x99: {  	s19 =	simm.s32 $_scs_section_size  }
0x9a: {  	s4 =	simm.s32 $_size__tile_overlayer_lowered;
	s5 =	simm.s32 $_tile_overlayer_lowered  }
0x9b: {  	s22 =	simm.s32 $0x1BFF;
	s21 =	sshll.u32 s5, $0x1;
	s2 =	sadd.s32 s19, s18  }
0x9c: {  	s6 =	simm.s32 $0x0;
	s20 =	sshll.u32 s4, $0x1;
	s4 =	sadd.s32 s21, s2  }
0x9d: {  	[timem:s6], [sflag:s22] =	dma.local [hbm:s4], s20  }
0x9e: {  	_ =	swait.ge [sflag:s22], s20  }
0x9f: {  	s3 =	ssub.s32 $0x0, s20;
	[sflag:s22] =	ssyncset.done $0x0  }
0xa0: {  	[sflag:s22] =	ssyncadd.s32 s3;
	_ =	sdelay $0x1  }
0xa1: {  	s23 =	simm.s32 $0x1B8B  }
0xa2: {  	_ =	swait.ge [sflag:s23], $0x1  }
0xa3: {  	[sflag:s23] =	ssyncset.done $0x0  }
0xa4: {  	s25 =	simm.s32 $0x1B8E;
	s24 =	sld [smem:$0x3FFE];
	[sflag:s23] =	ssyncadd.s32 $0xFFFFFFFF  }
0xa5: {  	s26 =	simm.s32 $execute0_lowered;
	[smem:$0x3FD2] =	sst s25  }
0xa6: {  	s4 =	sshll.u32 s26, $0x1;
	_ =	strace $0x8000004C;
	[dreg:$0x1] =	wrdreg $0xFFFFFFFF  }
0xa7: {  	s28 =	simm.s32 $_size_execute0_lowered;
	s2 =	sadd.s32 s2, s4;
	[dreg:$0x0] =	wrdreg $0x0  }
0xa8: {  	s4 =	sshll.u32 s28, $0x1;
	[dreg:$0x2] =	wrdreg s2  }
0xa9: {  	[dreg:$0x3] =	wrdreg s4  }
0xaa: {  	[dreg:$0x4] =	wrdreg $0xC0  }
0xab: {  	_ =	task [dreg:s6], $0x5FFFF  }
0xac: {  	[dreg:$0x1] =	wrdreg $0xFFFFFFFF  }
0xad: {  	[dreg:$0x0] =	wrdreg $0x60  }
0xae: {  	[dreg:$0x2] =	wrdreg s24  }
0xaf: {  	[dreg:$0x3] =	wrdreg $0x11D000  }
0xb0: {  	[dreg:$0x4] =	wrdreg $0x9  }
0xb1: {  	_ =	task.clear_ibuf [dreg:s6], $0x5FFFF;
	_ =	strace $0x9000004C  }
0xb2: {  	s29 =	simm.s32 $0x9;
	_ =	strace $0x8000004E  }
0xb3: {  	_ =	swait.ge [sflag:s29], $0x1  }
0xb4: {  	[sflag:s29] =	ssyncadd.s32 $0xFFFFFFFF  }
0xb5: {  	_ =	strace $0x9000004E  }
0xb6: {  	_ =	sfence  }
0xb7: {  	s30 =	sld [smem:$0x0];
	_ =	sdelay $0x2  }
0xb8: {  	s31 =	sshll.u32 s1, $0xD;
	s1 =	sshrl.u32 s1, $0x2  }
0xb9: {  	s3 =	sand.u32 $0x4000, s31;
	s1 =	sadd.s32 s1, s30  }
0xba: {  	s0 =	sor.u32 s3, s0;
	s1 =	sshll.u32 s1, $0x11  }
0xbb: {  	s0 =	sor.u32 s1, s0  }
0xbc: {  	s0 =	sadd.s32 $0x8F2B, s0  }
0xbd: {  	[sflag:s0] =	ssyncadd.remote.s32 $0x1  }
0xbe: {  	_ =	sfence.sel $0xFFFF  }
0xbf: {  	[dreg:$0x0] =	wrdreg $0xFFFFFFFF;
	(pc) =	sbr.abs _section_cstart, $3  }
0xc0: {  	[dreg:$0x1] =	wrdreg $0xFFFFFFFF  }
0xc1: {  	_ =	task.clear_ibuf [dreg:s6], $0x2FFFF;
	_ =	strace $0x9FFFFFFF  }
0xc2: {  	(tm) =	ssettm $0x7FFFFFFF  }
0xc3: {  	_ =	shalt  }
tec
execute0_lowered:
.L_overlay_start_1:
0x0: {  	(tag) =	ssettag $0x1  }
0x1: {  	s0 =	rddreg [dreg:$0x0]  }
0x2: {  	s2 =	rddreg [dreg:$0x1];
	s3 =	simm.s32 $0x0;
	s10 =	stileid.u32  }
0x3: {  	s4 =	srdreg.scid;
	s13 =	simm.s32 $0x7D;
	s14 =	simm.s32 $0xA000  }
0x4: {  	s16 =	simm.s32 $0xBF40;
	s18 =	simm.s32 $0xDE80;
	s20 =	simm.s32 $0xFDC0  }
0x5: {  	s21 =	simm.s32 $0x1;
	s22 =	simm.s32 $0x2;
	s23 =	simm.s32 $0x3  }
0x6: {  	s25 =	simm.s32 $0x4;
	s26 =	simm.s32 $0x5;
	s28 =	simm.s32 $0x6  }
0x7: {  	s29 =	simm.s32 $0x7;
	s30 =	simm.s32 $0x8;
	s15 =	simm.s32 $0x0  }
0x8: {  	[smem:$0x7FF] =	sst s3;
	s1 =	smul.u32 $0xA00, s10;
	s7 =	sand.u32 $0x1, s4  }
0x9: {  	s4 =	sadd.s32 $0x2BE00, s0;
	s5 =	sadd.s32 $0xDC00, s0;
	s9 =	smul.u32 $0xA000, s10  }
0xa: {  	s10 =	sshll.u32 s10, $0x6;
	_ =	strace $0x8000004D;
	s6 =	smul.u32 $0x14000, s7  }
0xb: {  	s8 =	ssub.s32 $0x2, s7;
	p0 =	seq.s32 s7, $0x1;
	s1 =	sadd.s32 s1, s0  }
0xc: {  	s31 =	sshrl.u32 s8, $0x1;
	s11 =	sadd.s32 s9, s2;
	s12 =	sshrl.u32 s9, $0x3  }
0xd: {  	s0 =	sadd.s32 s6, s0;
	s6 =	sor.u32 $0x1C09, s10;
	s10 =	simm.s32 $0x21E00  }
0xe: {  	s8 =	ssub.s32 s8, s31;
	s7 =	sadd.s32 $0x3C00, s1;
	s10 =	simm.s32 @!p0 $0x17E00  }
0xf: {  	s0 =	sadd.s32 $0x53E00, s0;
	s8 =	smax.u32 s8, $0x1;
	s9 =	sadd.s32 s10, s1  }
0x10: {  	s10 =	sshrl.u32 s11, $0x3;
	s11 =	simm.s32 $0x9;
	s24 =	sadd.s32 s12, s0  }
0x11: {  	s0 =	simm.s32 $0x9E80;
	s1 =	simm.s32 $0x9F00;
	s12 =	simm.s32 $0x9F80  }
.LBB2_1:
0x12: {  	[spmem:s10], [sflag:s6] =	dma.local [hbm:s5], $0x1400  }
0x13: {  	_ =	swait.ge [sflag:s11], $0x1400  }
0x14: {  	[sflag:s11] =	ssyncset.done $0x0  }
0x15: {  	[sflag:s11] =	ssyncadd.s32 $0xFFFFEC00  }
0x16: {  	[tilespmem:s3], [sflag:$0x9] =	stream.linear.gather [hbm4b:s9+s3], $0x5000, $0x38;
	[tilespmem:$0x1BD00] =	vst v63  }
0x17: {  	_ =	swait.ge [sflag:s11], $0x5000  }
0x18: {  	[sflag:s11] =	ssyncset.done $0x0  }
0x19: {  	s17 =	simm.s32 $0x5000;
	[sflag:s11] =	ssyncadd.s32 $0xFFFFB000  }
0x1a: {  	[tilespmem:s17], [sflag:$0x9] =	stream.linear.gather [hbm4b:s7+s3], $0x5000, $0x38;
	[tilespmem:$0x1BD00] =	vst v63  }
0x1b: {  	_ =	swait.ge [sflag:s11], $0x5000  }
0x1c: {  	[sflag:s11] =	ssyncset.done $0x0  }
0x1d: {  	[sflag:s11] =	ssyncadd.s32 $0xFFFFB000  }
0x1e: {  	[bflag:$0x0] =	sbarrier.arrive $0xFFFF  }
0x1f: {  	[tilespmem:s14], [sflag:$0x1] =	stream.indirect.gather [hbm4b:s4+s13], $0x40, s3, s13, $0xb8;
	[tilespmem:$0x1BD00] =	vst v63  }
0x20: {  	s19 =	simm.s32 $0x80  }
0x21: {  	[tilespmem:s16], [sflag:$0x2] =	stream.indirect.gather [hbm4b:s4+s13], $0x40, s19, s13, $0xb8;
	[tilespmem:$0x1BD00] =	vst v63  }
0x22: {  	s31 =	simm.s32 $0x100  }
0x23: {  	[tilespmem:s18], [sflag:$0x3] =	stream.indirect.gather [hbm4b:s4+s13], $0x40, s31, s13, $0xb8;
	[tilespmem:$0x1BD00] =	vst v63  }
0x24: {  	s19 =	simm.s32 $0x180  }
0x25: {  	[tilespmem:s20], [sflag:$0x4] =	stream.indirect.gather [hbm4b:s4+s13], $0x40, s19, s13, $0xb8;
	[tilespmem:$0x1BD00] =	vst v63  }
0x26: {  	_ =	swait.ge [sflag:s21], $0x1F40  }
0x27: {  	[sflag:s21] =	ssyncset.done $0x0  }
0x28: {  	s31 =	simm.s32 $0x5000;
	[sflag:s21] =	ssyncadd.s32 $0xFFFFE0C0  }
0x29: {  	[spmem:s2] =	stream.indirect.scatter.add.f32 [tilespmem:s14], [sflag:$0x5], $0x40, s31, s13, $0xb8;
	[tilespmem:$0x1BD00] =	vst v63  }
0x2a: {  	_ =	swait.ge [sflag:s22], $0x1F40  }
0x2b: {  	[sflag:s22] =	ssyncset.done $0x0  }
0x2c: {  	s19 =	simm.s32 $0x5080;
	[sflag:s22] =	ssyncadd.s32 $0xFFFFE0C0  }
0x2d: {  	[spmem:s2] =	stream.indirect.scatter.add.f32 [tilespmem:s16], [sflag:$0x6], $0x40, s19, s13, $0xb8;
	[tilespmem:$0x1BD00] =	vst v63  }
0x2e: {  	_ =	swait.ge [sflag:s23], $0x1F40  }
0x2f: {  	[sflag:s23] =	ssyncset.done $0x0  }
0x30: {  	s31 =	simm.s32 $0x5100;
	[sflag:s23] =	ssyncadd.s32 $0xFFFFE0C0  }
0x31: {  	[spmem:s2] =	stream.indirect.scatter.add.f32 [tilespmem:s18], [sflag:$0x7], $0x40, s31, s13, $0xb8;
	[tilespmem:$0x1BD00] =	vst v63  }
0x32: {  	_ =	swait.ge [sflag:s25], $0x1F40  }
0x33: {  	[sflag:s25] =	ssyncset.done $0x0  }
0x34: {  	s19 =	simm.s32 $0x5180;
	[sflag:s25] =	ssyncadd.s32 $0xFFFFE0C0  }
0x35: {  	[spmem:s2] =	stream.indirect.scatter.add.f32 [tilespmem:s20], [sflag:$0x8], $0x40, s19, s13, $0xb8;
	[tilespmem:$0x1BD00] =	vst v63  }
0x36: {  	_ =	swait.ge [sflag:s26], $0x1F40  }
0x37: {  	[sflag:s26] =	ssyncset.done $0x0  }
0x38: {  	s31 =	simm.s32 $0x200;
	[sflag:s26] =	ssyncadd.s32 $0xFFFFE0C0  }
0x39: {  	[tilespmem:s14], [sflag:$0x1] =	stream.indirect.gather [hbm4b:s4+s13], $0x40, s31, s13, $0xb8;
	[tilespmem:$0x1BD00] =	vst v63  }
0x3a: {  	_ =	swait.ge [sflag:s28], $0x1F40  }
0x3b: {  	[sflag:s28] =	ssyncset.done $0x0  }
0x3c: {  	s19 =	simm.s32 $0x280;
	[sflag:s28] =	ssyncadd.s32 $0xFFFFE0C0  }
0x3d: {  	[tilespmem:s16], [sflag:$0x2] =	stream.indirect.gather [hbm4b:s4+s13], $0x40, s19, s13, $0xb8;
	[tilespmem:$0x1BD00] =	vst v63  }
0x3e: {  	_ =	swait.ge [sflag:s29], $0x1F40  }
0x3f: {  	[sflag:s29] =	ssyncset.done $0x0  }
0x40: {  	s31 =	simm.s32 $0x300;
	[sflag:s29] =	ssyncadd.s32 $0xFFFFE0C0  }
0x41: {  	[tilespmem:s18], [sflag:$0x3] =	stream.indirect.gather [hbm4b:s4+s13], $0x40, s31, s13, $0xb8;
	[tilespmem:$0x1BD00] =	vst v63  }
0x42: {  	_ =	swait.ge [sflag:s30], $0x1F40  }
0x43: {  	[sflag:s30] =	ssyncset.done $0x0  }
0x44: {  	s17 =	simm.s32 $0x800;
	s19 =	simm.s32 $0x380;
	[sflag:s30] =	ssyncadd.s32 $0xFFFFE0C0  }
.LBB2_2:
0x45: {  	[tilespmem:s20], [sflag:$0x4] =	stream.indirect.gather [hbm4b:s4+s13], $0x40, s19, s13, $0xb8;
	[tilespmem:$0x1BD00] =	vst v63  }
0x46: {  	s19 =	smov.u32 s17  }
0x47: {  	p0 =	sne.s32 s17, $0x13000;
	s17 =	sadd.s32 $0x800, s17;
	_ =	swait.ge [sflag:s21], $0x1F40  }
0x48: {  	s19 =	sshra.s32 s19, $0x2;
	[sflag:s21] =	ssyncset.done $0x0  }
0x49: {  	s31 =	sadd.s32 $0x5000, s19;
	[sflag:s21] =	ssyncadd.s32 $0xFFFFE0C0  }
0x4a: {  	[spmem:s2] =	stream.indirect.scatter.add.f32 [tilespmem:s14], [sflag:$0x5], $0x40, s31, s13, $0xb8;
	[tilespmem:$0x1BD00] =	vst v63  }
0x4b: {  	_ =	swait.ge [sflag:s22], $0x1F40  }
0x4c: {  	[sflag:s22] =	ssyncset.done $0x0  }
0x4d: {  	s31 =	sadd.s32 $0x5080, s19;
	[sflag:s22] =	ssyncadd.s32 $0xFFFFE0C0  }
0x4e: {  	[spmem:s2] =	stream.indirect.scatter.add.f32 [tilespmem:s16], [sflag:$0x6], $0x40, s31, s13, $0xb8;
	[tilespmem:$0x1BD00] =	vst v63  }
0x4f: {  	_ =	swait.ge [sflag:s23], $0x1F40  }
0x50: {  	[sflag:s23] =	ssyncset.done $0x0  }
0x51: {  	s31 =	sadd.s32 $0x5100, s19;
	[sflag:s23] =	ssyncadd.s32 $0xFFFFE0C0  }
0x52: {  	[spmem:s2] =	stream.indirect.scatter.add.f32 [tilespmem:s18], [sflag:$0x7], $0x40, s31, s13, $0xb8;
	[tilespmem:$0x1BD00] =	vst v63  }
0x53: {  	_ =	swait.ge [sflag:s25], $0x1F40  }
0x54: {  	[sflag:s25] =	ssyncset.done $0x0  }
0x55: {  	s31 =	sadd.s32 $0x5180, s19;
	[sflag:s25] =	ssyncadd.s32 $0xFFFFE0C0  }
0x56: {  	[spmem:s2] =	stream.indirect.scatter.add.f32 [tilespmem:s20], [sflag:$0x8], $0x40, s31, s13, $0xb8;
	[tilespmem:$0x1BD00] =	vst v63  }
0x57: {  	_ =	swait.ge [sflag:s26], $0x1F40  }
0x58: {  	[sflag:s26] =	ssyncset.done $0x0  }
0x59: {  	s31 =	sadd.s32 $0x200, s19;
	[sflag:s26] =	ssyncadd.s32 $0xFFFFE0C0  }
0x5a: {  	[tilespmem:s14], [sflag:$0x1] =	stream.indirect.gather [hbm4b:s4+s13], $0x40, s31, s13, $0xb8;
	[tilespmem:$0x1BD00] =	vst v63  }
0x5b: {  	_ =	swait.ge [sflag:s28], $0x1F40  }
0x5c: {  	[sflag:s28] =	ssyncset.done $0x0  }
0x5d: {  	s31 =	sadd.s32 $0x280, s19;
	[sflag:s28] =	ssyncadd.s32 $0xFFFFE0C0  }
0x5e: {  	[tilespmem:s16], [sflag:$0x2] =	stream.indirect.gather [hbm4b:s4+s13], $0x40, s31, s13, $0xb8;
	[tilespmem:$0x1BD00] =	vst v63  }
0x5f: {  	_ =	swait.ge [sflag:s29], $0x1F40  }
0x60: {  	[sflag:s29] =	ssyncset.done $0x0  }
.Ltmp0:
0x61: {  	s31 =	sadd.s32 $0x300, s19;
	[sflag:s29] =	ssyncadd.s32 $0xFFFFE0C0;
	(pc) =	sbr.rel @p0 .LBB2_2-.Ltmp0, $4  }
0x62: {  	[tilespmem:s18], [sflag:$0x3] =	stream.indirect.gather [hbm4b:s4+s13], $0x40, s31, s13, $0xb8;
	[tilespmem:$0x1BD00] =	vst v63  }
0x63: {  	_ =	swait.ge [sflag:s30], $0x1F40  }
0x64: {  	[sflag:s30] =	ssyncset.done $0x0  }
0x65: {  	s19 =	sadd.s32 $0x380, s19;
	[sflag:s30] =	ssyncadd.s32 $0xFFFFE0C0  }
0x66: {  	[tilespmem:s20], [sflag:$0x4] =	stream.indirect.gather [hbm4b:s4+s13], $0x40, s19, s13, $0xb8;
	[tilespmem:$0x1BD00] =	vst v63  }
0x67: {  	_ =	swait.ge [sflag:s21], $0x1F40  }
0x68: {  	[sflag:s21] =	ssyncset.done $0x0  }
0x69: {  	s17 =	simm.s32 $0x9E00;
	[sflag:s21] =	ssyncadd.s32 $0xFFFFE0C0  }
0x6a: {  	[spmem:s2] =	stream.indirect.scatter.add.f32 [tilespmem:s14], [sflag:$0x5], $0x40, s17, s13, $0xb8;
	[tilespmem:$0x1BD00] =	vst v63  }
0x6b: {  	_ =	swait.ge [sflag:s22], $0x1F40  }
0x6c: {  	[sflag:s22] =	ssyncset.done $0x0  }
0x6d: {  	[sflag:s22] =	ssyncadd.s32 $0xFFFFE0C0  }
0x6e: {  	[spmem:s2] =	stream.indirect.scatter.add.f32 [tilespmem:s16], [sflag:$0x6], $0x40, s0, s13, $0xb8;
	[tilespmem:$0x1BD00] =	vst v63  }
0x6f: {  	_ =	swait.ge [sflag:s23], $0x1F40  }
0x70: {  	[sflag:s23] =	ssyncset.done $0x0  }
0x71: {  	[sflag:s23] =	ssyncadd.s32 $0xFFFFE0C0  }
0x72: {  	[spmem:s2] =	stream.indirect.scatter.add.f32 [tilespmem:s18], [sflag:$0x7], $0x40, s1, s13, $0xb8;
	[tilespmem:$0x1BD00] =	vst v63  }
0x73: {  	_ =	swait.ge [sflag:s25], $0x1F40  }
0x74: {  	[sflag:s25] =	ssyncset.done $0x0  }
0x75: {  	[sflag:s25] =	ssyncadd.s32 $0xFFFFE0C0  }
0x76: {  	[spmem:s2] =	stream.indirect.scatter.add.f32 [tilespmem:s20], [sflag:$0x8], $0x40, s12, s13, $0xb8;
	[tilespmem:$0x1BD00] =	vst v63  }
0x77: {  	_ =	swait.ge [sflag:s26], $0x1F40  }
0x78: {  	[sflag:s26] =	ssyncset.done $0x0  }
0x79: {  	[sflag:s26] =	ssyncadd.s32 $0xFFFFE0C0  }
0x7a: {  	_ =	swait.ge [sflag:s28], $0x1F40  }
0x7b: {  	[sflag:s28] =	ssyncset.done $0x0  }
0x7c: {  	[sflag:s28] =	ssyncadd.s32 $0xFFFFE0C0  }
0x7d: {  	_ =	swait.ge [sflag:s29], $0x1F40  }
0x7e: {  	[sflag:s29] =	ssyncset.done $0x0  }
0x7f: {  	[sflag:s29] =	ssyncadd.s32 $0xFFFFE0C0  }
0x80: {  	_ =	swait.ge [sflag:s30], $0x1F40  }
0x81: {  	s15 =	sadd.s32 $0x1, s15;
	[sflag:s30] =	ssyncset.done $0x0  }
0x82: {  	p0 =	sne.s32 s15, s8;
	[sflag:s30] =	ssyncadd.s32 $0xFFFFE0C0  }
.Ltmp1:
0x83: {  	[bflag:$0x0] =	sbarrier.arrive $0xFFFF;
	(pc) =	sbr.rel @p0 .LBB2_1-.Ltmp1, $4  }
0x84: {  	[hbm:s24], [sflag:s6] =	dma.local [spmem:s10], $0x1400  }
0x85: {  	_ =	swait.ge [sflag:s11], $0x1400  }
0x86: {  	[sflag:s11] =	ssyncset.done $0x0  }
0x87: {  	[sflag:s11] =	ssyncadd.s32 $0xFFFFEC00  }
0x88: {  	_ =	sfence.sel $0x180000  }
0x89: {  	[bflag:$0x0] =	sbarrier.arrive $0xFFFF  }
0x8a: {  	_ =	strace $0x9000004D  }
0x8b: {  	s0 =	stileid.u32;
	[bflag:$0x2] =	sbarrier.arrive $0xFFFF  }
0x8c: {  	p0 =	sne.s32 s0, $0x0;
	s0 =	rddreg [dreg:$0x2]  }
0x8d: {  	s0 =	sadd.s32 @!p0 $0x100000, s0  }
0x8e: {  	[sflag:s0] =	ssyncadd.tile.s32 @!p0 $0x1;
	_ =	shalt  }
.Lfunc_end2:
_tile_overlayer_lowered:
.L_overlay_start_2:
0x8f: {  	(tag) =	ssettag $0x2  }
0x90: {  	s0 =	rddreg [dreg:$0x0];
	s2 =	stileid.u32  }
0x91: {  	s1 =	rddreg [dreg:$0x1];
	p0 =	sne.s32 s2, $0x0  }
0x92: {  	s3 =	rddreg [dreg:$0x2];
	[bflag:$0x3] =	sbarrier.arrive $0xFFFF;
	s2 =	simm.s32 @!p0 $0x1C09  }
0x93: {  	[timem:s3], [sflag:s2] =	dma.local @!p0 [hbm:s0], s1  }
0x94: {  	s0 =	simm.s32 @!p0 $0x9  }
0x95: {  	_ =	swait.ge @!p0 [sflag:s0], s1  }
0x96: {  	s1 =	ssub.s32 @!p0 $0x0, s1;
	[sflag:s0] =	ssyncset.done @!p0 $0x0  }
0x97: {  	[sflag:s0] =	ssyncadd.s32 @!p0 s1  }
0x98: {  	[bflag:$0x3] =	sbarrier.arrive $0xFFFF  }
0x99: {  	_ =	shalt  }

// kernel: kernel.25.cloned.1.call-start
scs
__scs_entry_jumppad:
0x0: {  	(pc) =	sbr.rel $0x88, $3  }
0x1: {  	(tag) =	ssettag $0x0;
	lr =	simm.s32 $0x1  }
0x2: {  	[smem:$0x3F99] =	sst lr;
	_ =	strace $0xD0000000  }
0x3: {  	_ = 	snop  }
0x4: {  	_ = 	snop  }
0x5: {  	_ = 	snop  }
0x6: {  	_ = 	snop  }
0x7: {  	_ = 	snop  }
__scs_overlays_trampoline_lowered:
0x8: {  	[smem:$0x3FA8] =	sst s0  }
0x9: {  	[smem:$0x3FA9] =	sst s1  }
0xa: {  	[smem:$0x3FAA] =	sst s2  }
0xb: {  	[smem:$0x3FAB] =	sst s3  }
0xc: {  	[smem:$0x3FAC] =	sst s4  }
0xd: {  	[smem:$0x3FAD] =	sst s5  }
0xe: {  	[smem:$0x3FAE] =	sst s6  }
0xf: {  	[smem:$0x3FAF] =	sst s7  }
0x10: {  	[smem:$0x3FB0] =	sst s8  }
0x11: {  	[smem:$0x3FB1] =	sst s9;
	s0 =	simm.s32 @!p0 $0x0  }
0x12: {  	s1 =	sld [smem:$0x3F97];
	s0 =	simm.s32 @p0 $0x1  }
0x13: {  	[smem:$0x3FB2] =	sst s0;
	s0 =	simm.s32 @!p1 $0x0  }
0x14: {  	s2 =	sld [smem:$0x3F96];
	s0 =	simm.s32 @p1 $0x1  }
0x15: {  	[smem:$0x3FB3] =	sst s0;
	s0 =	simm.s32 @!p2 $0x0  }
0x16: {  	s3 =	sld [smem:$0x3FDB];
	s0 =	simm.s32 @p2 $0x1  }
0x17: {  	s4 =	simm.s32 $0x1BF5;
	[smem:$0x3FB5] =	sst s0  }
0x18: {  	s0 =	sld [smem:$0x3F98];
	_ =	swait.ge [sflag:s4], $0x0  }
0x19: {  	s7 =	sld [smem:$0x3F99]  }
0x1a: {  	s8 =	sadd.s32 $0xFFFFE003, lr  }
0x1b: {  	s9 =	sadd.s32 $0xFFFFFEF7, lr;
	s5 =	simm.s32 $0xFFFFFFFF;
	p2 =	slt.u32 s8, $0xFFFFF086  }
0x1c: {  	p1 =	slt.u32 s9, $0xF7A;
	s5 =	simm.s32 @!p2 $0x0  }
0x1d: {  	s5 =	simm.s32 @p1 $0x1;
	p0 =	seq.s32 s7, s2  }
0x1e: {  	s7 =	smul.u32 @!p0 $0xF7A, s2;
	p2 =	seq.s32 @!p0 s5, $0x0  }
0x1f: {  	s9 =	smul.u32 $0xF7A, s1;
	s8 =	simm.s32 @!p0 $0x1BF5;
	p2 =	por !p2, p0  }
0x20: {  	[sflag:s8] =	ssyncset.s32 @!p0 $0xFFFFF086;
	s6 =	sadd.s32 @!p0 s3, s7;
	s7 =	simm.s32 @!p0 $0x108  }
0x21: {  	s3 =	sadd.s32 s3, s9;
	s6 =	sadd.s32 @!p0 $0x88, s6;
	s7 =	simm.s32 @p2 $0x1082  }
0x22: {  	[simem:s7], [sflag:s8] =	dma.local @!p0 [hbm:s6], $0xF7A  }
0x23: {  	s9 =	sor.u32 $0xD0000000, s2;
	s6 =	simm.s32 $0x108;
	_ =	swait.ge @!p0 [sflag:s8], $0x0  }
0x24: {  	s3 =	sadd.s32 $0x88, s3;
	s6 =	simm.s32 @!p1 $0x1082;
	[sflag:s4] =	ssyncset.s32 $0xFFFFF086  }
0x25: {  	[simem:s6], [sflag:s4] =	dma.local [hbm:s3], $0xF7A  }
0x26: {  	[smem:$0x3F99] =	sst s1;
	(tag) =	ssettag s2;
	_ =	strace s9  }
0x27: {  	s1 =	sld [smem:$0x3FA9]  }
0x28: {  	s2 =	sld [smem:$0x3FAA]  }
0x29: {  	s4 =	sld [smem:$0x3FAC]  }
0x2a: {  	p0 =	seq.s32 s5, $0x0;
	s5 =	sld [smem:$0x3FAD]  }
0x2b: {  	s6 =	sld [smem:$0x3FAE]  }
0x2c: {  	s7 =	sld [smem:$0x3FAF]  }
0x2d: {  	s3 =	simm.s32 $0x108;
	s8 =	sld [smem:$0x3FB0]  }
0x2e: {  	s3 =	simm.s32 @!p0 $0x1082;
	s9 =	sld [smem:$0x3FB1]  }
0x2f: {  	lr =	sadd.s32 s0, s3;
	s0 =	sld [smem:$0x3FA8]  }
0x30: {  	s3 =	sld [smem:$0x3FAB]  }
0x31: {  	[smem:$0x3FB4] =	sst s10  }
0x32: {  	s10 =	sld [smem:$0x3FB2];
	_ =	sdelay $0x3  }
0x33: {  	p0 =	seq.s32 s10, $0x1;
	s10 =	sld [smem:$0x3FB4];
	_ =	sdelay $0x3  }
0x34: {  	[smem:$0x3FB4] =	sst s10  }
0x35: {  	s10 =	sld [smem:$0x3FB3];
	_ =	sdelay $0x3  }
0x36: {  	p1 =	seq.s32 s10, $0x1;
	s10 =	sld [smem:$0x3FB4];
	_ =	sdelay $0x3  }
0x37: {  	[smem:$0x3FB4] =	sst s10  }
0x38: {  	s10 =	sld [smem:$0x3FB5]  }
0x39: {  	_ = 	snop;
	(pc) =	sbr.ind lr, $3  }
0x3a: {  	_ = 	snop  }
0x3b: {  	_ = 	snop  }
0x3c: {  	p2 =	seq.s32 s10, $0x1;
	s10 =	sld [smem:$0x3FB4]  }
0x3d: {  	_ =	shalt  }
0x3e: {  	_ =	shalt  }
0x3f: {  	_ =	shalt  }
0x40: {  	_ =	shalt  }
0x41: {  	_ =	shalt  }
0x42: {  	_ =	shalt  }
0x43: {  	_ =	shalt  }
0x44: {  	_ =	shalt  }
0x45: {  	_ =	shalt  }
0x46: {  	_ =	shalt  }
0x47: {  	_ =	shalt  }
0x48: {  	_ =	shalt  }
0x49: {  	_ =	shalt  }
0x4a: {  	_ =	shalt  }
0x4b: {  	_ =	shalt  }
0x4c: {  	_ =	shalt  }
0x4d: {  	_ =	shalt  }
0x4e: {  	_ =	shalt  }
0x4f: {  	_ =	shalt  }
0x50: {  	_ =	shalt  }
0x51: {  	_ =	shalt  }
0x52: {  	_ =	shalt  }
0x53: {  	_ =	shalt  }
0x54: {  	_ =	shalt  }
0x55: {  	_ =	shalt  }
0x56: {  	_ =	shalt  }
0x57: {  	_ =	shalt  }
0x58: {  	_ =	shalt  }
0x59: {  	_ =	shalt  }
0x5a: {  	_ =	shalt  }
0x5b: {  	_ =	shalt  }
0x5c: {  	_ =	shalt  }
0x5d: {  	_ =	shalt  }
0x5e: {  	_ =	shalt  }
0x5f: {  	_ =	shalt  }
0x60: {  	_ =	shalt  }
0x61: {  	_ =	shalt  }
0x62: {  	_ =	shalt  }
0x63: {  	_ =	shalt  }
0x64: {  	_ =	shalt  }
0x65: {  	_ =	shalt  }
0x66: {  	_ =	shalt  }
0x67: {  	_ =	shalt  }
0x68: {  	_ =	shalt  }
0x69: {  	_ =	shalt  }
0x6a: {  	_ =	shalt  }
0x6b: {  	_ =	shalt  }
0x6c: {  	_ =	shalt  }
0x6d: {  	_ =	shalt  }
0x6e: {  	_ =	shalt  }
0x6f: {  	_ =	shalt  }
0x70: {  	_ =	shalt  }
0x71: {  	_ =	shalt  }
0x72: {  	_ =	shalt  }
0x73: {  	_ =	shalt  }
0x74: {  	_ =	shalt  }
0x75: {  	_ =	shalt  }
0x76: {  	_ =	shalt  }
0x77: {  	_ =	shalt  }
0x78: {  	_ =	shalt  }
0x79: {  	_ =	shalt  }
0x7a: {  	_ =	shalt  }
0x7b: {  	_ =	shalt  }
0x7c: {  	_ =	shalt  }
0x7d: {  	_ =	shalt  }
0x7e: {  	_ =	shalt  }
0x7f: {  	_ =	shalt  }
0x80: {  	_ =	shalt  }
0x81: {  	_ =	shalt  }
0x82: {  	_ =	shalt  }
0x83: {  	_ =	shalt  }
0x84: {  	_ =	shalt  }
0x85: {  	_ =	shalt  }
0x86: {  	_ =	shalt  }
0x87: {  	_ =	shalt  }
.Lfunc_end0:
.L_simem_size_0:
called_computation.3_lowered:
.L_overlay_start_0:
0x88: {  	s2 =	sld [smem:$0x3FD9]  }
0x89: {  	s3 =	sld [smem:$0x3FFE];
	_ =	sdelay $0x1  }
0x8a: {  	s1 =	srdreg.scid  }
0x8b: {  	s0 =	sand.u32 $0x1, s1  }
0x8c: {  	s16 =	sshll.u32 s0, $0xA;
	s2 =	sadd.s32 s3, s2  }
0x8d: {  	s2 =	sadd.s32 s2, s16  }
0x8e: {  	[smem:$0x3FC0] =	sst s2  }
0x8f: {  	_ = 	snop  }
0x90: {  	(tm) =	ssettm $0x1  }
0x91: {  	s17 =	sld [smem:$0x3FFB];
	_ =	sdelay $0x3  }
0x92: {  	_ =	strace s17  }
0x93: {  	s2 =	sld [smem:$0x3FFC];
	_ =	sdelay $0x3  }
0x94: {  	_ =	strace s2  }
0x95: {  	s2 =	sld [smem:$0x3FFD];
	_ =	sdelay $0x3  }
0x96: {  	_ =	strace s2  }
0x97: {  	_ =	strace $0x8FFFFFFF  }
0x98: {  	s18 =	sld [smem:$0x3FDB];
	_ =	sdelay $0x1  }
0x99: {  	s19 =	simm.s32 $_scs_section_size  }
0x9a: {  	s4 =	simm.s32 $_size__tile_overlayer_lowered;
	s5 =	simm.s32 $_tile_overlayer_lowered  }
0x9b: {  	s22 =	simm.s32 $0x1BFF;
	s21 =	sshll.u32 s5, $0x1;
	s2 =	sadd.s32 s19, s18  }
0x9c: {  	s6 =	simm.s32 $0x0;
	s20 =	sshll.u32 s4, $0x1;
	s4 =	sadd.s32 s21, s2  }
0x9d: {  	[timem:s6], [sflag:s22] =	dma.local [hbm:s4], s20  }
0x9e: {  	_ =	swait.ge [sflag:s22], s20  }
0x9f: {  	s3 =	ssub.s32 $0x0, s20;
	[sflag:s22] =	ssyncset.done $0x0  }
0xa0: {  	[sflag:s22] =	ssyncadd.s32 s3;
	_ =	sdelay $0x1  }
0xa1: {  	s23 =	simm.s32 $0x1B8B  }
0xa2: {  	_ =	swait.ge [sflag:s23], $0x1  }
0xa3: {  	[sflag:s23] =	ssyncset.done $0x0  }
0xa4: {  	s25 =	simm.s32 $0x1B8E;
	s24 =	sld [smem:$0x3FFE];
	[sflag:s23] =	ssyncadd.s32 $0xFFFFFFFF  }
0xa5: {  	s26 =	simm.s32 $execute0_lowered;
	[smem:$0x3FD2] =	sst s25  }
0xa6: {  	s4 =	sshll.u32 s26, $0x1;
	_ =	strace $0x8000004F;
	[dreg:$0x1] =	wrdreg $0xFFFFFFFF  }
0xa7: {  	s28 =	simm.s32 $_size_execute0_lowered;
	s2 =	sadd.s32 s2, s4;
	[dreg:$0x0] =	wrdreg $0x0  }
0xa8: {  	s4 =	sshll.u32 s28, $0x1;
	[dreg:$0x2] =	wrdreg s2  }
0xa9: {  	[dreg:$0x3] =	wrdreg s4  }
0xaa: {  	[dreg:$0x4] =	wrdreg $0xC0  }
0xab: {  	_ =	task [dreg:s6], $0x5FFFF  }
0xac: {  	[dreg:$0x1] =	wrdreg $0xFFFFFFFF  }
0xad: {  	[dreg:$0x0] =	wrdreg $0x60  }
0xae: {  	[dreg:$0x2] =	wrdreg s24  }
0xaf: {  	[dreg:$0x3] =	wrdreg $0x11D000  }
0xb0: {  	[dreg:$0x4] =	wrdreg $0x9  }
0xb1: {  	_ =	task.clear_ibuf [dreg:s6], $0x5FFFF;
	_ =	strace $0x9000004F  }
0xb2: {  	s29 =	simm.s32 $0x9;
	_ =	strace $0x80000051  }
0xb3: {  	_ =	swait.ge [sflag:s29], $0x1  }
0xb4: {  	[sflag:s29] =	ssyncadd.s32 $0xFFFFFFFF  }
0xb5: {  	_ =	strace $0x90000051  }
0xb6: {  	_ =	sfence  }
0xb7: {  	s30 =	sld [smem:$0x0];
	_ =	sdelay $0x2  }
0xb8: {  	s31 =	sshll.u32 s1, $0xD;
	s1 =	sshrl.u32 s1, $0x2  }
0xb9: {  	s3 =	sand.u32 $0x4000, s31;
	s1 =	sadd.s32 s1, s30  }
0xba: {  	s0 =	sor.u32 s3, s0;
	s1 =	sshll.u32 s1, $0x11  }
0xbb: {  	s0 =	sor.u32 s1, s0  }
0xbc: {  	s0 =	sadd.s32 $0x8F2B, s0  }
0xbd: {  	[sflag:s0] =	ssyncadd.remote.s32 $0x1  }
0xbe: {  	_ =	sfence.sel $0xFFFF  }
0xbf: {  	[dreg:$0x0] =	wrdreg $0xFFFFFFFF;
	(pc) =	sbr.abs _section_cstart, $3  }
0xc0: {  	[dreg:$0x1] =	wrdreg $0xFFFFFFFF  }
0xc1: {  	_ =	task.clear_ibuf [dreg:s6], $0x2FFFF;
	_ =	strace $0x9FFFFFFF  }
0xc2: {  	(tm) =	ssettm $0x7FFFFFFF  }
0xc3: {  	_ =	shalt  }
tec
execute0_lowered:
.L_overlay_start_1:
0x0: {  	(tag) =	ssettag $0x1  }
0x1: {  	s0 =	rddreg [dreg:$0x0]  }
0x2: {  	s2 =	rddreg [dreg:$0x1];
	s3 =	simm.s32 $0x0;
	s10 =	stileid.u32  }
0x3: {  	s4 =	srdreg.scid;
	s13 =	simm.s32 $0x7D;
	s14 =	simm.s32 $0xA000  }
0x4: {  	s16 =	simm.s32 $0xBF40;
	s18 =	simm.s32 $0xDE80;
	s20 =	simm.s32 $0xFDC0  }
0x5: {  	s21 =	simm.s32 $0x1;
	s22 =	simm.s32 $0x2;
	s23 =	simm.s32 $0x3  }
0x6: {  	s25 =	simm.s32 $0x4;
	s26 =	simm.s32 $0x5;
	s28 =	simm.s32 $0x6  }
0x7: {  	s29 =	simm.s32 $0x7;
	s30 =	simm.s32 $0x8;
	s15 =	simm.s32 $0x0  }
0x8: {  	[smem:$0x7FF] =	sst s3;
	s1 =	smul.u32 $0xA00, s10;
	s7 =	sand.u32 $0x1, s4  }
0x9: {  	s4 =	sadd.s32 $0x2BE00, s0;
	s5 =	sadd.s32 $0xDC00, s0;
	s9 =	smul.u32 $0xA000, s10  }
0xa: {  	s10 =	sshll.u32 s10, $0x6;
	_ =	strace $0x80000050;
	s6 =	smul.u32 $0x14000, s7  }
0xb: {  	s8 =	ssub.s32 $0x2, s7;
	p0 =	seq.s32 s7, $0x1;
	s1 =	sadd.s32 s1, s0  }
0xc: {  	s31 =	sshrl.u32 s8, $0x1;
	s11 =	sadd.s32 s9, s2;
	s12 =	sshrl.u32 s9, $0x3  }
0xd: {  	s0 =	sadd.s32 s6, s0;
	s6 =	sor.u32 $0x1C09, s10;
	s10 =	simm.s32 $0x21E00  }
0xe: {  	s8 =	ssub.s32 s8, s31;
	s7 =	sadd.s32 $0x3C00, s1;
	s10 =	simm.s32 @!p0 $0x17E00  }
0xf: {  	s0 =	sadd.s32 $0x53E00, s0;
	s8 =	smax.u32 s8, $0x1;
	s9 =	sadd.s32 s10, s1  }
0x10: {  	s10 =	sshrl.u32 s11, $0x3;
	s11 =	simm.s32 $0x9;
	s24 =	sadd.s32 s12, s0  }
0x11: {  	s0 =	simm.s32 $0x9E80;
	s1 =	simm.s32 $0x9F00;
	s12 =	simm.s32 $0x9F80  }
.LBB2_1:
0x12: {  	[spmem:s10], [sflag:s6] =	dma.local [hbm:s5], $0x1400  }
0x13: {  	_ =	swait.ge [sflag:s11], $0x1400  }
0x14: {  	[sflag:s11] =	ssyncset.done $0x0  }
0x15: {  	[sflag:s11] =	ssyncadd.s32 $0xFFFFEC00  }
0x16: {  	[tilespmem:s3], [sflag:$0x9] =	stream.linear.gather [hbm4b:s9+s3], $0x5000, $0x38;
	[tilespmem:$0x1BD00] =	vst v63  }
0x17: {  	_ =	swait.ge [sflag:s11], $0x5000  }
0x18: {  	[sflag:s11] =	ssyncset.done $0x0  }
0x19: {  	s17 =	simm.s32 $0x5000;
	[sflag:s11] =	ssyncadd.s32 $0xFFFFB000  }
0x1a: {  	[tilespmem:s17], [sflag:$0x9] =	stream.linear.gather [hbm4b:s7+s3], $0x5000, $0x38;
	[tilespmem:$0x1BD00] =	vst v63  }
0x1b: {  	_ =	swait.ge [sflag:s11], $0x5000  }
0x1c: {  	[sflag:s11] =	ssyncset.done $0x0  }
0x1d: {  	[sflag:s11] =	ssyncadd.s32 $0xFFFFB000  }
0x1e: {  	[bflag:$0x0] =	sbarrier.arrive $0xFFFF  }
0x1f: {  	[tilespmem:s14], [sflag:$0x1] =	stream.indirect.gather [hbm4b:s4+s13], $0x40, s3, s13, $0xb8;
	[tilespmem:$0x1BD00] =	vst v63  }
0x20: {  	s19 =	simm.s32 $0x80  }
0x21: {  	[tilespmem:s16], [sflag:$0x2] =	stream.indirect.gather [hbm4b:s4+s13], $0x40, s19, s13, $0xb8;
	[tilespmem:$0x1BD00] =	vst v63  }
0x22: {  	s31 =	simm.s32 $0x100  }
0x23: {  	[tilespmem:s18], [sflag:$0x3] =	stream.indirect.gather [hbm4b:s4+s13], $0x40, s31, s13, $0xb8;
	[tilespmem:$0x1BD00] =	vst v63  }
0x24: {  	s19 =	simm.s32 $0x180  }
0x25: {  	[tilespmem:s20], [sflag:$0x4] =	stream.indirect.gather [hbm4b:s4+s13], $0x40, s19, s13, $0xb8;
	[tilespmem:$0x1BD00] =	vst v63  }
0x26: {  	_ =	swait.ge [sflag:s21], $0x1F40  }
0x27: {  	[sflag:s21] =	ssyncset.done $0x0  }
0x28: {  	s31 =	simm.s32 $0x5000;
	[sflag:s21] =	ssyncadd.s32 $0xFFFFE0C0  }
0x29: {  	[spmem:s2] =	stream.indirect.scatter.add.f32 [tilespmem:s14], [sflag:$0x5], $0x40, s31, s13, $0xb8;
	[tilespmem:$0x1BD00] =	vst v63  }
0x2a: {  	_ =	swait.ge [sflag:s22], $0x1F40  }
0x2b: {  	[sflag:s22] =	ssyncset.done $0x0  }
0x2c: {  	s19 =	simm.s32 $0x5080;
	[sflag:s22] =	ssyncadd.s32 $0xFFFFE0C0  }
0x2d: {  	[spmem:s2] =	stream.indirect.scatter.add.f32 [tilespmem:s16], [sflag:$0x6], $0x40, s19, s13, $0xb8;
	[tilespmem:$0x1BD00] =	vst v63  }
0x2e: {  	_ =	swait.ge [sflag:s23], $0x1F40  }
0x2f: {  	[sflag:s23] =	ssyncset.done $0x0  }
0x30: {  	s31 =	simm.s32 $0x5100;
	[sflag:s23] =	ssyncadd.s32 $0xFFFFE0C0  }
0x31: {  	[spmem:s2] =	stream.indirect.scatter.add.f32 [tilespmem:s18], [sflag:$0x7], $0x40, s31, s13, $0xb8;
	[tilespmem:$0x1BD00] =	vst v63  }
0x32: {  	_ =	swait.ge [sflag:s25], $0x1F40  }
0x33: {  	[sflag:s25] =	ssyncset.done $0x0  }
0x34: {  	s19 =	simm.s32 $0x5180;
	[sflag:s25] =	ssyncadd.s32 $0xFFFFE0C0  }
0x35: {  	[spmem:s2] =	stream.indirect.scatter.add.f32 [tilespmem:s20], [sflag:$0x8], $0x40, s19, s13, $0xb8;
	[tilespmem:$0x1BD00] =	vst v63  }
0x36: {  	_ =	swait.ge [sflag:s26], $0x1F40  }
0x37: {  	[sflag:s26] =	ssyncset.done $0x0  }
0x38: {  	s31 =	simm.s32 $0x200;
	[sflag:s26] =	ssyncadd.s32 $0xFFFFE0C0  }
0x39: {  	[tilespmem:s14], [sflag:$0x1] =	stream.indirect.gather [hbm4b:s4+s13], $0x40, s31, s13, $0xb8;
	[tilespmem:$0x1BD00] =	vst v63  }
0x3a: {  	_ =	swait.ge [sflag:s28], $0x1F40  }
0x3b: {  	[sflag:s28] =	ssyncset.done $0x0  }
0x3c: {  	s19 =	simm.s32 $0x280;
	[sflag:s28] =	ssyncadd.s32 $0xFFFFE0C0  }
0x3d: {  	[tilespmem:s16], [sflag:$0x2] =	stream.indirect.gather [hbm4b:s4+s13], $0x40, s19, s13, $0xb8;
	[tilespmem:$0x1BD00] =	vst v63  }
0x3e: {  	_ =	swait.ge [sflag:s29], $0x1F40  }
0x3f: {  	[sflag:s29] =	ssyncset.done $0x0  }
0x40: {  	s31 =	simm.s32 $0x300;
	[sflag:s29] =	ssyncadd.s32 $0xFFFFE0C0  }
0x41: {  	[tilespmem:s18], [sflag:$0x3] =	stream.indirect.gather [hbm4b:s4+s13], $0x40, s31, s13, $0xb8;
	[tilespmem:$0x1BD00] =	vst v63  }
0x42: {  	_ =	swait.ge [sflag:s30], $0x1F40  }
0x43: {  	[sflag:s30] =	ssyncset.done $0x0  }
0x44: {  	s17 =	simm.s32 $0x800;
	s19 =	simm.s32 $0x380;
	[sflag:s30] =	ssyncadd.s32 $0xFFFFE0C0  }
.LBB2_2:
0x45: {  	[tilespmem:s20], [sflag:$0x4] =	stream.indirect.gather [hbm4b:s4+s13], $0x40, s19, s13, $0xb8;
	[tilespmem:$0x1BD00] =	vst v63  }
0x46: {  	s19 =	smov.u32 s17  }
0x47: {  	p0 =	sne.s32 s17, $0x13000;
	s17 =	sadd.s32 $0x800, s17;
	_ =	swait.ge [sflag:s21], $0x1F40  }
0x48: {  	s19 =	sshra.s32 s19, $0x2;
	[sflag:s21] =	ssyncset.done $0x0  }
0x49: {  	s31 =	sadd.s32 $0x5000, s19;
	[sflag:s21] =	ssyncadd.s32 $0xFFFFE0C0  }
0x4a: {  	[spmem:s2] =	stream.indirect.scatter.add.f32 [tilespmem:s14], [sflag:$0x5], $0x40, s31, s13, $0xb8;
	[tilespmem:$0x1BD00] =	vst v63  }
0x4b: {  	_ =	swait.ge [sflag:s22], $0x1F40  }
0x4c: {  	[sflag:s22] =	ssyncset.done $0x0  }
0x4d: {  	s31 =	sadd.s32 $0x5080, s19;
	[sflag:s22] =	ssyncadd.s32 $0xFFFFE0C0  }
0x4e: {  	[spmem:s2] =	stream.indirect.scatter.add.f32 [tilespmem:s16], [sflag:$0x6], $0x40, s31, s13, $0xb8;
	[tilespmem:$0x1BD00] =	vst v63  }
0x4f: {  	_ =	swait.ge [sflag:s23], $0x1F40  }
0x50: {  	[sflag:s23] =	ssyncset.done $0x0  }
0x51: {  	s31 =	sadd.s32 $0x5100, s19;
	[sflag:s23] =	ssyncadd.s32 $0xFFFFE0C0  }
0x52: {  	[spmem:s2] =	stream.indirect.scatter.add.f32 [tilespmem:s18], [sflag:$0x7], $0x40, s31, s13, $0xb8;
	[tilespmem:$0x1BD00] =	vst v63  }
0x53: {  	_ =	swait.ge [sflag:s25], $0x1F40  }
0x54: {  	[sflag:s25] =	ssyncset.done $0x0  }
0x55: {  	s31 =	sadd.s32 $0x5180, s19;
	[sflag:s25] =	ssyncadd.s32 $0xFFFFE0C0  }
0x56: {  	[spmem:s2] =	stream.indirect.scatter.add.f32 [tilespmem:s20], [sflag:$0x8], $0x40, s31, s13, $0xb8;
	[tilespmem:$0x1BD00] =	vst v63  }
0x57: {  	_ =	swait.ge [sflag:s26], $0x1F40  }
0x58: {  	[sflag:s26] =	ssyncset.done $0x0  }
0x59: {  	s31 =	sadd.s32 $0x200, s19;
	[sflag:s26] =	ssyncadd.s32 $0xFFFFE0C0  }
0x5a: {  	[tilespmem:s14], [sflag:$0x1] =	stream.indirect.gather [hbm4b:s4+s13], $0x40, s31, s13, $0xb8;
	[tilespmem:$0x1BD00] =	vst v63  }
0x5b: {  	_ =	swait.ge [sflag:s28], $0x1F40  }
0x5c: {  	[sflag:s28] =	ssyncset.done $0x0  }
0x5d: {  	s31 =	sadd.s32 $0x280, s19;
	[sflag:s28] =	ssyncadd.s32 $0xFFFFE0C0  }
0x5e: {  	[tilespmem:s16], [sflag:$0x2] =	stream.indirect.gather [hbm4b:s4+s13], $0x40, s31, s13, $0xb8;
	[tilespmem:$0x1BD00] =	vst v63  }
0x5f: {  	_ =	swait.ge [sflag:s29], $0x1F40  }
0x60: {  	[sflag:s29] =	ssyncset.done $0x0  }
.Ltmp0:
0x61: {  	s31 =	sadd.s32 $0x300, s19;
	[sflag:s29] =	ssyncadd.s32 $0xFFFFE0C0;
	(pc) =	sbr.rel @p0 .LBB2_2-.Ltmp0, $4  }
0x62: {  	[tilespmem:s18], [sflag:$0x3] =	stream.indirect.gather [hbm4b:s4+s13], $0x40, s31, s13, $0xb8;
	[tilespmem:$0x1BD00] =	vst v63  }
0x63: {  	_ =	swait.ge [sflag:s30], $0x1F40  }
0x64: {  	[sflag:s30] =	ssyncset.done $0x0  }
0x65: {  	s19 =	sadd.s32 $0x380, s19;
	[sflag:s30] =	ssyncadd.s32 $0xFFFFE0C0  }
0x66: {  	[tilespmem:s20], [sflag:$0x4] =	stream.indirect.gather [hbm4b:s4+s13], $0x40, s19, s13, $0xb8;
	[tilespmem:$0x1BD00] =	vst v63  }
0x67: {  	_ =	swait.ge [sflag:s21], $0x1F40  }
0x68: {  	[sflag:s21] =	ssyncset.done $0x0  }
0x69: {  	s17 =	simm.s32 $0x9E00;
	[sflag:s21] =	ssyncadd.s32 $0xFFFFE0C0  }
0x6a: {  	[spmem:s2] =	stream.indirect.scatter.add.f32 [tilespmem:s14], [sflag:$0x5], $0x40, s17, s13, $0xb8;
	[tilespmem:$0x1BD00] =	vst v63  }
0x6b: {  	_ =	swait.ge [sflag:s22], $0x1F40  }
0x6c: {  	[sflag:s22] =	ssyncset.done $0x0  }
0x6d: {  	[sflag:s22] =	ssyncadd.s32 $0xFFFFE0C0  }
0x6e: {  	[spmem:s2] =	stream.indirect.scatter.add.f32 [tilespmem:s16], [sflag:$0x6], $0x40, s0, s13, $0xb8;
	[tilespmem:$0x1BD00] =	vst v63  }
0x6f: {  	_ =	swait.ge [sflag:s23], $0x1F40  }
0x70: {  	[sflag:s23] =	ssyncset.done $0x0  }
0x71: {  	[sflag:s23] =	ssyncadd.s32 $0xFFFFE0C0  }
0x72: {  	[spmem:s2] =	stream.indirect.scatter.add.f32 [tilespmem:s18], [sflag:$0x7], $0x40, s1, s13, $0xb8;
	[tilespmem:$0x1BD00] =	vst v63  }
0x73: {  	_ =	swait.ge [sflag:s25], $0x1F40  }
0x74: {  	[sflag:s25] =	ssyncset.done $0x0  }
0x75: {  	[sflag:s25] =	ssyncadd.s32 $0xFFFFE0C0  }
0x76: {  	[spmem:s2] =	stream.indirect.scatter.add.f32 [tilespmem:s20], [sflag:$0x8], $0x40, s12, s13, $0xb8;
	[tilespmem:$0x1BD00] =	vst v63  }
0x77: {  	_ =	swait.ge [sflag:s26], $0x1F40  }
0x78: {  	[sflag:s26] =	ssyncset.done $0x0  }
0x79: {  	[sflag:s26] =	ssyncadd.s32 $0xFFFFE0C0  }
0x7a: {  	_ =	swait.ge [sflag:s28], $0x1F40  }
0x7b: {  	[sflag:s28] =	ssyncset.done $0x0  }
0x7c: {  	[sflag:s28] =	ssyncadd.s32 $0xFFFFE0C0  }
0x7d: {  	_ =	swait.ge [sflag:s29], $0x1F40  }
0x7e: {  	[sflag:s29] =	ssyncset.done $0x0  }
0x7f: {  	[sflag:s29] =	ssyncadd.s32 $0xFFFFE0C0  }
0x80: {  	_ =	swait.ge [sflag:s30], $0x1F40  }
0x81: {  	s15 =	sadd.s32 $0x1, s15;
	[sflag:s30] =	ssyncset.done $0x0  }
0x82: {  	p0 =	sne.s32 s15, s8;
	[sflag:s30] =	ssyncadd.s32 $0xFFFFE0C0  }
.Ltmp1:
0x83: {  	[bflag:$0x0] =	sbarrier.arrive $0xFFFF;
	(pc) =	sbr.rel @p0 .LBB2_1-.Ltmp1, $4  }
0x84: {  	[hbm:s24], [sflag:s6] =	dma.local [spmem:s10], $0x1400  }
0x85: {  	_ =	swait.ge [sflag:s11], $0x1400  }
0x86: {  	[sflag:s11] =	ssyncset.done $0x0  }
0x87: {  	[sflag:s11] =	ssyncadd.s32 $0xFFFFEC00  }
0x88: {  	_ =	sfence.sel $0x180000  }
0x89: {  	[bflag:$0x0] =	sbarrier.arrive $0xFFFF  }
0x8a: {  	_ =	strace $0x90000050  }
0x8b: {  	s0 =	stileid.u32;
	[bflag:$0x2] =	sbarrier.arrive $0xFFFF  }
0x8c: {  	p0 =	sne.s32 s0, $0x0;
	s0 =	rddreg [dreg:$0x2]  }
0x8d: {  	s0 =	sadd.s32 @!p0 $0x100000, s0  }
0x8e: {  	[sflag:s0] =	ssyncadd.tile.s32 @!p0 $0x1;
	_ =	shalt  }
.Lfunc_end2:
_tile_overlayer_lowered:
.L_overlay_start_2:
0x8f: {  	(tag) =	ssettag $0x2  }
0x90: {  	s0 =	rddreg [dreg:$0x0];
	s2 =	stileid.u32  }
0x91: {  	s1 =	rddreg [dreg:$0x1];
	p0 =	sne.s32 s2, $0x0  }
0x92: {  	s3 =	rddreg [dreg:$0x2];
	[bflag:$0x3] =	sbarrier.arrive $0xFFFF;
	s2 =	simm.s32 @!p0 $0x1C09  }
0x93: {  	[timem:s3], [sflag:s2] =	dma.local @!p0 [hbm:s0], s1  }
0x94: {  	s0 =	simm.s32 @!p0 $0x9  }
0x95: {  	_ =	swait.ge @!p0 [sflag:s0], s1  }
0x96: {  	s1 =	ssub.s32 @!p0 $0x0, s1;
	[sflag:s0] =	ssyncset.done @!p0 $0x0  }
0x97: {  	[sflag:s0] =	ssyncadd.s32 @!p0 s1  }
0x98: {  	[bflag:$0x3] =	sbarrier.arrive $0xFFFF  }
0x99: {  	_ =	shalt  }

// kernel: kernel.28.cloned.1.call-start
scs
__scs_entry_jumppad:
0x0: {  	(pc) =	sbr.rel $0x88, $3  }
0x1: {  	(tag) =	ssettag $0x0;
	lr =	simm.s32 $0x1  }
0x2: {  	[smem:$0x3F99] =	sst lr;
	_ =	strace $0xD0000000  }
0x3: {  	_ = 	snop  }
0x4: {  	_ = 	snop  }
0x5: {  	_ = 	snop  }
0x6: {  	_ = 	snop  }
0x7: {  	_ = 	snop  }
__scs_overlays_trampoline_lowered:
0x8: {  	[smem:$0x3FA8] =	sst s0  }
0x9: {  	[smem:$0x3FA9] =	sst s1  }
0xa: {  	[smem:$0x3FAA] =	sst s2  }
0xb: {  	[smem:$0x3FAB] =	sst s3  }
0xc: {  	[smem:$0x3FAC] =	sst s4  }
0xd: {  	[smem:$0x3FAD] =	sst s5  }
0xe: {  	[smem:$0x3FAE] =	sst s6  }
0xf: {  	[smem:$0x3FAF] =	sst s7  }
0x10: {  	[smem:$0x3FB0] =	sst s8  }
0x11: {  	[smem:$0x3FB1] =	sst s9;
	s0 =	simm.s32 @!p0 $0x0  }
0x12: {  	s1 =	sld [smem:$0x3F97];
	s0 =	simm.s32 @p0 $0x1  }
0x13: {  	[smem:$0x3FB2] =	sst s0;
	s0 =	simm.s32 @!p1 $0x0  }
0x14: {  	s2 =	sld [smem:$0x3F96];
	s0 =	simm.s32 @p1 $0x1  }
0x15: {  	[smem:$0x3FB3] =	sst s0;
	s0 =	simm.s32 @!p2 $0x0  }
0x16: {  	s3 =	sld [smem:$0x3FDB];
	s0 =	simm.s32 @p2 $0x1  }
0x17: {  	s4 =	simm.s32 $0x1BF5;
	[smem:$0x3FB5] =	sst s0  }
0x18: {  	s0 =	sld [smem:$0x3F98];
	_ =	swait.ge [sflag:s4], $0x0  }
0x19: {  	s7 =	sld [smem:$0x3F99]  }
0x1a: {  	s8 =	sadd.s32 $0xFFFFE003, lr  }
0x1b: {  	s9 =	sadd.s32 $0xFFFFFEF7, lr;
	s5 =	simm.s32 $0xFFFFFFFF;
	p2 =	slt.u32 s8, $0xFFFFF086  }
0x1c: {  	p1 =	slt.u32 s9, $0xF7A;
	s5 =	simm.s32 @!p2 $0x0  }
0x1d: {  	s5 =	simm.s32 @p1 $0x1;
	p0 =	seq.s32 s7, s2  }
0x1e: {  	s7 =	smul.u32 @!p0 $0xF7A, s2;
	p2 =	seq.s32 @!p0 s5, $0x0  }
0x1f: {  	s9 =	smul.u32 $0xF7A, s1;
	s8 =	simm.s32 @!p0 $0x1BF5;
	p2 =	por !p2, p0  }
0x20: {  	[sflag:s8] =	ssyncset.s32 @!p0 $0xFFFFF086;
	s6 =	sadd.s32 @!p0 s3, s7;
	s7 =	simm.s32 @!p0 $0x108  }
0x21: {  	s3 =	sadd.s32 s3, s9;
	s6 =	sadd.s32 @!p0 $0x88, s6;
	s7 =	simm.s32 @p2 $0x1082  }
0x22: {  	[simem:s7], [sflag:s8] =	dma.local @!p0 [hbm:s6], $0xF7A  }
0x23: {  	s9 =	sor.u32 $0xD0000000, s2;
	s6 =	simm.s32 $0x108;
	_ =	swait.ge @!p0 [sflag:s8], $0x0  }
0x24: {  	s3 =	sadd.s32 $0x88, s3;
	s6 =	simm.s32 @!p1 $0x1082;
	[sflag:s4] =	ssyncset.s32 $0xFFFFF086  }
0x25: {  	[simem:s6], [sflag:s4] =	dma.local [hbm:s3], $0xF7A  }
0x26: {  	[smem:$0x3F99] =	sst s1;
	(tag) =	ssettag s2;
	_ =	strace s9  }
0x27: {  	s1 =	sld [smem:$0x3FA9]  }
0x28: {  	s2 =	sld [smem:$0x3FAA]  }
0x29: {  	s4 =	sld [smem:$0x3FAC]  }
0x2a: {  	p0 =	seq.s32 s5, $0x0;
	s5 =	sld [smem:$0x3FAD]  }
0x2b: {  	s6 =	sld [smem:$0x3FAE]  }
0x2c: {  	s7 =	sld [smem:$0x3FAF]  }
0x2d: {  	s3 =	simm.s32 $0x108;
	s8 =	sld [smem:$0x3FB0]  }
0x2e: {  	s3 =	simm.s32 @!p0 $0x1082;
	s9 =	sld [smem:$0x3FB1]  }
0x2f: {  	lr =	sadd.s32 s0, s3;
	s0 =	sld [smem:$0x3FA8]  }
0x30: {  	s3 =	sld [smem:$0x3FAB]  }
0x31: {  	[smem:$0x3FB4] =	sst s10  }
0x32: {  	s10 =	sld [smem:$0x3FB2];
	_ =	sdelay $0x3  }
0x33: {  	p0 =	seq.s32 s10, $0x1;
	s10 =	sld [smem:$0x3FB4];
	_ =	sdelay $0x3  }
0x34: {  	[smem:$0x3FB4] =	sst s10  }
0x35: {  	s10 =	sld [smem:$0x3FB3];
	_ =	sdelay $0x3  }
0x36: {  	p1 =	seq.s32 s10, $0x1;
	s10 =	sld [smem:$0x3FB4];
	_ =	sdelay $0x3  }
0x37: {  	[smem:$0x3FB4] =	sst s10  }
0x38: {  	s10 =	sld [smem:$0x3FB5]  }
0x39: {  	_ = 	snop;
	(pc) =	sbr.ind lr, $3  }
0x3a: {  	_ = 	snop  }
0x3b: {  	_ = 	snop  }
0x3c: {  	p2 =	seq.s32 s10, $0x1;
	s10 =	sld [smem:$0x3FB4]  }
0x3d: {  	_ =	shalt  }
0x3e: {  	_ =	shalt  }
0x3f: {  	_ =	shalt  }
0x40: {  	_ =	shalt  }
0x41: {  	_ =	shalt  }
0x42: {  	_ =	shalt  }
0x43: {  	_ =	shalt  }
0x44: {  	_ =	shalt  }
0x45: {  	_ =	shalt  }
0x46: {  	_ =	shalt  }
0x47: {  	_ =	shalt  }
0x48: {  	_ =	shalt  }
0x49: {  	_ =	shalt  }
0x4a: {  	_ =	shalt  }
0x4b: {  	_ =	shalt  }
0x4c: {  	_ =	shalt  }
0x4d: {  	_ =	shalt  }
0x4e: {  	_ =	shalt  }
0x4f: {  	_ =	shalt  }
0x50: {  	_ =	shalt  }
0x51: {  	_ =	shalt  }
0x52: {  	_ =	shalt  }
0x53: {  	_ =	shalt  }
0x54: {  	_ =	shalt  }
0x55: {  	_ =	shalt  }
0x56: {  	_ =	shalt  }
0x57: {  	_ =	shalt  }
0x58: {  	_ =	shalt  }
0x59: {  	_ =	shalt  }
0x5a: {  	_ =	shalt  }
0x5b: {  	_ =	shalt  }
0x5c: {  	_ =	shalt  }
0x5d: {  	_ =	shalt  }
0x5e: {  	_ =	shalt  }
0x5f: {  	_ =	shalt  }
0x60: {  	_ =	shalt  }
0x61: {  	_ =	shalt  }
0x62: {  	_ =	shalt  }
0x63: {  	_ =	shalt  }
0x64: {  	_ =	shalt  }
0x65: {  	_ =	shalt  }
0x66: {  	_ =	shalt  }
0x67: {  	_ =	shalt  }
0x68: {  	_ =	shalt  }
0x69: {  	_ =	shalt  }
0x6a: {  	_ =	shalt  }
0x6b: {  	_ =	shalt  }
0x6c: {  	_ =	shalt  }
0x6d: {  	_ =	shalt  }
0x6e: {  	_ =	shalt  }
0x6f: {  	_ =	shalt  }
0x70: {  	_ =	shalt  }
0x71: {  	_ =	shalt  }
0x72: {  	_ =	shalt  }
0x73: {  	_ =	shalt  }
0x74: {  	_ =	shalt  }
0x75: {  	_ =	shalt  }
0x76: {  	_ =	shalt  }
0x77: {  	_ =	shalt  }
0x78: {  	_ =	shalt  }
0x79: {  	_ =	shalt  }
0x7a: {  	_ =	shalt  }
0x7b: {  	_ =	shalt  }
0x7c: {  	_ =	shalt  }
0x7d: {  	_ =	shalt  }
0x7e: {  	_ =	shalt  }
0x7f: {  	_ =	shalt  }
0x80: {  	_ =	shalt  }
0x81: {  	_ =	shalt  }
0x82: {  	_ =	shalt  }
0x83: {  	_ =	shalt  }
0x84: {  	_ =	shalt  }
0x85: {  	_ =	shalt  }
0x86: {  	_ =	shalt  }
0x87: {  	_ =	shalt  }
.Lfunc_end0:
.L_simem_size_0:
called_computation.4_lowered:
.L_overlay_start_0:
0x88: {  	s2 =	sld [smem:$0x3FD9]  }
0x89: {  	s3 =	sld [smem:$0x3FFE];
	_ =	sdelay $0x1  }
0x8a: {  	s1 =	srdreg.scid  }
0x8b: {  	s0 =	sand.u32 $0x1, s1  }
0x8c: {  	s16 =	sshll.u32 s0, $0xA;
	s2 =	sadd.s32 s3, s2  }
0x8d: {  	s2 =	sadd.s32 s2, s16  }
0x8e: {  	[smem:$0x3FC0] =	sst s2  }
0x8f: {  	_ = 	snop  }
0x90: {  	(tm) =	ssettm $0x1  }
0x91: {  	s17 =	sld [smem:$0x3FFB];
	_ =	sdelay $0x3  }
0x92: {  	_ =	strace s17  }
0x93: {  	s2 =	sld [smem:$0x3FFC];
	_ =	sdelay $0x3  }
0x94: {  	_ =	strace s2  }
0x95: {  	s2 =	sld [smem:$0x3FFD];
	_ =	sdelay $0x3  }
0x96: {  	_ =	strace s2  }
0x97: {  	_ =	strace $0x8FFFFFFF  }
0x98: {  	s18 =	sld [smem:$0x3FDB];
	_ =	sdelay $0x1  }
0x99: {  	s19 =	simm.s32 $_scs_section_size  }
0x9a: {  	s4 =	simm.s32 $_size__tile_overlayer_lowered;
	s5 =	simm.s32 $_tile_overlayer_lowered  }
0x9b: {  	s22 =	simm.s32 $0x1BFF;
	s21 =	sshll.u32 s5, $0x1;
	s2 =	sadd.s32 s19, s18  }
0x9c: {  	s6 =	simm.s32 $0x0;
	s20 =	sshll.u32 s4, $0x1;
	s4 =	sadd.s32 s21, s2  }
0x9d: {  	[timem:s6], [sflag:s22] =	dma.local [hbm:s4], s20  }
0x9e: {  	_ =	swait.ge [sflag:s22], s20  }
0x9f: {  	s3 =	ssub.s32 $0x0, s20;
	[sflag:s22] =	ssyncset.done $0x0  }
0xa0: {  	[sflag:s22] =	ssyncadd.s32 s3;
	_ =	sdelay $0x1  }
0xa1: {  	s23 =	simm.s32 $0x1B8B  }
0xa2: {  	_ =	swait.ge [sflag:s23], $0x1  }
0xa3: {  	[sflag:s23] =	ssyncset.done $0x0  }
0xa4: {  	s25 =	simm.s32 $0x1B8E;
	s24 =	sld [smem:$0x3FFE];
	[sflag:s23] =	ssyncadd.s32 $0xFFFFFFFF  }
0xa5: {  	s26 =	simm.s32 $execute0_lowered;
	[smem:$0x3FD2] =	sst s25  }
0xa6: {  	s4 =	sshll.u32 s26, $0x1;
	_ =	strace $0x80000052;
	[dreg:$0x1] =	wrdreg $0xFFFFFFFF  }
0xa7: {  	s28 =	simm.s32 $_size_execute0_lowered;
	s2 =	sadd.s32 s2, s4;
	[dreg:$0x0] =	wrdreg $0x0  }
0xa8: {  	s4 =	sshll.u32 s28, $0x1;
	[dreg:$0x2] =	wrdreg s2  }
0xa9: {  	[dreg:$0x3] =	wrdreg s4  }
0xaa: {  	[dreg:$0x4] =	wrdreg $0xC0  }
0xab: {  	_ =	task [dreg:s6], $0x5FFFF  }
0xac: {  	[dreg:$0x1] =	wrdreg $0xFFFFFFFF  }
0xad: {  	[dreg:$0x0] =	wrdreg $0x60  }
0xae: {  	[dreg:$0x2] =	wrdreg s24  }
0xaf: {  	[dreg:$0x3] =	wrdreg $0x11D000  }
0xb0: {  	[dreg:$0x4] =	wrdreg $0x9  }
0xb1: {  	_ =	task.clear_ibuf [dreg:s6], $0x5FFFF;
	_ =	strace $0x90000052  }
0xb2: {  	s29 =	simm.s32 $0x9;
	_ =	strace $0x80000054  }
0xb3: {  	_ =	swait.ge [sflag:s29], $0x1  }
0xb4: {  	[sflag:s29] =	ssyncadd.s32 $0xFFFFFFFF  }
0xb5: {  	_ =	strace $0x90000054  }
0xb6: {  	_ =	sfence  }
0xb7: {  	s30 =	sld [smem:$0x0];
	_ =	sdelay $0x2  }
0xb8: {  	s31 =	sshll.u32 s1, $0xD;
	s1 =	sshrl.u32 s1, $0x2  }
0xb9: {  	s3 =	sand.u32 $0x4000, s31;
	s1 =	sadd.s32 s1, s30  }
0xba: {  	s0 =	sor.u32 s3, s0;
	s1 =	sshll.u32 s1, $0x11  }
0xbb: {  	s0 =	sor.u32 s1, s0  }
0xbc: {  	s0 =	sadd.s32 $0x8F2B, s0  }
0xbd: {  	[sflag:s0] =	ssyncadd.remote.s32 $0x1  }
0xbe: {  	_ =	sfence.sel $0xFFFF  }
0xbf: {  	[dreg:$0x0] =	wrdreg $0xFFFFFFFF;
	(pc) =	sbr.abs _section_cstart, $3  }
0xc0: {  	[dreg:$0x1] =	wrdreg $0xFFFFFFFF  }
0xc1: {  	_ =	task.clear_ibuf [dreg:s6], $0x2FFFF;
	_ =	strace $0x9FFFFFFF  }
0xc2: {  	(tm) =	ssettm $0x7FFFFFFF  }
0xc3: {  	_ =	shalt  }
tec
execute0_lowered:
.L_overlay_start_1:
0x0: {  	(tag) =	ssettag $0x1  }
0x1: {  	s0 =	rddreg [dreg:$0x0]  }
0x2: {  	s2 =	rddreg [dreg:$0x1];
	s3 =	simm.s32 $0x0;
	s10 =	stileid.u32  }
0x3: {  	s4 =	srdreg.scid;
	s13 =	simm.s32 $0x7D;
	s14 =	simm.s32 $0xA000  }
0x4: {  	s16 =	simm.s32 $0xBF40;
	s18 =	simm.s32 $0xDE80;
	s20 =	simm.s32 $0xFDC0  }
0x5: {  	s21 =	simm.s32 $0x1;
	s22 =	simm.s32 $0x2;
	s23 =	simm.s32 $0x3  }
0x6: {  	s25 =	simm.s32 $0x4;
	s26 =	simm.s32 $0x5;
	s28 =	simm.s32 $0x6  }
0x7: {  	s29 =	simm.s32 $0x7;
	s30 =	simm.s32 $0x8;
	s15 =	simm.s32 $0x0  }
0x8: {  	[smem:$0x7FF] =	sst s3;
	s1 =	smul.u32 $0xA00, s10;
	s7 =	sand.u32 $0x1, s4  }
0x9: {  	s4 =	sadd.s32 $0x2BE00, s0;
	s5 =	sadd.s32 $0xDC00, s0;
	s9 =	smul.u32 $0xA000, s10  }
0xa: {  	s10 =	sshll.u32 s10, $0x6;
	_ =	strace $0x80000053;
	s6 =	smul.u32 $0x14000, s7  }
0xb: {  	s8 =	ssub.s32 $0x2, s7;
	p0 =	seq.s32 s7, $0x1;
	s1 =	sadd.s32 s1, s0  }
0xc: {  	s31 =	sshrl.u32 s8, $0x1;
	s11 =	sadd.s32 s9, s2;
	s12 =	sshrl.u32 s9, $0x3  }
0xd: {  	s0 =	sadd.s32 s6, s0;
	s6 =	sor.u32 $0x1C09, s10;
	s10 =	simm.s32 $0x21E00  }
0xe: {  	s8 =	ssub.s32 s8, s31;
	s7 =	sadd.s32 $0x3C00, s1;
	s10 =	simm.s32 @!p0 $0x17E00  }
0xf: {  	s0 =	sadd.s32 $0x53E00, s0;
	s8 =	smax.u32 s8, $0x1;
	s9 =	sadd.s32 s10, s1  }
0x10: {  	s10 =	sshrl.u32 s11, $0x3;
	s11 =	simm.s32 $0x9;
	s24 =	sadd.s32 s12, s0  }
0x11: {  	s0 =	simm.s32 $0x9E80;
	s1 =	simm.s32 $0x9F00;
	s12 =	simm.s32 $0x9F80  }
.LBB2_1:
0x12: {  	[spmem:s10], [sflag:s6] =	dma.local [hbm:s5], $0x1400  }
0x13: {  	_ =	swait.ge [sflag:s11], $0x1400  }
0x14: {  	[sflag:s11] =	ssyncset.done $0x0  }
0x15: {  	[sflag:s11] =	ssyncadd.s32 $0xFFFFEC00  }
0x16: {  	[tilespmem:s3], [sflag:$0x9] =	stream.linear.gather [hbm4b:s9+s3], $0x5000, $0x38;
	[tilespmem:$0x1BD00] =	vst v63  }
0x17: {  	_ =	swait.ge [sflag:s11], $0x5000  }
0x18: {  	[sflag:s11] =	ssyncset.done $0x0  }
0x19: {  	s17 =	simm.s32 $0x5000;
	[sflag:s11] =	ssyncadd.s32 $0xFFFFB000  }
0x1a: {  	[tilespmem:s17], [sflag:$0x9] =	stream.linear.gather [hbm4b:s7+s3], $0x5000, $0x38;
	[tilespmem:$0x1BD00] =	vst v63  }
0x1b: {  	_ =	swait.ge [sflag:s11], $0x5000  }
0x1c: {  	[sflag:s11] =	ssyncset.done $0x0  }
0x1d: {  	[sflag:s11] =	ssyncadd.s32 $0xFFFFB000  }
0x1e: {  	[bflag:$0x0] =	sbarrier.arrive $0xFFFF  }
0x1f: {  	[tilespmem:s14], [sflag:$0x1] =	stream.indirect.gather [hbm4b:s4+s13], $0x40, s3, s13, $0xb8;
	[tilespmem:$0x1BD00] =	vst v63  }
0x20: {  	s19 =	simm.s32 $0x80  }
0x21: {  	[tilespmem:s16], [sflag:$0x2] =	stream.indirect.gather [hbm4b:s4+s13], $0x40, s19, s13, $0xb8;
	[tilespmem:$0x1BD00] =	vst v63  }
0x22: {  	s31 =	simm.s32 $0x100  }
0x23: {  	[tilespmem:s18], [sflag:$0x3] =	stream.indirect.gather [hbm4b:s4+s13], $0x40, s31, s13, $0xb8;
	[tilespmem:$0x1BD00] =	vst v63  }
0x24: {  	s19 =	simm.s32 $0x180  }
0x25: {  	[tilespmem:s20], [sflag:$0x4] =	stream.indirect.gather [hbm4b:s4+s13], $0x40, s19, s13, $0xb8;
	[tilespmem:$0x1BD00] =	vst v63  }
0x26: {  	_ =	swait.ge [sflag:s21], $0x1F40  }
0x27: {  	[sflag:s21] =	ssyncset.done $0x0  }
0x28: {  	s31 =	simm.s32 $0x5000;
	[sflag:s21] =	ssyncadd.s32 $0xFFFFE0C0  }
0x29: {  	[spmem:s2] =	stream.indirect.scatter.add.f32 [tilespmem:s14], [sflag:$0x5], $0x40, s31, s13, $0xb8;
	[tilespmem:$0x1BD00] =	vst v63  }
0x2a: {  	_ =	swait.ge [sflag:s22], $0x1F40  }
0x2b: {  	[sflag:s22] =	ssyncset.done $0x0  }
0x2c: {  	s19 =	simm.s32 $0x5080;
	[sflag:s22] =	ssyncadd.s32 $0xFFFFE0C0  }
0x2d: {  	[spmem:s2] =	stream.indirect.scatter.add.f32 [tilespmem:s16], [sflag:$0x6], $0x40, s19, s13, $0xb8;
	[tilespmem:$0x1BD00] =	vst v63  }
0x2e: {  	_ =	swait.ge [sflag:s23], $0x1F40  }
0x2f: {  	[sflag:s23] =	ssyncset.done $0x0  }
0x30: {  	s31 =	simm.s32 $0x5100;
	[sflag:s23] =	ssyncadd.s32 $0xFFFFE0C0  }
0x31: {  	[spmem:s2] =	stream.indirect.scatter.add.f32 [tilespmem:s18], [sflag:$0x7], $0x40, s31, s13, $0xb8;
	[tilespmem:$0x1BD00] =	vst v63  }
0x32: {  	_ =	swait.ge [sflag:s25], $0x1F40  }
0x33: {  	[sflag:s25] =	ssyncset.done $0x0  }
0x34: {  	s19 =	simm.s32 $0x5180;
	[sflag:s25] =	ssyncadd.s32 $0xFFFFE0C0  }
0x35: {  	[spmem:s2] =	stream.indirect.scatter.add.f32 [tilespmem:s20], [sflag:$0x8], $0x40, s19, s13, $0xb8;
	[tilespmem:$0x1BD00] =	vst v63  }
0x36: {  	_ =	swait.ge [sflag:s26], $0x1F40  }
0x37: {  	[sflag:s26] =	ssyncset.done $0x0  }
0x38: {  	s31 =	simm.s32 $0x200;
	[sflag:s26] =	ssyncadd.s32 $0xFFFFE0C0  }
0x39: {  	[tilespmem:s14], [sflag:$0x1] =	stream.indirect.gather [hbm4b:s4+s13], $0x40, s31, s13, $0xb8;
	[tilespmem:$0x1BD00] =	vst v63  }
0x3a: {  	_ =	swait.ge [sflag:s28], $0x1F40  }
0x3b: {  	[sflag:s28] =	ssyncset.done $0x0  }
0x3c: {  	s19 =	simm.s32 $0x280;
	[sflag:s28] =	ssyncadd.s32 $0xFFFFE0C0  }
0x3d: {  	[tilespmem:s16], [sflag:$0x2] =	stream.indirect.gather [hbm4b:s4+s13], $0x40, s19, s13, $0xb8;
	[tilespmem:$0x1BD00] =	vst v63  }
0x3e: {  	_ =	swait.ge [sflag:s29], $0x1F40  }
0x3f: {  	[sflag:s29] =	ssyncset.done $0x0  }
0x40: {  	s31 =	simm.s32 $0x300;
	[sflag:s29] =	ssyncadd.s32 $0xFFFFE0C0  }
0x41: {  	[tilespmem:s18], [sflag:$0x3] =	stream.indirect.gather [hbm4b:s4+s13], $0x40, s31, s13, $0xb8;
	[tilespmem:$0x1BD00] =	vst v63  }
0x42: {  	_ =	swait.ge [sflag:s30], $0x1F40  }
0x43: {  	[sflag:s30] =	ssyncset.done $0x0  }
0x44: {  	s17 =	simm.s32 $0x800;
	s19 =	simm.s32 $0x380;
	[sflag:s30] =	ssyncadd.s32 $0xFFFFE0C0  }
.LBB2_2:
0x45: {  	[tilespmem:s20], [sflag:$0x4] =	stream.indirect.gather [hbm4b:s4+s13], $0x40, s19, s13, $0xb8;
	[tilespmem:$0x1BD00] =	vst v63  }
0x46: {  	s19 =	smov.u32 s17  }
0x47: {  	p0 =	sne.s32 s17, $0x13000;
	s17 =	sadd.s32 $0x800, s17;
	_ =	swait.ge [sflag:s21], $0x1F40  }
0x48: {  	s19 =	sshra.s32 s19, $0x2;
	[sflag:s21] =	ssyncset.done $0x0  }
0x49: {  	s31 =	sadd.s32 $0x5000, s19;
	[sflag:s21] =	ssyncadd.s32 $0xFFFFE0C0  }
0x4a: {  	[spmem:s2] =	stream.indirect.scatter.add.f32 [tilespmem:s14], [sflag:$0x5], $0x40, s31, s13, $0xb8;
	[tilespmem:$0x1BD00] =	vst v63  }
0x4b: {  	_ =	swait.ge [sflag:s22], $0x1F40  }
0x4c: {  	[sflag:s22] =	ssyncset.done $0x0  }
0x4d: {  	s31 =	sadd.s32 $0x5080, s19;
	[sflag:s22] =	ssyncadd.s32 $0xFFFFE0C0  }
0x4e: {  	[spmem:s2] =	stream.indirect.scatter.add.f32 [tilespmem:s16], [sflag:$0x6], $0x40, s31, s13, $0xb8;
	[tilespmem:$0x1BD00] =	vst v63  }
0x4f: {  	_ =	swait.ge [sflag:s23], $0x1F40  }
0x50: {  	[sflag:s23] =	ssyncset.done $0x0  }
0x51: {  	s31 =	sadd.s32 $0x5100, s19;
	[sflag:s23] =	ssyncadd.s32 $0xFFFFE0C0  }
0x52: {  	[spmem:s2] =	stream.indirect.scatter.add.f32 [tilespmem:s18], [sflag:$0x7], $0x40, s31, s13, $0xb8;
	[tilespmem:$0x1BD00] =	vst v63  }
0x53: {  	_ =	swait.ge [sflag:s25], $0x1F40  }
0x54: {  	[sflag:s25] =	ssyncset.done $0x0  }
0x55: {  	s31 =	sadd.s32 $0x5180, s19;
	[sflag:s25] =	ssyncadd.s32 $0xFFFFE0C0  }
0x56: {  	[spmem:s2] =	stream.indirect.scatter.add.f32 [tilespmem:s20], [sflag:$0x8], $0x40, s31, s13, $0xb8;
	[tilespmem:$0x1BD00] =	vst v63  }
0x57: {  	_ =	swait.ge [sflag:s26], $0x1F40  }
0x58: {  	[sflag:s26] =	ssyncset.done $0x0  }
0x59: {  	s31 =	sadd.s32 $0x200, s19;
	[sflag:s26] =	ssyncadd.s32 $0xFFFFE0C0  }
0x5a: {  	[tilespmem:s14], [sflag:$0x1] =	stream.indirect.gather [hbm4b:s4+s13], $0x40, s31, s13, $0xb8;
	[tilespmem:$0x1BD00] =	vst v63  }
0x5b: {  	_ =	swait.ge [sflag:s28], $0x1F40  }
0x5c: {  	[sflag:s28] =	ssyncset.done $0x0  }
0x5d: {  	s31 =	sadd.s32 $0x280, s19;
	[sflag:s28] =	ssyncadd.s32 $0xFFFFE0C0  }
0x5e: {  	[tilespmem:s16], [sflag:$0x2] =	stream.indirect.gather [hbm4b:s4+s13], $0x40, s31, s13, $0xb8;
	[tilespmem:$0x1BD00] =	vst v63  }
0x5f: {  	_ =	swait.ge [sflag:s29], $0x1F40  }
0x60: {  	[sflag:s29] =	ssyncset.done $0x0  }
.Ltmp0:
0x61: {  	s31 =	sadd.s32 $0x300, s19;
	[sflag:s29] =	ssyncadd.s32 $0xFFFFE0C0;
	(pc) =	sbr.rel @p0 .LBB2_2-.Ltmp0, $4  }
0x62: {  	[tilespmem:s18], [sflag:$0x3] =	stream.indirect.gather [hbm4b:s4+s13], $0x40, s31, s13, $0xb8;
	[tilespmem:$0x1BD00] =	vst v63  }
0x63: {  	_ =	swait.ge [sflag:s30], $0x1F40  }
0x64: {  	[sflag:s30] =	ssyncset.done $0x0  }
0x65: {  	s19 =	sadd.s32 $0x380, s19;
	[sflag:s30] =	ssyncadd.s32 $0xFFFFE0C0  }
0x66: {  	[tilespmem:s20], [sflag:$0x4] =	stream.indirect.gather [hbm4b:s4+s13], $0x40, s19, s13, $0xb8;
	[tilespmem:$0x1BD00] =	vst v63  }
0x67: {  	_ =	swait.ge [sflag:s21], $0x1F40  }
0x68: {  	[sflag:s21] =	ssyncset.done $0x0  }
0x69: {  	s17 =	simm.s32 $0x9E00;
	[sflag:s21] =	ssyncadd.s32 $0xFFFFE0C0  }
0x6a: {  	[spmem:s2] =	stream.indirect.scatter.add.f32 [tilespmem:s14], [sflag:$0x5], $0x40, s17, s13, $0xb8;
	[tilespmem:$0x1BD00] =	vst v63  }
0x6b: {  	_ =	swait.ge [sflag:s22], $0x1F40  }
0x6c: {  	[sflag:s22] =	ssyncset.done $0x0  }
0x6d: {  	[sflag:s22] =	ssyncadd.s32 $0xFFFFE0C0  }
0x6e: {  	[spmem:s2] =	stream.indirect.scatter.add.f32 [tilespmem:s16], [sflag:$0x6], $0x40, s0, s13, $0xb8;
	[tilespmem:$0x1BD00] =	vst v63  }
0x6f: {  	_ =	swait.ge [sflag:s23], $0x1F40  }
0x70: {  	[sflag:s23] =	ssyncset.done $0x0  }
0x71: {  	[sflag:s23] =	ssyncadd.s32 $0xFFFFE0C0  }
0x72: {  	[spmem:s2] =	stream.indirect.scatter.add.f32 [tilespmem:s18], [sflag:$0x7], $0x40, s1, s13, $0xb8;
	[tilespmem:$0x1BD00] =	vst v63  }
0x73: {  	_ =	swait.ge [sflag:s25], $0x1F40  }
0x74: {  	[sflag:s25] =	ssyncset.done $0x0  }
0x75: {  	[sflag:s25] =	ssyncadd.s32 $0xFFFFE0C0  }
0x76: {  	[spmem:s2] =	stream.indirect.scatter.add.f32 [tilespmem:s20], [sflag:$0x8], $0x40, s12, s13, $0xb8;
	[tilespmem:$0x1BD00] =	vst v63  }
0x77: {  	_ =	swait.ge [sflag:s26], $0x1F40  }
0x78: {  	[sflag:s26] =	ssyncset.done $0x0  }
0x79: {  	[sflag:s26] =	ssyncadd.s32 $0xFFFFE0C0  }
0x7a: {  	_ =	swait.ge [sflag:s28], $0x1F40  }
0x7b: {  	[sflag:s28] =	ssyncset.done $0x0  }
0x7c: {  	[sflag:s28] =	ssyncadd.s32 $0xFFFFE0C0  }
0x7d: {  	_ =	swait.ge [sflag:s29], $0x1F40  }
0x7e: {  	[sflag:s29] =	ssyncset.done $0x0  }
0x7f: {  	[sflag:s29] =	ssyncadd.s32 $0xFFFFE0C0  }
0x80: {  	_ =	swait.ge [sflag:s30], $0x1F40  }
0x81: {  	s15 =	sadd.s32 $0x1, s15;
	[sflag:s30] =	ssyncset.done $0x0  }
0x82: {  	p0 =	sne.s32 s15, s8;
	[sflag:s30] =	ssyncadd.s32 $0xFFFFE0C0  }
.Ltmp1:
0x83: {  	[bflag:$0x0] =	sbarrier.arrive $0xFFFF;
	(pc) =	sbr.rel @p0 .LBB2_1-.Ltmp1, $4  }
0x84: {  	[hbm:s24], [sflag:s6] =	dma.local [spmem:s10], $0x1400  }
0x85: {  	_ =	swait.ge [sflag:s11], $0x1400  }
0x86: {  	[sflag:s11] =	ssyncset.done $0x0  }
0x87: {  	[sflag:s11] =	ssyncadd.s32 $0xFFFFEC00  }
0x88: {  	_ =	sfence.sel $0x180000  }
0x89: {  	[bflag:$0x0] =	sbarrier.arrive $0xFFFF  }
0x8a: {  	_ =	strace $0x90000053  }
0x8b: {  	s0 =	stileid.u32;
	[bflag:$0x2] =	sbarrier.arrive $0xFFFF  }
0x8c: {  	p0 =	sne.s32 s0, $0x0;
	s0 =	rddreg [dreg:$0x2]  }
0x8d: {  	s0 =	sadd.s32 @!p0 $0x100000, s0  }
0x8e: {  	[sflag:s0] =	ssyncadd.tile.s32 @!p0 $0x1;
	_ =	shalt  }
.Lfunc_end2:
_tile_overlayer_lowered:
.L_overlay_start_2:
0x8f: {  	(tag) =	ssettag $0x2  }
0x90: {  	s0 =	rddreg [dreg:$0x0];
	s2 =	stileid.u32  }
0x91: {  	s1 =	rddreg [dreg:$0x1];
	p0 =	sne.s32 s2, $0x0  }
0x92: {  	s3 =	rddreg [dreg:$0x2];
	[bflag:$0x3] =	sbarrier.arrive $0xFFFF;
	s2 =	simm.s32 @!p0 $0x1C09  }
0x93: {  	[timem:s3], [sflag:s2] =	dma.local @!p0 [hbm:s0], s1  }
0x94: {  	s0 =	simm.s32 @!p0 $0x9  }
0x95: {  	_ =	swait.ge @!p0 [sflag:s0], s1  }
0x96: {  	s1 =	ssub.s32 @!p0 $0x0, s1;
	[sflag:s0] =	ssyncset.done @!p0 $0x0  }
0x97: {  	[sflag:s0] =	ssyncadd.s32 @!p0 s1  }
0x98: {  	[bflag:$0x3] =	sbarrier.arrive $0xFFFF  }
0x99: {  	_ =	shalt  }

// kernel: kernel.31.cloned.1.call-start
scs
__scs_entry_jumppad:
0x0: {  	(pc) =	sbr.rel $0x88, $3  }
0x1: {  	(tag) =	ssettag $0x0;
	lr =	simm.s32 $0x1  }
0x2: {  	[smem:$0x3F99] =	sst lr;
	_ =	strace $0xD0000000  }
0x3: {  	_ = 	snop  }
0x4: {  	_ = 	snop  }
0x5: {  	_ = 	snop  }
0x6: {  	_ = 	snop  }
0x7: {  	_ = 	snop  }
__scs_overlays_trampoline_lowered:
0x8: {  	[smem:$0x3FA8] =	sst s0  }
0x9: {  	[smem:$0x3FA9] =	sst s1  }
0xa: {  	[smem:$0x3FAA] =	sst s2  }
0xb: {  	[smem:$0x3FAB] =	sst s3  }
0xc: {  	[smem:$0x3FAC] =	sst s4  }
0xd: {  	[smem:$0x3FAD] =	sst s5  }
0xe: {  	[smem:$0x3FAE] =	sst s6  }
0xf: {  	[smem:$0x3FAF] =	sst s7  }
0x10: {  	[smem:$0x3FB0] =	sst s8  }
0x11: {  	[smem:$0x3FB1] =	sst s9;
	s0 =	simm.s32 @!p0 $0x0  }
0x12: {  	s1 =	sld [smem:$0x3F97];
	s0 =	simm.s32 @p0 $0x1  }
0x13: {  	[smem:$0x3FB2] =	sst s0;
	s0 =	simm.s32 @!p1 $0x0  }
0x14: {  	s2 =	sld [smem:$0x3F96];
	s0 =	simm.s32 @p1 $0x1  }
0x15: {  	[smem:$0x3FB3] =	sst s0;
	s0 =	simm.s32 @!p2 $0x0  }
0x16: {  	s3 =	sld [smem:$0x3FDB];
	s0 =	simm.s32 @p2 $0x1  }
0x17: {  	s4 =	simm.s32 $0x1BF5;
	[smem:$0x3FB5] =	sst s0  }
0x18: {  	s0 =	sld [smem:$0x3F98];
	_ =	swait.ge [sflag:s4], $0x0  }
0x19: {  	s7 =	sld [smem:$0x3F99]  }
0x1a: {  	s8 =	sadd.s32 $0xFFFFE003, lr  }
0x1b: {  	s9 =	sadd.s32 $0xFFFFFEF7, lr;
	s5 =	simm.s32 $0xFFFFFFFF;
	p2 =	slt.u32 s8, $0xFFFFF086  }
0x1c: {  	p1 =	slt.u32 s9, $0xF7A;
	s5 =	simm.s32 @!p2 $0x0  }
0x1d: {  	s5 =	simm.s32 @p1 $0x1;
	p0 =	seq.s32 s7, s2  }
0x1e: {  	s7 =	smul.u32 @!p0 $0xF7A, s2;
	p2 =	seq.s32 @!p0 s5, $0x0  }
0x1f: {  	s9 =	smul.u32 $0xF7A, s1;
	s8 =	simm.s32 @!p0 $0x1BF5;
	p2 =	por !p2, p0  }
0x20: {  	[sflag:s8] =	ssyncset.s32 @!p0 $0xFFFFF086;
	s6 =	sadd.s32 @!p0 s3, s7;
	s7 =	simm.s32 @!p0 $0x108  }
0x21: {  	s3 =	sadd.s32 s3, s9;
	s6 =	sadd.s32 @!p0 $0x88, s6;
	s7 =	simm.s32 @p2 $0x1082  }
0x22: {  	[simem:s7], [sflag:s8] =	dma.local @!p0 [hbm:s6], $0xF7A  }
0x23: {  	s9 =	sor.u32 $0xD0000000, s2;
	s6 =	simm.s32 $0x108;
	_ =	swait.ge @!p0 [sflag:s8], $0x0  }
0x24: {  	s3 =	sadd.s32 $0x88, s3;
	s6 =	simm.s32 @!p1 $0x1082;
	[sflag:s4] =	ssyncset.s32 $0xFFFFF086  }
0x25: {  	[simem:s6], [sflag:s4] =	dma.local [hbm:s3], $0xF7A  }
0x26: {  	[smem:$0x3F99] =	sst s1;
	(tag) =	ssettag s2;
	_ =	strace s9  }
0x27: {  	s1 =	sld [smem:$0x3FA9]  }
0x28: {  	s2 =	sld [smem:$0x3FAA]  }
0x29: {  	s4 =	sld [smem:$0x3FAC]  }
0x2a: {  	p0 =	seq.s32 s5, $0x0;
	s5 =	sld [smem:$0x3FAD]  }
0x2b: {  	s6 =	sld [smem:$0x3FAE]  }
0x2c: {  	s7 =	sld [smem:$0x3FAF]  }
0x2d: {  	s3 =	simm.s32 $0x108;
	s8 =	sld [smem:$0x3FB0]  }
0x2e: {  	s3 =	simm.s32 @!p0 $0x1082;
	s9 =	sld [smem:$0x3FB1]  }
0x2f: {  	lr =	sadd.s32 s0, s3;
	s0 =	sld [smem:$0x3FA8]  }
0x30: {  	s3 =	sld [smem:$0x3FAB]  }
0x31: {  	[smem:$0x3FB4] =	sst s10  }
0x32: {  	s10 =	sld [smem:$0x3FB2];
	_ =	sdelay $0x3  }
0x33: {  	p0 =	seq.s32 s10, $0x1;
	s10 =	sld [smem:$0x3FB4];
	_ =	sdelay $0x3  }
0x34: {  	[smem:$0x3FB4] =	sst s10  }
0x35: {  	s10 =	sld [smem:$0x3FB3];
	_ =	sdelay $0x3  }
0x36: {  	p1 =	seq.s32 s10, $0x1;
	s10 =	sld [smem:$0x3FB4];
	_ =	sdelay $0x3  }
0x37: {  	[smem:$0x3FB4] =	sst s10  }
0x38: {  	s10 =	sld [smem:$0x3FB5]  }
0x39: {  	_ = 	snop;
	(pc) =	sbr.ind lr, $3  }
0x3a: {  	_ = 	snop  }
0x3b: {  	_ = 	snop  }
0x3c: {  	p2 =	seq.s32 s10, $0x1;
	s10 =	sld [smem:$0x3FB4]  }
0x3d: {  	_ =	shalt  }
0x3e: {  	_ =	shalt  }
0x3f: {  	_ =	shalt  }
0x40: {  	_ =	shalt  }
0x41: {  	_ =	shalt  }
0x42: {  	_ =	shalt  }
0x43: {  	_ =	shalt  }
0x44: {  	_ =	shalt  }
0x45: {  	_ =	shalt  }
0x46: {  	_ =	shalt  }
0x47: {  	_ =	shalt  }
0x48: {  	_ =	shalt  }
0x49: {  	_ =	shalt  }
0x4a: {  	_ =	shalt  }
0x4b: {  	_ =	shalt  }
0x4c: {  	_ =	shalt  }
0x4d: {  	_ =	shalt  }
0x4e: {  	_ =	shalt  }
0x4f: {  	_ =	shalt  }
0x50: {  	_ =	shalt  }
0x51: {  	_ =	shalt  }
0x52: {  	_ =	shalt  }
0x53: {  	_ =	shalt  }
0x54: {  	_ =	shalt  }
0x55: {  	_ =	shalt  }
0x56: {  	_ =	shalt  }
0x57: {  	_ =	shalt  }
0x58: {  	_ =	shalt  }
0x59: {  	_ =	shalt  }
0x5a: {  	_ =	shalt  }
0x5b: {  	_ =	shalt  }
0x5c: {  	_ =	shalt  }
0x5d: {  	_ =	shalt  }
0x5e: {  	_ =	shalt  }
0x5f: {  	_ =	shalt  }
0x60: {  	_ =	shalt  }
0x61: {  	_ =	shalt  }
0x62: {  	_ =	shalt  }
0x63: {  	_ =	shalt  }
0x64: {  	_ =	shalt  }
0x65: {  	_ =	shalt  }
0x66: {  	_ =	shalt  }
0x67: {  	_ =	shalt  }
0x68: {  	_ =	shalt  }
0x69: {  	_ =	shalt  }
0x6a: {  	_ =	shalt  }
0x6b: {  	_ =	shalt  }
0x6c: {  	_ =	shalt  }
0x6d: {  	_ =	shalt  }
0x6e: {  	_ =	shalt  }
0x6f: {  	_ =	shalt  }
0x70: {  	_ =	shalt  }
0x71: {  	_ =	shalt  }
0x72: {  	_ =	shalt  }
0x73: {  	_ =	shalt  }
0x74: {  	_ =	shalt  }
0x75: {  	_ =	shalt  }
0x76: {  	_ =	shalt  }
0x77: {  	_ =	shalt  }
0x78: {  	_ =	shalt  }
0x79: {  	_ =	shalt  }
0x7a: {  	_ =	shalt  }
0x7b: {  	_ =	shalt  }
0x7c: {  	_ =	shalt  }
0x7d: {  	_ =	shalt  }
0x7e: {  	_ =	shalt  }
0x7f: {  	_ =	shalt  }
0x80: {  	_ =	shalt  }
0x81: {  	_ =	shalt  }
0x82: {  	_ =	shalt  }
0x83: {  	_ =	shalt  }
0x84: {  	_ =	shalt  }
0x85: {  	_ =	shalt  }
0x86: {  	_ =	shalt  }
0x87: {  	_ =	shalt  }
.Lfunc_end0:
.L_simem_size_0:
called_computation.5_lowered:
.L_overlay_start_0:
0x88: {  	s2 =	sld [smem:$0x3FD9]  }
0x89: {  	s3 =	sld [smem:$0x3FFE];
	_ =	sdelay $0x1  }
0x8a: {  	s1 =	srdreg.scid  }
0x8b: {  	s0 =	sand.u32 $0x1, s1  }
0x8c: {  	s16 =	sshll.u32 s0, $0xA;
	s2 =	sadd.s32 s3, s2  }
0x8d: {  	s2 =	sadd.s32 s2, s16  }
0x8e: {  	[smem:$0x3FC0] =	sst s2  }
0x8f: {  	_ = 	snop  }
0x90: {  	(tm) =	ssettm $0x1  }
0x91: {  	s17 =	sld [smem:$0x3FFB];
	_ =	sdelay $0x3  }
0x92: {  	_ =	strace s17  }
0x93: {  	s2 =	sld [smem:$0x3FFC];
	_ =	sdelay $0x3  }
0x94: {  	_ =	strace s2  }
0x95: {  	s2 =	sld [smem:$0x3FFD];
	_ =	sdelay $0x3  }
0x96: {  	_ =	strace s2  }
0x97: {  	_ =	strace $0x8FFFFFFF  }
0x98: {  	s18 =	sld [smem:$0x3FDB];
	_ =	sdelay $0x1  }
0x99: {  	s19 =	simm.s32 $_scs_section_size  }
0x9a: {  	s4 =	simm.s32 $_size__tile_overlayer_lowered;
	s5 =	simm.s32 $_tile_overlayer_lowered  }
0x9b: {  	s22 =	simm.s32 $0x1BFF;
	s21 =	sshll.u32 s5, $0x1;
	s2 =	sadd.s32 s19, s18  }
0x9c: {  	s6 =	simm.s32 $0x0;
	s20 =	sshll.u32 s4, $0x1;
	s4 =	sadd.s32 s21, s2  }
0x9d: {  	[timem:s6], [sflag:s22] =	dma.local [hbm:s4], s20  }
0x9e: {  	_ =	swait.ge [sflag:s22], s20  }
0x9f: {  	s3 =	ssub.s32 $0x0, s20;
	[sflag:s22] =	ssyncset.done $0x0  }
0xa0: {  	[sflag:s22] =	ssyncadd.s32 s3;
	_ =	sdelay $0x1  }
0xa1: {  	s23 =	simm.s32 $0x1B8B  }
0xa2: {  	_ =	swait.ge [sflag:s23], $0x1  }
0xa3: {  	[sflag:s23] =	ssyncset.done $0x0  }
0xa4: {  	s25 =	simm.s32 $0x1B8E;
	s24 =	sld [smem:$0x3FFE];
	[sflag:s23] =	ssyncadd.s32 $0xFFFFFFFF  }
0xa5: {  	s26 =	simm.s32 $execute0_lowered;
	[smem:$0x3FD2] =	sst s25  }
0xa6: {  	s4 =	sshll.u32 s26, $0x1;
	_ =	strace $0x80000055;
	[dreg:$0x1] =	wrdreg $0xFFFFFFFF  }
0xa7: {  	s28 =	simm.s32 $_size_execute0_lowered;
	s2 =	sadd.s32 s2, s4;
	[dreg:$0x0] =	wrdreg $0x0  }
0xa8: {  	s4 =	sshll.u32 s28, $0x1;
	[dreg:$0x2] =	wrdreg s2  }
0xa9: {  	[dreg:$0x3] =	wrdreg s4  }
0xaa: {  	[dreg:$0x4] =	wrdreg $0xC0  }
0xab: {  	_ =	task [dreg:s6], $0x5FFFF  }
0xac: {  	[dreg:$0x1] =	wrdreg $0xFFFFFFFF  }
0xad: {  	[dreg:$0x0] =	wrdreg $0x60  }
0xae: {  	[dreg:$0x2] =	wrdreg s24  }
0xaf: {  	[dreg:$0x3] =	wrdreg $0x11D000  }
0xb0: {  	[dreg:$0x4] =	wrdreg $0x9  }
0xb1: {  	_ =	task.clear_ibuf [dreg:s6], $0x5FFFF;
	_ =	strace $0x90000055  }
0xb2: {  	s29 =	simm.s32 $0x9;
	_ =	strace $0x80000057  }
0xb3: {  	_ =	swait.ge [sflag:s29], $0x1  }
0xb4: {  	[sflag:s29] =	ssyncadd.s32 $0xFFFFFFFF  }
0xb5: {  	_ =	strace $0x90000057  }
0xb6: {  	_ =	sfence  }
0xb7: {  	s30 =	sld [smem:$0x0];
	_ =	sdelay $0x2  }
0xb8: {  	s31 =	sshll.u32 s1, $0xD;
	s1 =	sshrl.u32 s1, $0x2  }
0xb9: {  	s3 =	sand.u32 $0x4000, s31;
	s1 =	sadd.s32 s1, s30  }
0xba: {  	s0 =	sor.u32 s3, s0;
	s1 =	sshll.u32 s1, $0x11  }
0xbb: {  	s0 =	sor.u32 s1, s0  }
0xbc: {  	s0 =	sadd.s32 $0x8F2B, s0  }
0xbd: {  	[sflag:s0] =	ssyncadd.remote.s32 $0x1  }
0xbe: {  	_ =	sfence.sel $0xFFFF  }
0xbf: {  	[dreg:$0x0] =	wrdreg $0xFFFFFFFF;
	(pc) =	sbr.abs _section_cstart, $3  }
0xc0: {  	[dreg:$0x1] =	wrdreg $0xFFFFFFFF  }
0xc1: {  	_ =	task.clear_ibuf [dreg:s6], $0x2FFFF;
	_ =	strace $0x9FFFFFFF  }
0xc2: {  	(tm) =	ssettm $0x7FFFFFFF  }
0xc3: {  	_ =	shalt  }
tec
execute0_lowered:
.L_overlay_start_1:
0x0: {  	(tag) =	ssettag $0x1  }
0x1: {  	s0 =	rddreg [dreg:$0x0]  }
0x2: {  	s2 =	rddreg [dreg:$0x1];
	s3 =	simm.s32 $0x0;
	s10 =	stileid.u32  }
0x3: {  	s4 =	srdreg.scid;
	s13 =	simm.s32 $0x7D;
	s14 =	simm.s32 $0xA000  }
0x4: {  	s16 =	simm.s32 $0xBF40;
	s18 =	simm.s32 $0xDE80;
	s20 =	simm.s32 $0xFDC0  }
0x5: {  	s21 =	simm.s32 $0x1;
	s22 =	simm.s32 $0x2;
	s23 =	simm.s32 $0x3  }
0x6: {  	s25 =	simm.s32 $0x4;
	s26 =	simm.s32 $0x5;
	s28 =	simm.s32 $0x6  }
0x7: {  	s29 =	simm.s32 $0x7;
	s30 =	simm.s32 $0x8;
	s15 =	simm.s32 $0x0  }
0x8: {  	[smem:$0x7FF] =	sst s3;
	s1 =	smul.u32 $0xA00, s10;
	s7 =	sand.u32 $0x1, s4  }
0x9: {  	s4 =	sadd.s32 $0x2BE00, s0;
	s5 =	sadd.s32 $0xDC00, s0;
	s9 =	smul.u32 $0xA000, s10  }
0xa: {  	s10 =	sshll.u32 s10, $0x6;
	_ =	strace $0x80000056;
	s6 =	smul.u32 $0x14000, s7  }
0xb: {  	s8 =	ssub.s32 $0x2, s7;
	p0 =	seq.s32 s7, $0x1;
	s1 =	sadd.s32 s1, s0  }
0xc: {  	s31 =	sshrl.u32 s8, $0x1;
	s11 =	sadd.s32 s9, s2;
	s12 =	sshrl.u32 s9, $0x3  }
0xd: {  	s0 =	sadd.s32 s6, s0;
	s6 =	sor.u32 $0x1C09, s10;
	s10 =	simm.s32 $0x21E00  }
0xe: {  	s8 =	ssub.s32 s8, s31;
	s7 =	sadd.s32 $0x3C00, s1;
	s10 =	simm.s32 @!p0 $0x17E00  }
0xf: {  	s0 =	sadd.s32 $0x53E00, s0;
	s8 =	smax.u32 s8, $0x1;
	s9 =	sadd.s32 s10, s1  }
0x10: {  	s10 =	sshrl.u32 s11, $0x3;
	s11 =	simm.s32 $0x9;
	s24 =	sadd.s32 s12, s0  }
0x11: {  	s0 =	simm.s32 $0x9E80;
	s1 =	simm.s32 $0x9F00;
	s12 =	simm.s32 $0x9F80  }
.LBB2_1:
0x12: {  	[spmem:s10], [sflag:s6] =	dma.local [hbm:s5], $0x1400  }
0x13: {  	_ =	swait.ge [sflag:s11], $0x1400  }
0x14: {  	[sflag:s11] =	ssyncset.done $0x0  }
0x15: {  	[sflag:s11] =	ssyncadd.s32 $0xFFFFEC00  }
0x16: {  	[tilespmem:s3], [sflag:$0x9] =	stream.linear.gather [hbm4b:s9+s3], $0x5000, $0x38;
	[tilespmem:$0x1BD00] =	vst v63  }
0x17: {  	_ =	swait.ge [sflag:s11], $0x5000  }
0x18: {  	[sflag:s11] =	ssyncset.done $0x0  }
0x19: {  	s17 =	simm.s32 $0x5000;
	[sflag:s11] =	ssyncadd.s32 $0xFFFFB000  }
0x1a: {  	[tilespmem:s17], [sflag:$0x9] =	stream.linear.gather [hbm4b:s7+s3], $0x5000, $0x38;
	[tilespmem:$0x1BD00] =	vst v63  }
0x1b: {  	_ =	swait.ge [sflag:s11], $0x5000  }
0x1c: {  	[sflag:s11] =	ssyncset.done $0x0  }
0x1d: {  	[sflag:s11] =	ssyncadd.s32 $0xFFFFB000  }
0x1e: {  	[bflag:$0x0] =	sbarrier.arrive $0xFFFF  }
0x1f: {  	[tilespmem:s14], [sflag:$0x1] =	stream.indirect.gather [hbm4b:s4+s13], $0x40, s3, s13, $0xb8;
	[tilespmem:$0x1BD00] =	vst v63  }
0x20: {  	s19 =	simm.s32 $0x80  }
0x21: {  	[tilespmem:s16], [sflag:$0x2] =	stream.indirect.gather [hbm4b:s4+s13], $0x40, s19, s13, $0xb8;
	[tilespmem:$0x1BD00] =	vst v63  }
0x22: {  	s31 =	simm.s32 $0x100  }
0x23: {  	[tilespmem:s18], [sflag:$0x3] =	stream.indirect.gather [hbm4b:s4+s13], $0x40, s31, s13, $0xb8;
	[tilespmem:$0x1BD00] =	vst v63  }
0x24: {  	s19 =	simm.s32 $0x180  }
0x25: {  	[tilespmem:s20], [sflag:$0x4] =	stream.indirect.gather [hbm4b:s4+s13], $0x40, s19, s13, $0xb8;
	[tilespmem:$0x1BD00] =	vst v63  }
0x26: {  	_ =	swait.ge [sflag:s21], $0x1F40  }
0x27: {  	[sflag:s21] =	ssyncset.done $0x0  }
0x28: {  	s31 =	simm.s32 $0x5000;
	[sflag:s21] =	ssyncadd.s32 $0xFFFFE0C0  }
0x29: {  	[spmem:s2] =	stream.indirect.scatter.add.f32 [tilespmem:s14], [sflag:$0x5], $0x40, s31, s13, $0xb8;
	[tilespmem:$0x1BD00] =	vst v63  }
0x2a: {  	_ =	swait.ge [sflag:s22], $0x1F40  }
0x2b: {  	[sflag:s22] =	ssyncset.done $0x0  }
0x2c: {  	s19 =	simm.s32 $0x5080;
	[sflag:s22] =	ssyncadd.s32 $0xFFFFE0C0  }
0x2d: {  	[spmem:s2] =	stream.indirect.scatter.add.f32 [tilespmem:s16], [sflag:$0x6], $0x40, s19, s13, $0xb8;
	[tilespmem:$0x1BD00] =	vst v63  }
0x2e: {  	_ =	swait.ge [sflag:s23], $0x1F40  }
0x2f: {  	[sflag:s23] =	ssyncset.done $0x0  }
0x30: {  	s31 =	simm.s32 $0x5100;
	[sflag:s23] =	ssyncadd.s32 $0xFFFFE0C0  }
0x31: {  	[spmem:s2] =	stream.indirect.scatter.add.f32 [tilespmem:s18], [sflag:$0x7], $0x40, s31, s13, $0xb8;
	[tilespmem:$0x1BD00] =	vst v63  }
0x32: {  	_ =	swait.ge [sflag:s25], $0x1F40  }
0x33: {  	[sflag:s25] =	ssyncset.done $0x0  }
0x34: {  	s19 =	simm.s32 $0x5180;
	[sflag:s25] =	ssyncadd.s32 $0xFFFFE0C0  }
0x35: {  	[spmem:s2] =	stream.indirect.scatter.add.f32 [tilespmem:s20], [sflag:$0x8], $0x40, s19, s13, $0xb8;
	[tilespmem:$0x1BD00] =	vst v63  }
0x36: {  	_ =	swait.ge [sflag:s26], $0x1F40  }
0x37: {  	[sflag:s26] =	ssyncset.done $0x0  }
0x38: {  	s31 =	simm.s32 $0x200;
	[sflag:s26] =	ssyncadd.s32 $0xFFFFE0C0  }
0x39: {  	[tilespmem:s14], [sflag:$0x1] =	stream.indirect.gather [hbm4b:s4+s13], $0x40, s31, s13, $0xb8;
	[tilespmem:$0x1BD00] =	vst v63  }
0x3a: {  	_ =	swait.ge [sflag:s28], $0x1F40  }
0x3b: {  	[sflag:s28] =	ssyncset.done $0x0  }
0x3c: {  	s19 =	simm.s32 $0x280;
	[sflag:s28] =	ssyncadd.s32 $0xFFFFE0C0  }
0x3d: {  	[tilespmem:s16], [sflag:$0x2] =	stream.indirect.gather [hbm4b:s4+s13], $0x40, s19, s13, $0xb8;
	[tilespmem:$0x1BD00] =	vst v63  }
0x3e: {  	_ =	swait.ge [sflag:s29], $0x1F40  }
0x3f: {  	[sflag:s29] =	ssyncset.done $0x0  }
0x40: {  	s31 =	simm.s32 $0x300;
	[sflag:s29] =	ssyncadd.s32 $0xFFFFE0C0  }
0x41: {  	[tilespmem:s18], [sflag:$0x3] =	stream.indirect.gather [hbm4b:s4+s13], $0x40, s31, s13, $0xb8;
	[tilespmem:$0x1BD00] =	vst v63  }
0x42: {  	_ =	swait.ge [sflag:s30], $0x1F40  }
0x43: {  	[sflag:s30] =	ssyncset.done $0x0  }
0x44: {  	s17 =	simm.s32 $0x800;
	s19 =	simm.s32 $0x380;
	[sflag:s30] =	ssyncadd.s32 $0xFFFFE0C0  }
.LBB2_2:
0x45: {  	[tilespmem:s20], [sflag:$0x4] =	stream.indirect.gather [hbm4b:s4+s13], $0x40, s19, s13, $0xb8;
	[tilespmem:$0x1BD00] =	vst v63  }
0x46: {  	s19 =	smov.u32 s17  }
0x47: {  	p0 =	sne.s32 s17, $0x13000;
	s17 =	sadd.s32 $0x800, s17;
	_ =	swait.ge [sflag:s21], $0x1F40  }
0x48: {  	s19 =	sshra.s32 s19, $0x2;
	[sflag:s21] =	ssyncset.done $0x0  }
0x49: {  	s31 =	sadd.s32 $0x5000, s19;
	[sflag:s21] =	ssyncadd.s32 $0xFFFFE0C0  }
0x4a: {  	[spmem:s2] =	stream.indirect.scatter.add.f32 [tilespmem:s14], [sflag:$0x5], $0x40, s31, s13, $0xb8;
	[tilespmem:$0x1BD00] =	vst v63  }
0x4b: {  	_ =	swait.ge [sflag:s22], $0x1F40  }
0x4c: {  	[sflag:s22] =	ssyncset.done $0x0  }
0x4d: {  	s31 =	sadd.s32 $0x5080, s19;
	[sflag:s22] =	ssyncadd.s32 $0xFFFFE0C0  }
0x4e: {  	[spmem:s2] =	stream.indirect.scatter.add.f32 [tilespmem:s16], [sflag:$0x6], $0x40, s31, s13, $0xb8;
	[tilespmem:$0x1BD00] =	vst v63  }
0x4f: {  	_ =	swait.ge [sflag:s23], $0x1F40  }
0x50: {  	[sflag:s23] =	ssyncset.done $0x0  }
0x51: {  	s31 =	sadd.s32 $0x5100, s19;
	[sflag:s23] =	ssyncadd.s32 $0xFFFFE0C0  }
0x52: {  	[spmem:s2] =	stream.indirect.scatter.add.f32 [tilespmem:s18], [sflag:$0x7], $0x40, s31, s13, $0xb8;
	[tilespmem:$0x1BD00] =	vst v63  }
0x53: {  	_ =	swait.ge [sflag:s25], $0x1F40  }
0x54: {  	[sflag:s25] =	ssyncset.done $0x0  }
0x55: {  	s31 =	sadd.s32 $0x5180, s19;
	[sflag:s25] =	ssyncadd.s32 $0xFFFFE0C0  }
0x56: {  	[spmem:s2] =	stream.indirect.scatter.add.f32 [tilespmem:s20], [sflag:$0x8], $0x40, s31, s13, $0xb8;
	[tilespmem:$0x1BD00] =	vst v63  }
0x57: {  	_ =	swait.ge [sflag:s26], $0x1F40  }
0x58: {  	[sflag:s26] =	ssyncset.done $0x0  }
0x59: {  	s31 =	sadd.s32 $0x200, s19;
	[sflag:s26] =	ssyncadd.s32 $0xFFFFE0C0  }
0x5a: {  	[tilespmem:s14], [sflag:$0x1] =	stream.indirect.gather [hbm4b:s4+s13], $0x40, s31, s13, $0xb8;
	[tilespmem:$0x1BD00] =	vst v63  }
0x5b: {  	_ =	swait.ge [sflag:s28], $0x1F40  }
0x5c: {  	[sflag:s28] =	ssyncset.done $0x0  }
0x5d: {  	s31 =	sadd.s32 $0x280, s19;
	[sflag:s28] =	ssyncadd.s32 $0xFFFFE0C0  }
0x5e: {  	[tilespmem:s16], [sflag:$0x2] =	stream.indirect.gather [hbm4b:s4+s13], $0x40, s31, s13, $0xb8;
	[tilespmem:$0x1BD00] =	vst v63  }
0x5f: {  	_ =	swait.ge [sflag:s29], $0x1F40  }
0x60: {  	[sflag:s29] =	ssyncset.done $0x0  }
.Ltmp0:
0x61: {  	s31 =	sadd.s32 $0x300, s19;
	[sflag:s29] =	ssyncadd.s32 $0xFFFFE0C0;
	(pc) =	sbr.rel @p0 .LBB2_2-.Ltmp0, $4  }
0x62: {  	[tilespmem:s18], [sflag:$0x3] =	stream.indirect.gather [hbm4b:s4+s13], $0x40, s31, s13, $0xb8;
	[tilespmem:$0x1BD00] =	vst v63  }
0x63: {  	_ =	swait.ge [sflag:s30], $0x1F40  }
0x64: {  	[sflag:s30] =	ssyncset.done $0x0  }
0x65: {  	s19 =	sadd.s32 $0x380, s19;
	[sflag:s30] =	ssyncadd.s32 $0xFFFFE0C0  }
0x66: {  	[tilespmem:s20], [sflag:$0x4] =	stream.indirect.gather [hbm4b:s4+s13], $0x40, s19, s13, $0xb8;
	[tilespmem:$0x1BD00] =	vst v63  }
0x67: {  	_ =	swait.ge [sflag:s21], $0x1F40  }
0x68: {  	[sflag:s21] =	ssyncset.done $0x0  }
0x69: {  	s17 =	simm.s32 $0x9E00;
	[sflag:s21] =	ssyncadd.s32 $0xFFFFE0C0  }
0x6a: {  	[spmem:s2] =	stream.indirect.scatter.add.f32 [tilespmem:s14], [sflag:$0x5], $0x40, s17, s13, $0xb8;
	[tilespmem:$0x1BD00] =	vst v63  }
0x6b: {  	_ =	swait.ge [sflag:s22], $0x1F40  }
0x6c: {  	[sflag:s22] =	ssyncset.done $0x0  }
0x6d: {  	[sflag:s22] =	ssyncadd.s32 $0xFFFFE0C0  }
0x6e: {  	[spmem:s2] =	stream.indirect.scatter.add.f32 [tilespmem:s16], [sflag:$0x6], $0x40, s0, s13, $0xb8;
	[tilespmem:$0x1BD00] =	vst v63  }
0x6f: {  	_ =	swait.ge [sflag:s23], $0x1F40  }
0x70: {  	[sflag:s23] =	ssyncset.done $0x0  }
0x71: {  	[sflag:s23] =	ssyncadd.s32 $0xFFFFE0C0  }
0x72: {  	[spmem:s2] =	stream.indirect.scatter.add.f32 [tilespmem:s18], [sflag:$0x7], $0x40, s1, s13, $0xb8;
	[tilespmem:$0x1BD00] =	vst v63  }
0x73: {  	_ =	swait.ge [sflag:s25], $0x1F40  }
0x74: {  	[sflag:s25] =	ssyncset.done $0x0  }
0x75: {  	[sflag:s25] =	ssyncadd.s32 $0xFFFFE0C0  }
0x76: {  	[spmem:s2] =	stream.indirect.scatter.add.f32 [tilespmem:s20], [sflag:$0x8], $0x40, s12, s13, $0xb8;
	[tilespmem:$0x1BD00] =	vst v63  }
0x77: {  	_ =	swait.ge [sflag:s26], $0x1F40  }
0x78: {  	[sflag:s26] =	ssyncset.done $0x0  }
0x79: {  	[sflag:s26] =	ssyncadd.s32 $0xFFFFE0C0  }
0x7a: {  	_ =	swait.ge [sflag:s28], $0x1F40  }
0x7b: {  	[sflag:s28] =	ssyncset.done $0x0  }
0x7c: {  	[sflag:s28] =	ssyncadd.s32 $0xFFFFE0C0  }
0x7d: {  	_ =	swait.ge [sflag:s29], $0x1F40  }
0x7e: {  	[sflag:s29] =	ssyncset.done $0x0  }
0x7f: {  	[sflag:s29] =	ssyncadd.s32 $0xFFFFE0C0  }
0x80: {  	_ =	swait.ge [sflag:s30], $0x1F40  }
0x81: {  	s15 =	sadd.s32 $0x1, s15;
	[sflag:s30] =	ssyncset.done $0x0  }
0x82: {  	p0 =	sne.s32 s15, s8;
	[sflag:s30] =	ssyncadd.s32 $0xFFFFE0C0  }
.Ltmp1:
0x83: {  	[bflag:$0x0] =	sbarrier.arrive $0xFFFF;
	(pc) =	sbr.rel @p0 .LBB2_1-.Ltmp1, $4  }
0x84: {  	[hbm:s24], [sflag:s6] =	dma.local [spmem:s10], $0x1400  }
0x85: {  	_ =	swait.ge [sflag:s11], $0x1400  }
0x86: {  	[sflag:s11] =	ssyncset.done $0x0  }
0x87: {  	[sflag:s11] =	ssyncadd.s32 $0xFFFFEC00  }
0x88: {  	_ =	sfence.sel $0x180000  }
0x89: {  	[bflag:$0x0] =	sbarrier.arrive $0xFFFF  }
0x8a: {  	_ =	strace $0x90000056  }
0x8b: {  	s0 =	stileid.u32;
	[bflag:$0x2] =	sbarrier.arrive $0xFFFF  }
0x8c: {  	p0 =	sne.s32 s0, $0x0;
	s0 =	rddreg [dreg:$0x2]  }
0x8d: {  	s0 =	sadd.s32 @!p0 $0x100000, s0  }
0x8e: {  	[sflag:s0] =	ssyncadd.tile.s32 @!p0 $0x1;
	_ =	shalt  }
.Lfunc_end2:
_tile_overlayer_lowered:
.L_overlay_start_2:
0x8f: {  	(tag) =	ssettag $0x2  }
0x90: {  	s0 =	rddreg [dreg:$0x0];
	s2 =	stileid.u32  }
0x91: {  	s1 =	rddreg [dreg:$0x1];
	p0 =	sne.s32 s2, $0x0  }
0x92: {  	s3 =	rddreg [dreg:$0x2];
	[bflag:$0x3] =	sbarrier.arrive $0xFFFF;
	s2 =	simm.s32 @!p0 $0x1C09  }
0x93: {  	[timem:s3], [sflag:s2] =	dma.local @!p0 [hbm:s0], s1  }
0x94: {  	s0 =	simm.s32 @!p0 $0x9  }
0x95: {  	_ =	swait.ge @!p0 [sflag:s0], s1  }
0x96: {  	s1 =	ssub.s32 @!p0 $0x0, s1;
	[sflag:s0] =	ssyncset.done @!p0 $0x0  }
0x97: {  	[sflag:s0] =	ssyncadd.s32 @!p0 s1  }
0x98: {  	[bflag:$0x3] =	sbarrier.arrive $0xFFFF  }
0x99: {  	_ =	shalt  }

// kernel: kernel.34.cloned.1.call-start
scs
__scs_entry_jumppad:
0x0: {  	(pc) =	sbr.rel $0x88, $3  }
0x1: {  	(tag) =	ssettag $0x0;
	lr =	simm.s32 $0x1  }
0x2: {  	[smem:$0x3F99] =	sst lr;
	_ =	strace $0xD0000000  }
0x3: {  	_ = 	snop  }
0x4: {  	_ = 	snop  }
0x5: {  	_ = 	snop  }
0x6: {  	_ = 	snop  }
0x7: {  	_ = 	snop  }
__scs_overlays_trampoline_lowered:
0x8: {  	[smem:$0x3FA8] =	sst s0  }
0x9: {  	[smem:$0x3FA9] =	sst s1  }
0xa: {  	[smem:$0x3FAA] =	sst s2  }
0xb: {  	[smem:$0x3FAB] =	sst s3  }
0xc: {  	[smem:$0x3FAC] =	sst s4  }
0xd: {  	[smem:$0x3FAD] =	sst s5  }
0xe: {  	[smem:$0x3FAE] =	sst s6  }
0xf: {  	[smem:$0x3FAF] =	sst s7  }
0x10: {  	[smem:$0x3FB0] =	sst s8  }
0x11: {  	[smem:$0x3FB1] =	sst s9;
	s0 =	simm.s32 @!p0 $0x0  }
0x12: {  	s1 =	sld [smem:$0x3F97];
	s0 =	simm.s32 @p0 $0x1  }
0x13: {  	[smem:$0x3FB2] =	sst s0;
	s0 =	simm.s32 @!p1 $0x0  }
0x14: {  	s2 =	sld [smem:$0x3F96];
	s0 =	simm.s32 @p1 $0x1  }
0x15: {  	[smem:$0x3FB3] =	sst s0;
	s0 =	simm.s32 @!p2 $0x0  }
0x16: {  	s3 =	sld [smem:$0x3FDB];
	s0 =	simm.s32 @p2 $0x1  }
0x17: {  	s4 =	simm.s32 $0x1BF5;
	[smem:$0x3FB5] =	sst s0  }
0x18: {  	s0 =	sld [smem:$0x3F98];
	_ =	swait.ge [sflag:s4], $0x0  }
0x19: {  	s7 =	sld [smem:$0x3F99]  }
0x1a: {  	s8 =	sadd.s32 $0xFFFFE003, lr  }
0x1b: {  	s9 =	sadd.s32 $0xFFFFFEF7, lr;
	s5 =	simm.s32 $0xFFFFFFFF;
	p2 =	slt.u32 s8, $0xFFFFF086  }
0x1c: {  	p1 =	slt.u32 s9, $0xF7A;
	s5 =	simm.s32 @!p2 $0x0  }
0x1d: {  	s5 =	simm.s32 @p1 $0x1;
	p0 =	seq.s32 s7, s2  }
0x1e: {  	s7 =	smul.u32 @!p0 $0xF7A, s2;
	p2 =	seq.s32 @!p0 s5, $0x0  }
0x1f: {  	s9 =	smul.u32 $0xF7A, s1;
	s8 =	simm.s32 @!p0 $0x1BF5;
	p2 =	por !p2, p0  }
0x20: {  	[sflag:s8] =	ssyncset.s32 @!p0 $0xFFFFF086;
	s6 =	sadd.s32 @!p0 s3, s7;
	s7 =	simm.s32 @!p0 $0x108  }
0x21: {  	s3 =	sadd.s32 s3, s9;
	s6 =	sadd.s32 @!p0 $0x88, s6;
	s7 =	simm.s32 @p2 $0x1082  }
0x22: {  	[simem:s7], [sflag:s8] =	dma.local @!p0 [hbm:s6], $0xF7A  }
0x23: {  	s9 =	sor.u32 $0xD0000000, s2;
	s6 =	simm.s32 $0x108;
	_ =	swait.ge @!p0 [sflag:s8], $0x0  }
0x24: {  	s3 =	sadd.s32 $0x88, s3;
	s6 =	simm.s32 @!p1 $0x1082;
	[sflag:s4] =	ssyncset.s32 $0xFFFFF086  }
0x25: {  	[simem:s6], [sflag:s4] =	dma.local [hbm:s3], $0xF7A  }
0x26: {  	[smem:$0x3F99] =	sst s1;
	(tag) =	ssettag s2;
	_ =	strace s9  }
0x27: {  	s1 =	sld [smem:$0x3FA9]  }
0x28: {  	s2 =	sld [smem:$0x3FAA]  }
0x29: {  	s4 =	sld [smem:$0x3FAC]  }
0x2a: {  	p0 =	seq.s32 s5, $0x0;
	s5 =	sld [smem:$0x3FAD]  }
0x2b: {  	s6 =	sld [smem:$0x3FAE]  }
0x2c: {  	s7 =	sld [smem:$0x3FAF]  }
0x2d: {  	s3 =	simm.s32 $0x108;
	s8 =	sld [smem:$0x3FB0]  }
0x2e: {  	s3 =	simm.s32 @!p0 $0x1082;
	s9 =	sld [smem:$0x3FB1]  }
0x2f: {  	lr =	sadd.s32 s0, s3;
	s0 =	sld [smem:$0x3FA8]  }
0x30: {  	s3 =	sld [smem:$0x3FAB]  }
0x31: {  	[smem:$0x3FB4] =	sst s10  }
0x32: {  	s10 =	sld [smem:$0x3FB2];
	_ =	sdelay $0x3  }
0x33: {  	p0 =	seq.s32 s10, $0x1;
	s10 =	sld [smem:$0x3FB4];
	_ =	sdelay $0x3  }
0x34: {  	[smem:$0x3FB4] =	sst s10  }
0x35: {  	s10 =	sld [smem:$0x3FB3];
	_ =	sdelay $0x3  }
0x36: {  	p1 =	seq.s32 s10, $0x1;
	s10 =	sld [smem:$0x3FB4];
	_ =	sdelay $0x3  }
0x37: {  	[smem:$0x3FB4] =	sst s10  }
0x38: {  	s10 =	sld [smem:$0x3FB5]  }
0x39: {  	_ = 	snop;
	(pc) =	sbr.ind lr, $3  }
0x3a: {  	_ = 	snop  }
0x3b: {  	_ = 	snop  }
0x3c: {  	p2 =	seq.s32 s10, $0x1;
	s10 =	sld [smem:$0x3FB4]  }
0x3d: {  	_ =	shalt  }
0x3e: {  	_ =	shalt  }
0x3f: {  	_ =	shalt  }
0x40: {  	_ =	shalt  }
0x41: {  	_ =	shalt  }
0x42: {  	_ =	shalt  }
0x43: {  	_ =	shalt  }
0x44: {  	_ =	shalt  }
0x45: {  	_ =	shalt  }
0x46: {  	_ =	shalt  }
0x47: {  	_ =	shalt  }
0x48: {  	_ =	shalt  }
0x49: {  	_ =	shalt  }
0x4a: {  	_ =	shalt  }
0x4b: {  	_ =	shalt  }
0x4c: {  	_ =	shalt  }
0x4d: {  	_ =	shalt  }
0x4e: {  	_ =	shalt  }
0x4f: {  	_ =	shalt  }
0x50: {  	_ =	shalt  }
0x51: {  	_ =	shalt  }
0x52: {  	_ =	shalt  }
0x53: {  	_ =	shalt  }
0x54: {  	_ =	shalt  }
0x55: {  	_ =	shalt  }
0x56: {  	_ =	shalt  }
0x57: {  	_ =	shalt  }
0x58: {  	_ =	shalt  }
0x59: {  	_ =	shalt  }
0x5a: {  	_ =	shalt  }
0x5b: {  	_ =	shalt  }
0x5c: {  	_ =	shalt  }
0x5d: {  	_ =	shalt  }
0x5e: {  	_ =	shalt  }
0x5f: {  	_ =	shalt  }
0x60: {  	_ =	shalt  }
0x61: {  	_ =	shalt  }
0x62: {  	_ =	shalt  }
0x63: {  	_ =	shalt  }
0x64: {  	_ =	shalt  }
0x65: {  	_ =	shalt  }
0x66: {  	_ =	shalt  }
0x67: {  	_ =	shalt  }
0x68: {  	_ =	shalt  }
0x69: {  	_ =	shalt  }
0x6a: {  	_ =	shalt  }
0x6b: {  	_ =	shalt  }
0x6c: {  	_ =	shalt  }
0x6d: {  	_ =	shalt  }
0x6e: {  	_ =	shalt  }
0x6f: {  	_ =	shalt  }
0x70: {  	_ =	shalt  }
0x71: {  	_ =	shalt  }
0x72: {  	_ =	shalt  }
0x73: {  	_ =	shalt  }
0x74: {  	_ =	shalt  }
0x75: {  	_ =	shalt  }
0x76: {  	_ =	shalt  }
0x77: {  	_ =	shalt  }
0x78: {  	_ =	shalt  }
0x79: {  	_ =	shalt  }
0x7a: {  	_ =	shalt  }
0x7b: {  	_ =	shalt  }
0x7c: {  	_ =	shalt  }
0x7d: {  	_ =	shalt  }
0x7e: {  	_ =	shalt  }
0x7f: {  	_ =	shalt  }
0x80: {  	_ =	shalt  }
0x81: {  	_ =	shalt  }
0x82: {  	_ =	shalt  }
0x83: {  	_ =	shalt  }
0x84: {  	_ =	shalt  }
0x85: {  	_ =	shalt  }
0x86: {  	_ =	shalt  }
0x87: {  	_ =	shalt  }
.Lfunc_end0:
.L_simem_size_0:
called_computation.6_lowered:
.L_overlay_start_0:
0x88: {  	s2 =	sld [smem:$0x3FD9]  }
0x89: {  	s3 =	sld [smem:$0x3FFE];
	_ =	sdelay $0x1  }
0x8a: {  	s1 =	srdreg.scid  }
0x8b: {  	s0 =	sand.u32 $0x1, s1  }
0x8c: {  	s16 =	sshll.u32 s0, $0xA;
	s2 =	sadd.s32 s3, s2  }
0x8d: {  	s2 =	sadd.s32 s2, s16  }
0x8e: {  	[smem:$0x3FC0] =	sst s2  }
0x8f: {  	_ = 	snop  }
0x90: {  	(tm) =	ssettm $0x1  }
0x91: {  	s17 =	sld [smem:$0x3FFB];
	_ =	sdelay $0x3  }
0x92: {  	_ =	strace s17  }
0x93: {  	s2 =	sld [smem:$0x3FFC];
	_ =	sdelay $0x3  }
0x94: {  	_ =	strace s2  }
0x95: {  	s2 =	sld [smem:$0x3FFD];
	_ =	sdelay $0x3  }
0x96: {  	_ =	strace s2  }
0x97: {  	_ =	strace $0x8FFFFFFF  }
0x98: {  	s18 =	sld [smem:$0x3FDB];
	_ =	sdelay $0x1  }
0x99: {  	s19 =	simm.s32 $_scs_section_size  }
0x9a: {  	s4 =	simm.s32 $_size__tile_overlayer_lowered;
	s5 =	simm.s32 $_tile_overlayer_lowered  }
0x9b: {  	s22 =	simm.s32 $0x1BFF;
	s21 =	sshll.u32 s5, $0x1;
	s2 =	sadd.s32 s19, s18  }
0x9c: {  	s6 =	simm.s32 $0x0;
	s20 =	sshll.u32 s4, $0x1;
	s4 =	sadd.s32 s21, s2  }
0x9d: {  	[timem:s6], [sflag:s22] =	dma.local [hbm:s4], s20  }
0x9e: {  	_ =	swait.ge [sflag:s22], s20  }
0x9f: {  	s3 =	ssub.s32 $0x0, s20;
	[sflag:s22] =	ssyncset.done $0x0  }
0xa0: {  	[sflag:s22] =	ssyncadd.s32 s3;
	_ =	sdelay $0x1  }
0xa1: {  	s23 =	simm.s32 $0x1B8B  }
0xa2: {  	_ =	swait.ge [sflag:s23], $0x1  }
0xa3: {  	[sflag:s23] =	ssyncset.done $0x0  }
0xa4: {  	s25 =	simm.s32 $0x1B8E;
	s24 =	sld [smem:$0x3FFE];
	[sflag:s23] =	ssyncadd.s32 $0xFFFFFFFF  }
0xa5: {  	s26 =	simm.s32 $execute0_lowered;
	[smem:$0x3FD2] =	sst s25  }
0xa6: {  	s4 =	sshll.u32 s26, $0x1;
	_ =	strace $0x80000058;
	[dreg:$0x1] =	wrdreg $0xFFFFFFFF  }
0xa7: {  	s28 =	simm.s32 $_size_execute0_lowered;
	s2 =	sadd.s32 s2, s4;
	[dreg:$0x0] =	wrdreg $0x0  }
0xa8: {  	s4 =	sshll.u32 s28, $0x1;
	[dreg:$0x2] =	wrdreg s2  }
0xa9: {  	[dreg:$0x3] =	wrdreg s4  }
0xaa: {  	[dreg:$0x4] =	wrdreg $0xC0  }
0xab: {  	_ =	task [dreg:s6], $0x5FFFF  }
0xac: {  	[dreg:$0x1] =	wrdreg $0xFFFFFFFF  }
0xad: {  	[dreg:$0x0] =	wrdreg $0x60  }
0xae: {  	[dreg:$0x2] =	wrdreg s24  }
0xaf: {  	[dreg:$0x3] =	wrdreg $0x11D000  }
0xb0: {  	[dreg:$0x4] =	wrdreg $0x9  }
0xb1: {  	_ =	task.clear_ibuf [dreg:s6], $0x5FFFF;
	_ =	strace $0x90000058  }
0xb2: {  	s29 =	simm.s32 $0x9;
	_ =	strace $0x8000005A  }
0xb3: {  	_ =	swait.ge [sflag:s29], $0x1  }
0xb4: {  	[sflag:s29] =	ssyncadd.s32 $0xFFFFFFFF  }
0xb5: {  	_ =	strace $0x9000005A  }
0xb6: {  	_ =	sfence  }
0xb7: {  	s30 =	sld [smem:$0x0];
	_ =	sdelay $0x2  }
0xb8: {  	s31 =	sshll.u32 s1, $0xD;
	s1 =	sshrl.u32 s1, $0x2  }
0xb9: {  	s3 =	sand.u32 $0x4000, s31;
	s1 =	sadd.s32 s1, s30  }
0xba: {  	s0 =	sor.u32 s3, s0;
	s1 =	sshll.u32 s1, $0x11  }
0xbb: {  	s0 =	sor.u32 s1, s0  }
0xbc: {  	s0 =	sadd.s32 $0x8F2B, s0  }
0xbd: {  	[sflag:s0] =	ssyncadd.remote.s32 $0x1  }
0xbe: {  	_ =	sfence.sel $0xFFFF  }
0xbf: {  	[dreg:$0x0] =	wrdreg $0xFFFFFFFF;
	(pc) =	sbr.abs _section_cstart, $3  }
0xc0: {  	[dreg:$0x1] =	wrdreg $0xFFFFFFFF  }
0xc1: {  	_ =	task.clear_ibuf [dreg:s6], $0x2FFFF;
	_ =	strace $0x9FFFFFFF  }
0xc2: {  	(tm) =	ssettm $0x7FFFFFFF  }
0xc3: {  	_ =	shalt  }
tec
execute0_lowered:
.L_overlay_start_1:
0x0: {  	(tag) =	ssettag $0x1  }
0x1: {  	s0 =	rddreg [dreg:$0x0]  }
0x2: {  	s2 =	rddreg [dreg:$0x1];
	s3 =	simm.s32 $0x0;
	s10 =	stileid.u32  }
0x3: {  	s4 =	srdreg.scid;
	s13 =	simm.s32 $0x7D;
	s14 =	simm.s32 $0xA000  }
0x4: {  	s16 =	simm.s32 $0xBF40;
	s18 =	simm.s32 $0xDE80;
	s20 =	simm.s32 $0xFDC0  }
0x5: {  	s21 =	simm.s32 $0x1;
	s22 =	simm.s32 $0x2;
	s23 =	simm.s32 $0x3  }
0x6: {  	s25 =	simm.s32 $0x4;
	s26 =	simm.s32 $0x5;
	s28 =	simm.s32 $0x6  }
0x7: {  	s29 =	simm.s32 $0x7;
	s30 =	simm.s32 $0x8;
	s15 =	simm.s32 $0x0  }
0x8: {  	[smem:$0x7FF] =	sst s3;
	s1 =	smul.u32 $0xA00, s10;
	s7 =	sand.u32 $0x1, s4  }
0x9: {  	s4 =	sadd.s32 $0x2BE00, s0;
	s5 =	sadd.s32 $0xDC00, s0;
	s9 =	smul.u32 $0xA000, s10  }
0xa: {  	s10 =	sshll.u32 s10, $0x6;
	_ =	strace $0x80000059;
	s6 =	smul.u32 $0x14000, s7  }
0xb: {  	s8 =	ssub.s32 $0x2, s7;
	p0 =	seq.s32 s7, $0x1;
	s1 =	sadd.s32 s1, s0  }
0xc: {  	s31 =	sshrl.u32 s8, $0x1;
	s11 =	sadd.s32 s9, s2;
	s12 =	sshrl.u32 s9, $0x3  }
0xd: {  	s0 =	sadd.s32 s6, s0;
	s6 =	sor.u32 $0x1C09, s10;
	s10 =	simm.s32 $0x21E00  }
0xe: {  	s8 =	ssub.s32 s8, s31;
	s7 =	sadd.s32 $0x3C00, s1;
	s10 =	simm.s32 @!p0 $0x17E00  }
0xf: {  	s0 =	sadd.s32 $0x53E00, s0;
	s8 =	smax.u32 s8, $0x1;
	s9 =	sadd.s32 s10, s1  }
0x10: {  	s10 =	sshrl.u32 s11, $0x3;
	s11 =	simm.s32 $0x9;
	s24 =	sadd.s32 s12, s0  }
0x11: {  	s0 =	simm.s32 $0x9E80;
	s1 =	simm.s32 $0x9F00;
	s12 =	simm.s32 $0x9F80  }
.LBB2_1:
0x12: {  	[spmem:s10], [sflag:s6] =	dma.local [hbm:s5], $0x1400  }
0x13: {  	_ =	swait.ge [sflag:s11], $0x1400  }
0x14: {  	[sflag:s11] =	ssyncset.done $0x0  }
0x15: {  	[sflag:s11] =	ssyncadd.s32 $0xFFFFEC00  }
0x16: {  	[tilespmem:s3], [sflag:$0x9] =	stream.linear.gather [hbm4b:s9+s3], $0x5000, $0x38;
	[tilespmem:$0x1BD00] =	vst v63  }
0x17: {  	_ =	swait.ge [sflag:s11], $0x5000  }
0x18: {  	[sflag:s11] =	ssyncset.done $0x0  }
0x19: {  	s17 =	simm.s32 $0x5000;
	[sflag:s11] =	ssyncadd.s32 $0xFFFFB000  }
0x1a: {  	[tilespmem:s17], [sflag:$0x9] =	stream.linear.gather [hbm4b:s7+s3], $0x5000, $0x38;
	[tilespmem:$0x1BD00] =	vst v63  }
0x1b: {  	_ =	swait.ge [sflag:s11], $0x5000  }
0x1c: {  	[sflag:s11] =	ssyncset.done $0x0  }
0x1d: {  	[sflag:s11] =	ssyncadd.s32 $0xFFFFB000  }
0x1e: {  	[bflag:$0x0] =	sbarrier.arrive $0xFFFF  }
0x1f: {  	[tilespmem:s14], [sflag:$0x1] =	stream.indirect.gather [hbm4b:s4+s13], $0x40, s3, s13, $0xb8;
	[tilespmem:$0x1BD00] =	vst v63  }
0x20: {  	s19 =	simm.s32 $0x80  }
0x21: {  	[tilespmem:s16], [sflag:$0x2] =	stream.indirect.gather [hbm4b:s4+s13], $0x40, s19, s13, $0xb8;
	[tilespmem:$0x1BD00] =	vst v63  }
0x22: {  	s31 =	simm.s32 $0x100  }
0x23: {  	[tilespmem:s18], [sflag:$0x3] =	stream.indirect.gather [hbm4b:s4+s13], $0x40, s31, s13, $0xb8;
	[tilespmem:$0x1BD00] =	vst v63  }
0x24: {  	s19 =	simm.s32 $0x180  }
0x25: {  	[tilespmem:s20], [sflag:$0x4] =	stream.indirect.gather [hbm4b:s4+s13], $0x40, s19, s13, $0xb8;
	[tilespmem:$0x1BD00] =	vst v63  }
0x26: {  	_ =	swait.ge [sflag:s21], $0x1F40  }
0x27: {  	[sflag:s21] =	ssyncset.done $0x0  }
0x28: {  	s31 =	simm.s32 $0x5000;
	[sflag:s21] =	ssyncadd.s32 $0xFFFFE0C0  }
0x29: {  	[spmem:s2] =	stream.indirect.scatter.add.f32 [tilespmem:s14], [sflag:$0x5], $0x40, s31, s13, $0xb8;
	[tilespmem:$0x1BD00] =	vst v63  }
0x2a: {  	_ =	swait.ge [sflag:s22], $0x1F40  }
0x2b: {  	[sflag:s22] =	ssyncset.done $0x0  }
0x2c: {  	s19 =	simm.s32 $0x5080;
	[sflag:s22] =	ssyncadd.s32 $0xFFFFE0C0  }
0x2d: {  	[spmem:s2] =	stream.indirect.scatter.add.f32 [tilespmem:s16], [sflag:$0x6], $0x40, s19, s13, $0xb8;
	[tilespmem:$0x1BD00] =	vst v63  }
0x2e: {  	_ =	swait.ge [sflag:s23], $0x1F40  }
0x2f: {  	[sflag:s23] =	ssyncset.done $0x0  }
0x30: {  	s31 =	simm.s32 $0x5100;
	[sflag:s23] =	ssyncadd.s32 $0xFFFFE0C0  }
0x31: {  	[spmem:s2] =	stream.indirect.scatter.add.f32 [tilespmem:s18], [sflag:$0x7], $0x40, s31, s13, $0xb8;
	[tilespmem:$0x1BD00] =	vst v63  }
0x32: {  	_ =	swait.ge [sflag:s25], $0x1F40  }
0x33: {  	[sflag:s25] =	ssyncset.done $0x0  }
0x34: {  	s19 =	simm.s32 $0x5180;
	[sflag:s25] =	ssyncadd.s32 $0xFFFFE0C0  }
0x35: {  	[spmem:s2] =	stream.indirect.scatter.add.f32 [tilespmem:s20], [sflag:$0x8], $0x40, s19, s13, $0xb8;
	[tilespmem:$0x1BD00] =	vst v63  }
0x36: {  	_ =	swait.ge [sflag:s26], $0x1F40  }
0x37: {  	[sflag:s26] =	ssyncset.done $0x0  }
0x38: {  	s31 =	simm.s32 $0x200;
	[sflag:s26] =	ssyncadd.s32 $0xFFFFE0C0  }
0x39: {  	[tilespmem:s14], [sflag:$0x1] =	stream.indirect.gather [hbm4b:s4+s13], $0x40, s31, s13, $0xb8;
	[tilespmem:$0x1BD00] =	vst v63  }
0x3a: {  	_ =	swait.ge [sflag:s28], $0x1F40  }
0x3b: {  	[sflag:s28] =	ssyncset.done $0x0  }
0x3c: {  	s19 =	simm.s32 $0x280;
	[sflag:s28] =	ssyncadd.s32 $0xFFFFE0C0  }
0x3d: {  	[tilespmem:s16], [sflag:$0x2] =	stream.indirect.gather [hbm4b:s4+s13], $0x40, s19, s13, $0xb8;
	[tilespmem:$0x1BD00] =	vst v63  }
0x3e: {  	_ =	swait.ge [sflag:s29], $0x1F40  }
0x3f: {  	[sflag:s29] =	ssyncset.done $0x0  }
0x40: {  	s31 =	simm.s32 $0x300;
	[sflag:s29] =	ssyncadd.s32 $0xFFFFE0C0  }
0x41: {  	[tilespmem:s18], [sflag:$0x3] =	stream.indirect.gather [hbm4b:s4+s13], $0x40, s31, s13, $0xb8;
	[tilespmem:$0x1BD00] =	vst v63  }
0x42: {  	_ =	swait.ge [sflag:s30], $0x1F40  }
0x43: {  	[sflag:s30] =	ssyncset.done $0x0  }
0x44: {  	s17 =	simm.s32 $0x800;
	s19 =	simm.s32 $0x380;
	[sflag:s30] =	ssyncadd.s32 $0xFFFFE0C0  }
.LBB2_2:
0x45: {  	[tilespmem:s20], [sflag:$0x4] =	stream.indirect.gather [hbm4b:s4+s13], $0x40, s19, s13, $0xb8;
	[tilespmem:$0x1BD00] =	vst v63  }
0x46: {  	s19 =	smov.u32 s17  }
0x47: {  	p0 =	sne.s32 s17, $0x13000;
	s17 =	sadd.s32 $0x800, s17;
	_ =	swait.ge [sflag:s21], $0x1F40  }
0x48: {  	s19 =	sshra.s32 s19, $0x2;
	[sflag:s21] =	ssyncset.done $0x0  }
0x49: {  	s31 =	sadd.s32 $0x5000, s19;
	[sflag:s21] =	ssyncadd.s32 $0xFFFFE0C0  }
0x4a: {  	[spmem:s2] =	stream.indirect.scatter.add.f32 [tilespmem:s14], [sflag:$0x5], $0x40, s31, s13, $0xb8;
	[tilespmem:$0x1BD00] =	vst v63  }
0x4b: {  	_ =	swait.ge [sflag:s22], $0x1F40  }
0x4c: {  	[sflag:s22] =	ssyncset.done $0x0  }
0x4d: {  	s31 =	sadd.s32 $0x5080, s19;
	[sflag:s22] =	ssyncadd.s32 $0xFFFFE0C0  }
0x4e: {  	[spmem:s2] =	stream.indirect.scatter.add.f32 [tilespmem:s16], [sflag:$0x6], $0x40, s31, s13, $0xb8;
	[tilespmem:$0x1BD00] =	vst v63  }
0x4f: {  	_ =	swait.ge [sflag:s23], $0x1F40  }
0x50: {  	[sflag:s23] =	ssyncset.done $0x0  }
0x51: {  	s31 =	sadd.s32 $0x5100, s19;
	[sflag:s23] =	ssyncadd.s32 $0xFFFFE0C0  }
0x52: {  	[spmem:s2] =	stream.indirect.scatter.add.f32 [tilespmem:s18], [sflag:$0x7], $0x40, s31, s13, $0xb8;
	[tilespmem:$0x1BD00] =	vst v63  }
0x53: {  	_ =	swait.ge [sflag:s25], $0x1F40  }
0x54: {  	[sflag:s25] =	ssyncset.done $0x0  }
0x55: {  	s31 =	sadd.s32 $0x5180, s19;
	[sflag:s25] =	ssyncadd.s32 $0xFFFFE0C0  }
0x56: {  	[spmem:s2] =	stream.indirect.scatter.add.f32 [tilespmem:s20], [sflag:$0x8], $0x40, s31, s13, $0xb8;
	[tilespmem:$0x1BD00] =	vst v63  }
0x57: {  	_ =	swait.ge [sflag:s26], $0x1F40  }
0x58: {  	[sflag:s26] =	ssyncset.done $0x0  }
0x59: {  	s31 =	sadd.s32 $0x200, s19;
	[sflag:s26] =	ssyncadd.s32 $0xFFFFE0C0  }
0x5a: {  	[tilespmem:s14], [sflag:$0x1] =	stream.indirect.gather [hbm4b:s4+s13], $0x40, s31, s13, $0xb8;
	[tilespmem:$0x1BD00] =	vst v63  }
0x5b: {  	_ =	swait.ge [sflag:s28], $0x1F40  }
0x5c: {  	[sflag:s28] =	ssyncset.done $0x0  }
0x5d: {  	s31 =	sadd.s32 $0x280, s19;
	[sflag:s28] =	ssyncadd.s32 $0xFFFFE0C0  }
0x5e: {  	[tilespmem:s16], [sflag:$0x2] =	stream.indirect.gather [hbm4b:s4+s13], $0x40, s31, s13, $0xb8;
	[tilespmem:$0x1BD00] =	vst v63  }
0x5f: {  	_ =	swait.ge [sflag:s29], $0x1F40  }
0x60: {  	[sflag:s29] =	ssyncset.done $0x0  }
.Ltmp0:
0x61: {  	s31 =	sadd.s32 $0x300, s19;
	[sflag:s29] =	ssyncadd.s32 $0xFFFFE0C0;
	(pc) =	sbr.rel @p0 .LBB2_2-.Ltmp0, $4  }
0x62: {  	[tilespmem:s18], [sflag:$0x3] =	stream.indirect.gather [hbm4b:s4+s13], $0x40, s31, s13, $0xb8;
	[tilespmem:$0x1BD00] =	vst v63  }
0x63: {  	_ =	swait.ge [sflag:s30], $0x1F40  }
0x64: {  	[sflag:s30] =	ssyncset.done $0x0  }
0x65: {  	s19 =	sadd.s32 $0x380, s19;
	[sflag:s30] =	ssyncadd.s32 $0xFFFFE0C0  }
0x66: {  	[tilespmem:s20], [sflag:$0x4] =	stream.indirect.gather [hbm4b:s4+s13], $0x40, s19, s13, $0xb8;
	[tilespmem:$0x1BD00] =	vst v63  }
0x67: {  	_ =	swait.ge [sflag:s21], $0x1F40  }
0x68: {  	[sflag:s21] =	ssyncset.done $0x0  }
0x69: {  	s17 =	simm.s32 $0x9E00;
	[sflag:s21] =	ssyncadd.s32 $0xFFFFE0C0  }
0x6a: {  	[spmem:s2] =	stream.indirect.scatter.add.f32 [tilespmem:s14], [sflag:$0x5], $0x40, s17, s13, $0xb8;
	[tilespmem:$0x1BD00] =	vst v63  }
0x6b: {  	_ =	swait.ge [sflag:s22], $0x1F40  }
0x6c: {  	[sflag:s22] =	ssyncset.done $0x0  }
0x6d: {  	[sflag:s22] =	ssyncadd.s32 $0xFFFFE0C0  }
0x6e: {  	[spmem:s2] =	stream.indirect.scatter.add.f32 [tilespmem:s16], [sflag:$0x6], $0x40, s0, s13, $0xb8;
	[tilespmem:$0x1BD00] =	vst v63  }
0x6f: {  	_ =	swait.ge [sflag:s23], $0x1F40  }
0x70: {  	[sflag:s23] =	ssyncset.done $0x0  }
0x71: {  	[sflag:s23] =	ssyncadd.s32 $0xFFFFE0C0  }
0x72: {  	[spmem:s2] =	stream.indirect.scatter.add.f32 [tilespmem:s18], [sflag:$0x7], $0x40, s1, s13, $0xb8;
	[tilespmem:$0x1BD00] =	vst v63  }
0x73: {  	_ =	swait.ge [sflag:s25], $0x1F40  }
0x74: {  	[sflag:s25] =	ssyncset.done $0x0  }
0x75: {  	[sflag:s25] =	ssyncadd.s32 $0xFFFFE0C0  }
0x76: {  	[spmem:s2] =	stream.indirect.scatter.add.f32 [tilespmem:s20], [sflag:$0x8], $0x40, s12, s13, $0xb8;
	[tilespmem:$0x1BD00] =	vst v63  }
0x77: {  	_ =	swait.ge [sflag:s26], $0x1F40  }
0x78: {  	[sflag:s26] =	ssyncset.done $0x0  }
0x79: {  	[sflag:s26] =	ssyncadd.s32 $0xFFFFE0C0  }
0x7a: {  	_ =	swait.ge [sflag:s28], $0x1F40  }
0x7b: {  	[sflag:s28] =	ssyncset.done $0x0  }
0x7c: {  	[sflag:s28] =	ssyncadd.s32 $0xFFFFE0C0  }
0x7d: {  	_ =	swait.ge [sflag:s29], $0x1F40  }
0x7e: {  	[sflag:s29] =	ssyncset.done $0x0  }
0x7f: {  	[sflag:s29] =	ssyncadd.s32 $0xFFFFE0C0  }
0x80: {  	_ =	swait.ge [sflag:s30], $0x1F40  }
0x81: {  	s15 =	sadd.s32 $0x1, s15;
	[sflag:s30] =	ssyncset.done $0x0  }
0x82: {  	p0 =	sne.s32 s15, s8;
	[sflag:s30] =	ssyncadd.s32 $0xFFFFE0C0  }
.Ltmp1:
0x83: {  	[bflag:$0x0] =	sbarrier.arrive $0xFFFF;
	(pc) =	sbr.rel @p0 .LBB2_1-.Ltmp1, $4  }
0x84: {  	[hbm:s24], [sflag:s6] =	dma.local [spmem:s10], $0x1400  }
0x85: {  	_ =	swait.ge [sflag:s11], $0x1400  }
0x86: {  	[sflag:s11] =	ssyncset.done $0x0  }
0x87: {  	[sflag:s11] =	ssyncadd.s32 $0xFFFFEC00  }
0x88: {  	_ =	sfence.sel $0x180000  }
0x89: {  	[bflag:$0x0] =	sbarrier.arrive $0xFFFF  }
0x8a: {  	_ =	strace $0x90000059  }
0x8b: {  	s0 =	stileid.u32;
	[bflag:$0x2] =	sbarrier.arrive $0xFFFF  }
0x8c: {  	p0 =	sne.s32 s0, $0x0;
	s0 =	rddreg [dreg:$0x2]  }
0x8d: {  	s0 =	sadd.s32 @!p0 $0x100000, s0  }
0x8e: {  	[sflag:s0] =	ssyncadd.tile.s32 @!p0 $0x1;
	_ =	shalt  }
.Lfunc_end2:
_tile_overlayer_lowered:
.L_overlay_start_2:
0x8f: {  	(tag) =	ssettag $0x2  }
0x90: {  	s0 =	rddreg [dreg:$0x0];
	s2 =	stileid.u32  }
0x91: {  	s1 =	rddreg [dreg:$0x1];
	p0 =	sne.s32 s2, $0x0  }
0x92: {  	s3 =	rddreg [dreg:$0x2];
	[bflag:$0x3] =	sbarrier.arrive $0xFFFF;
	s2 =	simm.s32 @!p0 $0x1C09  }
0x93: {  	[timem:s3], [sflag:s2] =	dma.local @!p0 [hbm:s0], s1  }
0x94: {  	s0 =	simm.s32 @!p0 $0x9  }
0x95: {  	_ =	swait.ge @!p0 [sflag:s0], s1  }
0x96: {  	s1 =	ssub.s32 @!p0 $0x0, s1;
	[sflag:s0] =	ssyncset.done @!p0 $0x0  }
0x97: {  	[sflag:s0] =	ssyncadd.s32 @!p0 s1  }
0x98: {  	[bflag:$0x3] =	sbarrier.arrive $0xFFFF  }
0x99: {  	_ =	shalt  }

</sc_bundles>
